<compile_context>
chip_gen: v7x
topology: tpu7x:2x2x1
jax: 0.10.2.dev20260603
libtpu: 0.0.44.dev20260713+nightly
codegen_flags: <defaults>
</compile_context>

<pallas_src>
import functools

import jax
import jax.numpy as jnp
from jax import lax
from jax.experimental import pallas as pl
from jax.experimental.pallas import tpu as pltpu
from jax.experimental.pallas import tpu_sc as plsc

N_NODES = 10000
N_EDGES = 320000
D = 128

NC = 2
NS = 16
NW = NC * NS
K = 128

NPAD = 10240
EPAD = 327680
EPW = EPAD // NW
CHUNKS = EPW // K
RPW = NPAD // NS



def _hist_body(colp_hbm, hist_hbm, cidx_all, ones_v, zrow_v, hist_sh, ssem):
    cid = lax.axis_index("c")
    sid = lax.axis_index("s")
    for j in range(8):
        zrow_v[pl.ds(j * 16, 16)] = jnp.zeros((16,), jnp.float32)
        ones_v[pl.ds(j * 16, 16)] = jnp.ones((16,), jnp.float32)
    slab = sid * RPW
    for k in range(RPW // K):
        pltpu.sync_copy(zrow_v, hist_sh.at[pl.ds(slab + k * K, K)])
    plsc.subcore_barrier()

    wid = sid * NC + cid
    pltpu.sync_copy(colp_hbm.at[pl.ds(wid * CHUNKS, CHUNKS)], cidx_all)
    descs = [pltpu.async_copy(ones_v, hist_sh.at[cidx_all.at[i]], ssem,
                              add=True)
             for i in range(CHUNKS)]
    for d in descs:
        d.wait()
    plsc.subcore_barrier()
    pltpu.sync_copy(hist_sh.at[pl.ds(slab, RPW)],
                    hist_hbm.at[cid, pl.ds(slab, RPW)])


_sc_hist = pl.kernel(
    _hist_body,
    out_type=jax.ShapeDtypeStruct((NC, NPAD), jnp.float32),
    mesh=plsc.VectorSubcoreMesh(core_axis_name="c", subcore_axis_name="s"),
    scratch_types=[
        pltpu.VMEM((CHUNKS, K), jnp.int32),
        pltpu.VMEM((K,), jnp.float32),
        pltpu.VMEM((K,), jnp.float32),
        pltpu.VMEM_SHARED((NPAD,), jnp.float32),
        pltpu.SemaphoreType.DMA,
    ],
)



def _scale_body(x_ref, w_ref, hist_ref, g_ref, dinv_ref):
    deg = hist_ref[0, :] + hist_ref[1, :] + 1.0
    dinv = lax.rsqrt(deg)
    h = jnp.dot(x_ref[...], w_ref[...], preferred_element_type=jnp.float32)
    g_ref[...] = h * dinv[:, None]
    dinv_ref[...] = dinv


_BM = 256


def _tc_scale(xp, W, hist):
    return pl.pallas_call(
        _scale_body,
        grid=(NPAD // _BM,),
        in_specs=[
            pl.BlockSpec((_BM, D), lambda i: (i, 0)),
            pl.BlockSpec((D, D), lambda i: (0, 0)),
            pl.BlockSpec((NC, _BM), lambda i: (0, i)),
        ],
        out_specs=[
            pl.BlockSpec((_BM, D), lambda i: (i, 0)),
            pl.BlockSpec((_BM,), lambda i: (i,)),
        ],
        out_shape=[
            jax.ShapeDtypeStruct((NPAD, D), jnp.float32),
            jax.ShapeDtypeStruct((NPAD,), jnp.float32),
        ],
    )(xp, W, hist)



NBUF = 2




def _unpack_chunk(packed_v, g, ridx_v, cidx_v):
    for v in range(K // 16):
        w = packed_v[g, pl.ds(v * 16, 16)]
        ridx_v[pl.ds(v * 16, 16)] = jnp.bitwise_and(w, 0xFFFF)
        cidx_v[pl.ds(v * 16, 16)] = lax.shift_right_logical(w, 16)


def _scatter_body(packed_hbm, g_hbm, acc_hbm, packed_v, *rest):
    rows = list(rest[:NBUF])
    ridx = list(rest[NBUF:2 * NBUF])
    cidx = list(rest[2 * NBUF:3 * NBUF])
    acc_sh = rest[3 * NBUF]
    gsems = rest[3 * NBUF + 1]
    cid = lax.axis_index("c")
    sid = lax.axis_index("s")
    slab = sid * RPW
    pltpu.sync_copy(g_hbm.at[pl.ds(slab, RPW)], acc_sh.at[pl.ds(slab, RPW)])

    wid = sid * NC + cid
    pltpu.sync_copy(packed_hbm.at[pl.ds(wid * CHUNKS, CHUNKS)], packed_v)
    plsc.subcore_barrier()

    for b in range(NBUF):
        _unpack_chunk(packed_v, b, ridx[b], cidx[b])
        pltpu.async_copy(g_hbm.at[ridx[b]], rows[b], gsems.at[b])

    def step(o, carry):
        for b in range(NBUF):
            g = o * NBUF + b
            pltpu.make_async_copy(g_hbm.at[ridx[b]], rows[b],
                                  gsems.at[b]).wait()
            pltpu.sync_copy(rows[b], acc_sh.at[cidx[b]], add=True)
            g2 = jnp.minimum(g + NBUF, CHUNKS - 1)
            _unpack_chunk(packed_v, g2, ridx[b], cidx[b])
            pltpu.async_copy(g_hbm.at[ridx[b]], rows[b], gsems.at[b])
        return carry

    lax.fori_loop(0, CHUNKS // NBUF, step, 0)
    for b in range(NBUF):
        pltpu.make_async_copy(g_hbm.at[ridx[b]], rows[b],
                              gsems.at[b]).wait()
    plsc.subcore_barrier()
    pltpu.sync_copy(acc_sh.at[pl.ds(slab, RPW)],
                    acc_hbm.at[cid, pl.ds(slab, RPW)])


_sc_scatter = pl.kernel(
    _scatter_body,
    out_type=jax.ShapeDtypeStruct((NC, NPAD, D), jnp.float32),
    mesh=plsc.VectorSubcoreMesh(core_axis_name="c", subcore_axis_name="s"),
    scratch_types=(
        [pltpu.VMEM((CHUNKS, K), jnp.int32)]
        + [pltpu.VMEM((K, D), jnp.float32) for _ in range(NBUF)]
        + [pltpu.VMEM((K,), jnp.int32) for _ in range(2 * NBUF)]
        + [pltpu.VMEM_SHARED((NPAD, D), jnp.float32),
           pltpu.SemaphoreType.DMA((NBUF,))]
    ),
)



def _combine_body(acc_ref, g_ref, dinv_ref, b_ref, out_ref):
    t = acc_ref[0] + acc_ref[1] - g_ref[...]
    t = t * dinv_ref[...][:, None] + b_ref[...][None, :]
    m = jnp.max(t, axis=1, keepdims=True)
    lse = jnp.log(jnp.sum(jnp.exp(t - m), axis=1, keepdims=True)) + m
    out_ref[...] = t - lse


def _tc_combine(acc, g, dinv, b):
    return pl.pallas_call(
        _combine_body,
        grid=(NPAD // _BM,),
        in_specs=[
            pl.BlockSpec((NC, _BM, D), lambda i: (0, i, 0)),
            pl.BlockSpec((_BM, D), lambda i: (i, 0)),
            pl.BlockSpec((_BM,), lambda i: (i,)),
            pl.BlockSpec((D,), lambda i: (0,)),
        ],
        out_specs=pl.BlockSpec((_BM, D), lambda i: (i, 0)),
        out_shape=jax.ShapeDtypeStruct((NPAD, D), jnp.float32),
    )(acc, g, dinv, b)



def kernel(x, edge_index, W, b):
    row = edge_index[0]
    col = edge_index[1]
    pad = N_NODES + (jnp.arange(EPAD - N_EDGES, dtype=jnp.int32)
                     % (NPAD - N_NODES))
    rowp = jnp.concatenate([row, pad])
    colp = jnp.concatenate([col, pad])
    packed = jnp.bitwise_or(rowp, colp << 16).reshape(EPAD // K, K)
    colp = colp.reshape(EPAD // K, K)
    xp = jnp.pad(x, ((0, NPAD - N_NODES), (0, 0)))

    hist = _sc_hist(colp)
    g, dinv = _tc_scale(xp, W, hist)
    acc = _sc_scatter(packed, g)
    out = _tc_combine(acc, g, dinv, b)
    return out[:N_NODES]

# --- scband reference (transcript-rebuilt; emitter-appended) ---
"""Pipeline reference for scband-single-layer-gcn-25692494364820 (READ-ONLY COPY).

The authoritative reference and input builder live on the scoring server;
editing this copy changes nothing except your own understanding.
"""

import jax, jax.numpy as jnp
import numpy as np

N_NODES = 10000
N_EDGES = 320000
D_IN = 128
D_OUT = 128


def setup_inputs(seed: int = 0) -> dict:
    key = jax.random.key(seed)
    k1, k2, k3 = jax.random.split(key, 3)
    x = jax.random.normal(k1, (N_NODES, D_IN), dtype=jnp.float32)
    edge_index = jax.random.randint(k2, (2, N_EDGES), 0, N_NODES, dtype=jnp.int32)
    # GCNConv learned parameters
    W = jax.random.normal(k3, (D_IN, D_OUT), dtype=jnp.float32) * (1.0 / np.sqrt(D_IN))
    b = jnp.zeros((D_OUT,), dtype=jnp.float32)
    return {"x": x, "edge_index": edge_index, "W": W, "b": b}


def reference(x, edge_index, W, b):
    N = x.shape[0]
    # add self-loops (GCNConv default)
    loop = jnp.arange(N, dtype=edge_index.dtype)
    ei = jnp.concatenate([edge_index, jnp.stack([loop, loop], axis=0)], axis=1)
    row, col = ei[0], ei[1]
    # symmetric normalization deg^{-1/2} (deg over target nodes incl. self-loops)
    ones = jnp.ones((ei.shape[1],), dtype=x.dtype)
    deg = jax.ops.segment_sum(ones, col, num_segments=N)
    deg_inv_sqrt = jnp.where(deg > 0, jax.lax.rsqrt(jnp.maximum(deg, 1e-12)), 0.0)
    norm = deg_inv_sqrt[row] * deg_inv_sqrt[col]
    # linear transform then propagate (gather -> weight -> scatter-add)
    h = x @ W
    msg = h[row] * norm[:, None]
    out = jax.ops.segment_sum(msg, col, num_segments=N) + b
    # log_softmax over feature dim
    return out - jax.nn.logsumexp(out, axis=1, keepdims=True)

if __name__ == "__main__":
    import jax
    _d = setup_inputs()
    print(jax.jit(kernel)(*tuple(_d.values())))

</pallas_src>

<mosaic_0001>
#map = affine_map<(d0, d1) -> (0, 0)>
module attributes {stable_mosaic.version = 14 : i64} {
  func.func @_hist_body(%arg0: i32, %arg1: i32, %arg2: memref<2560x128xi32, #tpu.memory_space<hbm>>, %arg3: memref<2x10240xf32, #tpu.memory_space<hbm>>, %arg4: memref<80x128xi32, #tpu.memory_space<vmem>>, %arg5: memref<128xf32, #tpu.memory_space<vmem>>, %arg6: memref<128xf32, #tpu.memory_space<vmem>>, %arg7: memref<10240xf32, #tpu.memory_space<vmem_shared>>, %arg8: memref<!tpu.dma_semaphore, #tpu.memory_space<semaphore_mem>>) attributes {dimension_semantics = [#tpu.dimension_semantics<core_parallel>, #tpu.dimension_semantics<subcore_parallel>], iteration_bounds = array<i64: 2, 16>, scalar_prefetch = 0 : i64, scratch_operands = 5 : i64, tpu.core_type = #tpu.core_type<sc_vector_subcore>, window_params = [{transform_indices = #map}, {transform_indices = #map}]} {
    %broadcast_in_dim3A = arith.constant 0.000000e+00 : f32
    %broadcast_in_dim3A_0 = vector.broadcast %broadcast_in_dim3A : f32 to vector<16xf32>
    %swap3A = arith.constant 0 : index
    %swap3A_1 = tpu.vector_load %arg6[%swap3A] {strides = array<i32>} : memref<128xf32, #tpu.memory_space<vmem>>, vector<16xf32>,
    %swap3A_2 = vector.shape_cast %swap3A_1 : vector<16xf32> to vector<16xf32>
    %swap3A_3 = vector.shape_cast %broadcast_in_dim3A_0 : vector<16xf32> to vector<16xf32>
    tpu.vector_store %arg6[%swap3A], %swap3A_3 {strides = array<i32>} : memref<128xf32, #tpu.memory_space<vmem>>, vector<16xf32>,
    %broadcast_in_dim3A_4 = arith.constant 1.000000e+00 : f32
    %broadcast_in_dim3A_5 = vector.broadcast %broadcast_in_dim3A_4 : f32 to vector<16xf32>
    %swap3A_6 = arith.constant 0 : index
    %swap3A_7 = tpu.vector_load %arg5[%swap3A_6] {strides = array<i32>} : memref<128xf32, #tpu.memory_space<vmem>>, vector<16xf32>,
    %swap3A_8 = vector.shape_cast %swap3A_7 : vector<16xf32> to vector<16xf32>
    %swap3A_9 = vector.shape_cast %broadcast_in_dim3A_5 : vector<16xf32> to vector<16xf32>
    tpu.vector_store %arg5[%swap3A_6], %swap3A_9 {strides = array<i32>} : memref<128xf32, #tpu.memory_space<vmem>>, vector<16xf32>,
    %broadcast_in_dim3A_10 = arith.constant 0.000000e+00 : f32
    %broadcast_in_dim3A_11 = vector.broadcast %broadcast_in_dim3A_10 : f32 to vector<16xf32>
    %swap3A_12 = arith.constant 16 : index
    %swap3A_13 = tpu.vector_load %arg6[%swap3A_12] {strides = array<i32>} : memref<128xf32, #tpu.memory_space<vmem>>, vector<16xf32>,
    %swap3A_14 = vector.shape_cast %swap3A_13 : vector<16xf32> to vector<16xf32>
    %swap3A_15 = vector.shape_cast %broadcast_in_dim3A_11 : vector<16xf32> to vector<16xf32>
    tpu.vector_store %arg6[%swap3A_12], %swap3A_15 {strides = array<i32>} : memref<128xf32, #tpu.memory_space<vmem>>, vector<16xf32>,
    %broadcast_in_dim3A_16 = arith.constant 1.000000e+00 : f32
    %broadcast_in_dim3A_17 = vector.broadcast %broadcast_in_dim3A_16 : f32 to vector<16xf32>
    %swap3A_18 = arith.constant 16 : index
    %swap3A_19 = tpu.vector_load %arg5[%swap3A_18] {strides = array<i32>} : memref<128xf32, #tpu.memory_space<vmem>>, vector<16xf32>,
    %swap3A_20 = vector.shape_cast %swap3A_19 : vector<16xf32> to vector<16xf32>
    %swap3A_21 = vector.shape_cast %broadcast_in_dim3A_17 : vector<16xf32> to vector<16xf32>
    tpu.vector_store %arg5[%swap3A_18], %swap3A_21 {strides = array<i32>} : memref<128xf32, #tpu.memory_space<vmem>>, vector<16xf32>,
    %broadcast_in_dim3A_22 = arith.constant 0.000000e+00 : f32
    %broadcast_in_dim3A_23 = vector.broadcast %broadcast_in_dim3A_22 : f32 to vector<16xf32>
    %swap3A_24 = arith.constant 32 : index
    %swap3A_25 = tpu.vector_load %arg6[%swap3A_24] {strides = array<i32>} : memref<128xf32, #tpu.memory_space<vmem>>, vector<16xf32>,
    %swap3A_26 = vector.shape_cast %swap3A_25 : vector<16xf32> to vector<16xf32>
    %swap3A_27 = vector.shape_cast %broadcast_in_dim3A_23 : vector<16xf32> to vector<16xf32>
    tpu.vector_store %arg6[%swap3A_24], %swap3A_27 {strides = array<i32>} : memref<128xf32, #tpu.memory_space<vmem>>, vector<16xf32>,
    %broadcast_in_dim3A_28 = arith.constant 1.000000e+00 : f32
    %broadcast_in_dim3A_29 = vector.broadcast %broadcast_in_dim3A_28 : f32 to vector<16xf32>
    %swap3A_30 = arith.constant 32 : index
    %swap3A_31 = tpu.vector_load %arg5[%swap3A_30] {strides = array<i32>} : memref<128xf32, #tpu.memory_space<vmem>>, vector<16xf32>,
    %swap3A_32 = vector.shape_cast %swap3A_31 : vector<16xf32> to vector<16xf32>
    %swap3A_33 = vector.shape_cast %broadcast_in_dim3A_29 : vector<16xf32> to vector<16xf32>
    tpu.vector_store %arg5[%swap3A_30], %swap3A_33 {strides = array<i32>} : memref<128xf32, #tpu.memory_space<vmem>>, vector<16xf32>,
    %broadcast_in_dim3A_34 = arith.constant 0.000000e+00 : f32
    %broadcast_in_dim3A_35 = vector.broadcast %broadcast_in_dim3A_34 : f32 to vector<16xf32>
    %swap3A_36 = arith.constant 48 : index
    %swap3A_37 = tpu.vector_load %arg6[%swap3A_36] {strides = array<i32>} : memref<128xf32, #tpu.memory_space<vmem>>, vector<16xf32>,
    %swap3A_38 = vector.shape_cast %swap3A_37 : vector<16xf32> to vector<16xf32>
    %swap3A_39 = vector.shape_cast %broadcast_in_dim3A_35 : vector<16xf32> to vector<16xf32>
    tpu.vector_store %arg6[%swap3A_36], %swap3A_39 {strides = array<i32>} : memref<128xf32, #tpu.memory_space<vmem>>, vector<16xf32>,
    %broadcast_in_dim3A_40 = arith.constant 1.000000e+00 : f32
    %broadcast_in_dim3A_41 = vector.broadcast %broadcast_in_dim3A_40 : f32 to vector<16xf32>
    %swap3A_42 = arith.constant 48 : index
    %swap3A_43 = tpu.vector_load %arg5[%swap3A_42] {strides = array<i32>} : memref<128xf32, #tpu.memory_space<vmem>>, vector<16xf32>,
    %swap3A_44 = vector.shape_cast %swap3A_43 : vector<16xf32> to vector<16xf32>
    %swap3A_45 = vector.shape_cast %broadcast_in_dim3A_41 : vector<16xf32> to vector<16xf32>
    tpu.vector_store %arg5[%swap3A_42], %swap3A_45 {strides = array<i32>} : memref<128xf32, #tpu.memory_space<vmem>>, vector<16xf32>,
    %broadcast_in_dim3A_46 = arith.constant 0.000000e+00 : f32
    %broadcast_in_dim3A_47 = vector.broadcast %broadcast_in_dim3A_46 : f32 to vector<16xf32>
    %swap3A_48 = arith.constant 64 : index
    %swap3A_49 = tpu.vector_load %arg6[%swap3A_48] {strides = array<i32>} : memref<128xf32, #tpu.memory_space<vmem>>, vector<16xf32>,
    %swap3A_50 = vector.shape_cast %swap3A_49 : vector<16xf32> to vector<16xf32>
    %swap3A_51 = vector.shape_cast %broadcast_in_dim3A_47 : vector<16xf32> to vector<16xf32>
    tpu.vector_store %arg6[%swap3A_48], %swap3A_51 {strides = array<i32>} : memref<128xf32, #tpu.memory_space<vmem>>, vector<16xf32>,
    %broadcast_in_dim3A_52 = arith.constant 1.000000e+00 : f32
    %broadcast_in_dim3A_53 = vector.broadcast %broadcast_in_dim3A_52 : f32 to vector<16xf32>
    %swap3A_54 = arith.constant 64 : index
    %swap3A_55 = tpu.vector_load %arg5[%swap3A_54] {strides = array<i32>} : memref<128xf32, #tpu.memory_space<vmem>>, vector<16xf32>,
    %swap3A_56 = vector.shape_cast %swap3A_55 : vector<16xf32> to vector<16xf32>
    %swap3A_57 = vector.shape_cast %broadcast_in_dim3A_53 : vector<16xf32> to vector<16xf32>
    tpu.vector_store %arg5[%swap3A_54], %swap3A_57 {strides = array<i32>} : memref<128xf32, #tpu.memory_space<vmem>>, vector<16xf32>,
    %broadcast_in_dim3A_58 = arith.constant 0.000000e+00 : f32
    %broadcast_in_dim3A_59 = vector.broadcast %broadcast_in_dim3A_58 : f32 to vector<16xf32>
    %swap3A_60 = arith.constant 80 : index
    %swap3A_61 = tpu.vector_load %arg6[%swap3A_60] {strides = array<i32>} : memref<128xf32, #tpu.memory_space<vmem>>, vector<16xf32>,
    %swap3A_62 = vector.shape_cast %swap3A_61 : vector<16xf32> to vector<16xf32>
    %swap3A_63 = vector.shape_cast %broadcast_in_dim3A_59 : vector<16xf32> to vector<16xf32>
    tpu.vector_store %arg6[%swap3A_60], %swap3A_63 {strides = array<i32>} : memref<128xf32, #tpu.memory_space<vmem>>, vector<16xf32>,
    %broadcast_in_dim3A_64 = arith.constant 1.000000e+00 : f32
    %broadcast_in_dim3A_65 = vector.broadcast %broadcast_in_dim3A_64 : f32 to vector<16xf32>
    %swap3A_66 = arith.constant 80 : index
    %swap3A_67 = tpu.vector_load %arg5[%swap3A_66] {strides = array<i32>} : memref<128xf32, #tpu.memory_space<vmem>>, vector<16xf32>,
    %swap3A_68 = vector.shape_cast %swap3A_67 : vector<16xf32> to vector<16xf32>
    %swap3A_69 = vector.shape_cast %broadcast_in_dim3A_65 : vector<16xf32> to vector<16xf32>
    tpu.vector_store %arg5[%swap3A_66], %swap3A_69 {strides = array<i32>} : memref<128xf32, #tpu.memory_space<vmem>>, vector<16xf32>,
    %broadcast_in_dim3A_70 = arith.constant 0.000000e+00 : f32
    %broadcast_in_dim3A_71 = vector.broadcast %broadcast_in_dim3A_70 : f32 to vector<16xf32>
    %swap3A_72 = arith.constant 96 : index
    %swap3A_73 = tpu.vector_load %arg6[%swap3A_72] {strides = array<i32>} : memref<128xf32, #tpu.memory_space<vmem>>, vector<16xf32>,
    %swap3A_74 = vector.shape_cast %swap3A_73 : vector<16xf32> to vector<16xf32>
    %swap3A_75 = vector.shape_cast %broadcast_in_dim3A_71 : vector<16xf32> to vector<16xf32>
    tpu.vector_store %arg6[%swap3A_72], %swap3A_75 {strides = array<i32>} : memref<128xf32, #tpu.memory_space<vmem>>, vector<16xf32>,
    %broadcast_in_dim3A_76 = arith.constant 1.000000e+00 : f32
    %broadcast_in_dim3A_77 = vector.broadcast %broadcast_in_dim3A_76 : f32 to vector<16xf32>
    %swap3A_78 = arith.constant 96 : index
    %swap3A_79 = tpu.vector_load %arg5[%swap3A_78] {strides = array<i32>} : memref<128xf32, #tpu.memory_space<vmem>>, vector<16xf32>,
    %swap3A_80 = vector.shape_cast %swap3A_79 : vector<16xf32> to vector<16xf32>
    %swap3A_81 = vector.shape_cast %broadcast_in_dim3A_77 : vector<16xf32> to vector<16xf32>
    tpu.vector_store %arg5[%swap3A_78], %swap3A_81 {strides = array<i32>} : memref<128xf32, #tpu.memory_space<vmem>>, vector<16xf32>,
    %broadcast_in_dim3A_82 = arith.constant 0.000000e+00 : f32
    %broadcast_in_dim3A_83 = vector.broadcast %broadcast_in_dim3A_82 : f32 to vector<16xf32>
    %swap3A_84 = arith.constant 112 : index
    %swap3A_85 = tpu.vector_load %arg6[%swap3A_84] {strides = array<i32>} : memref<128xf32, #tpu.memory_space<vmem>>, vector<16xf32>,
    %swap3A_86 = vector.shape_cast %swap3A_85 : vector<16xf32> to vector<16xf32>
    %swap3A_87 = vector.shape_cast %broadcast_in_dim3A_83 : vector<16xf32> to vector<16xf32>
    tpu.vector_store %arg6[%swap3A_84], %swap3A_87 {strides = array<i32>} : memref<128xf32, #tpu.memory_space<vmem>>, vector<16xf32>,
    %broadcast_in_dim3A_88 = arith.constant 1.000000e+00 : f32
    %broadcast_in_dim3A_89 = vector.broadcast %broadcast_in_dim3A_88 : f32 to vector<16xf32>
    %swap3A_90 = arith.constant 112 : index
    %swap3A_91 = tpu.vector_load %arg5[%swap3A_90] {strides = array<i32>} : memref<128xf32, #tpu.memory_space<vmem>>, vector<16xf32>,
    %swap3A_92 = vector.shape_cast %swap3A_91 : vector<16xf32> to vector<16xf32>
    %swap3A_93 = vector.shape_cast %broadcast_in_dim3A_89 : vector<16xf32> to vector<16xf32>
    tpu.vector_store %arg5[%swap3A_90], %swap3A_93 {strides = array<i32>} : memref<128xf32, #tpu.memory_space<vmem>>, vector<16xf32>,
    %mul3A = arith.constant 640 : i32
    %mul3A_94 = arith.muli %arg1, %mul3A : i32
    %add3A = arith.constant 0 : i32
    %add3A_95 = arith.addi %mul3A_94, %add3A : i32
    "tpu.region"() ({
      %run_scoped3A = tpu.sem_alloc : memref<!tpu.dma_semaphore, #tpu.memory_space<semaphore_mem>>
      %dma_start3A_1068 = tpu.memref_slice %arg7[%add3A_95] : memref<10240xf32, #tpu.memory_space<vmem_shared>> -> memref<128xf32, #tpu.memory_space<vmem_shared>>
      %dma_start3A_1069 = tpu.memref_slice %arg7[%add3A_95] : memref<10240xf32, #tpu.memory_space<vmem_shared>> -> memref<128xf32, #tpu.memory_space<vmem_shared>>
      tpu.enqueue_dma source(%arg6 : memref<128xf32, #tpu.memory_space<vmem>>) target(%dma_start3A_1069 : memref<128xf32, #tpu.memory_space<vmem_shared>>) target_semaphore(%run_scoped3A : memref<!tpu.dma_semaphore, #tpu.memory_space<semaphore_mem>>)
      %dma_wait3A_1070 = tpu.memref_slice %arg7[%add3A_95] : memref<10240xf32, #tpu.memory_space<vmem_shared>> -> memref<128xf32, #tpu.memory_space<vmem_shared>>
      %dma_wait3A_1071 = tpu.memref_slice %arg7[%add3A_95] : memref<10240xf32, #tpu.memory_space<vmem_shared>> -> memref<128xf32, #tpu.memory_space<vmem_shared>>
      tpu.wait_dma2 semaphore(%run_scoped3A : memref<!tpu.dma_semaphore, #tpu.memory_space<semaphore_mem>>) src(%arg6 : memref<128xf32, #tpu.memory_space<vmem>>) dst(%dma_wait3A_1071 : memref<128xf32, #tpu.memory_space<vmem_shared>>)
      tpu.yield
    }) : () -> ()
    %add3A_96 = arith.constant 128 : i32
    %add3A_97 = arith.addi %mul3A_94, %add3A_96 : i32
    "tpu.region"() ({
      %run_scoped3A = tpu.sem_alloc : memref<!tpu.dma_semaphore, #tpu.memory_space<semaphore_mem>>
      %dma_start3A_1068 = tpu.memref_slice %arg7[%add3A_97] : memref<10240xf32, #tpu.memory_space<vmem_shared>> -> memref<128xf32, #tpu.memory_space<vmem_shared>>
      %dma_start3A_1069 = tpu.memref_slice %arg7[%add3A_97] : memref<10240xf32, #tpu.memory_space<vmem_shared>> -> memref<128xf32, #tpu.memory_space<vmem_shared>>
      tpu.enqueue_dma source(%arg6 : memref<128xf32, #tpu.memory_space<vmem>>) target(%dma_start3A_1069 : memref<128xf32, #tpu.memory_space<vmem_shared>>) target_semaphore(%run_scoped3A : memref<!tpu.dma_semaphore, #tpu.memory_space<semaphore_mem>>)
      %dma_wait3A_1070 = tpu.memref_slice %arg7[%add3A_97] : memref<10240xf32, #tpu.memory_space<vmem_shared>> -> memref<128xf32, #tpu.memory_space<vmem_shared>>
      %dma_wait3A_1071 = tpu.memref_slice %arg7[%add3A_97] : memref<10240xf32, #tpu.memory_space<vmem_shared>> -> memref<128xf32, #tpu.memory_space<vmem_shared>>
      tpu.wait_dma2 semaphore(%run_scoped3A : memref<!tpu.dma_semaphore, #tpu.memory_space<semaphore_mem>>) src(%arg6 : memref<128xf32, #tpu.memory_space<vmem>>) dst(%dma_wait3A_1071 : memref<128xf32, #tpu.memory_space<vmem_shared>>)
      tpu.yield
    }) : () -> ()
    %add3A_98 = arith.constant 256 : i32
    %add3A_99 = arith.addi %mul3A_94, %add3A_98 : i32
    "tpu.region"() ({
      %run_scoped3A = tpu.sem_alloc : memref<!tpu.dma_semaphore, #tpu.memory_space<semaphore_mem>>
      %dma_start3A_1068 = tpu.memref_slice %arg7[%add3A_99] : memref<10240xf32, #tpu.memory_space<vmem_shared>> -> memref<128xf32, #tpu.memory_space<vmem_shared>>
      %dma_start3A_1069 = tpu.memref_slice %arg7[%add3A_99] : memref<10240xf32, #tpu.memory_space<vmem_shared>> -> memref<128xf32, #tpu.memory_space<vmem_shared>>
      tpu.enqueue_dma source(%arg6 : memref<128xf32, #tpu.memory_space<vmem>>) target(%dma_start3A_1069 : memref<128xf32, #tpu.memory_space<vmem_shared>>) target_semaphore(%run_scoped3A : memref<!tpu.dma_semaphore, #tpu.memory_space<semaphore_mem>>)
      %dma_wait3A_1070 = tpu.memref_slice %arg7[%add3A_99] : memref<10240xf32, #tpu.memory_space<vmem_shared>> -> memref<128xf32, #tpu.memory_space<vmem_shared>>
      %dma_wait3A_1071 = tpu.memref_slice %arg7[%add3A_99] : memref<10240xf32, #tpu.memory_space<vmem_shared>> -> memref<128xf32, #tpu.memory_space<vmem_shared>>
      tpu.wait_dma2 semaphore(%run_scoped3A : memref<!tpu.dma_semaphore, #tpu.memory_space<semaphore_mem>>) src(%arg6 : memref<128xf32, #tpu.memory_space<vmem>>) dst(%dma_wait3A_1071 : memref<128xf32, #tpu.memory_space<vmem_shared>>)
      tpu.yield
    }) : () -> ()
    %add3A_100 = arith.constant 384 : i32
    %add3A_101 = arith.addi %mul3A_94, %add3A_100 : i32
    "tpu.region"() ({
      %run_scoped3A = tpu.sem_alloc : memref<!tpu.dma_semaphore, #tpu.memory_space<semaphore_mem>>
      %dma_start3A_1068 = tpu.memref_slice %arg7[%add3A_101] : memref<10240xf32, #tpu.memory_space<vmem_shared>> -> memref<128xf32, #tpu.memory_space<vmem_shared>>
      %dma_start3A_1069 = tpu.memref_slice %arg7[%add3A_101] : memref<10240xf32, #tpu.memory_space<vmem_shared>> -> memref<128xf32, #tpu.memory_space<vmem_shared>>
      tpu.enqueue_dma source(%arg6 : memref<128xf32, #tpu.memory_space<vmem>>) target(%dma_start3A_1069 : memref<128xf32, #tpu.memory_space<vmem_shared>>) target_semaphore(%run_scoped3A : memref<!tpu.dma_semaphore, #tpu.memory_space<semaphore_mem>>)
      %dma_wait3A_1070 = tpu.memref_slice %arg7[%add3A_101] : memref<10240xf32, #tpu.memory_space<vmem_shared>> -> memref<128xf32, #tpu.memory_space<vmem_shared>>
      %dma_wait3A_1071 = tpu.memref_slice %arg7[%add3A_101] : memref<10240xf32, #tpu.memory_space<vmem_shared>> -> memref<128xf32, #tpu.memory_space<vmem_shared>>
      tpu.wait_dma2 semaphore(%run_scoped3A : memref<!tpu.dma_semaphore, #tpu.memory_space<semaphore_mem>>) src(%arg6 : memref<128xf32, #tpu.memory_space<vmem>>) dst(%dma_wait3A_1071 : memref<128xf32, #tpu.memory_space<vmem_shared>>)
      tpu.yield
    }) : () -> ()
    %add3A_102 = arith.constant 512 : i32
    %add3A_103 = arith.addi %mul3A_94, %add3A_102 : i32
    "tpu.region"() ({
      %run_scoped3A = tpu.sem_alloc : memref<!tpu.dma_semaphore, #tpu.memory_space<semaphore_mem>>
      %dma_start3A_1068 = tpu.memref_slice %arg7[%add3A_103] : memref<10240xf32, #tpu.memory_space<vmem_shared>> -> memref<128xf32, #tpu.memory_space<vmem_shared>>
      %dma_start3A_1069 = tpu.memref_slice %arg7[%add3A_103] : memref<10240xf32, #tpu.memory_space<vmem_shared>> -> memref<128xf32, #tpu.memory_space<vmem_shared>>
      tpu.enqueue_dma source(%arg6 : memref<128xf32, #tpu.memory_space<vmem>>) target(%dma_start3A_1069 : memref<128xf32, #tpu.memory_space<vmem_shared>>) target_semaphore(%run_scoped3A : memref<!tpu.dma_semaphore, #tpu.memory_space<semaphore_mem>>)
      %dma_wait3A_1070 = tpu.memref_slice %arg7[%add3A_103] : memref<10240xf32, #tpu.memory_space<vmem_shared>> -> memref<128xf32, #tpu.memory_space<vmem_shared>>
      %dma_wait3A_1071 = tpu.memref_slice %arg7[%add3A_103] : memref<10240xf32, #tpu.memory_space<vmem_shared>> -> memref<128xf32, #tpu.memory_space<vmem_shared>>
      tpu.wait_dma2 semaphore(%run_scoped3A : memref<!tpu.dma_semaphore, #tpu.memory_space<semaphore_mem>>) src(%arg6 : memref<128xf32, #tpu.memory_space<vmem>>) dst(%dma_wait3A_1071 : memref<128xf32, #tpu.memory_space<vmem_shared>>)
      tpu.yield
    }) : () -> ()
    %barrier3A = arith.constant 0 : index
    tpu.barrier barrier_id(%barrier3A)
    %mul3A_104 = arith.constant 2 : i32
    %mul3A_105 = arith.muli %arg1, %mul3A_104 : i32
    %add3A_106 = arith.addi %mul3A_105, %arg0 : i32
    %mul3A_107 = arith.constant 80 : i32
    %mul3A_108 = arith.muli %add3A_106, %mul3A_107 : i32
    "tpu.region"() ({
      %run_scoped3A = tpu.sem_alloc : memref<!tpu.dma_semaphore, #tpu.memory_space<semaphore_mem>>
      %dma_start3A_1068 = arith.constant 0 : i32
      %dma_start3A_1069 = tpu.memref_slice %arg2[%mul3A_108, %dma_start3A_1068] : memref<2560x128xi32, #tpu.memory_space<hbm>> -> memref<80x128xi32, #tpu.memory_space<hbm>>
      %dma_start3A_1070 = arith.constant 0 : i32
      %dma_start3A_1071 = tpu.memref_slice %arg2[%mul3A_108, %dma_start3A_1070] : memref<2560x128xi32, #tpu.memory_space<hbm>> -> memref<80x128xi32, #tpu.memory_space<hbm>>
      tpu.enqueue_dma source(%dma_start3A_1071 : memref<80x128xi32, #tpu.memory_space<hbm>>) target(%arg4 : memref<80x128xi32, #tpu.memory_space<vmem>>) target_semaphore(%run_scoped3A : memref<!tpu.dma_semaphore, #tpu.memory_space<semaphore_mem>>)
      %dma_wait3A_1072 = arith.constant 0 : i32
      %dma_wait3A_1073 = tpu.memref_slice %arg2[%mul3A_108, %dma_wait3A_1072] : memref<2560x128xi32, #tpu.memory_space<hbm>> -> memref<80x128xi32, #tpu.memory_space<hbm>>
      %dma_wait3A_1074 = arith.constant 0 : i32
      %dma_wait3A_1075 = tpu.memref_slice %arg2[%mul3A_108, %dma_wait3A_1074] : memref<2560x128xi32, #tpu.memory_space<hbm>> -> memref<80x128xi32, #tpu.memory_space<hbm>>
      tpu.wait_dma2 semaphore(%run_scoped3A : memref<!tpu.dma_semaphore, #tpu.memory_space<semaphore_mem>>) src(%dma_wait3A_1075 : memref<80x128xi32, #tpu.memory_space<hbm>>) dst(%arg4 : memref<80x128xi32, #tpu.memory_space<vmem>>)
      tpu.yield
    }) : () -> ()
    %dma_start3A = arith.constant 0 : i32
    %dma_start3A_109 = arith.constant 0 : i32
    %dma_start3A_110 = tpu.memref_slice %arg4[%dma_start3A, %dma_start3A_109] : memref<80x128xi32, #tpu.memory_space<vmem>> -> memref<1x128xi32, #tpu.memory_space<vmem>>
    %dma_start3A_111 = tpu.memref_squeeze %dma_start3A_110 : memref<1x128xi32, #tpu.memory_space<vmem>> -> memref<128xi32, #tpu.memory_space<vmem>>
    %dma_start3A_112 = arith.constant 0 : i32
    %dma_start3A_113 = tpu.memref_slice %arg7[%dma_start3A_112] : memref<10240xf32, #tpu.memory_space<vmem_shared>> -> memref<10240xf32, #tpu.memory_space<vmem_shared>>
    tpu.enqueue_indirect_dma source(%arg5 : memref<128xf32, #tpu.memory_space<vmem>>) target(%dma_start3A_113 : memref<10240xf32, #tpu.memory_space<vmem_shared>>) offsets(%dma_start3A_111 : memref<128xi32, #tpu.memory_space<vmem>>) semaphore(%arg8 : memref<!tpu.dma_semaphore, #tpu.memory_space<semaphore_mem>>) {add = true}
    %dma_start3A_114 = arith.constant 1 : i32
    %dma_start3A_115 = arith.constant 0 : i32
    %dma_start3A_116 = tpu.memref_slice %arg4[%dma_start3A_114, %dma_start3A_115] : memref<80x128xi32, #tpu.memory_space<vmem>> -> memref<1x128xi32, #tpu.memory_space<vmem>>
    %dma_start3A_117 = tpu.memref_squeeze %dma_start3A_116 : memref<1x128xi32, #tpu.memory_space<vmem>> -> memref<128xi32, #tpu.memory_space<vmem>>
    %dma_start3A_118 = arith.constant 0 : i32
    %dma_start3A_119 = tpu.memref_slice %arg7[%dma_start3A_118] : memref<10240xf32, #tpu.memory_space<vmem_shared>> -> memref<10240xf32, #tpu.memory_space<vmem_shared>>
    tpu.enqueue_indirect_dma source(%arg5 : memref<128xf32, #tpu.memory_space<vmem>>) target(%dma_start3A_119 : memref<10240xf32, #tpu.memory_space<vmem_shared>>) offsets(%dma_start3A_117 : memref<128xi32, #tpu.memory_space<vmem>>) semaphore(%arg8 : memref<!tpu.dma_semaphore, #tpu.memory_space<semaphore_mem>>) {add = true}
    %dma_start3A_120 = arith.constant 2 : i32
    %dma_start3A_121 = arith.constant 0 : i32
    %dma_start3A_122 = tpu.memref_slice %arg4[%dma_start3A_120, %dma_start3A_121] : memref<80x128xi32, #tpu.memory_space<vmem>> -> memref<1x128xi32, #tpu.memory_space<vmem>>
    %dma_start3A_123 = tpu.memref_squeeze %dma_start3A_122 : memref<1x128xi32, #tpu.memory_space<vmem>> -> memref<128xi32, #tpu.memory_space<vmem>>
    %dma_start3A_124 = arith.constant 0 : i32
    %dma_start3A_125 = tpu.memref_slice %arg7[%dma_start3A_124] : memref<10240xf32, #tpu.memory_space<vmem_shared>> -> memref<10240xf32, #tpu.memory_space<vmem_shared>>
    tpu.enqueue_indirect_dma source(%arg5 : memref<128xf32, #tpu.memory_space<vmem>>) target(%dma_start3A_125 : memref<10240xf32, #tpu.memory_space<vmem_shared>>) offsets(%dma_start3A_123 : memref<128xi32, #tpu.memory_space<vmem>>) semaphore(%arg8 : memref<!tpu.dma_semaphore, #tpu.memory_space<semaphore_mem>>) {add = true}
    %dma_start3A_126 = arith.constant 3 : i32
    %dma_start3A_127 = arith.constant 0 : i32
    %dma_start3A_128 = tpu.memref_slice %arg4[%dma_start3A_126, %dma_start3A_127] : memref<80x128xi32, #tpu.memory_space<vmem>> -> memref<1x128xi32, #tpu.memory_space<vmem>>
    %dma_start3A_129 = tpu.memref_squeeze %dma_start3A_128 : memref<1x128xi32, #tpu.memory_space<vmem>> -> memref<128xi32, #tpu.memory_space<vmem>>
    %dma_start3A_130 = arith.constant 0 : i32
    %dma_start3A_131 = tpu.memref_slice %arg7[%dma_start3A_130] : memref<10240xf32, #tpu.memory_space<vmem_shared>> -> memref<10240xf32, #tpu.memory_space<vmem_shared>>
    tpu.enqueue_indirect_dma source(%arg5 : memref<128xf32, #tpu.memory_space<vmem>>) target(%dma_start3A_131 : memref<10240xf32, #tpu.memory_space<vmem_shared>>) offsets(%dma_start3A_129 : memref<128xi32, #tpu.memory_space<vmem>>) semaphore(%arg8 : memref<!tpu.dma_semaphore, #tpu.memory_space<semaphore_mem>>) {add = true}
    %dma_start3A_132 = arith.constant 4 : i32
    %dma_start3A_133 = arith.constant 0 : i32
    %dma_start3A_134 = tpu.memref_slice %arg4[%dma_start3A_132, %dma_start3A_133] : memref<80x128xi32, #tpu.memory_space<vmem>> -> memref<1x128xi32, #tpu.memory_space<vmem>>
    %dma_start3A_135 = tpu.memref_squeeze %dma_start3A_134 : memref<1x128xi32, #tpu.memory_space<vmem>> -> memref<128xi32, #tpu.memory_space<vmem>>
    %dma_start3A_136 = arith.constant 0 : i32
    %dma_start3A_137 = tpu.memref_slice %arg7[%dma_start3A_136] : memref<10240xf32, #tpu.memory_space<vmem_shared>> -> memref<10240xf32, #tpu.memory_space<vmem_shared>>
    tpu.enqueue_indirect_dma source(%arg5 : memref<128xf32, #tpu.memory_space<vmem>>) target(%dma_start3A_137 : memref<10240xf32, #tpu.memory_space<vmem_shared>>) offsets(%dma_start3A_135 : memref<128xi32, #tpu.memory_space<vmem>>) semaphore(%arg8 : memref<!tpu.dma_semaphore, #tpu.memory_space<semaphore_mem>>) {add = true}
    %dma_start3A_138 = arith.constant 5 : i32
    %dma_start3A_139 = arith.constant 0 : i32
    %dma_start3A_140 = tpu.memref_slice %arg4[%dma_start3A_138, %dma_start3A_139] : memref<80x128xi32, #tpu.memory_space<vmem>> -> memref<1x128xi32, #tpu.memory_space<vmem>>
    %dma_start3A_141 = tpu.memref_squeeze %dma_start3A_140 : memref<1x128xi32, #tpu.memory_space<vmem>> -> memref<128xi32, #tpu.memory_space<vmem>>
    %dma_start3A_142 = arith.constant 0 : i32
    %dma_start3A_143 = tpu.memref_slice %arg7[%dma_start3A_142] : memref<10240xf32, #tpu.memory_space<vmem_shared>> -> memref<10240xf32, #tpu.memory_space<vmem_shared>>
    tpu.enqueue_indirect_dma source(%arg5 : memref<128xf32, #tpu.memory_space<vmem>>) target(%dma_start3A_143 : memref<10240xf32, #tpu.memory_space<vmem_shared>>) offsets(%dma_start3A_141 : memref<128xi32, #tpu.memory_space<vmem>>) semaphore(%arg8 : memref<!tpu.dma_semaphore, #tpu.memory_space<semaphore_mem>>) {add = true}
    %dma_start3A_144 = arith.constant 6 : i32
    %dma_start3A_145 = arith.constant 0 : i32
    %dma_start3A_146 = tpu.memref_slice %arg4[%dma_start3A_144, %dma_start3A_145] : memref<80x128xi32, #tpu.memory_space<vmem>> -> memref<1x128xi32, #tpu.memory_space<vmem>>
    %dma_start3A_147 = tpu.memref_squeeze %dma_start3A_146 : memref<1x128xi32, #tpu.memory_space<vmem>> -> memref<128xi32, #tpu.memory_space<vmem>>
    %dma_start3A_148 = arith.constant 0 : i32
    %dma_start3A_149 = tpu.memref_slice %arg7[%dma_start3A_148] : memref<10240xf32, #tpu.memory_space<vmem_shared>> -> memref<10240xf32, #tpu.memory_space<vmem_shared>>
    tpu.enqueue_indirect_dma source(%arg5 : memref<128xf32, #tpu.memory_space<vmem>>) target(%dma_start3A_149 : memref<10240xf32, #tpu.memory_space<vmem_shared>>) offsets(%dma_start3A_147 : memref<128xi32, #tpu.memory_space<vmem>>) semaphore(%arg8 : memref<!tpu.dma_semaphore, #tpu.memory_space<semaphore_mem>>) {add = true}
    %dma_start3A_150 = arith.constant 7 : i32
    %dma_start3A_151 = arith.constant 0 : i32
    %dma_start3A_152 = tpu.memref_slice %arg4[%dma_start3A_150, %dma_start3A_151] : memref<80x128xi32, #tpu.memory_space<vmem>> -> memref<1x128xi32, #tpu.memory_space<vmem>>
    %dma_start3A_153 = tpu.memref_squeeze %dma_start3A_152 : memref<1x128xi32, #tpu.memory_space<vmem>> -> memref<128xi32, #tpu.memory_space<vmem>>
    %dma_start3A_154 = arith.constant 0 : i32
    %dma_start3A_155 = tpu.memref_slice %arg7[%dma_start3A_154] : memref<10240xf32, #tpu.memory_space<vmem_shared>> -> memref<10240xf32, #tpu.memory_space<vmem_shared>>
    tpu.enqueue_indirect_dma source(%arg5 : memref<128xf32, #tpu.memory_space<vmem>>) target(%dma_start3A_155 : memref<10240xf32, #tpu.memory_space<vmem_shared>>) offsets(%dma_start3A_153 : memref<128xi32, #tpu.memory_space<vmem>>) semaphore(%arg8 : memref<!tpu.dma_semaphore, #tpu.memory_space<semaphore_mem>>) {add = true}
    %dma_start3A_156 = arith.constant 8 : i32
    %dma_start3A_157 = arith.constant 0 : i32
    %dma_start3A_158 = tpu.memref_slice %arg4[%dma_start3A_156, %dma_start3A_157] : memref<80x128xi32, #tpu.memory_space<vmem>> -> memref<1x128xi32, #tpu.memory_space<vmem>>
    %dma_start3A_159 = tpu.memref_squeeze %dma_start3A_158 : memref<1x128xi32, #tpu.memory_space<vmem>> -> memref<128xi32, #tpu.memory_space<vmem>>
    %dma_start3A_160 = arith.constant 0 : i32
    %dma_start3A_161 = tpu.memref_slice %arg7[%dma_start3A_160] : memref<10240xf32, #tpu.memory_space<vmem_shared>> -> memref<10240xf32, #tpu.memory_space<vmem_shared>>
    tpu.enqueue_indirect_dma source(%arg5 : memref<128xf32, #tpu.memory_space<vmem>>) target(%dma_start3A_161 : memref<10240xf32, #tpu.memory_space<vmem_shared>>) offsets(%dma_start3A_159 : memref<128xi32, #tpu.memory_space<vmem>>) semaphore(%arg8 : memref<!tpu.dma_semaphore, #tpu.memory_space<semaphore_mem>>) {add = true}
    %dma_start3A_162 = arith.constant 9 : i32
    %dma_start3A_163 = arith.constant 0 : i32
    %dma_start3A_164 = tpu.memref_slice %arg4[%dma_start3A_162, %dma_start3A_163] : memref<80x128xi32, #tpu.memory_space<vmem>> -> memref<1x128xi32, #tpu.memory_space<vmem>>
    %dma_start3A_165 = tpu.memref_squeeze %dma_start3A_164 : memref<1x128xi32, #tpu.memory_space<vmem>> -> memref<128xi32, #tpu.memory_space<vmem>>
    %dma_start3A_166 = arith.constant 0 : i32
    %dma_start3A_167 = tpu.memref_slice %arg7[%dma_start3A_166] : memref<10240xf32, #tpu.memory_space<vmem_shared>> -> memref<10240xf32, #tpu.memory_space<vmem_shared>>
    tpu.enqueue_indirect_dma source(%arg5 : memref<128xf32, #tpu.memory_space<vmem>>) target(%dma_start3A_167 : memref<10240xf32, #tpu.memory_space<vmem_shared>>) offsets(%dma_start3A_165 : memref<128xi32, #tpu.memory_space<vmem>>) semaphore(%arg8 : memref<!tpu.dma_semaphore, #tpu.memory_space<semaphore_mem>>) {add = true}
    %dma_start3A_168 = arith.constant 10 : i32
    %dma_start3A_169 = arith.constant 0 : i32
    %dma_start3A_170 = tpu.memref_slice %arg4[%dma_start3A_168, %dma_start3A_169] : memref<80x128xi32, #tpu.memory_space<vmem>> -> memref<1x128xi32, #tpu.memory_space<vmem>>
    %dma_start3A_171 = tpu.memref_squeeze %dma_start3A_170 : memref<1x128xi32, #tpu.memory_space<vmem>> -> memref<128xi32, #tpu.memory_space<vmem>>
    %dma_start3A_172 = arith.constant 0 : i32
    %dma_start3A_173 = tpu.memref_slice %arg7[%dma_start3A_172] : memref<10240xf32, #tpu.memory_space<vmem_shared>> -> memref<10240xf32, #tpu.memory_space<vmem_shared>>
    tpu.enqueue_indirect_dma source(%arg5 : memref<128xf32, #tpu.memory_space<vmem>>) target(%dma_start3A_173 : memref<10240xf32, #tpu.memory_space<vmem_shared>>) offsets(%dma_start3A_171 : memref<128xi32, #tpu.memory_space<vmem>>) semaphore(%arg8 : memref<!tpu.dma_semaphore, #tpu.memory_space<semaphore_mem>>) {add = true}
    %dma_start3A_174 = arith.constant 11 : i32
    %dma_start3A_175 = arith.constant 0 : i32
    %dma_start3A_176 = tpu.memref_slice %arg4[%dma_start3A_174, %dma_start3A_175] : memref<80x128xi32, #tpu.memory_space<vmem>> -> memref<1x128xi32, #tpu.memory_space<vmem>>
    %dma_start3A_177 = tpu.memref_squeeze %dma_start3A_176 : memref<1x128xi32, #tpu.memory_space<vmem>> -> memref<128xi32, #tpu.memory_space<vmem>>
    %dma_start3A_178 = arith.constant 0 : i32
    %dma_start3A_179 = tpu.memref_slice %arg7[%dma_start3A_178] : memref<10240xf32, #tpu.memory_space<vmem_shared>> -> memref<10240xf32, #tpu.memory_space<vmem_shared>>
    tpu.enqueue_indirect_dma source(%arg5 : memref<128xf32, #tpu.memory_space<vmem>>) target(%dma_start3A_179 : memref<10240xf32, #tpu.memory_space<vmem_shared>>) offsets(%dma_start3A_177 : memref<128xi32, #tpu.memory_space<vmem>>) semaphore(%arg8 : memref<!tpu.dma_semaphore, #tpu.memory_space<semaphore_mem>>) {add = true}
    %dma_start3A_180 = arith.constant 12 : i32
    %dma_start3A_181 = arith.constant 0 : i32
    %dma_start3A_182 = tpu.memref_slice %arg4[%dma_start3A_180, %dma_start3A_181] : memref<80x128xi32, #tpu.memory_space<vmem>> -> memref<1x128xi32, #tpu.memory_space<vmem>>
    %dma_start3A_183 = tpu.memref_squeeze %dma_start3A_182 : memref<1x128xi32, #tpu.memory_space<vmem>> -> memref<128xi32, #tpu.memory_space<vmem>>
    %dma_start3A_184 = arith.constant 0 : i32
    %dma_start3A_185 = tpu.memref_slice %arg7[%dma_start3A_184] : memref<10240xf32, #tpu.memory_space<vmem_shared>> -> memref<10240xf32, #tpu.memory_space<vmem_shared>>
    tpu.enqueue_indirect_dma source(%arg5 : memref<128xf32, #tpu.memory_space<vmem>>) target(%dma_start3A_185 : memref<10240xf32, #tpu.memory_space<vmem_shared>>) offsets(%dma_start3A_183 : memref<128xi32, #tpu.memory_space<vmem>>) semaphore(%arg8 : memref<!tpu.dma_semaphore, #tpu.memory_space<semaphore_mem>>) {add = true}
    %dma_start3A_186 = arith.constant 13 : i32
    %dma_start3A_187 = arith.constant 0 : i32
    %dma_start3A_188 = tpu.memref_slice %arg4[%dma_start3A_186, %dma_start3A_187] : memref<80x128xi32, #tpu.memory_space<vmem>> -> memref<1x128xi32, #tpu.memory_space<vmem>>
    %dma_start3A_189 = tpu.memref_squeeze %dma_start3A_188 : memref<1x128xi32, #tpu.memory_space<vmem>> -> memref<128xi32, #tpu.memory_space<vmem>>
    %dma_start3A_190 = arith.constant 0 : i32
    %dma_start3A_191 = tpu.memref_slice %arg7[%dma_start3A_190] : memref<10240xf32, #tpu.memory_space<vmem_shared>> -> memref<10240xf32, #tpu.memory_space<vmem_shared>>
    tpu.enqueue_indirect_dma source(%arg5 : memref<128xf32, #tpu.memory_space<vmem>>) target(%dma_start3A_191 : memref<10240xf32, #tpu.memory_space<vmem_shared>>) offsets(%dma_start3A_189 : memref<128xi32, #tpu.memory_space<vmem>>) semaphore(%arg8 : memref<!tpu.dma_semaphore, #tpu.memory_space<semaphore_mem>>) {add = true}
    %dma_start3A_192 = arith.constant 14 : i32
    %dma_start3A_193 = arith.constant 0 : i32
    %dma_start3A_194 = tpu.memref_slice %arg4[%dma_start3A_192, %dma_start3A_193] : memref<80x128xi32, #tpu.memory_space<vmem>> -> memref<1x128xi32, #tpu.memory_space<vmem>>
    %dma_start3A_195 = tpu.memref_squeeze %dma_start3A_194 : memref<1x128xi32, #tpu.memory_space<vmem>> -> memref<128xi32, #tpu.memory_space<vmem>>
    %dma_start3A_196 = arith.constant 0 : i32
    %dma_start3A_197 = tpu.memref_slice %arg7[%dma_start3A_196] : memref<10240xf32, #tpu.memory_space<vmem_shared>> -> memref<10240xf32, #tpu.memory_space<vmem_shared>>
    tpu.enqueue_indirect_dma source(%arg5 : memref<128xf32, #tpu.memory_space<vmem>>) target(%dma_start3A_197 : memref<10240xf32, #tpu.memory_space<vmem_shared>>) offsets(%dma_start3A_195 : memref<128xi32, #tpu.memory_space<vmem>>) semaphore(%arg8 : memref<!tpu.dma_semaphore, #tpu.memory_space<semaphore_mem>>) {add = true}
    %dma_start3A_198 = arith.constant 15 : i32
    %dma_start3A_199 = arith.constant 0 : i32
    %dma_start3A_200 = tpu.memref_slice %arg4[%dma_start3A_198, %dma_start3A_199] : memref<80x128xi32, #tpu.memory_space<vmem>> -> memref<1x128xi32, #tpu.memory_space<vmem>>
    %dma_start3A_201 = tpu.memref_squeeze %dma_start3A_200 : memref<1x128xi32, #tpu.memory_space<vmem>> -> memref<128xi32, #tpu.memory_space<vmem>>
    %dma_start3A_202 = arith.constant 0 : i32
    %dma_start3A_203 = tpu.memref_slice %arg7[%dma_start3A_202] : memref<10240xf32, #tpu.memory_space<vmem_shared>> -> memref<10240xf32, #tpu.memory_space<vmem_shared>>
    tpu.enqueue_indirect_dma source(%arg5 : memref<128xf32, #tpu.memory_space<vmem>>) target(%dma_start3A_203 : memref<10240xf32, #tpu.memory_space<vmem_shared>>) offsets(%dma_start3A_201 : memref<128xi32, #tpu.memory_space<vmem>>) semaphore(%arg8 : memref<!tpu.dma_semaphore, #tpu.memory_space<semaphore_mem>>) {add = true}
    %dma_start3A_204 = arith.constant 16 : i32
    %dma_start3A_205 = arith.constant 0 : i32
    %dma_start3A_206 = tpu.memref_slice %arg4[%dma_start3A_204, %dma_start3A_205] : memref<80x128xi32, #tpu.memory_space<vmem>> -> memref<1x128xi32, #tpu.memory_space<vmem>>
    %dma_start3A_207 = tpu.memref_squeeze %dma_start3A_206 : memref<1x128xi32, #tpu.memory_space<vmem>> -> memref<128xi32, #tpu.memory_space<vmem>>
    %dma_start3A_208 = arith.constant 0 : i32
    %dma_start3A_209 = tpu.memref_slice %arg7[%dma_start3A_208] : memref<10240xf32, #tpu.memory_space<vmem_shared>> -> memref<10240xf32, #tpu.memory_space<vmem_shared>>
    tpu.enqueue_indirect_dma source(%arg5 : memref<128xf32, #tpu.memory_space<vmem>>) target(%dma_start3A_209 : memref<10240xf32, #tpu.memory_space<vmem_shared>>) offsets(%dma_start3A_207 : memref<128xi32, #tpu.memory_space<vmem>>) semaphore(%arg8 : memref<!tpu.dma_semaphore, #tpu.memory_space<semaphore_mem>>) {add = true}
    %dma_start3A_210 = arith.constant 17 : i32
    %dma_start3A_211 = arith.constant 0 : i32
    %dma_start3A_212 = tpu.memref_slice %arg4[%dma_start3A_210, %dma_start3A_211] : memref<80x128xi32, #tpu.memory_space<vmem>> -> memref<1x128xi32, #tpu.memory_space<vmem>>
    %dma_start3A_213 = tpu.memref_squeeze %dma_start3A_212 : memref<1x128xi32, #tpu.memory_space<vmem>> -> memref<128xi32, #tpu.memory_space<vmem>>
    %dma_start3A_214 = arith.constant 0 : i32
    %dma_start3A_215 = tpu.memref_slice %arg7[%dma_start3A_214] : memref<10240xf32, #tpu.memory_space<vmem_shared>> -> memref<10240xf32, #tpu.memory_space<vmem_shared>>
    tpu.enqueue_indirect_dma source(%arg5 : memref<128xf32, #tpu.memory_space<vmem>>) target(%dma_start3A_215 : memref<10240xf32, #tpu.memory_space<vmem_shared>>) offsets(%dma_start3A_213 : memref<128xi32, #tpu.memory_space<vmem>>) semaphore(%arg8 : memref<!tpu.dma_semaphore, #tpu.memory_space<semaphore_mem>>) {add = true}
    %dma_start3A_216 = arith.constant 18 : i32
    %dma_start3A_217 = arith.constant 0 : i32
    %dma_start3A_218 = tpu.memref_slice %arg4[%dma_start3A_216, %dma_start3A_217] : memref<80x128xi32, #tpu.memory_space<vmem>> -> memref<1x128xi32, #tpu.memory_space<vmem>>
    %dma_start3A_219 = tpu.memref_squeeze %dma_start3A_218 : memref<1x128xi32, #tpu.memory_space<vmem>> -> memref<128xi32, #tpu.memory_space<vmem>>
    %dma_start3A_220 = arith.constant 0 : i32
    %dma_start3A_221 = tpu.memref_slice %arg7[%dma_start3A_220] : memref<10240xf32, #tpu.memory_space<vmem_shared>> -> memref<10240xf32, #tpu.memory_space<vmem_shared>>
    tpu.enqueue_indirect_dma source(%arg5 : memref<128xf32, #tpu.memory_space<vmem>>) target(%dma_start3A_221 : memref<10240xf32, #tpu.memory_space<vmem_shared>>) offsets(%dma_start3A_219 : memref<128xi32, #tpu.memory_space<vmem>>) semaphore(%arg8 : memref<!tpu.dma_semaphore, #tpu.memory_space<semaphore_mem>>) {add = true}
    %dma_start3A_222 = arith.constant 19 : i32
    %dma_start3A_223 = arith.constant 0 : i32
    %dma_start3A_224 = tpu.memref_slice %arg4[%dma_start3A_222, %dma_start3A_223] : memref<80x128xi32, #tpu.memory_space<vmem>> -> memref<1x128xi32, #tpu.memory_space<vmem>>
    %dma_start3A_225 = tpu.memref_squeeze %dma_start3A_224 : memref<1x128xi32, #tpu.memory_space<vmem>> -> memref<128xi32, #tpu.memory_space<vmem>>
    %dma_start3A_226 = arith.constant 0 : i32
    %dma_start3A_227 = tpu.memref_slice %arg7[%dma_start3A_226] : memref<10240xf32, #tpu.memory_space<vmem_shared>> -> memref<10240xf32, #tpu.memory_space<vmem_shared>>
    tpu.enqueue_indirect_dma source(%arg5 : memref<128xf32, #tpu.memory_space<vmem>>) target(%dma_start3A_227 : memref<10240xf32, #tpu.memory_space<vmem_shared>>) offsets(%dma_start3A_225 : memref<128xi32, #tpu.memory_space<vmem>>) semaphore(%arg8 : memref<!tpu.dma_semaphore, #tpu.memory_space<semaphore_mem>>) {add = true}
    %dma_start3A_228 = arith.constant 20 : i32
    %dma_start3A_229 = arith.constant 0 : i32
    %dma_start3A_230 = tpu.memref_slice %arg4[%dma_start3A_228, %dma_start3A_229] : memref<80x128xi32, #tpu.memory_space<vmem>> -> memref<1x128xi32, #tpu.memory_space<vmem>>
    %dma_start3A_231 = tpu.memref_squeeze %dma_start3A_230 : memref<1x128xi32, #tpu.memory_space<vmem>> -> memref<128xi32, #tpu.memory_space<vmem>>
    %dma_start3A_232 = arith.constant 0 : i32
    %dma_start3A_233 = tpu.memref_slice %arg7[%dma_start3A_232] : memref<10240xf32, #tpu.memory_space<vmem_shared>> -> memref<10240xf32, #tpu.memory_space<vmem_shared>>
    tpu.enqueue_indirect_dma source(%arg5 : memref<128xf32, #tpu.memory_space<vmem>>) target(%dma_start3A_233 : memref<10240xf32, #tpu.memory_space<vmem_shared>>) offsets(%dma_start3A_231 : memref<128xi32, #tpu.memory_space<vmem>>) semaphore(%arg8 : memref<!tpu.dma_semaphore, #tpu.memory_space<semaphore_mem>>) {add = true}
    %dma_start3A_234 = arith.constant 21 : i32
    %dma_start3A_235 = arith.constant 0 : i32
    %dma_start3A_236 = tpu.memref_slice %arg4[%dma_start3A_234, %dma_start3A_235] : memref<80x128xi32, #tpu.memory_space<vmem>> -> memref<1x128xi32, #tpu.memory_space<vmem>>
    %dma_start3A_237 = tpu.memref_squeeze %dma_start3A_236 : memref<1x128xi32, #tpu.memory_space<vmem>> -> memref<128xi32, #tpu.memory_space<vmem>>
    %dma_start3A_238 = arith.constant 0 : i32
    %dma_start3A_239 = tpu.memref_slice %arg7[%dma_start3A_238] : memref<10240xf32, #tpu.memory_space<vmem_shared>> -> memref<10240xf32, #tpu.memory_space<vmem_shared>>
    tpu.enqueue_indirect_dma source(%arg5 : memref<128xf32, #tpu.memory_space<vmem>>) target(%dma_start3A_239 : memref<10240xf32, #tpu.memory_space<vmem_shared>>) offsets(%dma_start3A_237 : memref<128xi32, #tpu.memory_space<vmem>>) semaphore(%arg8 : memref<!tpu.dma_semaphore, #tpu.memory_space<semaphore_mem>>) {add = true}
    %dma_start3A_240 = arith.constant 22 : i32
    %dma_start3A_241 = arith.constant 0 : i32
    %dma_start3A_242 = tpu.memref_slice %arg4[%dma_start3A_240, %dma_start3A_241] : memref<80x128xi32, #tpu.memory_space<vmem>> -> memref<1x128xi32, #tpu.memory_space<vmem>>
    %dma_start3A_243 = tpu.memref_squeeze %dma_start3A_242 : memref<1x128xi32, #tpu.memory_space<vmem>> -> memref<128xi32, #tpu.memory_space<vmem>>
    %dma_start3A_244 = arith.constant 0 : i32
    %dma_start3A_245 = tpu.memref_slice %arg7[%dma_start3A_244] : memref<10240xf32, #tpu.memory_space<vmem_shared>> -> memref<10240xf32, #tpu.memory_space<vmem_shared>>
    tpu.enqueue_indirect_dma source(%arg5 : memref<128xf32, #tpu.memory_space<vmem>>) target(%dma_start3A_245 : memref<10240xf32, #tpu.memory_space<vmem_shared>>) offsets(%dma_start3A_243 : memref<128xi32, #tpu.memory_space<vmem>>) semaphore(%arg8 : memref<!tpu.dma_semaphore, #tpu.memory_space<semaphore_mem>>) {add = true}
    %dma_start3A_246 = arith.constant 23 : i32
    %dma_start3A_247 = arith.constant 0 : i32
    %dma_start3A_248 = tpu.memref_slice %arg4[%dma_start3A_246, %dma_start3A_247] : memref<80x128xi32, #tpu.memory_space<vmem>> -> memref<1x128xi32, #tpu.memory_space<vmem>>
    %dma_start3A_249 = tpu.memref_squeeze %dma_start3A_248 : memref<1x128xi32, #tpu.memory_space<vmem>> -> memref<128xi32, #tpu.memory_space<vmem>>
    %dma_start3A_250 = arith.constant 0 : i32
    %dma_start3A_251 = tpu.memref_slice %arg7[%dma_start3A_250] : memref<10240xf32, #tpu.memory_space<vmem_shared>> -> memref<10240xf32, #tpu.memory_space<vmem_shared>>
    tpu.enqueue_indirect_dma source(%arg5 : memref<128xf32, #tpu.memory_space<vmem>>) target(%dma_start3A_251 : memref<10240xf32, #tpu.memory_space<vmem_shared>>) offsets(%dma_start3A_249 : memref<128xi32, #tpu.memory_space<vmem>>) semaphore(%arg8 : memref<!tpu.dma_semaphore, #tpu.memory_space<semaphore_mem>>) {add = true}
    %dma_start3A_252 = arith.constant 24 : i32
    %dma_start3A_253 = arith.constant 0 : i32
    %dma_start3A_254 = tpu.memref_slice %arg4[%dma_start3A_252, %dma_start3A_253] : memref<80x128xi32, #tpu.memory_space<vmem>> -> memref<1x128xi32, #tpu.memory_space<vmem>>
    %dma_start3A_255 = tpu.memref_squeeze %dma_start3A_254 : memref<1x128xi32, #tpu.memory_space<vmem>> -> memref<128xi32, #tpu.memory_space<vmem>>
    %dma_start3A_256 = arith.constant 0 : i32
    %dma_start3A_257 = tpu.memref_slice %arg7[%dma_start3A_256] : memref<10240xf32, #tpu.memory_space<vmem_shared>> -> memref<10240xf32, #tpu.memory_space<vmem_shared>>
    tpu.enqueue_indirect_dma source(%arg5 : memref<128xf32, #tpu.memory_space<vmem>>) target(%dma_start3A_257 : memref<10240xf32, #tpu.memory_space<vmem_shared>>) offsets(%dma_start3A_255 : memref<128xi32, #tpu.memory_space<vmem>>) semaphore(%arg8 : memref<!tpu.dma_semaphore, #tpu.memory_space<semaphore_mem>>) {add = true}
    %dma_start3A_258 = arith.constant 25 : i32
    %dma_start3A_259 = arith.constant 0 : i32
    %dma_start3A_260 = tpu.memref_slice %arg4[%dma_start3A_258, %dma_start3A_259] : memref<80x128xi32, #tpu.memory_space<vmem>> -> memref<1x128xi32, #tpu.memory_space<vmem>>
    %dma_start3A_261 = tpu.memref_squeeze %dma_start3A_260 : memref<1x128xi32, #tpu.memory_space<vmem>> -> memref<128xi32, #tpu.memory_space<vmem>>
    %dma_start3A_262 = arith.constant 0 : i32
    %dma_start3A_263 = tpu.memref_slice %arg7[%dma_start3A_262] : memref<10240xf32, #tpu.memory_space<vmem_shared>> -> memref<10240xf32, #tpu.memory_space<vmem_shared>>
    tpu.enqueue_indirect_dma source(%arg5 : memref<128xf32, #tpu.memory_space<vmem>>) target(%dma_start3A_263 : memref<10240xf32, #tpu.memory_space<vmem_shared>>) offsets(%dma_start3A_261 : memref<128xi32, #tpu.memory_space<vmem>>) semaphore(%arg8 : memref<!tpu.dma_semaphore, #tpu.memory_space<semaphore_mem>>) {add = true}
    %dma_start3A_264 = arith.constant 26 : i32
    %dma_start3A_265 = arith.constant 0 : i32
    %dma_start3A_266 = tpu.memref_slice %arg4[%dma_start3A_264, %dma_start3A_265] : memref<80x128xi32, #tpu.memory_space<vmem>> -> memref<1x128xi32, #tpu.memory_space<vmem>>
    %dma_start3A_267 = tpu.memref_squeeze %dma_start3A_266 : memref<1x128xi32, #tpu.memory_space<vmem>> -> memref<128xi32, #tpu.memory_space<vmem>>
    %dma_start3A_268 = arith.constant 0 : i32
    %dma_start3A_269 = tpu.memref_slice %arg7[%dma_start3A_268] : memref<10240xf32, #tpu.memory_space<vmem_shared>> -> memref<10240xf32, #tpu.memory_space<vmem_shared>>
    tpu.enqueue_indirect_dma source(%arg5 : memref<128xf32, #tpu.memory_space<vmem>>) target(%dma_start3A_269 : memref<10240xf32, #tpu.memory_space<vmem_shared>>) offsets(%dma_start3A_267 : memref<128xi32, #tpu.memory_space<vmem>>) semaphore(%arg8 : memref<!tpu.dma_semaphore, #tpu.memory_space<semaphore_mem>>) {add = true}
    %dma_start3A_270 = arith.constant 27 : i32
    %dma_start3A_271 = arith.constant 0 : i32
    %dma_start3A_272 = tpu.memref_slice %arg4[%dma_start3A_270, %dma_start3A_271] : memref<80x128xi32, #tpu.memory_space<vmem>> -> memref<1x128xi32, #tpu.memory_space<vmem>>
    %dma_start3A_273 = tpu.memref_squeeze %dma_start3A_272 : memref<1x128xi32, #tpu.memory_space<vmem>> -> memref<128xi32, #tpu.memory_space<vmem>>
    %dma_start3A_274 = arith.constant 0 : i32
    %dma_start3A_275 = tpu.memref_slice %arg7[%dma_start3A_274] : memref<10240xf32, #tpu.memory_space<vmem_shared>> -> memref<10240xf32, #tpu.memory_space<vmem_shared>>
    tpu.enqueue_indirect_dma source(%arg5 : memref<128xf32, #tpu.memory_space<vmem>>) target(%dma_start3A_275 : memref<10240xf32, #tpu.memory_space<vmem_shared>>) offsets(%dma_start3A_273 : memref<128xi32, #tpu.memory_space<vmem>>) semaphore(%arg8 : memref<!tpu.dma_semaphore, #tpu.memory_space<semaphore_mem>>) {add = true}
    %dma_start3A_276 = arith.constant 28 : i32
    %dma_start3A_277 = arith.constant 0 : i32
    %dma_start3A_278 = tpu.memref_slice %arg4[%dma_start3A_276, %dma_start3A_277] : memref<80x128xi32, #tpu.memory_space<vmem>> -> memref<1x128xi32, #tpu.memory_space<vmem>>
    %dma_start3A_279 = tpu.memref_squeeze %dma_start3A_278 : memref<1x128xi32, #tpu.memory_space<vmem>> -> memref<128xi32, #tpu.memory_space<vmem>>
    %dma_start3A_280 = arith.constant 0 : i32
    %dma_start3A_281 = tpu.memref_slice %arg7[%dma_start3A_280] : memref<10240xf32, #tpu.memory_space<vmem_shared>> -> memref<10240xf32, #tpu.memory_space<vmem_shared>>
    tpu.enqueue_indirect_dma source(%arg5 : memref<128xf32, #tpu.memory_space<vmem>>) target(%dma_start3A_281 : memref<10240xf32, #tpu.memory_space<vmem_shared>>) offsets(%dma_start3A_279 : memref<128xi32, #tpu.memory_space<vmem>>) semaphore(%arg8 : memref<!tpu.dma_semaphore, #tpu.memory_space<semaphore_mem>>) {add = true}
    %dma_start3A_282 = arith.constant 29 : i32
    %dma_start3A_283 = arith.constant 0 : i32
    %dma_start3A_284 = tpu.memref_slice %arg4[%dma_start3A_282, %dma_start3A_283] : memref<80x128xi32, #tpu.memory_space<vmem>> -> memref<1x128xi32, #tpu.memory_space<vmem>>
    %dma_start3A_285 = tpu.memref_squeeze %dma_start3A_284 : memref<1x128xi32, #tpu.memory_space<vmem>> -> memref<128xi32, #tpu.memory_space<vmem>>
    %dma_start3A_286 = arith.constant 0 : i32
    %dma_start3A_287 = tpu.memref_slice %arg7[%dma_start3A_286] : memref<10240xf32, #tpu.memory_space<vmem_shared>> -> memref<10240xf32, #tpu.memory_space<vmem_shared>>
    tpu.enqueue_indirect_dma source(%arg5 : memref<128xf32, #tpu.memory_space<vmem>>) target(%dma_start3A_287 : memref<10240xf32, #tpu.memory_space<vmem_shared>>) offsets(%dma_start3A_285 : memref<128xi32, #tpu.memory_space<vmem>>) semaphore(%arg8 : memref<!tpu.dma_semaphore, #tpu.memory_space<semaphore_mem>>) {add = true}
    %dma_start3A_288 = arith.constant 30 : i32
    %dma_start3A_289 = arith.constant 0 : i32
    %dma_start3A_290 = tpu.memref_slice %arg4[%dma_start3A_288, %dma_start3A_289] : memref<80x128xi32, #tpu.memory_space<vmem>> -> memref<1x128xi32, #tpu.memory_space<vmem>>
    %dma_start3A_291 = tpu.memref_squeeze %dma_start3A_290 : memref<1x128xi32, #tpu.memory_space<vmem>> -> memref<128xi32, #tpu.memory_space<vmem>>
    %dma_start3A_292 = arith.constant 0 : i32
    %dma_start3A_293 = tpu.memref_slice %arg7[%dma_start3A_292] : memref<10240xf32, #tpu.memory_space<vmem_shared>> -> memref<10240xf32, #tpu.memory_space<vmem_shared>>
    tpu.enqueue_indirect_dma source(%arg5 : memref<128xf32, #tpu.memory_space<vmem>>) target(%dma_start3A_293 : memref<10240xf32, #tpu.memory_space<vmem_shared>>) offsets(%dma_start3A_291 : memref<128xi32, #tpu.memory_space<vmem>>) semaphore(%arg8 : memref<!tpu.dma_semaphore, #tpu.memory_space<semaphore_mem>>) {add = true}
    %dma_start3A_294 = arith.constant 31 : i32
    %dma_start3A_295 = arith.constant 0 : i32
    %dma_start3A_296 = tpu.memref_slice %arg4[%dma_start3A_294, %dma_start3A_295] : memref<80x128xi32, #tpu.memory_space<vmem>> -> memref<1x128xi32, #tpu.memory_space<vmem>>
    %dma_start3A_297 = tpu.memref_squeeze %dma_start3A_296 : memref<1x128xi32, #tpu.memory_space<vmem>> -> memref<128xi32, #tpu.memory_space<vmem>>
    %dma_start3A_298 = arith.constant 0 : i32
    %dma_start3A_299 = tpu.memref_slice %arg7[%dma_start3A_298] : memref<10240xf32, #tpu.memory_space<vmem_shared>> -> memref<10240xf32, #tpu.memory_space<vmem_shared>>
    tpu.enqueue_indirect_dma source(%arg5 : memref<128xf32, #tpu.memory_space<vmem>>) target(%dma_start3A_299 : memref<10240xf32, #tpu.memory_space<vmem_shared>>) offsets(%dma_start3A_297 : memref<128xi32, #tpu.memory_space<vmem>>) semaphore(%arg8 : memref<!tpu.dma_semaphore, #tpu.memory_space<semaphore_mem>>) {add = true}
    %dma_start3A_300 = arith.constant 32 : i32
    %dma_start3A_301 = arith.constant 0 : i32
    %dma_start3A_302 = tpu.memref_slice %arg4[%dma_start3A_300, %dma_start3A_301] : memref<80x128xi32, #tpu.memory_space<vmem>> -> memref<1x128xi32, #tpu.memory_space<vmem>>
    %dma_start3A_303 = tpu.memref_squeeze %dma_start3A_302 : memref<1x128xi32, #tpu.memory_space<vmem>> -> memref<128xi32, #tpu.memory_space<vmem>>
    %dma_start3A_304 = arith.constant 0 : i32
    %dma_start3A_305 = tpu.memref_slice %arg7[%dma_start3A_304] : memref<10240xf32, #tpu.memory_space<vmem_shared>> -> memref<10240xf32, #tpu.memory_space<vmem_shared>>
    tpu.enqueue_indirect_dma source(%arg5 : memref<128xf32, #tpu.memory_space<vmem>>) target(%dma_start3A_305 : memref<10240xf32, #tpu.memory_space<vmem_shared>>) offsets(%dma_start3A_303 : memref<128xi32, #tpu.memory_space<vmem>>) semaphore(%arg8 : memref<!tpu.dma_semaphore, #tpu.memory_space<semaphore_mem>>) {add = true}
    %dma_start3A_306 = arith.constant 33 : i32
    %dma_start3A_307 = arith.constant 0 : i32
    %dma_start3A_308 = tpu.memref_slice %arg4[%dma_start3A_306, %dma_start3A_307] : memref<80x128xi32, #tpu.memory_space<vmem>> -> memref<1x128xi32, #tpu.memory_space<vmem>>
    %dma_start3A_309 = tpu.memref_squeeze %dma_start3A_308 : memref<1x128xi32, #tpu.memory_space<vmem>> -> memref<128xi32, #tpu.memory_space<vmem>>
    %dma_start3A_310 = arith.constant 0 : i32
    %dma_start3A_311 = tpu.memref_slice %arg7[%dma_start3A_310] : memref<10240xf32, #tpu.memory_space<vmem_shared>> -> memref<10240xf32, #tpu.memory_space<vmem_shared>>
    tpu.enqueue_indirect_dma source(%arg5 : memref<128xf32, #tpu.memory_space<vmem>>) target(%dma_start3A_311 : memref<10240xf32, #tpu.memory_space<vmem_shared>>) offsets(%dma_start3A_309 : memref<128xi32, #tpu.memory_space<vmem>>) semaphore(%arg8 : memref<!tpu.dma_semaphore, #tpu.memory_space<semaphore_mem>>) {add = true}
    %dma_start3A_312 = arith.constant 34 : i32
    %dma_start3A_313 = arith.constant 0 : i32
    %dma_start3A_314 = tpu.memref_slice %arg4[%dma_start3A_312, %dma_start3A_313] : memref<80x128xi32, #tpu.memory_space<vmem>> -> memref<1x128xi32, #tpu.memory_space<vmem>>
    %dma_start3A_315 = tpu.memref_squeeze %dma_start3A_314 : memref<1x128xi32, #tpu.memory_space<vmem>> -> memref<128xi32, #tpu.memory_space<vmem>>
    %dma_start3A_316 = arith.constant 0 : i32
    %dma_start3A_317 = tpu.memref_slice %arg7[%dma_start3A_316] : memref<10240xf32, #tpu.memory_space<vmem_shared>> -> memref<10240xf32, #tpu.memory_space<vmem_shared>>
    tpu.enqueue_indirect_dma source(%arg5 : memref<128xf32, #tpu.memory_space<vmem>>) target(%dma_start3A_317 : memref<10240xf32, #tpu.memory_space<vmem_shared>>) offsets(%dma_start3A_315 : memref<128xi32, #tpu.memory_space<vmem>>) semaphore(%arg8 : memref<!tpu.dma_semaphore, #tpu.memory_space<semaphore_mem>>) {add = true}
    %dma_start3A_318 = arith.constant 35 : i32
    %dma_start3A_319 = arith.constant 0 : i32
    %dma_start3A_320 = tpu.memref_slice %arg4[%dma_start3A_318, %dma_start3A_319] : memref<80x128xi32, #tpu.memory_space<vmem>> -> memref<1x128xi32, #tpu.memory_space<vmem>>
    %dma_start3A_321 = tpu.memref_squeeze %dma_start3A_320 : memref<1x128xi32, #tpu.memory_space<vmem>> -> memref<128xi32, #tpu.memory_space<vmem>>
    %dma_start3A_322 = arith.constant 0 : i32
    %dma_start3A_323 = tpu.memref_slice %arg7[%dma_start3A_322] : memref<10240xf32, #tpu.memory_space<vmem_shared>> -> memref<10240xf32, #tpu.memory_space<vmem_shared>>
    tpu.enqueue_indirect_dma source(%arg5 : memref<128xf32, #tpu.memory_space<vmem>>) target(%dma_start3A_323 : memref<10240xf32, #tpu.memory_space<vmem_shared>>) offsets(%dma_start3A_321 : memref<128xi32, #tpu.memory_space<vmem>>) semaphore(%arg8 : memref<!tpu.dma_semaphore, #tpu.memory_space<semaphore_mem>>) {add = true}
    %dma_start3A_324 = arith.constant 36 : i32
    %dma_start3A_325 = arith.constant 0 : i32
    %dma_start3A_326 = tpu.memref_slice %arg4[%dma_start3A_324, %dma_start3A_325] : memref<80x128xi32, #tpu.memory_space<vmem>> -> memref<1x128xi32, #tpu.memory_space<vmem>>
    %dma_start3A_327 = tpu.memref_squeeze %dma_start3A_326 : memref<1x128xi32, #tpu.memory_space<vmem>> -> memref<128xi32, #tpu.memory_space<vmem>>
    %dma_start3A_328 = arith.constant 0 : i32
    %dma_start3A_329 = tpu.memref_slice %arg7[%dma_start3A_328] : memref<10240xf32, #tpu.memory_space<vmem_shared>> -> memref<10240xf32, #tpu.memory_space<vmem_shared>>
    tpu.enqueue_indirect_dma source(%arg5 : memref<128xf32, #tpu.memory_space<vmem>>) target(%dma_start3A_329 : memref<10240xf32, #tpu.memory_space<vmem_shared>>) offsets(%dma_start3A_327 : memref<128xi32, #tpu.memory_space<vmem>>) semaphore(%arg8 : memref<!tpu.dma_semaphore, #tpu.memory_space<semaphore_mem>>) {add = true}
    %dma_start3A_330 = arith.constant 37 : i32
    %dma_start3A_331 = arith.constant 0 : i32
    %dma_start3A_332 = tpu.memref_slice %arg4[%dma_start3A_330, %dma_start3A_331] : memref<80x128xi32, #tpu.memory_space<vmem>> -> memref<1x128xi32, #tpu.memory_space<vmem>>
    %dma_start3A_333 = tpu.memref_squeeze %dma_start3A_332 : memref<1x128xi32, #tpu.memory_space<vmem>> -> memref<128xi32, #tpu.memory_space<vmem>>
    %dma_start3A_334 = arith.constant 0 : i32
    %dma_start3A_335 = tpu.memref_slice %arg7[%dma_start3A_334] : memref<10240xf32, #tpu.memory_space<vmem_shared>> -> memref<10240xf32, #tpu.memory_space<vmem_shared>>
    tpu.enqueue_indirect_dma source(%arg5 : memref<128xf32, #tpu.memory_space<vmem>>) target(%dma_start3A_335 : memref<10240xf32, #tpu.memory_space<vmem_shared>>) offsets(%dma_start3A_333 : memref<128xi32, #tpu.memory_space<vmem>>) semaphore(%arg8 : memref<!tpu.dma_semaphore, #tpu.memory_space<semaphore_mem>>) {add = true}
    %dma_start3A_336 = arith.constant 38 : i32
    %dma_start3A_337 = arith.constant 0 : i32
    %dma_start3A_338 = tpu.memref_slice %arg4[%dma_start3A_336, %dma_start3A_337] : memref<80x128xi32, #tpu.memory_space<vmem>> -> memref<1x128xi32, #tpu.memory_space<vmem>>
    %dma_start3A_339 = tpu.memref_squeeze %dma_start3A_338 : memref<1x128xi32, #tpu.memory_space<vmem>> -> memref<128xi32, #tpu.memory_space<vmem>>
    %dma_start3A_340 = arith.constant 0 : i32
    %dma_start3A_341 = tpu.memref_slice %arg7[%dma_start3A_340] : memref<10240xf32, #tpu.memory_space<vmem_shared>> -> memref<10240xf32, #tpu.memory_space<vmem_shared>>
    tpu.enqueue_indirect_dma source(%arg5 : memref<128xf32, #tpu.memory_space<vmem>>) target(%dma_start3A_341 : memref<10240xf32, #tpu.memory_space<vmem_shared>>) offsets(%dma_start3A_339 : memref<128xi32, #tpu.memory_space<vmem>>) semaphore(%arg8 : memref<!tpu.dma_semaphore, #tpu.memory_space<semaphore_mem>>) {add = true}
    %dma_start3A_342 = arith.constant 39 : i32
    %dma_start3A_343 = arith.constant 0 : i32
    %dma_start3A_344 = tpu.memref_slice %arg4[%dma_start3A_342, %dma_start3A_343] : memref<80x128xi32, #tpu.memory_space<vmem>> -> memref<1x128xi32, #tpu.memory_space<vmem>>
    %dma_start3A_345 = tpu.memref_squeeze %dma_start3A_344 : memref<1x128xi32, #tpu.memory_space<vmem>> -> memref<128xi32, #tpu.memory_space<vmem>>
    %dma_start3A_346 = arith.constant 0 : i32
    %dma_start3A_347 = tpu.memref_slice %arg7[%dma_start3A_346] : memref<10240xf32, #tpu.memory_space<vmem_shared>> -> memref<10240xf32, #tpu.memory_space<vmem_shared>>
    tpu.enqueue_indirect_dma source(%arg5 : memref<128xf32, #tpu.memory_space<vmem>>) target(%dma_start3A_347 : memref<10240xf32, #tpu.memory_space<vmem_shared>>) offsets(%dma_start3A_345 : memref<128xi32, #tpu.memory_space<vmem>>) semaphore(%arg8 : memref<!tpu.dma_semaphore, #tpu.memory_space<semaphore_mem>>) {add = true}
    %dma_start3A_348 = arith.constant 40 : i32
    %dma_start3A_349 = arith.constant 0 : i32
    %dma_start3A_350 = tpu.memref_slice %arg4[%dma_start3A_348, %dma_start3A_349] : memref<80x128xi32, #tpu.memory_space<vmem>> -> memref<1x128xi32, #tpu.memory_space<vmem>>
    %dma_start3A_351 = tpu.memref_squeeze %dma_start3A_350 : memref<1x128xi32, #tpu.memory_space<vmem>> -> memref<128xi32, #tpu.memory_space<vmem>>
    %dma_start3A_352 = arith.constant 0 : i32
    %dma_start3A_353 = tpu.memref_slice %arg7[%dma_start3A_352] : memref<10240xf32, #tpu.memory_space<vmem_shared>> -> memref<10240xf32, #tpu.memory_space<vmem_shared>>
    tpu.enqueue_indirect_dma source(%arg5 : memref<128xf32, #tpu.memory_space<vmem>>) target(%dma_start3A_353 : memref<10240xf32, #tpu.memory_space<vmem_shared>>) offsets(%dma_start3A_351 : memref<128xi32, #tpu.memory_space<vmem>>) semaphore(%arg8 : memref<!tpu.dma_semaphore, #tpu.memory_space<semaphore_mem>>) {add = true}
    %dma_start3A_354 = arith.constant 41 : i32
    %dma_start3A_355 = arith.constant 0 : i32
    %dma_start3A_356 = tpu.memref_slice %arg4[%dma_start3A_354, %dma_start3A_355] : memref<80x128xi32, #tpu.memory_space<vmem>> -> memref<1x128xi32, #tpu.memory_space<vmem>>
    %dma_start3A_357 = tpu.memref_squeeze %dma_start3A_356 : memref<1x128xi32, #tpu.memory_space<vmem>> -> memref<128xi32, #tpu.memory_space<vmem>>
    %dma_start3A_358 = arith.constant 0 : i32
    %dma_start3A_359 = tpu.memref_slice %arg7[%dma_start3A_358] : memref<10240xf32, #tpu.memory_space<vmem_shared>> -> memref<10240xf32, #tpu.memory_space<vmem_shared>>
    tpu.enqueue_indirect_dma source(%arg5 : memref<128xf32, #tpu.memory_space<vmem>>) target(%dma_start3A_359 : memref<10240xf32, #tpu.memory_space<vmem_shared>>) offsets(%dma_start3A_357 : memref<128xi32, #tpu.memory_space<vmem>>) semaphore(%arg8 : memref<!tpu.dma_semaphore, #tpu.memory_space<semaphore_mem>>) {add = true}
    %dma_start3A_360 = arith.constant 42 : i32
    %dma_start3A_361 = arith.constant 0 : i32
    %dma_start3A_362 = tpu.memref_slice %arg4[%dma_start3A_360, %dma_start3A_361] : memref<80x128xi32, #tpu.memory_space<vmem>> -> memref<1x128xi32, #tpu.memory_space<vmem>>
    %dma_start3A_363 = tpu.memref_squeeze %dma_start3A_362 : memref<1x128xi32, #tpu.memory_space<vmem>> -> memref<128xi32, #tpu.memory_space<vmem>>
    %dma_start3A_364 = arith.constant 0 : i32
    %dma_start3A_365 = tpu.memref_slice %arg7[%dma_start3A_364] : memref<10240xf32, #tpu.memory_space<vmem_shared>> -> memref<10240xf32, #tpu.memory_space<vmem_shared>>
    tpu.enqueue_indirect_dma source(%arg5 : memref<128xf32, #tpu.memory_space<vmem>>) target(%dma_start3A_365 : memref<10240xf32, #tpu.memory_space<vmem_shared>>) offsets(%dma_start3A_363 : memref<128xi32, #tpu.memory_space<vmem>>) semaphore(%arg8 : memref<!tpu.dma_semaphore, #tpu.memory_space<semaphore_mem>>) {add = true}
    %dma_start3A_366 = arith.constant 43 : i32
    %dma_start3A_367 = arith.constant 0 : i32
    %dma_start3A_368 = tpu.memref_slice %arg4[%dma_start3A_366, %dma_start3A_367] : memref<80x128xi32, #tpu.memory_space<vmem>> -> memref<1x128xi32, #tpu.memory_space<vmem>>
    %dma_start3A_369 = tpu.memref_squeeze %dma_start3A_368 : memref<1x128xi32, #tpu.memory_space<vmem>> -> memref<128xi32, #tpu.memory_space<vmem>>
    %dma_start3A_370 = arith.constant 0 : i32
    %dma_start3A_371 = tpu.memref_slice %arg7[%dma_start3A_370] : memref<10240xf32, #tpu.memory_space<vmem_shared>> -> memref<10240xf32, #tpu.memory_space<vmem_shared>>
    tpu.enqueue_indirect_dma source(%arg5 : memref<128xf32, #tpu.memory_space<vmem>>) target(%dma_start3A_371 : memref<10240xf32, #tpu.memory_space<vmem_shared>>) offsets(%dma_start3A_369 : memref<128xi32, #tpu.memory_space<vmem>>) semaphore(%arg8 : memref<!tpu.dma_semaphore, #tpu.memory_space<semaphore_mem>>) {add = true}
    %dma_start3A_372 = arith.constant 44 : i32
    %dma_start3A_373 = arith.constant 0 : i32
    %dma_start3A_374 = tpu.memref_slice %arg4[%dma_start3A_372, %dma_start3A_373] : memref<80x128xi32, #tpu.memory_space<vmem>> -> memref<1x128xi32, #tpu.memory_space<vmem>>
    %dma_start3A_375 = tpu.memref_squeeze %dma_start3A_374 : memref<1x128xi32, #tpu.memory_space<vmem>> -> memref<128xi32, #tpu.memory_space<vmem>>
    %dma_start3A_376 = arith.constant 0 : i32
    %dma_start3A_377 = tpu.memref_slice %arg7[%dma_start3A_376] : memref<10240xf32, #tpu.memory_space<vmem_shared>> -> memref<10240xf32, #tpu.memory_space<vmem_shared>>
    tpu.enqueue_indirect_dma source(%arg5 : memref<128xf32, #tpu.memory_space<vmem>>) target(%dma_start3A_377 : memref<10240xf32, #tpu.memory_space<vmem_shared>>) offsets(%dma_start3A_375 : memref<128xi32, #tpu.memory_space<vmem>>) semaphore(%arg8 : memref<!tpu.dma_semaphore, #tpu.memory_space<semaphore_mem>>) {add = true}
    %dma_start3A_378 = arith.constant 45 : i32
    %dma_start3A_379 = arith.constant 0 : i32
    %dma_start3A_380 = tpu.memref_slice %arg4[%dma_start3A_378, %dma_start3A_379] : memref<80x128xi32, #tpu.memory_space<vmem>> -> memref<1x128xi32, #tpu.memory_space<vmem>>
    %dma_start3A_381 = tpu.memref_squeeze %dma_start3A_380 : memref<1x128xi32, #tpu.memory_space<vmem>> -> memref<128xi32, #tpu.memory_space<vmem>>
    %dma_start3A_382 = arith.constant 0 : i32
    %dma_start3A_383 = tpu.memref_slice %arg7[%dma_start3A_382] : memref<10240xf32, #tpu.memory_space<vmem_shared>> -> memref<10240xf32, #tpu.memory_space<vmem_shared>>
    tpu.enqueue_indirect_dma source(%arg5 : memref<128xf32, #tpu.memory_space<vmem>>) target(%dma_start3A_383 : memref<10240xf32, #tpu.memory_space<vmem_shared>>) offsets(%dma_start3A_381 : memref<128xi32, #tpu.memory_space<vmem>>) semaphore(%arg8 : memref<!tpu.dma_semaphore, #tpu.memory_space<semaphore_mem>>) {add = true}
    %dma_start3A_384 = arith.constant 46 : i32
    %dma_start3A_385 = arith.constant 0 : i32
    %dma_start3A_386 = tpu.memref_slice %arg4[%dma_start3A_384, %dma_start3A_385] : memref<80x128xi32, #tpu.memory_space<vmem>> -> memref<1x128xi32, #tpu.memory_space<vmem>>
    %dma_start3A_387 = tpu.memref_squeeze %dma_start3A_386 : memref<1x128xi32, #tpu.memory_space<vmem>> -> memref<128xi32, #tpu.memory_space<vmem>>
    %dma_start3A_388 = arith.constant 0 : i32
    %dma_start3A_389 = tpu.memref_slice %arg7[%dma_start3A_388] : memref<10240xf32, #tpu.memory_space<vmem_shared>> -> memref<10240xf32, #tpu.memory_space<vmem_shared>>
    tpu.enqueue_indirect_dma source(%arg5 : memref<128xf32, #tpu.memory_space<vmem>>) target(%dma_start3A_389 : memref<10240xf32, #tpu.memory_space<vmem_shared>>) offsets(%dma_start3A_387 : memref<128xi32, #tpu.memory_space<vmem>>) semaphore(%arg8 : memref<!tpu.dma_semaphore, #tpu.memory_space<semaphore_mem>>) {add = true}
    %dma_start3A_390 = arith.constant 47 : i32
    %dma_start3A_391 = arith.constant 0 : i32
    %dma_start3A_392 = tpu.memref_slice %arg4[%dma_start3A_390, %dma_start3A_391] : memref<80x128xi32, #tpu.memory_space<vmem>> -> memref<1x128xi32, #tpu.memory_space<vmem>>
    %dma_start3A_393 = tpu.memref_squeeze %dma_start3A_392 : memref<1x128xi32, #tpu.memory_space<vmem>> -> memref<128xi32, #tpu.memory_space<vmem>>
    %dma_start3A_394 = arith.constant 0 : i32
    %dma_start3A_395 = tpu.memref_slice %arg7[%dma_start3A_394] : memref<10240xf32, #tpu.memory_space<vmem_shared>> -> memref<10240xf32, #tpu.memory_space<vmem_shared>>
    tpu.enqueue_indirect_dma source(%arg5 : memref<128xf32, #tpu.memory_space<vmem>>) target(%dma_start3A_395 : memref<10240xf32, #tpu.memory_space<vmem_shared>>) offsets(%dma_start3A_393 : memref<128xi32, #tpu.memory_space<vmem>>) semaphore(%arg8 : memref<!tpu.dma_semaphore, #tpu.memory_space<semaphore_mem>>) {add = true}
    %dma_start3A_396 = arith.constant 48 : i32
    %dma_start3A_397 = arith.constant 0 : i32
    %dma_start3A_398 = tpu.memref_slice %arg4[%dma_start3A_396, %dma_start3A_397] : memref<80x128xi32, #tpu.memory_space<vmem>> -> memref<1x128xi32, #tpu.memory_space<vmem>>
    %dma_start3A_399 = tpu.memref_squeeze %dma_start3A_398 : memref<1x128xi32, #tpu.memory_space<vmem>> -> memref<128xi32, #tpu.memory_space<vmem>>
    %dma_start3A_400 = arith.constant 0 : i32
    %dma_start3A_401 = tpu.memref_slice %arg7[%dma_start3A_400] : memref<10240xf32, #tpu.memory_space<vmem_shared>> -> memref<10240xf32, #tpu.memory_space<vmem_shared>>
    tpu.enqueue_indirect_dma source(%arg5 : memref<128xf32, #tpu.memory_space<vmem>>) target(%dma_start3A_401 : memref<10240xf32, #tpu.memory_space<vmem_shared>>) offsets(%dma_start3A_399 : memref<128xi32, #tpu.memory_space<vmem>>) semaphore(%arg8 : memref<!tpu.dma_semaphore, #tpu.memory_space<semaphore_mem>>) {add = true}
    %dma_start3A_402 = arith.constant 49 : i32
    %dma_start3A_403 = arith.constant 0 : i32
    %dma_start3A_404 = tpu.memref_slice %arg4[%dma_start3A_402, %dma_start3A_403] : memref<80x128xi32, #tpu.memory_space<vmem>> -> memref<1x128xi32, #tpu.memory_space<vmem>>
    %dma_start3A_405 = tpu.memref_squeeze %dma_start3A_404 : memref<1x128xi32, #tpu.memory_space<vmem>> -> memref<128xi32, #tpu.memory_space<vmem>>
    %dma_start3A_406 = arith.constant 0 : i32
    %dma_start3A_407 = tpu.memref_slice %arg7[%dma_start3A_406] : memref<10240xf32, #tpu.memory_space<vmem_shared>> -> memref<10240xf32, #tpu.memory_space<vmem_shared>>
    tpu.enqueue_indirect_dma source(%arg5 : memref<128xf32, #tpu.memory_space<vmem>>) target(%dma_start3A_407 : memref<10240xf32, #tpu.memory_space<vmem_shared>>) offsets(%dma_start3A_405 : memref<128xi32, #tpu.memory_space<vmem>>) semaphore(%arg8 : memref<!tpu.dma_semaphore, #tpu.memory_space<semaphore_mem>>) {add = true}
    %dma_start3A_408 = arith.constant 50 : i32
    %dma_start3A_409 = arith.constant 0 : i32
    %dma_start3A_410 = tpu.memref_slice %arg4[%dma_start3A_408, %dma_start3A_409] : memref<80x128xi32, #tpu.memory_space<vmem>> -> memref<1x128xi32, #tpu.memory_space<vmem>>
    %dma_start3A_411 = tpu.memref_squeeze %dma_start3A_410 : memref<1x128xi32, #tpu.memory_space<vmem>> -> memref<128xi32, #tpu.memory_space<vmem>>
    %dma_start3A_412 = arith.constant 0 : i32
    %dma_start3A_413 = tpu.memref_slice %arg7[%dma_start3A_412] : memref<10240xf32, #tpu.memory_space<vmem_shared>> -> memref<10240xf32, #tpu.memory_space<vmem_shared>>
    tpu.enqueue_indirect_dma source(%arg5 : memref<128xf32, #tpu.memory_space<vmem>>) target(%dma_start3A_413 : memref<10240xf32, #tpu.memory_space<vmem_shared>>) offsets(%dma_start3A_411 : memref<128xi32, #tpu.memory_space<vmem>>) semaphore(%arg8 : memref<!tpu.dma_semaphore, #tpu.memory_space<semaphore_mem>>) {add = true}
    %dma_start3A_414 = arith.constant 51 : i32
    %dma_start3A_415 = arith.constant 0 : i32
    %dma_start3A_416 = tpu.memref_slice %arg4[%dma_start3A_414, %dma_start3A_415] : memref<80x128xi32, #tpu.memory_space<vmem>> -> memref<1x128xi32, #tpu.memory_space<vmem>>
    %dma_start3A_417 = tpu.memref_squeeze %dma_start3A_416 : memref<1x128xi32, #tpu.memory_space<vmem>> -> memref<128xi32, #tpu.memory_space<vmem>>
    %dma_start3A_418 = arith.constant 0 : i32
    %dma_start3A_419 = tpu.memref_slice %arg7[%dma_start3A_418] : memref<10240xf32, #tpu.memory_space<vmem_shared>> -> memref<10240xf32, #tpu.memory_space<vmem_shared>>
    tpu.enqueue_indirect_dma source(%arg5 : memref<128xf32, #tpu.memory_space<vmem>>) target(%dma_start3A_419 : memref<10240xf32, #tpu.memory_space<vmem_shared>>) offsets(%dma_start3A_417 : memref<128xi32, #tpu.memory_space<vmem>>) semaphore(%arg8 : memref<!tpu.dma_semaphore, #tpu.memory_space<semaphore_mem>>) {add = true}
    %dma_start3A_420 = arith.constant 52 : i32
    %dma_start3A_421 = arith.constant 0 : i32
    %dma_start3A_422 = tpu.memref_slice %arg4[%dma_start3A_420, %dma_start3A_421] : memref<80x128xi32, #tpu.memory_space<vmem>> -> memref<1x128xi32, #tpu.memory_space<vmem>>
    %dma_start3A_423 = tpu.memref_squeeze %dma_start3A_422 : memref<1x128xi32, #tpu.memory_space<vmem>> -> memref<128xi32, #tpu.memory_space<vmem>>
    %dma_start3A_424 = arith.constant 0 : i32
    %dma_start3A_425 = tpu.memref_slice %arg7[%dma_start3A_424] : memref<10240xf32, #tpu.memory_space<vmem_shared>> -> memref<10240xf32, #tpu.memory_space<vmem_shared>>
    tpu.enqueue_indirect_dma source(%arg5 : memref<128xf32, #tpu.memory_space<vmem>>) target(%dma_start3A_425 : memref<10240xf32, #tpu.memory_space<vmem_shared>>) offsets(%dma_start3A_423 : memref<128xi32, #tpu.memory_space<vmem>>) semaphore(%arg8 : memref<!tpu.dma_semaphore, #tpu.memory_space<semaphore_mem>>) {add = true}
    %dma_start3A_426 = arith.constant 53 : i32
    %dma_start3A_427 = arith.constant 0 : i32
    %dma_start3A_428 = tpu.memref_slice %arg4[%dma_start3A_426, %dma_start3A_427] : memref<80x128xi32, #tpu.memory_space<vmem>> -> memref<1x128xi32, #tpu.memory_space<vmem>>
    %dma_start3A_429 = tpu.memref_squeeze %dma_start3A_428 : memref<1x128xi32, #tpu.memory_space<vmem>> -> memref<128xi32, #tpu.memory_space<vmem>>
    %dma_start3A_430 = arith.constant 0 : i32
    %dma_start3A_431 = tpu.memref_slice %arg7[%dma_start3A_430] : memref<10240xf32, #tpu.memory_space<vmem_shared>> -> memref<10240xf32, #tpu.memory_space<vmem_shared>>
    tpu.enqueue_indirect_dma source(%arg5 : memref<128xf32, #tpu.memory_space<vmem>>) target(%dma_start3A_431 : memref<10240xf32, #tpu.memory_space<vmem_shared>>) offsets(%dma_start3A_429 : memref<128xi32, #tpu.memory_space<vmem>>) semaphore(%arg8 : memref<!tpu.dma_semaphore, #tpu.memory_space<semaphore_mem>>) {add = true}
    %dma_start3A_432 = arith.constant 54 : i32
    %dma_start3A_433 = arith.constant 0 : i32
    %dma_start3A_434 = tpu.memref_slice %arg4[%dma_start3A_432, %dma_start3A_433] : memref<80x128xi32, #tpu.memory_space<vmem>> -> memref<1x128xi32, #tpu.memory_space<vmem>>
    %dma_start3A_435 = tpu.memref_squeeze %dma_start3A_434 : memref<1x128xi32, #tpu.memory_space<vmem>> -> memref<128xi32, #tpu.memory_space<vmem>>
    %dma_start3A_436 = arith.constant 0 : i32
    %dma_start3A_437 = tpu.memref_slice %arg7[%dma_start3A_436] : memref<10240xf32, #tpu.memory_space<vmem_shared>> -> memref<10240xf32, #tpu.memory_space<vmem_shared>>
    tpu.enqueue_indirect_dma source(%arg5 : memref<128xf32, #tpu.memory_space<vmem>>) target(%dma_start3A_437 : memref<10240xf32, #tpu.memory_space<vmem_shared>>) offsets(%dma_start3A_435 : memref<128xi32, #tpu.memory_space<vmem>>) semaphore(%arg8 : memref<!tpu.dma_semaphore, #tpu.memory_space<semaphore_mem>>) {add = true}
    %dma_start3A_438 = arith.constant 55 : i32
    %dma_start3A_439 = arith.constant 0 : i32
    %dma_start3A_440 = tpu.memref_slice %arg4[%dma_start3A_438, %dma_start3A_439] : memref<80x128xi32, #tpu.memory_space<vmem>> -> memref<1x128xi32, #tpu.memory_space<vmem>>
    %dma_start3A_441 = tpu.memref_squeeze %dma_start3A_440 : memref<1x128xi32, #tpu.memory_space<vmem>> -> memref<128xi32, #tpu.memory_space<vmem>>
    %dma_start3A_442 = arith.constant 0 : i32
    %dma_start3A_443 = tpu.memref_slice %arg7[%dma_start3A_442] : memref<10240xf32, #tpu.memory_space<vmem_shared>> -> memref<10240xf32, #tpu.memory_space<vmem_shared>>
    tpu.enqueue_indirect_dma source(%arg5 : memref<128xf32, #tpu.memory_space<vmem>>) target(%dma_start3A_443 : memref<10240xf32, #tpu.memory_space<vmem_shared>>) offsets(%dma_start3A_441 : memref<128xi32, #tpu.memory_space<vmem>>) semaphore(%arg8 : memref<!tpu.dma_semaphore, #tpu.memory_space<semaphore_mem>>) {add = true}
    %dma_start3A_444 = arith.constant 56 : i32
    %dma_start3A_445 = arith.constant 0 : i32
    %dma_start3A_446 = tpu.memref_slice %arg4[%dma_start3A_444, %dma_start3A_445] : memref<80x128xi32, #tpu.memory_space<vmem>> -> memref<1x128xi32, #tpu.memory_space<vmem>>
    %dma_start3A_447 = tpu.memref_squeeze %dma_start3A_446 : memref<1x128xi32, #tpu.memory_space<vmem>> -> memref<128xi32, #tpu.memory_space<vmem>>
    %dma_start3A_448 = arith.constant 0 : i32
    %dma_start3A_449 = tpu.memref_slice %arg7[%dma_start3A_448] : memref<10240xf32, #tpu.memory_space<vmem_shared>> -> memref<10240xf32, #tpu.memory_space<vmem_shared>>
    tpu.enqueue_indirect_dma source(%arg5 : memref<128xf32, #tpu.memory_space<vmem>>) target(%dma_start3A_449 : memref<10240xf32, #tpu.memory_space<vmem_shared>>) offsets(%dma_start3A_447 : memref<128xi32, #tpu.memory_space<vmem>>) semaphore(%arg8 : memref<!tpu.dma_semaphore, #tpu.memory_space<semaphore_mem>>) {add = true}
    %dma_start3A_450 = arith.constant 57 : i32
    %dma_start3A_451 = arith.constant 0 : i32
    %dma_start3A_452 = tpu.memref_slice %arg4[%dma_start3A_450, %dma_start3A_451] : memref<80x128xi32, #tpu.memory_space<vmem>> -> memref<1x128xi32, #tpu.memory_space<vmem>>
    %dma_start3A_453 = tpu.memref_squeeze %dma_start3A_452 : memref<1x128xi32, #tpu.memory_space<vmem>> -> memref<128xi32, #tpu.memory_space<vmem>>
    %dma_start3A_454 = arith.constant 0 : i32
    %dma_start3A_455 = tpu.memref_slice %arg7[%dma_start3A_454] : memref<10240xf32, #tpu.memory_space<vmem_shared>> -> memref<10240xf32, #tpu.memory_space<vmem_shared>>
    tpu.enqueue_indirect_dma source(%arg5 : memref<128xf32, #tpu.memory_space<vmem>>) target(%dma_start3A_455 : memref<10240xf32, #tpu.memory_space<vmem_shared>>) offsets(%dma_start3A_453 : memref<128xi32, #tpu.memory_space<vmem>>) semaphore(%arg8 : memref<!tpu.dma_semaphore, #tpu.memory_space<semaphore_mem>>) {add = true}
    %dma_start3A_456 = arith.constant 58 : i32
    %dma_start3A_457 = arith.constant 0 : i32
    %dma_start3A_458 = tpu.memref_slice %arg4[%dma_start3A_456, %dma_start3A_457] : memref<80x128xi32, #tpu.memory_space<vmem>> -> memref<1x128xi32, #tpu.memory_space<vmem>>
    %dma_start3A_459 = tpu.memref_squeeze %dma_start3A_458 : memref<1x128xi32, #tpu.memory_space<vmem>> -> memref<128xi32, #tpu.memory_space<vmem>>
    %dma_start3A_460 = arith.constant 0 : i32
    %dma_start3A_461 = tpu.memref_slice %arg7[%dma_start3A_460] : memref<10240xf32, #tpu.memory_space<vmem_shared>> -> memref<10240xf32, #tpu.memory_space<vmem_shared>>
    tpu.enqueue_indirect_dma source(%arg5 : memref<128xf32, #tpu.memory_space<vmem>>) target(%dma_start3A_461 : memref<10240xf32, #tpu.memory_space<vmem_shared>>) offsets(%dma_start3A_459 : memref<128xi32, #tpu.memory_space<vmem>>) semaphore(%arg8 : memref<!tpu.dma_semaphore, #tpu.memory_space<semaphore_mem>>) {add = true}
    %dma_start3A_462 = arith.constant 59 : i32
    %dma_start3A_463 = arith.constant 0 : i32
    %dma_start3A_464 = tpu.memref_slice %arg4[%dma_start3A_462, %dma_start3A_463] : memref<80x128xi32, #tpu.memory_space<vmem>> -> memref<1x128xi32, #tpu.memory_space<vmem>>
    %dma_start3A_465 = tpu.memref_squeeze %dma_start3A_464 : memref<1x128xi32, #tpu.memory_space<vmem>> -> memref<128xi32, #tpu.memory_space<vmem>>
    %dma_start3A_466 = arith.constant 0 : i32
    %dma_start3A_467 = tpu.memref_slice %arg7[%dma_start3A_466] : memref<10240xf32, #tpu.memory_space<vmem_shared>> -> memref<10240xf32, #tpu.memory_space<vmem_shared>>
    tpu.enqueue_indirect_dma source(%arg5 : memref<128xf32, #tpu.memory_space<vmem>>) target(%dma_start3A_467 : memref<10240xf32, #tpu.memory_space<vmem_shared>>) offsets(%dma_start3A_465 : memref<128xi32, #tpu.memory_space<vmem>>) semaphore(%arg8 : memref<!tpu.dma_semaphore, #tpu.memory_space<semaphore_mem>>) {add = true}
    %dma_start3A_468 = arith.constant 60 : i32
    %dma_start3A_469 = arith.constant 0 : i32
    %dma_start3A_470 = tpu.memref_slice %arg4[%dma_start3A_468, %dma_start3A_469] : memref<80x128xi32, #tpu.memory_space<vmem>> -> memref<1x128xi32, #tpu.memory_space<vmem>>
    %dma_start3A_471 = tpu.memref_squeeze %dma_start3A_470 : memref<1x128xi32, #tpu.memory_space<vmem>> -> memref<128xi32, #tpu.memory_space<vmem>>
    %dma_start3A_472 = arith.constant 0 : i32
    %dma_start3A_473 = tpu.memref_slice %arg7[%dma_start3A_472] : memref<10240xf32, #tpu.memory_space<vmem_shared>> -> memref<10240xf32, #tpu.memory_space<vmem_shared>>
    tpu.enqueue_indirect_dma source(%arg5 : memref<128xf32, #tpu.memory_space<vmem>>) target(%dma_start3A_473 : memref<10240xf32, #tpu.memory_space<vmem_shared>>) offsets(%dma_start3A_471 : memref<128xi32, #tpu.memory_space<vmem>>) semaphore(%arg8 : memref<!tpu.dma_semaphore, #tpu.memory_space<semaphore_mem>>) {add = true}
    %dma_start3A_474 = arith.constant 61 : i32
    %dma_start3A_475 = arith.constant 0 : i32
    %dma_start3A_476 = tpu.memref_slice %arg4[%dma_start3A_474, %dma_start3A_475] : memref<80x128xi32, #tpu.memory_space<vmem>> -> memref<1x128xi32, #tpu.memory_space<vmem>>
    %dma_start3A_477 = tpu.memref_squeeze %dma_start3A_476 : memref<1x128xi32, #tpu.memory_space<vmem>> -> memref<128xi32, #tpu.memory_space<vmem>>
    %dma_start3A_478 = arith.constant 0 : i32
    %dma_start3A_479 = tpu.memref_slice %arg7[%dma_start3A_478] : memref<10240xf32, #tpu.memory_space<vmem_shared>> -> memref<10240xf32, #tpu.memory_space<vmem_shared>>
    tpu.enqueue_indirect_dma source(%arg5 : memref<128xf32, #tpu.memory_space<vmem>>) target(%dma_start3A_479 : memref<10240xf32, #tpu.memory_space<vmem_shared>>) offsets(%dma_start3A_477 : memref<128xi32, #tpu.memory_space<vmem>>) semaphore(%arg8 : memref<!tpu.dma_semaphore, #tpu.memory_space<semaphore_mem>>) {add = true}
    %dma_start3A_480 = arith.constant 62 : i32
    %dma_start3A_481 = arith.constant 0 : i32
    %dma_start3A_482 = tpu.memref_slice %arg4[%dma_start3A_480, %dma_start3A_481] : memref<80x128xi32, #tpu.memory_space<vmem>> -> memref<1x128xi32, #tpu.memory_space<vmem>>
    %dma_start3A_483 = tpu.memref_squeeze %dma_start3A_482 : memref<1x128xi32, #tpu.memory_space<vmem>> -> memref<128xi32, #tpu.memory_space<vmem>>
    %dma_start3A_484 = arith.constant 0 : i32
    %dma_start3A_485 = tpu.memref_slice %arg7[%dma_start3A_484] : memref<10240xf32, #tpu.memory_space<vmem_shared>> -> memref<10240xf32, #tpu.memory_space<vmem_shared>>
    tpu.enqueue_indirect_dma source(%arg5 : memref<128xf32, #tpu.memory_space<vmem>>) target(%dma_start3A_485 : memref<10240xf32, #tpu.memory_space<vmem_shared>>) offsets(%dma_start3A_483 : memref<128xi32, #tpu.memory_space<vmem>>) semaphore(%arg8 : memref<!tpu.dma_semaphore, #tpu.memory_space<semaphore_mem>>) {add = true}
    %dma_start3A_486 = arith.constant 63 : i32
    %dma_start3A_487 = arith.constant 0 : i32
    %dma_start3A_488 = tpu.memref_slice %arg4[%dma_start3A_486, %dma_start3A_487] : memref<80x128xi32, #tpu.memory_space<vmem>> -> memref<1x128xi32, #tpu.memory_space<vmem>>
    %dma_start3A_489 = tpu.memref_squeeze %dma_start3A_488 : memref<1x128xi32, #tpu.memory_space<vmem>> -> memref<128xi32, #tpu.memory_space<vmem>>
    %dma_start3A_490 = arith.constant 0 : i32
    %dma_start3A_491 = tpu.memref_slice %arg7[%dma_start3A_490] : memref<10240xf32, #tpu.memory_space<vmem_shared>> -> memref<10240xf32, #tpu.memory_space<vmem_shared>>
    tpu.enqueue_indirect_dma source(%arg5 : memref<128xf32, #tpu.memory_space<vmem>>) target(%dma_start3A_491 : memref<10240xf32, #tpu.memory_space<vmem_shared>>) offsets(%dma_start3A_489 : memref<128xi32, #tpu.memory_space<vmem>>) semaphore(%arg8 : memref<!tpu.dma_semaphore, #tpu.memory_space<semaphore_mem>>) {add = true}
    %dma_start3A_492 = arith.constant 64 : i32
    %dma_start3A_493 = arith.constant 0 : i32
    %dma_start3A_494 = tpu.memref_slice %arg4[%dma_start3A_492, %dma_start3A_493] : memref<80x128xi32, #tpu.memory_space<vmem>> -> memref<1x128xi32, #tpu.memory_space<vmem>>
    %dma_start3A_495 = tpu.memref_squeeze %dma_start3A_494 : memref<1x128xi32, #tpu.memory_space<vmem>> -> memref<128xi32, #tpu.memory_space<vmem>>
    %dma_start3A_496 = arith.constant 0 : i32
    %dma_start3A_497 = tpu.memref_slice %arg7[%dma_start3A_496] : memref<10240xf32, #tpu.memory_space<vmem_shared>> -> memref<10240xf32, #tpu.memory_space<vmem_shared>>
    tpu.enqueue_indirect_dma source(%arg5 : memref<128xf32, #tpu.memory_space<vmem>>) target(%dma_start3A_497 : memref<10240xf32, #tpu.memory_space<vmem_shared>>) offsets(%dma_start3A_495 : memref<128xi32, #tpu.memory_space<vmem>>) semaphore(%arg8 : memref<!tpu.dma_semaphore, #tpu.memory_space<semaphore_mem>>) {add = true}
    %dma_start3A_498 = arith.constant 65 : i32
    %dma_start3A_499 = arith.constant 0 : i32
    %dma_start3A_500 = tpu.memref_slice %arg4[%dma_start3A_498, %dma_start3A_499] : memref<80x128xi32, #tpu.memory_space<vmem>> -> memref<1x128xi32, #tpu.memory_space<vmem>>
    %dma_start3A_501 = tpu.memref_squeeze %dma_start3A_500 : memref<1x128xi32, #tpu.memory_space<vmem>> -> memref<128xi32, #tpu.memory_space<vmem>>
    %dma_start3A_502 = arith.constant 0 : i32
    %dma_start3A_503 = tpu.memref_slice %arg7[%dma_start3A_502] : memref<10240xf32, #tpu.memory_space<vmem_shared>> -> memref<10240xf32, #tpu.memory_space<vmem_shared>>
    tpu.enqueue_indirect_dma source(%arg5 : memref<128xf32, #tpu.memory_space<vmem>>) target(%dma_start3A_503 : memref<10240xf32, #tpu.memory_space<vmem_shared>>) offsets(%dma_start3A_501 : memref<128xi32, #tpu.memory_space<vmem>>) semaphore(%arg8 : memref<!tpu.dma_semaphore, #tpu.memory_space<semaphore_mem>>) {add = true}
    %dma_start3A_504 = arith.constant 66 : i32
    %dma_start3A_505 = arith.constant 0 : i32
    %dma_start3A_506 = tpu.memref_slice %arg4[%dma_start3A_504, %dma_start3A_505] : memref<80x128xi32, #tpu.memory_space<vmem>> -> memref<1x128xi32, #tpu.memory_space<vmem>>
    %dma_start3A_507 = tpu.memref_squeeze %dma_start3A_506 : memref<1x128xi32, #tpu.memory_space<vmem>> -> memref<128xi32, #tpu.memory_space<vmem>>
    %dma_start3A_508 = arith.constant 0 : i32
    %dma_start3A_509 = tpu.memref_slice %arg7[%dma_start3A_508] : memref<10240xf32, #tpu.memory_space<vmem_shared>> -> memref<10240xf32, #tpu.memory_space<vmem_shared>>
    tpu.enqueue_indirect_dma source(%arg5 : memref<128xf32, #tpu.memory_space<vmem>>) target(%dma_start3A_509 : memref<10240xf32, #tpu.memory_space<vmem_shared>>) offsets(%dma_start3A_507 : memref<128xi32, #tpu.memory_space<vmem>>) semaphore(%arg8 : memref<!tpu.dma_semaphore, #tpu.memory_space<semaphore_mem>>) {add = true}
    %dma_start3A_510 = arith.constant 67 : i32
    %dma_start3A_511 = arith.constant 0 : i32
    %dma_start3A_512 = tpu.memref_slice %arg4[%dma_start3A_510, %dma_start3A_511] : memref<80x128xi32, #tpu.memory_space<vmem>> -> memref<1x128xi32, #tpu.memory_space<vmem>>
    %dma_start3A_513 = tpu.memref_squeeze %dma_start3A_512 : memref<1x128xi32, #tpu.memory_space<vmem>> -> memref<128xi32, #tpu.memory_space<vmem>>
    %dma_start3A_514 = arith.constant 0 : i32
    %dma_start3A_515 = tpu.memref_slice %arg7[%dma_start3A_514] : memref<10240xf32, #tpu.memory_space<vmem_shared>> -> memref<10240xf32, #tpu.memory_space<vmem_shared>>
    tpu.enqueue_indirect_dma source(%arg5 : memref<128xf32, #tpu.memory_space<vmem>>) target(%dma_start3A_515 : memref<10240xf32, #tpu.memory_space<vmem_shared>>) offsets(%dma_start3A_513 : memref<128xi32, #tpu.memory_space<vmem>>) semaphore(%arg8 : memref<!tpu.dma_semaphore, #tpu.memory_space<semaphore_mem>>) {add = true}
    %dma_start3A_516 = arith.constant 68 : i32
    %dma_start3A_517 = arith.constant 0 : i32
    %dma_start3A_518 = tpu.memref_slice %arg4[%dma_start3A_516, %dma_start3A_517] : memref<80x128xi32, #tpu.memory_space<vmem>> -> memref<1x128xi32, #tpu.memory_space<vmem>>
    %dma_start3A_519 = tpu.memref_squeeze %dma_start3A_518 : memref<1x128xi32, #tpu.memory_space<vmem>> -> memref<128xi32, #tpu.memory_space<vmem>>
    %dma_start3A_520 = arith.constant 0 : i32
    %dma_start3A_521 = tpu.memref_slice %arg7[%dma_start3A_520] : memref<10240xf32, #tpu.memory_space<vmem_shared>> -> memref<10240xf32, #tpu.memory_space<vmem_shared>>
    tpu.enqueue_indirect_dma source(%arg5 : memref<128xf32, #tpu.memory_space<vmem>>) target(%dma_start3A_521 : memref<10240xf32, #tpu.memory_space<vmem_shared>>) offsets(%dma_start3A_519 : memref<128xi32, #tpu.memory_space<vmem>>) semaphore(%arg8 : memref<!tpu.dma_semaphore, #tpu.memory_space<semaphore_mem>>) {add = true}
    %dma_start3A_522 = arith.constant 69 : i32
    %dma_start3A_523 = arith.constant 0 : i32
    %dma_start3A_524 = tpu.memref_slice %arg4[%dma_start3A_522, %dma_start3A_523] : memref<80x128xi32, #tpu.memory_space<vmem>> -> memref<1x128xi32, #tpu.memory_space<vmem>>
    %dma_start3A_525 = tpu.memref_squeeze %dma_start3A_524 : memref<1x128xi32, #tpu.memory_space<vmem>> -> memref<128xi32, #tpu.memory_space<vmem>>
    %dma_start3A_526 = arith.constant 0 : i32
    %dma_start3A_527 = tpu.memref_slice %arg7[%dma_start3A_526] : memref<10240xf32, #tpu.memory_space<vmem_shared>> -> memref<10240xf32, #tpu.memory_space<vmem_shared>>
    tpu.enqueue_indirect_dma source(%arg5 : memref<128xf32, #tpu.memory_space<vmem>>) target(%dma_start3A_527 : memref<10240xf32, #tpu.memory_space<vmem_shared>>) offsets(%dma_start3A_525 : memref<128xi32, #tpu.memory_space<vmem>>) semaphore(%arg8 : memref<!tpu.dma_semaphore, #tpu.memory_space<semaphore_mem>>) {add = true}
    %dma_start3A_528 = arith.constant 70 : i32
    %dma_start3A_529 = arith.constant 0 : i32
    %dma_start3A_530 = tpu.memref_slice %arg4[%dma_start3A_528, %dma_start3A_529] : memref<80x128xi32, #tpu.memory_space<vmem>> -> memref<1x128xi32, #tpu.memory_space<vmem>>
    %dma_start3A_531 = tpu.memref_squeeze %dma_start3A_530 : memref<1x128xi32, #tpu.memory_space<vmem>> -> memref<128xi32, #tpu.memory_space<vmem>>
    %dma_start3A_532 = arith.constant 0 : i32
    %dma_start3A_533 = tpu.memref_slice %arg7[%dma_start3A_532] : memref<10240xf32, #tpu.memory_space<vmem_shared>> -> memref<10240xf32, #tpu.memory_space<vmem_shared>>
    tpu.enqueue_indirect_dma source(%arg5 : memref<128xf32, #tpu.memory_space<vmem>>) target(%dma_start3A_533 : memref<10240xf32, #tpu.memory_space<vmem_shared>>) offsets(%dma_start3A_531 : memref<128xi32, #tpu.memory_space<vmem>>) semaphore(%arg8 : memref<!tpu.dma_semaphore, #tpu.memory_space<semaphore_mem>>) {add = true}
    %dma_start3A_534 = arith.constant 71 : i32
    %dma_start3A_535 = arith.constant 0 : i32
    %dma_start3A_536 = tpu.memref_slice %arg4[%dma_start3A_534, %dma_start3A_535] : memref<80x128xi32, #tpu.memory_space<vmem>> -> memref<1x128xi32, #tpu.memory_space<vmem>>
    %dma_start3A_537 = tpu.memref_squeeze %dma_start3A_536 : memref<1x128xi32, #tpu.memory_space<vmem>> -> memref<128xi32, #tpu.memory_space<vmem>>
    %dma_start3A_538 = arith.constant 0 : i32
    %dma_start3A_539 = tpu.memref_slice %arg7[%dma_start3A_538] : memref<10240xf32, #tpu.memory_space<vmem_shared>> -> memref<10240xf32, #tpu.memory_space<vmem_shared>>
    tpu.enqueue_indirect_dma source(%arg5 : memref<128xf32, #tpu.memory_space<vmem>>) target(%dma_start3A_539 : memref<10240xf32, #tpu.memory_space<vmem_shared>>) offsets(%dma_start3A_537 : memref<128xi32, #tpu.memory_space<vmem>>) semaphore(%arg8 : memref<!tpu.dma_semaphore, #tpu.memory_space<semaphore_mem>>) {add = true}
    %dma_start3A_540 = arith.constant 72 : i32
    %dma_start3A_541 = arith.constant 0 : i32
    %dma_start3A_542 = tpu.memref_slice %arg4[%dma_start3A_540, %dma_start3A_541] : memref<80x128xi32, #tpu.memory_space<vmem>> -> memref<1x128xi32, #tpu.memory_space<vmem>>
    %dma_start3A_543 = tpu.memref_squeeze %dma_start3A_542 : memref<1x128xi32, #tpu.memory_space<vmem>> -> memref<128xi32, #tpu.memory_space<vmem>>
    %dma_start3A_544 = arith.constant 0 : i32
    %dma_start3A_545 = tpu.memref_slice %arg7[%dma_start3A_544] : memref<10240xf32, #tpu.memory_space<vmem_shared>> -> memref<10240xf32, #tpu.memory_space<vmem_shared>>
    tpu.enqueue_indirect_dma source(%arg5 : memref<128xf32, #tpu.memory_space<vmem>>) target(%dma_start3A_545 : memref<10240xf32, #tpu.memory_space<vmem_shared>>) offsets(%dma_start3A_543 : memref<128xi32, #tpu.memory_space<vmem>>) semaphore(%arg8 : memref<!tpu.dma_semaphore, #tpu.memory_space<semaphore_mem>>) {add = true}
    %dma_start3A_546 = arith.constant 73 : i32
    %dma_start3A_547 = arith.constant 0 : i32
    %dma_start3A_548 = tpu.memref_slice %arg4[%dma_start3A_546, %dma_start3A_547] : memref<80x128xi32, #tpu.memory_space<vmem>> -> memref<1x128xi32, #tpu.memory_space<vmem>>
    %dma_start3A_549 = tpu.memref_squeeze %dma_start3A_548 : memref<1x128xi32, #tpu.memory_space<vmem>> -> memref<128xi32, #tpu.memory_space<vmem>>
    %dma_start3A_550 = arith.constant 0 : i32
    %dma_start3A_551 = tpu.memref_slice %arg7[%dma_start3A_550] : memref<10240xf32, #tpu.memory_space<vmem_shared>> -> memref<10240xf32, #tpu.memory_space<vmem_shared>>
    tpu.enqueue_indirect_dma source(%arg5 : memref<128xf32, #tpu.memory_space<vmem>>) target(%dma_start3A_551 : memref<10240xf32, #tpu.memory_space<vmem_shared>>) offsets(%dma_start3A_549 : memref<128xi32, #tpu.memory_space<vmem>>) semaphore(%arg8 : memref<!tpu.dma_semaphore, #tpu.memory_space<semaphore_mem>>) {add = true}
    %dma_start3A_552 = arith.constant 74 : i32
    %dma_start3A_553 = arith.constant 0 : i32
    %dma_start3A_554 = tpu.memref_slice %arg4[%dma_start3A_552, %dma_start3A_553] : memref<80x128xi32, #tpu.memory_space<vmem>> -> memref<1x128xi32, #tpu.memory_space<vmem>>
    %dma_start3A_555 = tpu.memref_squeeze %dma_start3A_554 : memref<1x128xi32, #tpu.memory_space<vmem>> -> memref<128xi32, #tpu.memory_space<vmem>>
    %dma_start3A_556 = arith.constant 0 : i32
    %dma_start3A_557 = tpu.memref_slice %arg7[%dma_start3A_556] : memref<10240xf32, #tpu.memory_space<vmem_shared>> -> memref<10240xf32, #tpu.memory_space<vmem_shared>>
    tpu.enqueue_indirect_dma source(%arg5 : memref<128xf32, #tpu.memory_space<vmem>>) target(%dma_start3A_557 : memref<10240xf32, #tpu.memory_space<vmem_shared>>) offsets(%dma_start3A_555 : memref<128xi32, #tpu.memory_space<vmem>>) semaphore(%arg8 : memref<!tpu.dma_semaphore, #tpu.memory_space<semaphore_mem>>) {add = true}
    %dma_start3A_558 = arith.constant 75 : i32
    %dma_start3A_559 = arith.constant 0 : i32
    %dma_start3A_560 = tpu.memref_slice %arg4[%dma_start3A_558, %dma_start3A_559] : memref<80x128xi32, #tpu.memory_space<vmem>> -> memref<1x128xi32, #tpu.memory_space<vmem>>
    %dma_start3A_561 = tpu.memref_squeeze %dma_start3A_560 : memref<1x128xi32, #tpu.memory_space<vmem>> -> memref<128xi32, #tpu.memory_space<vmem>>
    %dma_start3A_562 = arith.constant 0 : i32
    %dma_start3A_563 = tpu.memref_slice %arg7[%dma_start3A_562] : memref<10240xf32, #tpu.memory_space<vmem_shared>> -> memref<10240xf32, #tpu.memory_space<vmem_shared>>
    tpu.enqueue_indirect_dma source(%arg5 : memref<128xf32, #tpu.memory_space<vmem>>) target(%dma_start3A_563 : memref<10240xf32, #tpu.memory_space<vmem_shared>>) offsets(%dma_start3A_561 : memref<128xi32, #tpu.memory_space<vmem>>) semaphore(%arg8 : memref<!tpu.dma_semaphore, #tpu.memory_space<semaphore_mem>>) {add = true}
    %dma_start3A_564 = arith.constant 76 : i32
    %dma_start3A_565 = arith.constant 0 : i32
    %dma_start3A_566 = tpu.memref_slice %arg4[%dma_start3A_564, %dma_start3A_565] : memref<80x128xi32, #tpu.memory_space<vmem>> -> memref<1x128xi32, #tpu.memory_space<vmem>>
    %dma_start3A_567 = tpu.memref_squeeze %dma_start3A_566 : memref<1x128xi32, #tpu.memory_space<vmem>> -> memref<128xi32, #tpu.memory_space<vmem>>
    %dma_start3A_568 = arith.constant 0 : i32
    %dma_start3A_569 = tpu.memref_slice %arg7[%dma_start3A_568] : memref<10240xf32, #tpu.memory_space<vmem_shared>> -> memref<10240xf32, #tpu.memory_space<vmem_shared>>
    tpu.enqueue_indirect_dma source(%arg5 : memref<128xf32, #tpu.memory_space<vmem>>) target(%dma_start3A_569 : memref<10240xf32, #tpu.memory_space<vmem_shared>>) offsets(%dma_start3A_567 : memref<128xi32, #tpu.memory_space<vmem>>) semaphore(%arg8 : memref<!tpu.dma_semaphore, #tpu.memory_space<semaphore_mem>>) {add = true}
    %dma_start3A_570 = arith.constant 77 : i32
    %dma_start3A_571 = arith.constant 0 : i32
    %dma_start3A_572 = tpu.memref_slice %arg4[%dma_start3A_570, %dma_start3A_571] : memref<80x128xi32, #tpu.memory_space<vmem>> -> memref<1x128xi32, #tpu.memory_space<vmem>>
    %dma_start3A_573 = tpu.memref_squeeze %dma_start3A_572 : memref<1x128xi32, #tpu.memory_space<vmem>> -> memref<128xi32, #tpu.memory_space<vmem>>
    %dma_start3A_574 = arith.constant 0 : i32
    %dma_start3A_575 = tpu.memref_slice %arg7[%dma_start3A_574] : memref<10240xf32, #tpu.memory_space<vmem_shared>> -> memref<10240xf32, #tpu.memory_space<vmem_shared>>
    tpu.enqueue_indirect_dma source(%arg5 : memref<128xf32, #tpu.memory_space<vmem>>) target(%dma_start3A_575 : memref<10240xf32, #tpu.memory_space<vmem_shared>>) offsets(%dma_start3A_573 : memref<128xi32, #tpu.memory_space<vmem>>) semaphore(%arg8 : memref<!tpu.dma_semaphore, #tpu.memory_space<semaphore_mem>>) {add = true}
    %dma_start3A_576 = arith.constant 78 : i32
    %dma_start3A_577 = arith.constant 0 : i32
    %dma_start3A_578 = tpu.memref_slice %arg4[%dma_start3A_576, %dma_start3A_577] : memref<80x128xi32, #tpu.memory_space<vmem>> -> memref<1x128xi32, #tpu.memory_space<vmem>>
    %dma_start3A_579 = tpu.memref_squeeze %dma_start3A_578 : memref<1x128xi32, #tpu.memory_space<vmem>> -> memref<128xi32, #tpu.memory_space<vmem>>
    %dma_start3A_580 = arith.constant 0 : i32
    %dma_start3A_581 = tpu.memref_slice %arg7[%dma_start3A_580] : memref<10240xf32, #tpu.memory_space<vmem_shared>> -> memref<10240xf32, #tpu.memory_space<vmem_shared>>
    tpu.enqueue_indirect_dma source(%arg5 : memref<128xf32, #tpu.memory_space<vmem>>) target(%dma_start3A_581 : memref<10240xf32, #tpu.memory_space<vmem_shared>>) offsets(%dma_start3A_579 : memref<128xi32, #tpu.memory_space<vmem>>) semaphore(%arg8 : memref<!tpu.dma_semaphore, #tpu.memory_space<semaphore_mem>>) {add = true}
    %dma_start3A_582 = arith.constant 79 : i32
    %dma_start3A_583 = arith.constant 0 : i32
    %dma_start3A_584 = tpu.memref_slice %arg4[%dma_start3A_582, %dma_start3A_583] : memref<80x128xi32, #tpu.memory_space<vmem>> -> memref<1x128xi32, #tpu.memory_space<vmem>>
    %dma_start3A_585 = tpu.memref_squeeze %dma_start3A_584 : memref<1x128xi32, #tpu.memory_space<vmem>> -> memref<128xi32, #tpu.memory_space<vmem>>
    %dma_start3A_586 = arith.constant 0 : i32
    %dma_start3A_587 = tpu.memref_slice %arg7[%dma_start3A_586] : memref<10240xf32, #tpu.memory_space<vmem_shared>> -> memref<10240xf32, #tpu.memory_space<vmem_shared>>
    tpu.enqueue_indirect_dma source(%arg5 : memref<128xf32, #tpu.memory_space<vmem>>) target(%dma_start3A_587 : memref<10240xf32, #tpu.memory_space<vmem_shared>>) offsets(%dma_start3A_585 : memref<128xi32, #tpu.memory_space<vmem>>) semaphore(%arg8 : memref<!tpu.dma_semaphore, #tpu.memory_space<semaphore_mem>>) {add = true}
    %dma_wait3A = arith.constant 0 : i32
    %dma_wait3A_588 = arith.constant 0 : i32
    %dma_wait3A_589 = tpu.memref_slice %arg4[%dma_wait3A, %dma_wait3A_588] : memref<80x128xi32, #tpu.memory_space<vmem>> -> memref<1x128xi32, #tpu.memory_space<vmem>>
    %dma_wait3A_590 = tpu.memref_squeeze %dma_wait3A_589 : memref<1x128xi32, #tpu.memory_space<vmem>> -> memref<128xi32, #tpu.memory_space<vmem>>
    %dma_wait3A_591 = arith.constant 0 : i32
    %dma_wait3A_592 = tpu.memref_slice %arg7[%dma_wait3A_591] : memref<10240xf32, #tpu.memory_space<vmem_shared>> -> memref<10240xf32, #tpu.memory_space<vmem_shared>>
    tpu.wait_indirect_dma semaphore(%arg8 : memref<!tpu.dma_semaphore, #tpu.memory_space<semaphore_mem>>) src(%arg5 : memref<128xf32, #tpu.memory_space<vmem>>) dst(%dma_wait3A_592 : memref<10240xf32, #tpu.memory_space<vmem_shared>>)
    %dma_wait3A_593 = arith.constant 1 : i32
    %dma_wait3A_594 = arith.constant 0 : i32
    %dma_wait3A_595 = tpu.memref_slice %arg4[%dma_wait3A_593, %dma_wait3A_594] : memref<80x128xi32, #tpu.memory_space<vmem>> -> memref<1x128xi32, #tpu.memory_space<vmem>>
    %dma_wait3A_596 = tpu.memref_squeeze %dma_wait3A_595 : memref<1x128xi32, #tpu.memory_space<vmem>> -> memref<128xi32, #tpu.memory_space<vmem>>
    %dma_wait3A_597 = arith.constant 0 : i32
    %dma_wait3A_598 = tpu.memref_slice %arg7[%dma_wait3A_597] : memref<10240xf32, #tpu.memory_space<vmem_shared>> -> memref<10240xf32, #tpu.memory_space<vmem_shared>>
    tpu.wait_indirect_dma semaphore(%arg8 : memref<!tpu.dma_semaphore, #tpu.memory_space<semaphore_mem>>) src(%arg5 : memref<128xf32, #tpu.memory_space<vmem>>) dst(%dma_wait3A_598 : memref<10240xf32, #tpu.memory_space<vmem_shared>>)
    %dma_wait3A_599 = arith.constant 2 : i32
    %dma_wait3A_600 = arith.constant 0 : i32
    %dma_wait3A_601 = tpu.memref_slice %arg4[%dma_wait3A_599, %dma_wait3A_600] : memref<80x128xi32, #tpu.memory_space<vmem>> -> memref<1x128xi32, #tpu.memory_space<vmem>>
    %dma_wait3A_602 = tpu.memref_squeeze %dma_wait3A_601 : memref<1x128xi32, #tpu.memory_space<vmem>> -> memref<128xi32, #tpu.memory_space<vmem>>
    %dma_wait3A_603 = arith.constant 0 : i32
    %dma_wait3A_604 = tpu.memref_slice %arg7[%dma_wait3A_603] : memref<10240xf32, #tpu.memory_space<vmem_shared>> -> memref<10240xf32, #tpu.memory_space<vmem_shared>>
    tpu.wait_indirect_dma semaphore(%arg8 : memref<!tpu.dma_semaphore, #tpu.memory_space<semaphore_mem>>) src(%arg5 : memref<128xf32, #tpu.memory_space<vmem>>) dst(%dma_wait3A_604 : memref<10240xf32, #tpu.memory_space<vmem_shared>>)
    %dma_wait3A_605 = arith.constant 3 : i32
    %dma_wait3A_606 = arith.constant 0 : i32
    %dma_wait3A_607 = tpu.memref_slice %arg4[%dma_wait3A_605, %dma_wait3A_606] : memref<80x128xi32, #tpu.memory_space<vmem>> -> memref<1x128xi32, #tpu.memory_space<vmem>>
    %dma_wait3A_608 = tpu.memref_squeeze %dma_wait3A_607 : memref<1x128xi32, #tpu.memory_space<vmem>> -> memref<128xi32, #tpu.memory_space<vmem>>
    %dma_wait3A_609 = arith.constant 0 : i32
    %dma_wait3A_610 = tpu.memref_slice %arg7[%dma_wait3A_609] : memref<10240xf32, #tpu.memory_space<vmem_shared>> -> memref<10240xf32, #tpu.memory_space<vmem_shared>>
    tpu.wait_indirect_dma semaphore(%arg8 : memref<!tpu.dma_semaphore, #tpu.memory_space<semaphore_mem>>) src(%arg5 : memref<128xf32, #tpu.memory_space<vmem>>) dst(%dma_wait3A_610 : memref<10240xf32, #tpu.memory_space<vmem_shared>>)
    %dma_wait3A_611 = arith.constant 4 : i32
    %dma_wait3A_612 = arith.constant 0 : i32
    %dma_wait3A_613 = tpu.memref_slice %arg4[%dma_wait3A_611, %dma_wait3A_612] : memref<80x128xi32, #tpu.memory_space<vmem>> -> memref<1x128xi32, #tpu.memory_space<vmem>>
    %dma_wait3A_614 = tpu.memref_squeeze %dma_wait3A_613 : memref<1x128xi32, #tpu.memory_space<vmem>> -> memref<128xi32, #tpu.memory_space<vmem>>
    %dma_wait3A_615 = arith.constant 0 : i32
    %dma_wait3A_616 = tpu.memref_slice %arg7[%dma_wait3A_615] : memref<10240xf32, #tpu.memory_space<vmem_shared>> -> memref<10240xf32, #tpu.memory_space<vmem_shared>>
    tpu.wait_indirect_dma semaphore(%arg8 : memref<!tpu.dma_semaphore, #tpu.memory_space<semaphore_mem>>) src(%arg5 : memref<128xf32, #tpu.memory_space<vmem>>) dst(%dma_wait3A_616 : memref<10240xf32, #tpu.memory_space<vmem_shared>>)
    %dma_wait3A_617 = arith.constant 5 : i32
    %dma_wait3A_618 = arith.constant 0 : i32
    %dma_wait3A_619 = tpu.memref_slice %arg4[%dma_wait3A_617, %dma_wait3A_618] : memref<80x128xi32, #tpu.memory_space<vmem>> -> memref<1x128xi32, #tpu.memory_space<vmem>>
    %dma_wait3A_620 = tpu.memref_squeeze %dma_wait3A_619 : memref<1x128xi32, #tpu.memory_space<vmem>> -> memref<128xi32, #tpu.memory_space<vmem>>
    %dma_wait3A_621 = arith.constant 0 : i32
    %dma_wait3A_622 = tpu.memref_slice %arg7[%dma_wait3A_621] : memref<10240xf32, #tpu.memory_space<vmem_shared>> -> memref<10240xf32, #tpu.memory_space<vmem_shared>>
    tpu.wait_indirect_dma semaphore(%arg8 : memref<!tpu.dma_semaphore, #tpu.memory_space<semaphore_mem>>) src(%arg5 : memref<128xf32, #tpu.memory_space<vmem>>) dst(%dma_wait3A_622 : memref<10240xf32, #tpu.memory_space<vmem_shared>>)
    %dma_wait3A_623 = arith.constant 6 : i32
    %dma_wait3A_624 = arith.constant 0 : i32
    %dma_wait3A_625 = tpu.memref_slice %arg4[%dma_wait3A_623, %dma_wait3A_624] : memref<80x128xi32, #tpu.memory_space<vmem>> -> memref<1x128xi32, #tpu.memory_space<vmem>>
    %dma_wait3A_626 = tpu.memref_squeeze %dma_wait3A_625 : memref<1x128xi32, #tpu.memory_space<vmem>> -> memref<128xi32, #tpu.memory_space<vmem>>
    %dma_wait3A_627 = arith.constant 0 : i32
    %dma_wait3A_628 = tpu.memref_slice %arg7[%dma_wait3A_627] : memref<10240xf32, #tpu.memory_space<vmem_shared>> -> memref<10240xf32, #tpu.memory_space<vmem_shared>>
    tpu.wait_indirect_dma semaphore(%arg8 : memref<!tpu.dma_semaphore, #tpu.memory_space<semaphore_mem>>) src(%arg5 : memref<128xf32, #tpu.memory_space<vmem>>) dst(%dma_wait3A_628 : memref<10240xf32, #tpu.memory_space<vmem_shared>>)
    %dma_wait3A_629 = arith.constant 7 : i32
    %dma_wait3A_630 = arith.constant 0 : i32
    %dma_wait3A_631 = tpu.memref_slice %arg4[%dma_wait3A_629, %dma_wait3A_630] : memref<80x128xi32, #tpu.memory_space<vmem>> -> memref<1x128xi32, #tpu.memory_space<vmem>>
    %dma_wait3A_632 = tpu.memref_squeeze %dma_wait3A_631 : memref<1x128xi32, #tpu.memory_space<vmem>> -> memref<128xi32, #tpu.memory_space<vmem>>
    %dma_wait3A_633 = arith.constant 0 : i32
    %dma_wait3A_634 = tpu.memref_slice %arg7[%dma_wait3A_633] : memref<10240xf32, #tpu.memory_space<vmem_shared>> -> memref<10240xf32, #tpu.memory_space<vmem_shared>>
    tpu.wait_indirect_dma semaphore(%arg8 : memref<!tpu.dma_semaphore, #tpu.memory_space<semaphore_mem>>) src(%arg5 : memref<128xf32, #tpu.memory_space<vmem>>) dst(%dma_wait3A_634 : memref<10240xf32, #tpu.memory_space<vmem_shared>>)
    %dma_wait3A_635 = arith.constant 8 : i32
    %dma_wait3A_636 = arith.constant 0 : i32
    %dma_wait3A_637 = tpu.memref_slice %arg4[%dma_wait3A_635, %dma_wait3A_636] : memref<80x128xi32, #tpu.memory_space<vmem>> -> memref<1x128xi32, #tpu.memory_space<vmem>>
    %dma_wait3A_638 = tpu.memref_squeeze %dma_wait3A_637 : memref<1x128xi32, #tpu.memory_space<vmem>> -> memref<128xi32, #tpu.memory_space<vmem>>
    %dma_wait3A_639 = arith.constant 0 : i32
    %dma_wait3A_640 = tpu.memref_slice %arg7[%dma_wait3A_639] : memref<10240xf32, #tpu.memory_space<vmem_shared>> -> memref<10240xf32, #tpu.memory_space<vmem_shared>>
    tpu.wait_indirect_dma semaphore(%arg8 : memref<!tpu.dma_semaphore, #tpu.memory_space<semaphore_mem>>) src(%arg5 : memref<128xf32, #tpu.memory_space<vmem>>) dst(%dma_wait3A_640 : memref<10240xf32, #tpu.memory_space<vmem_shared>>)
    %dma_wait3A_641 = arith.constant 9 : i32
    %dma_wait3A_642 = arith.constant 0 : i32
    %dma_wait3A_643 = tpu.memref_slice %arg4[%dma_wait3A_641, %dma_wait3A_642] : memref<80x128xi32, #tpu.memory_space<vmem>> -> memref<1x128xi32, #tpu.memory_space<vmem>>
    %dma_wait3A_644 = tpu.memref_squeeze %dma_wait3A_643 : memref<1x128xi32, #tpu.memory_space<vmem>> -> memref<128xi32, #tpu.memory_space<vmem>>
    %dma_wait3A_645 = arith.constant 0 : i32
    %dma_wait3A_646 = tpu.memref_slice %arg7[%dma_wait3A_645] : memref<10240xf32, #tpu.memory_space<vmem_shared>> -> memref<10240xf32, #tpu.memory_space<vmem_shared>>
    tpu.wait_indirect_dma semaphore(%arg8 : memref<!tpu.dma_semaphore, #tpu.memory_space<semaphore_mem>>) src(%arg5 : memref<128xf32, #tpu.memory_space<vmem>>) dst(%dma_wait3A_646 : memref<10240xf32, #tpu.memory_space<vmem_shared>>)
    %dma_wait3A_647 = arith.constant 10 : i32
    %dma_wait3A_648 = arith.constant 0 : i32
    %dma_wait3A_649 = tpu.memref_slice %arg4[%dma_wait3A_647, %dma_wait3A_648] : memref<80x128xi32, #tpu.memory_space<vmem>> -> memref<1x128xi32, #tpu.memory_space<vmem>>
    %dma_wait3A_650 = tpu.memref_squeeze %dma_wait3A_649 : memref<1x128xi32, #tpu.memory_space<vmem>> -> memref<128xi32, #tpu.memory_space<vmem>>
    %dma_wait3A_651 = arith.constant 0 : i32
    %dma_wait3A_652 = tpu.memref_slice %arg7[%dma_wait3A_651] : memref<10240xf32, #tpu.memory_space<vmem_shared>> -> memref<10240xf32, #tpu.memory_space<vmem_shared>>
    tpu.wait_indirect_dma semaphore(%arg8 : memref<!tpu.dma_semaphore, #tpu.memory_space<semaphore_mem>>) src(%arg5 : memref<128xf32, #tpu.memory_space<vmem>>) dst(%dma_wait3A_652 : memref<10240xf32, #tpu.memory_space<vmem_shared>>)
    %dma_wait3A_653 = arith.constant 11 : i32
    %dma_wait3A_654 = arith.constant 0 : i32
    %dma_wait3A_655 = tpu.memref_slice %arg4[%dma_wait3A_653, %dma_wait3A_654] : memref<80x128xi32, #tpu.memory_space<vmem>> -> memref<1x128xi32, #tpu.memory_space<vmem>>
    %dma_wait3A_656 = tpu.memref_squeeze %dma_wait3A_655 : memref<1x128xi32, #tpu.memory_space<vmem>> -> memref<128xi32, #tpu.memory_space<vmem>>
    %dma_wait3A_657 = arith.constant 0 : i32
    %dma_wait3A_658 = tpu.memref_slice %arg7[%dma_wait3A_657] : memref<10240xf32, #tpu.memory_space<vmem_shared>> -> memref<10240xf32, #tpu.memory_space<vmem_shared>>
    tpu.wait_indirect_dma semaphore(%arg8 : memref<!tpu.dma_semaphore, #tpu.memory_space<semaphore_mem>>) src(%arg5 : memref<128xf32, #tpu.memory_space<vmem>>) dst(%dma_wait3A_658 : memref<10240xf32, #tpu.memory_space<vmem_shared>>)
    %dma_wait3A_659 = arith.constant 12 : i32
    %dma_wait3A_660 = arith.constant 0 : i32
    %dma_wait3A_661 = tpu.memref_slice %arg4[%dma_wait3A_659, %dma_wait3A_660] : memref<80x128xi32, #tpu.memory_space<vmem>> -> memref<1x128xi32, #tpu.memory_space<vmem>>
    %dma_wait3A_662 = tpu.memref_squeeze %dma_wait3A_661 : memref<1x128xi32, #tpu.memory_space<vmem>> -> memref<128xi32, #tpu.memory_space<vmem>>
    %dma_wait3A_663 = arith.constant 0 : i32
    %dma_wait3A_664 = tpu.memref_slice %arg7[%dma_wait3A_663] : memref<10240xf32, #tpu.memory_space<vmem_shared>> -> memref<10240xf32, #tpu.memory_space<vmem_shared>>
    tpu.wait_indirect_dma semaphore(%arg8 : memref<!tpu.dma_semaphore, #tpu.memory_space<semaphore_mem>>) src(%arg5 : memref<128xf32, #tpu.memory_space<vmem>>) dst(%dma_wait3A_664 : memref<10240xf32, #tpu.memory_space<vmem_shared>>)
    %dma_wait3A_665 = arith.constant 13 : i32
    %dma_wait3A_666 = arith.constant 0 : i32
    %dma_wait3A_667 = tpu.memref_slice %arg4[%dma_wait3A_665, %dma_wait3A_666] : memref<80x128xi32, #tpu.memory_space<vmem>> -> memref<1x128xi32, #tpu.memory_space<vmem>>
    %dma_wait3A_668 = tpu.memref_squeeze %dma_wait3A_667 : memref<1x128xi32, #tpu.memory_space<vmem>> -> memref<128xi32, #tpu.memory_space<vmem>>
    %dma_wait3A_669 = arith.constant 0 : i32
    %dma_wait3A_670 = tpu.memref_slice %arg7[%dma_wait3A_669] : memref<10240xf32, #tpu.memory_space<vmem_shared>> -> memref<10240xf32, #tpu.memory_space<vmem_shared>>
    tpu.wait_indirect_dma semaphore(%arg8 : memref<!tpu.dma_semaphore, #tpu.memory_space<semaphore_mem>>) src(%arg5 : memref<128xf32, #tpu.memory_space<vmem>>) dst(%dma_wait3A_670 : memref<10240xf32, #tpu.memory_space<vmem_shared>>)
    %dma_wait3A_671 = arith.constant 14 : i32
    %dma_wait3A_672 = arith.constant 0 : i32
    %dma_wait3A_673 = tpu.memref_slice %arg4[%dma_wait3A_671, %dma_wait3A_672] : memref<80x128xi32, #tpu.memory_space<vmem>> -> memref<1x128xi32, #tpu.memory_space<vmem>>
    %dma_wait3A_674 = tpu.memref_squeeze %dma_wait3A_673 : memref<1x128xi32, #tpu.memory_space<vmem>> -> memref<128xi32, #tpu.memory_space<vmem>>
    %dma_wait3A_675 = arith.constant 0 : i32
    %dma_wait3A_676 = tpu.memref_slice %arg7[%dma_wait3A_675] : memref<10240xf32, #tpu.memory_space<vmem_shared>> -> memref<10240xf32, #tpu.memory_space<vmem_shared>>
    tpu.wait_indirect_dma semaphore(%arg8 : memref<!tpu.dma_semaphore, #tpu.memory_space<semaphore_mem>>) src(%arg5 : memref<128xf32, #tpu.memory_space<vmem>>) dst(%dma_wait3A_676 : memref<10240xf32, #tpu.memory_space<vmem_shared>>)
    %dma_wait3A_677 = arith.constant 15 : i32
    %dma_wait3A_678 = arith.constant 0 : i32
    %dma_wait3A_679 = tpu.memref_slice %arg4[%dma_wait3A_677, %dma_wait3A_678] : memref<80x128xi32, #tpu.memory_space<vmem>> -> memref<1x128xi32, #tpu.memory_space<vmem>>
    %dma_wait3A_680 = tpu.memref_squeeze %dma_wait3A_679 : memref<1x128xi32, #tpu.memory_space<vmem>> -> memref<128xi32, #tpu.memory_space<vmem>>
    %dma_wait3A_681 = arith.constant 0 : i32
    %dma_wait3A_682 = tpu.memref_slice %arg7[%dma_wait3A_681] : memref<10240xf32, #tpu.memory_space<vmem_shared>> -> memref<10240xf32, #tpu.memory_space<vmem_shared>>
    tpu.wait_indirect_dma semaphore(%arg8 : memref<!tpu.dma_semaphore, #tpu.memory_space<semaphore_mem>>) src(%arg5 : memref<128xf32, #tpu.memory_space<vmem>>) dst(%dma_wait3A_682 : memref<10240xf32, #tpu.memory_space<vmem_shared>>)
    %dma_wait3A_683 = arith.constant 16 : i32
    %dma_wait3A_684 = arith.constant 0 : i32
    %dma_wait3A_685 = tpu.memref_slice %arg4[%dma_wait3A_683, %dma_wait3A_684] : memref<80x128xi32, #tpu.memory_space<vmem>> -> memref<1x128xi32, #tpu.memory_space<vmem>>
    %dma_wait3A_686 = tpu.memref_squeeze %dma_wait3A_685 : memref<1x128xi32, #tpu.memory_space<vmem>> -> memref<128xi32, #tpu.memory_space<vmem>>
    %dma_wait3A_687 = arith.constant 0 : i32
    %dma_wait3A_688 = tpu.memref_slice %arg7[%dma_wait3A_687] : memref<10240xf32, #tpu.memory_space<vmem_shared>> -> memref<10240xf32, #tpu.memory_space<vmem_shared>>
    tpu.wait_indirect_dma semaphore(%arg8 : memref<!tpu.dma_semaphore, #tpu.memory_space<semaphore_mem>>) src(%arg5 : memref<128xf32, #tpu.memory_space<vmem>>) dst(%dma_wait3A_688 : memref<10240xf32, #tpu.memory_space<vmem_shared>>)
    %dma_wait3A_689 = arith.constant 17 : i32
    %dma_wait3A_690 = arith.constant 0 : i32
    %dma_wait3A_691 = tpu.memref_slice %arg4[%dma_wait3A_689, %dma_wait3A_690] : memref<80x128xi32, #tpu.memory_space<vmem>> -> memref<1x128xi32, #tpu.memory_space<vmem>>
    %dma_wait3A_692 = tpu.memref_squeeze %dma_wait3A_691 : memref<1x128xi32, #tpu.memory_space<vmem>> -> memref<128xi32, #tpu.memory_space<vmem>>
    %dma_wait3A_693 = arith.constant 0 : i32
    %dma_wait3A_694 = tpu.memref_slice %arg7[%dma_wait3A_693] : memref<10240xf32, #tpu.memory_space<vmem_shared>> -> memref<10240xf32, #tpu.memory_space<vmem_shared>>
    tpu.wait_indirect_dma semaphore(%arg8 : memref<!tpu.dma_semaphore, #tpu.memory_space<semaphore_mem>>) src(%arg5 : memref<128xf32, #tpu.memory_space<vmem>>) dst(%dma_wait3A_694 : memref<10240xf32, #tpu.memory_space<vmem_shared>>)
    %dma_wait3A_695 = arith.constant 18 : i32
    %dma_wait3A_696 = arith.constant 0 : i32
    %dma_wait3A_697 = tpu.memref_slice %arg4[%dma_wait3A_695, %dma_wait3A_696] : memref<80x128xi32, #tpu.memory_space<vmem>> -> memref<1x128xi32, #tpu.memory_space<vmem>>
    %dma_wait3A_698 = tpu.memref_squeeze %dma_wait3A_697 : memref<1x128xi32, #tpu.memory_space<vmem>> -> memref<128xi32, #tpu.memory_space<vmem>>
    %dma_wait3A_699 = arith.constant 0 : i32
    %dma_wait3A_700 = tpu.memref_slice %arg7[%dma_wait3A_699] : memref<10240xf32, #tpu.memory_space<vmem_shared>> -> memref<10240xf32, #tpu.memory_space<vmem_shared>>
    tpu.wait_indirect_dma semaphore(%arg8 : memref<!tpu.dma_semaphore, #tpu.memory_space<semaphore_mem>>) src(%arg5 : memref<128xf32, #tpu.memory_space<vmem>>) dst(%dma_wait3A_700 : memref<10240xf32, #tpu.memory_space<vmem_shared>>)
    %dma_wait3A_701 = arith.constant 19 : i32
    %dma_wait3A_702 = arith.constant 0 : i32
    %dma_wait3A_703 = tpu.memref_slice %arg4[%dma_wait3A_701, %dma_wait3A_702] : memref<80x128xi32, #tpu.memory_space<vmem>> -> memref<1x128xi32, #tpu.memory_space<vmem>>
    %dma_wait3A_704 = tpu.memref_squeeze %dma_wait3A_703 : memref<1x128xi32, #tpu.memory_space<vmem>> -> memref<128xi32, #tpu.memory_space<vmem>>
    %dma_wait3A_705 = arith.constant 0 : i32
    %dma_wait3A_706 = tpu.memref_slice %arg7[%dma_wait3A_705] : memref<10240xf32, #tpu.memory_space<vmem_shared>> -> memref<10240xf32, #tpu.memory_space<vmem_shared>>
    tpu.wait_indirect_dma semaphore(%arg8 : memref<!tpu.dma_semaphore, #tpu.memory_space<semaphore_mem>>) src(%arg5 : memref<128xf32, #tpu.memory_space<vmem>>) dst(%dma_wait3A_706 : memref<10240xf32, #tpu.memory_space<vmem_shared>>)
    %dma_wait3A_707 = arith.constant 20 : i32
    %dma_wait3A_708 = arith.constant 0 : i32
    %dma_wait3A_709 = tpu.memref_slice %arg4[%dma_wait3A_707, %dma_wait3A_708] : memref<80x128xi32, #tpu.memory_space<vmem>> -> memref<1x128xi32, #tpu.memory_space<vmem>>
    %dma_wait3A_710 = tpu.memref_squeeze %dma_wait3A_709 : memref<1x128xi32, #tpu.memory_space<vmem>> -> memref<128xi32, #tpu.memory_space<vmem>>
    %dma_wait3A_711 = arith.constant 0 : i32
    %dma_wait3A_712 = tpu.memref_slice %arg7[%dma_wait3A_711] : memref<10240xf32, #tpu.memory_space<vmem_shared>> -> memref<10240xf32, #tpu.memory_space<vmem_shared>>
    tpu.wait_indirect_dma semaphore(%arg8 : memref<!tpu.dma_semaphore, #tpu.memory_space<semaphore_mem>>) src(%arg5 : memref<128xf32, #tpu.memory_space<vmem>>) dst(%dma_wait3A_712 : memref<10240xf32, #tpu.memory_space<vmem_shared>>)
    %dma_wait3A_713 = arith.constant 21 : i32
    %dma_wait3A_714 = arith.constant 0 : i32
    %dma_wait3A_715 = tpu.memref_slice %arg4[%dma_wait3A_713, %dma_wait3A_714] : memref<80x128xi32, #tpu.memory_space<vmem>> -> memref<1x128xi32, #tpu.memory_space<vmem>>
    %dma_wait3A_716 = tpu.memref_squeeze %dma_wait3A_715 : memref<1x128xi32, #tpu.memory_space<vmem>> -> memref<128xi32, #tpu.memory_space<vmem>>
    %dma_wait3A_717 = arith.constant 0 : i32
    %dma_wait3A_718 = tpu.memref_slice %arg7[%dma_wait3A_717] : memref<10240xf32, #tpu.memory_space<vmem_shared>> -> memref<10240xf32, #tpu.memory_space<vmem_shared>>
    tpu.wait_indirect_dma semaphore(%arg8 : memref<!tpu.dma_semaphore, #tpu.memory_space<semaphore_mem>>) src(%arg5 : memref<128xf32, #tpu.memory_space<vmem>>) dst(%dma_wait3A_718 : memref<10240xf32, #tpu.memory_space<vmem_shared>>)
    %dma_wait3A_719 = arith.constant 22 : i32
    %dma_wait3A_720 = arith.constant 0 : i32
    %dma_wait3A_721 = tpu.memref_slice %arg4[%dma_wait3A_719, %dma_wait3A_720] : memref<80x128xi32, #tpu.memory_space<vmem>> -> memref<1x128xi32, #tpu.memory_space<vmem>>
    %dma_wait3A_722 = tpu.memref_squeeze %dma_wait3A_721 : memref<1x128xi32, #tpu.memory_space<vmem>> -> memref<128xi32, #tpu.memory_space<vmem>>
    %dma_wait3A_723 = arith.constant 0 : i32
    %dma_wait3A_724 = tpu.memref_slice %arg7[%dma_wait3A_723] : memref<10240xf32, #tpu.memory_space<vmem_shared>> -> memref<10240xf32, #tpu.memory_space<vmem_shared>>
    tpu.wait_indirect_dma semaphore(%arg8 : memref<!tpu.dma_semaphore, #tpu.memory_space<semaphore_mem>>) src(%arg5 : memref<128xf32, #tpu.memory_space<vmem>>) dst(%dma_wait3A_724 : memref<10240xf32, #tpu.memory_space<vmem_shared>>)
    %dma_wait3A_725 = arith.constant 23 : i32
    %dma_wait3A_726 = arith.constant 0 : i32
    %dma_wait3A_727 = tpu.memref_slice %arg4[%dma_wait3A_725, %dma_wait3A_726] : memref<80x128xi32, #tpu.memory_space<vmem>> -> memref<1x128xi32, #tpu.memory_space<vmem>>
    %dma_wait3A_728 = tpu.memref_squeeze %dma_wait3A_727 : memref<1x128xi32, #tpu.memory_space<vmem>> -> memref<128xi32, #tpu.memory_space<vmem>>
    %dma_wait3A_729 = arith.constant 0 : i32
    %dma_wait3A_730 = tpu.memref_slice %arg7[%dma_wait3A_729] : memref<10240xf32, #tpu.memory_space<vmem_shared>> -> memref<10240xf32, #tpu.memory_space<vmem_shared>>
    tpu.wait_indirect_dma semaphore(%arg8 : memref<!tpu.dma_semaphore, #tpu.memory_space<semaphore_mem>>) src(%arg5 : memref<128xf32, #tpu.memory_space<vmem>>) dst(%dma_wait3A_730 : memref<10240xf32, #tpu.memory_space<vmem_shared>>)
    %dma_wait3A_731 = arith.constant 24 : i32
    %dma_wait3A_732 = arith.constant 0 : i32
    %dma_wait3A_733 = tpu.memref_slice %arg4[%dma_wait3A_731, %dma_wait3A_732] : memref<80x128xi32, #tpu.memory_space<vmem>> -> memref<1x128xi32, #tpu.memory_space<vmem>>
    %dma_wait3A_734 = tpu.memref_squeeze %dma_wait3A_733 : memref<1x128xi32, #tpu.memory_space<vmem>> -> memref<128xi32, #tpu.memory_space<vmem>>
    %dma_wait3A_735 = arith.constant 0 : i32
    %dma_wait3A_736 = tpu.memref_slice %arg7[%dma_wait3A_735] : memref<10240xf32, #tpu.memory_space<vmem_shared>> -> memref<10240xf32, #tpu.memory_space<vmem_shared>>
    tpu.wait_indirect_dma semaphore(%arg8 : memref<!tpu.dma_semaphore, #tpu.memory_space<semaphore_mem>>) src(%arg5 : memref<128xf32, #tpu.memory_space<vmem>>) dst(%dma_wait3A_736 : memref<10240xf32, #tpu.memory_space<vmem_shared>>)
    %dma_wait3A_737 = arith.constant 25 : i32
    %dma_wait3A_738 = arith.constant 0 : i32
    %dma_wait3A_739 = tpu.memref_slice %arg4[%dma_wait3A_737, %dma_wait3A_738] : memref<80x128xi32, #tpu.memory_space<vmem>> -> memref<1x128xi32, #tpu.memory_space<vmem>>
    %dma_wait3A_740 = tpu.memref_squeeze %dma_wait3A_739 : memref<1x128xi32, #tpu.memory_space<vmem>> -> memref<128xi32, #tpu.memory_space<vmem>>
    %dma_wait3A_741 = arith.constant 0 : i32
    %dma_wait3A_742 = tpu.memref_slice %arg7[%dma_wait3A_741] : memref<10240xf32, #tpu.memory_space<vmem_shared>> -> memref<10240xf32, #tpu.memory_space<vmem_shared>>
    tpu.wait_indirect_dma semaphore(%arg8 : memref<!tpu.dma_semaphore, #tpu.memory_space<semaphore_mem>>) src(%arg5 : memref<128xf32, #tpu.memory_space<vmem>>) dst(%dma_wait3A_742 : memref<10240xf32, #tpu.memory_space<vmem_shared>>)
    %dma_wait3A_743 = arith.constant 26 : i32
    %dma_wait3A_744 = arith.constant 0 : i32
    %dma_wait3A_745 = tpu.memref_slice %arg4[%dma_wait3A_743, %dma_wait3A_744] : memref<80x128xi32, #tpu.memory_space<vmem>> -> memref<1x128xi32, #tpu.memory_space<vmem>>
    %dma_wait3A_746 = tpu.memref_squeeze %dma_wait3A_745 : memref<1x128xi32, #tpu.memory_space<vmem>> -> memref<128xi32, #tpu.memory_space<vmem>>
    %dma_wait3A_747 = arith.constant 0 : i32
    %dma_wait3A_748 = tpu.memref_slice %arg7[%dma_wait3A_747] : memref<10240xf32, #tpu.memory_space<vmem_shared>> -> memref<10240xf32, #tpu.memory_space<vmem_shared>>
    tpu.wait_indirect_dma semaphore(%arg8 : memref<!tpu.dma_semaphore, #tpu.memory_space<semaphore_mem>>) src(%arg5 : memref<128xf32, #tpu.memory_space<vmem>>) dst(%dma_wait3A_748 : memref<10240xf32, #tpu.memory_space<vmem_shared>>)
    %dma_wait3A_749 = arith.constant 27 : i32
    %dma_wait3A_750 = arith.constant 0 : i32
    %dma_wait3A_751 = tpu.memref_slice %arg4[%dma_wait3A_749, %dma_wait3A_750] : memref<80x128xi32, #tpu.memory_space<vmem>> -> memref<1x128xi32, #tpu.memory_space<vmem>>
    %dma_wait3A_752 = tpu.memref_squeeze %dma_wait3A_751 : memref<1x128xi32, #tpu.memory_space<vmem>> -> memref<128xi32, #tpu.memory_space<vmem>>
    %dma_wait3A_753 = arith.constant 0 : i32
    %dma_wait3A_754 = tpu.memref_slice %arg7[%dma_wait3A_753] : memref<10240xf32, #tpu.memory_space<vmem_shared>> -> memref<10240xf32, #tpu.memory_space<vmem_shared>>
    tpu.wait_indirect_dma semaphore(%arg8 : memref<!tpu.dma_semaphore, #tpu.memory_space<semaphore_mem>>) src(%arg5 : memref<128xf32, #tpu.memory_space<vmem>>) dst(%dma_wait3A_754 : memref<10240xf32, #tpu.memory_space<vmem_shared>>)
    %dma_wait3A_755 = arith.constant 28 : i32
    %dma_wait3A_756 = arith.constant 0 : i32
    %dma_wait3A_757 = tpu.memref_slice %arg4[%dma_wait3A_755, %dma_wait3A_756] : memref<80x128xi32, #tpu.memory_space<vmem>> -> memref<1x128xi32, #tpu.memory_space<vmem>>
    %dma_wait3A_758 = tpu.memref_squeeze %dma_wait3A_757 : memref<1x128xi32, #tpu.memory_space<vmem>> -> memref<128xi32, #tpu.memory_space<vmem>>
    %dma_wait3A_759 = arith.constant 0 : i32
    %dma_wait3A_760 = tpu.memref_slice %arg7[%dma_wait3A_759] : memref<10240xf32, #tpu.memory_space<vmem_shared>> -> memref<10240xf32, #tpu.memory_space<vmem_shared>>
    tpu.wait_indirect_dma semaphore(%arg8 : memref<!tpu.dma_semaphore, #tpu.memory_space<semaphore_mem>>) src(%arg5 : memref<128xf32, #tpu.memory_space<vmem>>) dst(%dma_wait3A_760 : memref<10240xf32, #tpu.memory_space<vmem_shared>>)
    %dma_wait3A_761 = arith.constant 29 : i32
    %dma_wait3A_762 = arith.constant 0 : i32
    %dma_wait3A_763 = tpu.memref_slice %arg4[%dma_wait3A_761, %dma_wait3A_762] : memref<80x128xi32, #tpu.memory_space<vmem>> -> memref<1x128xi32, #tpu.memory_space<vmem>>
    %dma_wait3A_764 = tpu.memref_squeeze %dma_wait3A_763 : memref<1x128xi32, #tpu.memory_space<vmem>> -> memref<128xi32, #tpu.memory_space<vmem>>
    %dma_wait3A_765 = arith.constant 0 : i32
    %dma_wait3A_766 = tpu.memref_slice %arg7[%dma_wait3A_765] : memref<10240xf32, #tpu.memory_space<vmem_shared>> -> memref<10240xf32, #tpu.memory_space<vmem_shared>>
    tpu.wait_indirect_dma semaphore(%arg8 : memref<!tpu.dma_semaphore, #tpu.memory_space<semaphore_mem>>) src(%arg5 : memref<128xf32, #tpu.memory_space<vmem>>) dst(%dma_wait3A_766 : memref<10240xf32, #tpu.memory_space<vmem_shared>>)
    %dma_wait3A_767 = arith.constant 30 : i32
    %dma_wait3A_768 = arith.constant 0 : i32
    %dma_wait3A_769 = tpu.memref_slice %arg4[%dma_wait3A_767, %dma_wait3A_768] : memref<80x128xi32, #tpu.memory_space<vmem>> -> memref<1x128xi32, #tpu.memory_space<vmem>>
    %dma_wait3A_770 = tpu.memref_squeeze %dma_wait3A_769 : memref<1x128xi32, #tpu.memory_space<vmem>> -> memref<128xi32, #tpu.memory_space<vmem>>
    %dma_wait3A_771 = arith.constant 0 : i32
    %dma_wait3A_772 = tpu.memref_slice %arg7[%dma_wait3A_771] : memref<10240xf32, #tpu.memory_space<vmem_shared>> -> memref<10240xf32, #tpu.memory_space<vmem_shared>>
    tpu.wait_indirect_dma semaphore(%arg8 : memref<!tpu.dma_semaphore, #tpu.memory_space<semaphore_mem>>) src(%arg5 : memref<128xf32, #tpu.memory_space<vmem>>) dst(%dma_wait3A_772 : memref<10240xf32, #tpu.memory_space<vmem_shared>>)
    %dma_wait3A_773 = arith.constant 31 : i32
    %dma_wait3A_774 = arith.constant 0 : i32
    %dma_wait3A_775 = tpu.memref_slice %arg4[%dma_wait3A_773, %dma_wait3A_774] : memref<80x128xi32, #tpu.memory_space<vmem>> -> memref<1x128xi32, #tpu.memory_space<vmem>>
    %dma_wait3A_776 = tpu.memref_squeeze %dma_wait3A_775 : memref<1x128xi32, #tpu.memory_space<vmem>> -> memref<128xi32, #tpu.memory_space<vmem>>
    %dma_wait3A_777 = arith.constant 0 : i32
    %dma_wait3A_778 = tpu.memref_slice %arg7[%dma_wait3A_777] : memref<10240xf32, #tpu.memory_space<vmem_shared>> -> memref<10240xf32, #tpu.memory_space<vmem_shared>>
    tpu.wait_indirect_dma semaphore(%arg8 : memref<!tpu.dma_semaphore, #tpu.memory_space<semaphore_mem>>) src(%arg5 : memref<128xf32, #tpu.memory_space<vmem>>) dst(%dma_wait3A_778 : memref<10240xf32, #tpu.memory_space<vmem_shared>>)
    %dma_wait3A_779 = arith.constant 32 : i32
    %dma_wait3A_780 = arith.constant 0 : i32
    %dma_wait3A_781 = tpu.memref_slice %arg4[%dma_wait3A_779, %dma_wait3A_780] : memref<80x128xi32, #tpu.memory_space<vmem>> -> memref<1x128xi32, #tpu.memory_space<vmem>>
    %dma_wait3A_782 = tpu.memref_squeeze %dma_wait3A_781 : memref<1x128xi32, #tpu.memory_space<vmem>> -> memref<128xi32, #tpu.memory_space<vmem>>
    %dma_wait3A_783 = arith.constant 0 : i32
    %dma_wait3A_784 = tpu.memref_slice %arg7[%dma_wait3A_783] : memref<10240xf32, #tpu.memory_space<vmem_shared>> -> memref<10240xf32, #tpu.memory_space<vmem_shared>>
    tpu.wait_indirect_dma semaphore(%arg8 : memref<!tpu.dma_semaphore, #tpu.memory_space<semaphore_mem>>) src(%arg5 : memref<128xf32, #tpu.memory_space<vmem>>) dst(%dma_wait3A_784 : memref<10240xf32, #tpu.memory_space<vmem_shared>>)
    %dma_wait3A_785 = arith.constant 33 : i32
    %dma_wait3A_786 = arith.constant 0 : i32
    %dma_wait3A_787 = tpu.memref_slice %arg4[%dma_wait3A_785, %dma_wait3A_786] : memref<80x128xi32, #tpu.memory_space<vmem>> -> memref<1x128xi32, #tpu.memory_space<vmem>>
    %dma_wait3A_788 = tpu.memref_squeeze %dma_wait3A_787 : memref<1x128xi32, #tpu.memory_space<vmem>> -> memref<128xi32, #tpu.memory_space<vmem>>
    %dma_wait3A_789 = arith.constant 0 : i32
    %dma_wait3A_790 = tpu.memref_slice %arg7[%dma_wait3A_789] : memref<10240xf32, #tpu.memory_space<vmem_shared>> -> memref<10240xf32, #tpu.memory_space<vmem_shared>>
    tpu.wait_indirect_dma semaphore(%arg8 : memref<!tpu.dma_semaphore, #tpu.memory_space<semaphore_mem>>) src(%arg5 : memref<128xf32, #tpu.memory_space<vmem>>) dst(%dma_wait3A_790 : memref<10240xf32, #tpu.memory_space<vmem_shared>>)
    %dma_wait3A_791 = arith.constant 34 : i32
    %dma_wait3A_792 = arith.constant 0 : i32
    %dma_wait3A_793 = tpu.memref_slice %arg4[%dma_wait3A_791, %dma_wait3A_792] : memref<80x128xi32, #tpu.memory_space<vmem>> -> memref<1x128xi32, #tpu.memory_space<vmem>>
    %dma_wait3A_794 = tpu.memref_squeeze %dma_wait3A_793 : memref<1x128xi32, #tpu.memory_space<vmem>> -> memref<128xi32, #tpu.memory_space<vmem>>
    %dma_wait3A_795 = arith.constant 0 : i32
    %dma_wait3A_796 = tpu.memref_slice %arg7[%dma_wait3A_795] : memref<10240xf32, #tpu.memory_space<vmem_shared>> -> memref<10240xf32, #tpu.memory_space<vmem_shared>>
    tpu.wait_indirect_dma semaphore(%arg8 : memref<!tpu.dma_semaphore, #tpu.memory_space<semaphore_mem>>) src(%arg5 : memref<128xf32, #tpu.memory_space<vmem>>) dst(%dma_wait3A_796 : memref<10240xf32, #tpu.memory_space<vmem_shared>>)
    %dma_wait3A_797 = arith.constant 35 : i32
    %dma_wait3A_798 = arith.constant 0 : i32
    %dma_wait3A_799 = tpu.memref_slice %arg4[%dma_wait3A_797, %dma_wait3A_798] : memref<80x128xi32, #tpu.memory_space<vmem>> -> memref<1x128xi32, #tpu.memory_space<vmem>>
    %dma_wait3A_800 = tpu.memref_squeeze %dma_wait3A_799 : memref<1x128xi32, #tpu.memory_space<vmem>> -> memref<128xi32, #tpu.memory_space<vmem>>
    %dma_wait3A_801 = arith.constant 0 : i32
    %dma_wait3A_802 = tpu.memref_slice %arg7[%dma_wait3A_801] : memref<10240xf32, #tpu.memory_space<vmem_shared>> -> memref<10240xf32, #tpu.memory_space<vmem_shared>>
    tpu.wait_indirect_dma semaphore(%arg8 : memref<!tpu.dma_semaphore, #tpu.memory_space<semaphore_mem>>) src(%arg5 : memref<128xf32, #tpu.memory_space<vmem>>) dst(%dma_wait3A_802 : memref<10240xf32, #tpu.memory_space<vmem_shared>>)
    %dma_wait3A_803 = arith.constant 36 : i32
    %dma_wait3A_804 = arith.constant 0 : i32
    %dma_wait3A_805 = tpu.memref_slice %arg4[%dma_wait3A_803, %dma_wait3A_804] : memref<80x128xi32, #tpu.memory_space<vmem>> -> memref<1x128xi32, #tpu.memory_space<vmem>>
    %dma_wait3A_806 = tpu.memref_squeeze %dma_wait3A_805 : memref<1x128xi32, #tpu.memory_space<vmem>> -> memref<128xi32, #tpu.memory_space<vmem>>
    %dma_wait3A_807 = arith.constant 0 : i32
    %dma_wait3A_808 = tpu.memref_slice %arg7[%dma_wait3A_807] : memref<10240xf32, #tpu.memory_space<vmem_shared>> -> memref<10240xf32, #tpu.memory_space<vmem_shared>>
    tpu.wait_indirect_dma semaphore(%arg8 : memref<!tpu.dma_semaphore, #tpu.memory_space<semaphore_mem>>) src(%arg5 : memref<128xf32, #tpu.memory_space<vmem>>) dst(%dma_wait3A_808 : memref<10240xf32, #tpu.memory_space<vmem_shared>>)
    %dma_wait3A_809 = arith.constant 37 : i32
    %dma_wait3A_810 = arith.constant 0 : i32
    %dma_wait3A_811 = tpu.memref_slice %arg4[%dma_wait3A_809, %dma_wait3A_810] : memref<80x128xi32, #tpu.memory_space<vmem>> -> memref<1x128xi32, #tpu.memory_space<vmem>>
    %dma_wait3A_812 = tpu.memref_squeeze %dma_wait3A_811 : memref<1x128xi32, #tpu.memory_space<vmem>> -> memref<128xi32, #tpu.memory_space<vmem>>
    %dma_wait3A_813 = arith.constant 0 : i32
    %dma_wait3A_814 = tpu.memref_slice %arg7[%dma_wait3A_813] : memref<10240xf32, #tpu.memory_space<vmem_shared>> -> memref<10240xf32, #tpu.memory_space<vmem_shared>>
    tpu.wait_indirect_dma semaphore(%arg8 : memref<!tpu.dma_semaphore, #tpu.memory_space<semaphore_mem>>) src(%arg5 : memref<128xf32, #tpu.memory_space<vmem>>) dst(%dma_wait3A_814 : memref<10240xf32, #tpu.memory_space<vmem_shared>>)
    %dma_wait3A_815 = arith.constant 38 : i32
    %dma_wait3A_816 = arith.constant 0 : i32
    %dma_wait3A_817 = tpu.memref_slice %arg4[%dma_wait3A_815, %dma_wait3A_816] : memref<80x128xi32, #tpu.memory_space<vmem>> -> memref<1x128xi32, #tpu.memory_space<vmem>>
    %dma_wait3A_818 = tpu.memref_squeeze %dma_wait3A_817 : memref<1x128xi32, #tpu.memory_space<vmem>> -> memref<128xi32, #tpu.memory_space<vmem>>
    %dma_wait3A_819 = arith.constant 0 : i32
    %dma_wait3A_820 = tpu.memref_slice %arg7[%dma_wait3A_819] : memref<10240xf32, #tpu.memory_space<vmem_shared>> -> memref<10240xf32, #tpu.memory_space<vmem_shared>>
    tpu.wait_indirect_dma semaphore(%arg8 : memref<!tpu.dma_semaphore, #tpu.memory_space<semaphore_mem>>) src(%arg5 : memref<128xf32, #tpu.memory_space<vmem>>) dst(%dma_wait3A_820 : memref<10240xf32, #tpu.memory_space<vmem_shared>>)
    %dma_wait3A_821 = arith.constant 39 : i32
    %dma_wait3A_822 = arith.constant 0 : i32
    %dma_wait3A_823 = tpu.memref_slice %arg4[%dma_wait3A_821, %dma_wait3A_822] : memref<80x128xi32, #tpu.memory_space<vmem>> -> memref<1x128xi32, #tpu.memory_space<vmem>>
    %dma_wait3A_824 = tpu.memref_squeeze %dma_wait3A_823 : memref<1x128xi32, #tpu.memory_space<vmem>> -> memref<128xi32, #tpu.memory_space<vmem>>
    %dma_wait3A_825 = arith.constant 0 : i32
    %dma_wait3A_826 = tpu.memref_slice %arg7[%dma_wait3A_825] : memref<10240xf32, #tpu.memory_space<vmem_shared>> -> memref<10240xf32, #tpu.memory_space<vmem_shared>>
    tpu.wait_indirect_dma semaphore(%arg8 : memref<!tpu.dma_semaphore, #tpu.memory_space<semaphore_mem>>) src(%arg5 : memref<128xf32, #tpu.memory_space<vmem>>) dst(%dma_wait3A_826 : memref<10240xf32, #tpu.memory_space<vmem_shared>>)
    %dma_wait3A_827 = arith.constant 40 : i32
    %dma_wait3A_828 = arith.constant 0 : i32
    %dma_wait3A_829 = tpu.memref_slice %arg4[%dma_wait3A_827, %dma_wait3A_828] : memref<80x128xi32, #tpu.memory_space<vmem>> -> memref<1x128xi32, #tpu.memory_space<vmem>>
    %dma_wait3A_830 = tpu.memref_squeeze %dma_wait3A_829 : memref<1x128xi32, #tpu.memory_space<vmem>> -> memref<128xi32, #tpu.memory_space<vmem>>
    %dma_wait3A_831 = arith.constant 0 : i32
    %dma_wait3A_832 = tpu.memref_slice %arg7[%dma_wait3A_831] : memref<10240xf32, #tpu.memory_space<vmem_shared>> -> memref<10240xf32, #tpu.memory_space<vmem_shared>>
    tpu.wait_indirect_dma semaphore(%arg8 : memref<!tpu.dma_semaphore, #tpu.memory_space<semaphore_mem>>) src(%arg5 : memref<128xf32, #tpu.memory_space<vmem>>) dst(%dma_wait3A_832 : memref<10240xf32, #tpu.memory_space<vmem_shared>>)
    %dma_wait3A_833 = arith.constant 41 : i32
    %dma_wait3A_834 = arith.constant 0 : i32
    %dma_wait3A_835 = tpu.memref_slice %arg4[%dma_wait3A_833, %dma_wait3A_834] : memref<80x128xi32, #tpu.memory_space<vmem>> -> memref<1x128xi32, #tpu.memory_space<vmem>>
    %dma_wait3A_836 = tpu.memref_squeeze %dma_wait3A_835 : memref<1x128xi32, #tpu.memory_space<vmem>> -> memref<128xi32, #tpu.memory_space<vmem>>
    %dma_wait3A_837 = arith.constant 0 : i32
    %dma_wait3A_838 = tpu.memref_slice %arg7[%dma_wait3A_837] : memref<10240xf32, #tpu.memory_space<vmem_shared>> -> memref<10240xf32, #tpu.memory_space<vmem_shared>>
    tpu.wait_indirect_dma semaphore(%arg8 : memref<!tpu.dma_semaphore, #tpu.memory_space<semaphore_mem>>) src(%arg5 : memref<128xf32, #tpu.memory_space<vmem>>) dst(%dma_wait3A_838 : memref<10240xf32, #tpu.memory_space<vmem_shared>>)
    %dma_wait3A_839 = arith.constant 42 : i32
    %dma_wait3A_840 = arith.constant 0 : i32
    %dma_wait3A_841 = tpu.memref_slice %arg4[%dma_wait3A_839, %dma_wait3A_840] : memref<80x128xi32, #tpu.memory_space<vmem>> -> memref<1x128xi32, #tpu.memory_space<vmem>>
    %dma_wait3A_842 = tpu.memref_squeeze %dma_wait3A_841 : memref<1x128xi32, #tpu.memory_space<vmem>> -> memref<128xi32, #tpu.memory_space<vmem>>
    %dma_wait3A_843 = arith.constant 0 : i32
    %dma_wait3A_844 = tpu.memref_slice %arg7[%dma_wait3A_843] : memref<10240xf32, #tpu.memory_space<vmem_shared>> -> memref<10240xf32, #tpu.memory_space<vmem_shared>>
    tpu.wait_indirect_dma semaphore(%arg8 : memref<!tpu.dma_semaphore, #tpu.memory_space<semaphore_mem>>) src(%arg5 : memref<128xf32, #tpu.memory_space<vmem>>) dst(%dma_wait3A_844 : memref<10240xf32, #tpu.memory_space<vmem_shared>>)
    %dma_wait3A_845 = arith.constant 43 : i32
    %dma_wait3A_846 = arith.constant 0 : i32
    %dma_wait3A_847 = tpu.memref_slice %arg4[%dma_wait3A_845, %dma_wait3A_846] : memref<80x128xi32, #tpu.memory_space<vmem>> -> memref<1x128xi32, #tpu.memory_space<vmem>>
    %dma_wait3A_848 = tpu.memref_squeeze %dma_wait3A_847 : memref<1x128xi32, #tpu.memory_space<vmem>> -> memref<128xi32, #tpu.memory_space<vmem>>
    %dma_wait3A_849 = arith.constant 0 : i32
    %dma_wait3A_850 = tpu.memref_slice %arg7[%dma_wait3A_849] : memref<10240xf32, #tpu.memory_space<vmem_shared>> -> memref<10240xf32, #tpu.memory_space<vmem_shared>>
    tpu.wait_indirect_dma semaphore(%arg8 : memref<!tpu.dma_semaphore, #tpu.memory_space<semaphore_mem>>) src(%arg5 : memref<128xf32, #tpu.memory_space<vmem>>) dst(%dma_wait3A_850 : memref<10240xf32, #tpu.memory_space<vmem_shared>>)
    %dma_wait3A_851 = arith.constant 44 : i32
    %dma_wait3A_852 = arith.constant 0 : i32
    %dma_wait3A_853 = tpu.memref_slice %arg4[%dma_wait3A_851, %dma_wait3A_852] : memref<80x128xi32, #tpu.memory_space<vmem>> -> memref<1x128xi32, #tpu.memory_space<vmem>>
    %dma_wait3A_854 = tpu.memref_squeeze %dma_wait3A_853 : memref<1x128xi32, #tpu.memory_space<vmem>> -> memref<128xi32, #tpu.memory_space<vmem>>
    %dma_wait3A_855 = arith.constant 0 : i32
    %dma_wait3A_856 = tpu.memref_slice %arg7[%dma_wait3A_855] : memref<10240xf32, #tpu.memory_space<vmem_shared>> -> memref<10240xf32, #tpu.memory_space<vmem_shared>>
    tpu.wait_indirect_dma semaphore(%arg8 : memref<!tpu.dma_semaphore, #tpu.memory_space<semaphore_mem>>) src(%arg5 : memref<128xf32, #tpu.memory_space<vmem>>) dst(%dma_wait3A_856 : memref<10240xf32, #tpu.memory_space<vmem_shared>>)
    %dma_wait3A_857 = arith.constant 45 : i32
    %dma_wait3A_858 = arith.constant 0 : i32
    %dma_wait3A_859 = tpu.memref_slice %arg4[%dma_wait3A_857, %dma_wait3A_858] : memref<80x128xi32, #tpu.memory_space<vmem>> -> memref<1x128xi32, #tpu.memory_space<vmem>>
    %dma_wait3A_860 = tpu.memref_squeeze %dma_wait3A_859 : memref<1x128xi32, #tpu.memory_space<vmem>> -> memref<128xi32, #tpu.memory_space<vmem>>
    %dma_wait3A_861 = arith.constant 0 : i32
    %dma_wait3A_862 = tpu.memref_slice %arg7[%dma_wait3A_861] : memref<10240xf32, #tpu.memory_space<vmem_shared>> -> memref<10240xf32, #tpu.memory_space<vmem_shared>>
    tpu.wait_indirect_dma semaphore(%arg8 : memref<!tpu.dma_semaphore, #tpu.memory_space<semaphore_mem>>) src(%arg5 : memref<128xf32, #tpu.memory_space<vmem>>) dst(%dma_wait3A_862 : memref<10240xf32, #tpu.memory_space<vmem_shared>>)
    %dma_wait3A_863 = arith.constant 46 : i32
    %dma_wait3A_864 = arith.constant 0 : i32
    %dma_wait3A_865 = tpu.memref_slice %arg4[%dma_wait3A_863, %dma_wait3A_864] : memref<80x128xi32, #tpu.memory_space<vmem>> -> memref<1x128xi32, #tpu.memory_space<vmem>>
    %dma_wait3A_866 = tpu.memref_squeeze %dma_wait3A_865 : memref<1x128xi32, #tpu.memory_space<vmem>> -> memref<128xi32, #tpu.memory_space<vmem>>
    %dma_wait3A_867 = arith.constant 0 : i32
    %dma_wait3A_868 = tpu.memref_slice %arg7[%dma_wait3A_867] : memref<10240xf32, #tpu.memory_space<vmem_shared>> -> memref<10240xf32, #tpu.memory_space<vmem_shared>>
    tpu.wait_indirect_dma semaphore(%arg8 : memref<!tpu.dma_semaphore, #tpu.memory_space<semaphore_mem>>) src(%arg5 : memref<128xf32, #tpu.memory_space<vmem>>) dst(%dma_wait3A_868 : memref<10240xf32, #tpu.memory_space<vmem_shared>>)
    %dma_wait3A_869 = arith.constant 47 : i32
    %dma_wait3A_870 = arith.constant 0 : i32
    %dma_wait3A_871 = tpu.memref_slice %arg4[%dma_wait3A_869, %dma_wait3A_870] : memref<80x128xi32, #tpu.memory_space<vmem>> -> memref<1x128xi32, #tpu.memory_space<vmem>>
    %dma_wait3A_872 = tpu.memref_squeeze %dma_wait3A_871 : memref<1x128xi32, #tpu.memory_space<vmem>> -> memref<128xi32, #tpu.memory_space<vmem>>
    %dma_wait3A_873 = arith.constant 0 : i32
    %dma_wait3A_874 = tpu.memref_slice %arg7[%dma_wait3A_873] : memref<10240xf32, #tpu.memory_space<vmem_shared>> -> memref<10240xf32, #tpu.memory_space<vmem_shared>>
    tpu.wait_indirect_dma semaphore(%arg8 : memref<!tpu.dma_semaphore, #tpu.memory_space<semaphore_mem>>) src(%arg5 : memref<128xf32, #tpu.memory_space<vmem>>) dst(%dma_wait3A_874 : memref<10240xf32, #tpu.memory_space<vmem_shared>>)
    %dma_wait3A_875 = arith.constant 48 : i32
    %dma_wait3A_876 = arith.constant 0 : i32
    %dma_wait3A_877 = tpu.memref_slice %arg4[%dma_wait3A_875, %dma_wait3A_876] : memref<80x128xi32, #tpu.memory_space<vmem>> -> memref<1x128xi32, #tpu.memory_space<vmem>>
    %dma_wait3A_878 = tpu.memref_squeeze %dma_wait3A_877 : memref<1x128xi32, #tpu.memory_space<vmem>> -> memref<128xi32, #tpu.memory_space<vmem>>
    %dma_wait3A_879 = arith.constant 0 : i32
    %dma_wait3A_880 = tpu.memref_slice %arg7[%dma_wait3A_879] : memref<10240xf32, #tpu.memory_space<vmem_shared>> -> memref<10240xf32, #tpu.memory_space<vmem_shared>>
    tpu.wait_indirect_dma semaphore(%arg8 : memref<!tpu.dma_semaphore, #tpu.memory_space<semaphore_mem>>) src(%arg5 : memref<128xf32, #tpu.memory_space<vmem>>) dst(%dma_wait3A_880 : memref<10240xf32, #tpu.memory_space<vmem_shared>>)
    %dma_wait3A_881 = arith.constant 49 : i32
    %dma_wait3A_882 = arith.constant 0 : i32
    %dma_wait3A_883 = tpu.memref_slice %arg4[%dma_wait3A_881, %dma_wait3A_882] : memref<80x128xi32, #tpu.memory_space<vmem>> -> memref<1x128xi32, #tpu.memory_space<vmem>>
    %dma_wait3A_884 = tpu.memref_squeeze %dma_wait3A_883 : memref<1x128xi32, #tpu.memory_space<vmem>> -> memref<128xi32, #tpu.memory_space<vmem>>
    %dma_wait3A_885 = arith.constant 0 : i32
    %dma_wait3A_886 = tpu.memref_slice %arg7[%dma_wait3A_885] : memref<10240xf32, #tpu.memory_space<vmem_shared>> -> memref<10240xf32, #tpu.memory_space<vmem_shared>>
    tpu.wait_indirect_dma semaphore(%arg8 : memref<!tpu.dma_semaphore, #tpu.memory_space<semaphore_mem>>) src(%arg5 : memref<128xf32, #tpu.memory_space<vmem>>) dst(%dma_wait3A_886 : memref<10240xf32, #tpu.memory_space<vmem_shared>>)
    %dma_wait3A_887 = arith.constant 50 : i32
    %dma_wait3A_888 = arith.constant 0 : i32
    %dma_wait3A_889 = tpu.memref_slice %arg4[%dma_wait3A_887, %dma_wait3A_888] : memref<80x128xi32, #tpu.memory_space<vmem>> -> memref<1x128xi32, #tpu.memory_space<vmem>>
    %dma_wait3A_890 = tpu.memref_squeeze %dma_wait3A_889 : memref<1x128xi32, #tpu.memory_space<vmem>> -> memref<128xi32, #tpu.memory_space<vmem>>
    %dma_wait3A_891 = arith.constant 0 : i32
    %dma_wait3A_892 = tpu.memref_slice %arg7[%dma_wait3A_891] : memref<10240xf32, #tpu.memory_space<vmem_shared>> -> memref<10240xf32, #tpu.memory_space<vmem_shared>>
    tpu.wait_indirect_dma semaphore(%arg8 : memref<!tpu.dma_semaphore, #tpu.memory_space<semaphore_mem>>) src(%arg5 : memref<128xf32, #tpu.memory_space<vmem>>) dst(%dma_wait3A_892 : memref<10240xf32, #tpu.memory_space<vmem_shared>>)
    %dma_wait3A_893 = arith.constant 51 : i32
    %dma_wait3A_894 = arith.constant 0 : i32
    %dma_wait3A_895 = tpu.memref_slice %arg4[%dma_wait3A_893, %dma_wait3A_894] : memref<80x128xi32, #tpu.memory_space<vmem>> -> memref<1x128xi32, #tpu.memory_space<vmem>>
    %dma_wait3A_896 = tpu.memref_squeeze %dma_wait3A_895 : memref<1x128xi32, #tpu.memory_space<vmem>> -> memref<128xi32, #tpu.memory_space<vmem>>
    %dma_wait3A_897 = arith.constant 0 : i32
    %dma_wait3A_898 = tpu.memref_slice %arg7[%dma_wait3A_897] : memref<10240xf32, #tpu.memory_space<vmem_shared>> -> memref<10240xf32, #tpu.memory_space<vmem_shared>>
    tpu.wait_indirect_dma semaphore(%arg8 : memref<!tpu.dma_semaphore, #tpu.memory_space<semaphore_mem>>) src(%arg5 : memref<128xf32, #tpu.memory_space<vmem>>) dst(%dma_wait3A_898 : memref<10240xf32, #tpu.memory_space<vmem_shared>>)
    %dma_wait3A_899 = arith.constant 52 : i32
    %dma_wait3A_900 = arith.constant 0 : i32
    %dma_wait3A_901 = tpu.memref_slice %arg4[%dma_wait3A_899, %dma_wait3A_900] : memref<80x128xi32, #tpu.memory_space<vmem>> -> memref<1x128xi32, #tpu.memory_space<vmem>>
    %dma_wait3A_902 = tpu.memref_squeeze %dma_wait3A_901 : memref<1x128xi32, #tpu.memory_space<vmem>> -> memref<128xi32, #tpu.memory_space<vmem>>
    %dma_wait3A_903 = arith.constant 0 : i32
    %dma_wait3A_904 = tpu.memref_slice %arg7[%dma_wait3A_903] : memref<10240xf32, #tpu.memory_space<vmem_shared>> -> memref<10240xf32, #tpu.memory_space<vmem_shared>>
    tpu.wait_indirect_dma semaphore(%arg8 : memref<!tpu.dma_semaphore, #tpu.memory_space<semaphore_mem>>) src(%arg5 : memref<128xf32, #tpu.memory_space<vmem>>) dst(%dma_wait3A_904 : memref<10240xf32, #tpu.memory_space<vmem_shared>>)
    %dma_wait3A_905 = arith.constant 53 : i32
    %dma_wait3A_906 = arith.constant 0 : i32
    %dma_wait3A_907 = tpu.memref_slice %arg4[%dma_wait3A_905, %dma_wait3A_906] : memref<80x128xi32, #tpu.memory_space<vmem>> -> memref<1x128xi32, #tpu.memory_space<vmem>>
    %dma_wait3A_908 = tpu.memref_squeeze %dma_wait3A_907 : memref<1x128xi32, #tpu.memory_space<vmem>> -> memref<128xi32, #tpu.memory_space<vmem>>
    %dma_wait3A_909 = arith.constant 0 : i32
    %dma_wait3A_910 = tpu.memref_slice %arg7[%dma_wait3A_909] : memref<10240xf32, #tpu.memory_space<vmem_shared>> -> memref<10240xf32, #tpu.memory_space<vmem_shared>>
    tpu.wait_indirect_dma semaphore(%arg8 : memref<!tpu.dma_semaphore, #tpu.memory_space<semaphore_mem>>) src(%arg5 : memref<128xf32, #tpu.memory_space<vmem>>) dst(%dma_wait3A_910 : memref<10240xf32, #tpu.memory_space<vmem_shared>>)
    %dma_wait3A_911 = arith.constant 54 : i32
    %dma_wait3A_912 = arith.constant 0 : i32
    %dma_wait3A_913 = tpu.memref_slice %arg4[%dma_wait3A_911, %dma_wait3A_912] : memref<80x128xi32, #tpu.memory_space<vmem>> -> memref<1x128xi32, #tpu.memory_space<vmem>>
    %dma_wait3A_914 = tpu.memref_squeeze %dma_wait3A_913 : memref<1x128xi32, #tpu.memory_space<vmem>> -> memref<128xi32, #tpu.memory_space<vmem>>
    %dma_wait3A_915 = arith.constant 0 : i32
    %dma_wait3A_916 = tpu.memref_slice %arg7[%dma_wait3A_915] : memref<10240xf32, #tpu.memory_space<vmem_shared>> -> memref<10240xf32, #tpu.memory_space<vmem_shared>>
    tpu.wait_indirect_dma semaphore(%arg8 : memref<!tpu.dma_semaphore, #tpu.memory_space<semaphore_mem>>) src(%arg5 : memref<128xf32, #tpu.memory_space<vmem>>) dst(%dma_wait3A_916 : memref<10240xf32, #tpu.memory_space<vmem_shared>>)
    %dma_wait3A_917 = arith.constant 55 : i32
    %dma_wait3A_918 = arith.constant 0 : i32
    %dma_wait3A_919 = tpu.memref_slice %arg4[%dma_wait3A_917, %dma_wait3A_918] : memref<80x128xi32, #tpu.memory_space<vmem>> -> memref<1x128xi32, #tpu.memory_space<vmem>>
    %dma_wait3A_920 = tpu.memref_squeeze %dma_wait3A_919 : memref<1x128xi32, #tpu.memory_space<vmem>> -> memref<128xi32, #tpu.memory_space<vmem>>
    %dma_wait3A_921 = arith.constant 0 : i32
    %dma_wait3A_922 = tpu.memref_slice %arg7[%dma_wait3A_921] : memref<10240xf32, #tpu.memory_space<vmem_shared>> -> memref<10240xf32, #tpu.memory_space<vmem_shared>>
    tpu.wait_indirect_dma semaphore(%arg8 : memref<!tpu.dma_semaphore, #tpu.memory_space<semaphore_mem>>) src(%arg5 : memref<128xf32, #tpu.memory_space<vmem>>) dst(%dma_wait3A_922 : memref<10240xf32, #tpu.memory_space<vmem_shared>>)
    %dma_wait3A_923 = arith.constant 56 : i32
    %dma_wait3A_924 = arith.constant 0 : i32
    %dma_wait3A_925 = tpu.memref_slice %arg4[%dma_wait3A_923, %dma_wait3A_924] : memref<80x128xi32, #tpu.memory_space<vmem>> -> memref<1x128xi32, #tpu.memory_space<vmem>>
    %dma_wait3A_926 = tpu.memref_squeeze %dma_wait3A_925 : memref<1x128xi32, #tpu.memory_space<vmem>> -> memref<128xi32, #tpu.memory_space<vmem>>
    %dma_wait3A_927 = arith.constant 0 : i32
    %dma_wait3A_928 = tpu.memref_slice %arg7[%dma_wait3A_927] : memref<10240xf32, #tpu.memory_space<vmem_shared>> -> memref<10240xf32, #tpu.memory_space<vmem_shared>>
    tpu.wait_indirect_dma semaphore(%arg8 : memref<!tpu.dma_semaphore, #tpu.memory_space<semaphore_mem>>) src(%arg5 : memref<128xf32, #tpu.memory_space<vmem>>) dst(%dma_wait3A_928 : memref<10240xf32, #tpu.memory_space<vmem_shared>>)
    %dma_wait3A_929 = arith.constant 57 : i32
    %dma_wait3A_930 = arith.constant 0 : i32
    %dma_wait3A_931 = tpu.memref_slice %arg4[%dma_wait3A_929, %dma_wait3A_930] : memref<80x128xi32, #tpu.memory_space<vmem>> -> memref<1x128xi32, #tpu.memory_space<vmem>>
    %dma_wait3A_932 = tpu.memref_squeeze %dma_wait3A_931 : memref<1x128xi32, #tpu.memory_space<vmem>> -> memref<128xi32, #tpu.memory_space<vmem>>
    %dma_wait3A_933 = arith.constant 0 : i32
    %dma_wait3A_934 = tpu.memref_slice %arg7[%dma_wait3A_933] : memref<10240xf32, #tpu.memory_space<vmem_shared>> -> memref<10240xf32, #tpu.memory_space<vmem_shared>>
    tpu.wait_indirect_dma semaphore(%arg8 : memref<!tpu.dma_semaphore, #tpu.memory_space<semaphore_mem>>) src(%arg5 : memref<128xf32, #tpu.memory_space<vmem>>) dst(%dma_wait3A_934 : memref<10240xf32, #tpu.memory_space<vmem_shared>>)
    %dma_wait3A_935 = arith.constant 58 : i32
    %dma_wait3A_936 = arith.constant 0 : i32
    %dma_wait3A_937 = tpu.memref_slice %arg4[%dma_wait3A_935, %dma_wait3A_936] : memref<80x128xi32, #tpu.memory_space<vmem>> -> memref<1x128xi32, #tpu.memory_space<vmem>>
    %dma_wait3A_938 = tpu.memref_squeeze %dma_wait3A_937 : memref<1x128xi32, #tpu.memory_space<vmem>> -> memref<128xi32, #tpu.memory_space<vmem>>
    %dma_wait3A_939 = arith.constant 0 : i32
    %dma_wait3A_940 = tpu.memref_slice %arg7[%dma_wait3A_939] : memref<10240xf32, #tpu.memory_space<vmem_shared>> -> memref<10240xf32, #tpu.memory_space<vmem_shared>>
    tpu.wait_indirect_dma semaphore(%arg8 : memref<!tpu.dma_semaphore, #tpu.memory_space<semaphore_mem>>) src(%arg5 : memref<128xf32, #tpu.memory_space<vmem>>) dst(%dma_wait3A_940 : memref<10240xf32, #tpu.memory_space<vmem_shared>>)
    %dma_wait3A_941 = arith.constant 59 : i32
    %dma_wait3A_942 = arith.constant 0 : i32
    %dma_wait3A_943 = tpu.memref_slice %arg4[%dma_wait3A_941, %dma_wait3A_942] : memref<80x128xi32, #tpu.memory_space<vmem>> -> memref<1x128xi32, #tpu.memory_space<vmem>>
    %dma_wait3A_944 = tpu.memref_squeeze %dma_wait3A_943 : memref<1x128xi32, #tpu.memory_space<vmem>> -> memref<128xi32, #tpu.memory_space<vmem>>
    %dma_wait3A_945 = arith.constant 0 : i32
    %dma_wait3A_946 = tpu.memref_slice %arg7[%dma_wait3A_945] : memref<10240xf32, #tpu.memory_space<vmem_shared>> -> memref<10240xf32, #tpu.memory_space<vmem_shared>>
    tpu.wait_indirect_dma semaphore(%arg8 : memref<!tpu.dma_semaphore, #tpu.memory_space<semaphore_mem>>) src(%arg5 : memref<128xf32, #tpu.memory_space<vmem>>) dst(%dma_wait3A_946 : memref<10240xf32, #tpu.memory_space<vmem_shared>>)
    %dma_wait3A_947 = arith.constant 60 : i32
    %dma_wait3A_948 = arith.constant 0 : i32
    %dma_wait3A_949 = tpu.memref_slice %arg4[%dma_wait3A_947, %dma_wait3A_948] : memref<80x128xi32, #tpu.memory_space<vmem>> -> memref<1x128xi32, #tpu.memory_space<vmem>>
    %dma_wait3A_950 = tpu.memref_squeeze %dma_wait3A_949 : memref<1x128xi32, #tpu.memory_space<vmem>> -> memref<128xi32, #tpu.memory_space<vmem>>
    %dma_wait3A_951 = arith.constant 0 : i32
    %dma_wait3A_952 = tpu.memref_slice %arg7[%dma_wait3A_951] : memref<10240xf32, #tpu.memory_space<vmem_shared>> -> memref<10240xf32, #tpu.memory_space<vmem_shared>>
    tpu.wait_indirect_dma semaphore(%arg8 : memref<!tpu.dma_semaphore, #tpu.memory_space<semaphore_mem>>) src(%arg5 : memref<128xf32, #tpu.memory_space<vmem>>) dst(%dma_wait3A_952 : memref<10240xf32, #tpu.memory_space<vmem_shared>>)
    %dma_wait3A_953 = arith.constant 61 : i32
    %dma_wait3A_954 = arith.constant 0 : i32
    %dma_wait3A_955 = tpu.memref_slice %arg4[%dma_wait3A_953, %dma_wait3A_954] : memref<80x128xi32, #tpu.memory_space<vmem>> -> memref<1x128xi32, #tpu.memory_space<vmem>>
    %dma_wait3A_956 = tpu.memref_squeeze %dma_wait3A_955 : memref<1x128xi32, #tpu.memory_space<vmem>> -> memref<128xi32, #tpu.memory_space<vmem>>
    %dma_wait3A_957 = arith.constant 0 : i32
    %dma_wait3A_958 = tpu.memref_slice %arg7[%dma_wait3A_957] : memref<10240xf32, #tpu.memory_space<vmem_shared>> -> memref<10240xf32, #tpu.memory_space<vmem_shared>>
    tpu.wait_indirect_dma semaphore(%arg8 : memref<!tpu.dma_semaphore, #tpu.memory_space<semaphore_mem>>) src(%arg5 : memref<128xf32, #tpu.memory_space<vmem>>) dst(%dma_wait3A_958 : memref<10240xf32, #tpu.memory_space<vmem_shared>>)
    %dma_wait3A_959 = arith.constant 62 : i32
    %dma_wait3A_960 = arith.constant 0 : i32
    %dma_wait3A_961 = tpu.memref_slice %arg4[%dma_wait3A_959, %dma_wait3A_960] : memref<80x128xi32, #tpu.memory_space<vmem>> -> memref<1x128xi32, #tpu.memory_space<vmem>>
    %dma_wait3A_962 = tpu.memref_squeeze %dma_wait3A_961 : memref<1x128xi32, #tpu.memory_space<vmem>> -> memref<128xi32, #tpu.memory_space<vmem>>
    %dma_wait3A_963 = arith.constant 0 : i32
    %dma_wait3A_964 = tpu.memref_slice %arg7[%dma_wait3A_963] : memref<10240xf32, #tpu.memory_space<vmem_shared>> -> memref<10240xf32, #tpu.memory_space<vmem_shared>>
    tpu.wait_indirect_dma semaphore(%arg8 : memref<!tpu.dma_semaphore, #tpu.memory_space<semaphore_mem>>) src(%arg5 : memref<128xf32, #tpu.memory_space<vmem>>) dst(%dma_wait3A_964 : memref<10240xf32, #tpu.memory_space<vmem_shared>>)
    %dma_wait3A_965 = arith.constant 63 : i32
    %dma_wait3A_966 = arith.constant 0 : i32
    %dma_wait3A_967 = tpu.memref_slice %arg4[%dma_wait3A_965, %dma_wait3A_966] : memref<80x128xi32, #tpu.memory_space<vmem>> -> memref<1x128xi32, #tpu.memory_space<vmem>>
    %dma_wait3A_968 = tpu.memref_squeeze %dma_wait3A_967 : memref<1x128xi32, #tpu.memory_space<vmem>> -> memref<128xi32, #tpu.memory_space<vmem>>
    %dma_wait3A_969 = arith.constant 0 : i32
    %dma_wait3A_970 = tpu.memref_slice %arg7[%dma_wait3A_969] : memref<10240xf32, #tpu.memory_space<vmem_shared>> -> memref<10240xf32, #tpu.memory_space<vmem_shared>>
    tpu.wait_indirect_dma semaphore(%arg8 : memref<!tpu.dma_semaphore, #tpu.memory_space<semaphore_mem>>) src(%arg5 : memref<128xf32, #tpu.memory_space<vmem>>) dst(%dma_wait3A_970 : memref<10240xf32, #tpu.memory_space<vmem_shared>>)
    %dma_wait3A_971 = arith.constant 64 : i32
    %dma_wait3A_972 = arith.constant 0 : i32
    %dma_wait3A_973 = tpu.memref_slice %arg4[%dma_wait3A_971, %dma_wait3A_972] : memref<80x128xi32, #tpu.memory_space<vmem>> -> memref<1x128xi32, #tpu.memory_space<vmem>>
    %dma_wait3A_974 = tpu.memref_squeeze %dma_wait3A_973 : memref<1x128xi32, #tpu.memory_space<vmem>> -> memref<128xi32, #tpu.memory_space<vmem>>
    %dma_wait3A_975 = arith.constant 0 : i32
    %dma_wait3A_976 = tpu.memref_slice %arg7[%dma_wait3A_975] : memref<10240xf32, #tpu.memory_space<vmem_shared>> -> memref<10240xf32, #tpu.memory_space<vmem_shared>>
    tpu.wait_indirect_dma semaphore(%arg8 : memref<!tpu.dma_semaphore, #tpu.memory_space<semaphore_mem>>) src(%arg5 : memref<128xf32, #tpu.memory_space<vmem>>) dst(%dma_wait3A_976 : memref<10240xf32, #tpu.memory_space<vmem_shared>>)
    %dma_wait3A_977 = arith.constant 65 : i32
    %dma_wait3A_978 = arith.constant 0 : i32
    %dma_wait3A_979 = tpu.memref_slice %arg4[%dma_wait3A_977, %dma_wait3A_978] : memref<80x128xi32, #tpu.memory_space<vmem>> -> memref<1x128xi32, #tpu.memory_space<vmem>>
    %dma_wait3A_980 = tpu.memref_squeeze %dma_wait3A_979 : memref<1x128xi32, #tpu.memory_space<vmem>> -> memref<128xi32, #tpu.memory_space<vmem>>
    %dma_wait3A_981 = arith.constant 0 : i32
    %dma_wait3A_982 = tpu.memref_slice %arg7[%dma_wait3A_981] : memref<10240xf32, #tpu.memory_space<vmem_shared>> -> memref<10240xf32, #tpu.memory_space<vmem_shared>>
    tpu.wait_indirect_dma semaphore(%arg8 : memref<!tpu.dma_semaphore, #tpu.memory_space<semaphore_mem>>) src(%arg5 : memref<128xf32, #tpu.memory_space<vmem>>) dst(%dma_wait3A_982 : memref<10240xf32, #tpu.memory_space<vmem_shared>>)
    %dma_wait3A_983 = arith.constant 66 : i32
    %dma_wait3A_984 = arith.constant 0 : i32
    %dma_wait3A_985 = tpu.memref_slice %arg4[%dma_wait3A_983, %dma_wait3A_984] : memref<80x128xi32, #tpu.memory_space<vmem>> -> memref<1x128xi32, #tpu.memory_space<vmem>>
    %dma_wait3A_986 = tpu.memref_squeeze %dma_wait3A_985 : memref<1x128xi32, #tpu.memory_space<vmem>> -> memref<128xi32, #tpu.memory_space<vmem>>
    %dma_wait3A_987 = arith.constant 0 : i32
    %dma_wait3A_988 = tpu.memref_slice %arg7[%dma_wait3A_987] : memref<10240xf32, #tpu.memory_space<vmem_shared>> -> memref<10240xf32, #tpu.memory_space<vmem_shared>>
    tpu.wait_indirect_dma semaphore(%arg8 : memref<!tpu.dma_semaphore, #tpu.memory_space<semaphore_mem>>) src(%arg5 : memref<128xf32, #tpu.memory_space<vmem>>) dst(%dma_wait3A_988 : memref<10240xf32, #tpu.memory_space<vmem_shared>>)
    %dma_wait3A_989 = arith.constant 67 : i32
    %dma_wait3A_990 = arith.constant 0 : i32
    %dma_wait3A_991 = tpu.memref_slice %arg4[%dma_wait3A_989, %dma_wait3A_990] : memref<80x128xi32, #tpu.memory_space<vmem>> -> memref<1x128xi32, #tpu.memory_space<vmem>>
    %dma_wait3A_992 = tpu.memref_squeeze %dma_wait3A_991 : memref<1x128xi32, #tpu.memory_space<vmem>> -> memref<128xi32, #tpu.memory_space<vmem>>
    %dma_wait3A_993 = arith.constant 0 : i32
    %dma_wait3A_994 = tpu.memref_slice %arg7[%dma_wait3A_993] : memref<10240xf32, #tpu.memory_space<vmem_shared>> -> memref<10240xf32, #tpu.memory_space<vmem_shared>>
    tpu.wait_indirect_dma semaphore(%arg8 : memref<!tpu.dma_semaphore, #tpu.memory_space<semaphore_mem>>) src(%arg5 : memref<128xf32, #tpu.memory_space<vmem>>) dst(%dma_wait3A_994 : memref<10240xf32, #tpu.memory_space<vmem_shared>>)
    %dma_wait3A_995 = arith.constant 68 : i32
    %dma_wait3A_996 = arith.constant 0 : i32
    %dma_wait3A_997 = tpu.memref_slice %arg4[%dma_wait3A_995, %dma_wait3A_996] : memref<80x128xi32, #tpu.memory_space<vmem>> -> memref<1x128xi32, #tpu.memory_space<vmem>>
    %dma_wait3A_998 = tpu.memref_squeeze %dma_wait3A_997 : memref<1x128xi32, #tpu.memory_space<vmem>> -> memref<128xi32, #tpu.memory_space<vmem>>
    %dma_wait3A_999 = arith.constant 0 : i32
    %dma_wait3A_1000 = tpu.memref_slice %arg7[%dma_wait3A_999] : memref<10240xf32, #tpu.memory_space<vmem_shared>> -> memref<10240xf32, #tpu.memory_space<vmem_shared>>
    tpu.wait_indirect_dma semaphore(%arg8 : memref<!tpu.dma_semaphore, #tpu.memory_space<semaphore_mem>>) src(%arg5 : memref<128xf32, #tpu.memory_space<vmem>>) dst(%dma_wait3A_1000 : memref<10240xf32, #tpu.memory_space<vmem_shared>>)
    %dma_wait3A_1001 = arith.constant 69 : i32
    %dma_wait3A_1002 = arith.constant 0 : i32
    %dma_wait3A_1003 = tpu.memref_slice %arg4[%dma_wait3A_1001, %dma_wait3A_1002] : memref<80x128xi32, #tpu.memory_space<vmem>> -> memref<1x128xi32, #tpu.memory_space<vmem>>
    %dma_wait3A_1004 = tpu.memref_squeeze %dma_wait3A_1003 : memref<1x128xi32, #tpu.memory_space<vmem>> -> memref<128xi32, #tpu.memory_space<vmem>>
    %dma_wait3A_1005 = arith.constant 0 : i32
    %dma_wait3A_1006 = tpu.memref_slice %arg7[%dma_wait3A_1005] : memref<10240xf32, #tpu.memory_space<vmem_shared>> -> memref<10240xf32, #tpu.memory_space<vmem_shared>>
    tpu.wait_indirect_dma semaphore(%arg8 : memref<!tpu.dma_semaphore, #tpu.memory_space<semaphore_mem>>) src(%arg5 : memref<128xf32, #tpu.memory_space<vmem>>) dst(%dma_wait3A_1006 : memref<10240xf32, #tpu.memory_space<vmem_shared>>)
    %dma_wait3A_1007 = arith.constant 70 : i32
    %dma_wait3A_1008 = arith.constant 0 : i32
    %dma_wait3A_1009 = tpu.memref_slice %arg4[%dma_wait3A_1007, %dma_wait3A_1008] : memref<80x128xi32, #tpu.memory_space<vmem>> -> memref<1x128xi32, #tpu.memory_space<vmem>>
    %dma_wait3A_1010 = tpu.memref_squeeze %dma_wait3A_1009 : memref<1x128xi32, #tpu.memory_space<vmem>> -> memref<128xi32, #tpu.memory_space<vmem>>
    %dma_wait3A_1011 = arith.constant 0 : i32
    %dma_wait3A_1012 = tpu.memref_slice %arg7[%dma_wait3A_1011] : memref<10240xf32, #tpu.memory_space<vmem_shared>> -> memref<10240xf32, #tpu.memory_space<vmem_shared>>
    tpu.wait_indirect_dma semaphore(%arg8 : memref<!tpu.dma_semaphore, #tpu.memory_space<semaphore_mem>>) src(%arg5 : memref<128xf32, #tpu.memory_space<vmem>>) dst(%dma_wait3A_1012 : memref<10240xf32, #tpu.memory_space<vmem_shared>>)
    %dma_wait3A_1013 = arith.constant 71 : i32
    %dma_wait3A_1014 = arith.constant 0 : i32
    %dma_wait3A_1015 = tpu.memref_slice %arg4[%dma_wait3A_1013, %dma_wait3A_1014] : memref<80x128xi32, #tpu.memory_space<vmem>> -> memref<1x128xi32, #tpu.memory_space<vmem>>
    %dma_wait3A_1016 = tpu.memref_squeeze %dma_wait3A_1015 : memref<1x128xi32, #tpu.memory_space<vmem>> -> memref<128xi32, #tpu.memory_space<vmem>>
    %dma_wait3A_1017 = arith.constant 0 : i32
    %dma_wait3A_1018 = tpu.memref_slice %arg7[%dma_wait3A_1017] : memref<10240xf32, #tpu.memory_space<vmem_shared>> -> memref<10240xf32, #tpu.memory_space<vmem_shared>>
    tpu.wait_indirect_dma semaphore(%arg8 : memref<!tpu.dma_semaphore, #tpu.memory_space<semaphore_mem>>) src(%arg5 : memref<128xf32, #tpu.memory_space<vmem>>) dst(%dma_wait3A_1018 : memref<10240xf32, #tpu.memory_space<vmem_shared>>)
    %dma_wait3A_1019 = arith.constant 72 : i32
    %dma_wait3A_1020 = arith.constant 0 : i32
    %dma_wait3A_1021 = tpu.memref_slice %arg4[%dma_wait3A_1019, %dma_wait3A_1020] : memref<80x128xi32, #tpu.memory_space<vmem>> -> memref<1x128xi32, #tpu.memory_space<vmem>>
    %dma_wait3A_1022 = tpu.memref_squeeze %dma_wait3A_1021 : memref<1x128xi32, #tpu.memory_space<vmem>> -> memref<128xi32, #tpu.memory_space<vmem>>
    %dma_wait3A_1023 = arith.constant 0 : i32
    %dma_wait3A_1024 = tpu.memref_slice %arg7[%dma_wait3A_1023] : memref<10240xf32, #tpu.memory_space<vmem_shared>> -> memref<10240xf32, #tpu.memory_space<vmem_shared>>
    tpu.wait_indirect_dma semaphore(%arg8 : memref<!tpu.dma_semaphore, #tpu.memory_space<semaphore_mem>>) src(%arg5 : memref<128xf32, #tpu.memory_space<vmem>>) dst(%dma_wait3A_1024 : memref<10240xf32, #tpu.memory_space<vmem_shared>>)
    %dma_wait3A_1025 = arith.constant 73 : i32
    %dma_wait3A_1026 = arith.constant 0 : i32
    %dma_wait3A_1027 = tpu.memref_slice %arg4[%dma_wait3A_1025, %dma_wait3A_1026] : memref<80x128xi32, #tpu.memory_space<vmem>> -> memref<1x128xi32, #tpu.memory_space<vmem>>
    %dma_wait3A_1028 = tpu.memref_squeeze %dma_wait3A_1027 : memref<1x128xi32, #tpu.memory_space<vmem>> -> memref<128xi32, #tpu.memory_space<vmem>>
    %dma_wait3A_1029 = arith.constant 0 : i32
    %dma_wait3A_1030 = tpu.memref_slice %arg7[%dma_wait3A_1029] : memref<10240xf32, #tpu.memory_space<vmem_shared>> -> memref<10240xf32, #tpu.memory_space<vmem_shared>>
    tpu.wait_indirect_dma semaphore(%arg8 : memref<!tpu.dma_semaphore, #tpu.memory_space<semaphore_mem>>) src(%arg5 : memref<128xf32, #tpu.memory_space<vmem>>) dst(%dma_wait3A_1030 : memref<10240xf32, #tpu.memory_space<vmem_shared>>)
    %dma_wait3A_1031 = arith.constant 74 : i32
    %dma_wait3A_1032 = arith.constant 0 : i32
    %dma_wait3A_1033 = tpu.memref_slice %arg4[%dma_wait3A_1031, %dma_wait3A_1032] : memref<80x128xi32, #tpu.memory_space<vmem>> -> memref<1x128xi32, #tpu.memory_space<vmem>>
    %dma_wait3A_1034 = tpu.memref_squeeze %dma_wait3A_1033 : memref<1x128xi32, #tpu.memory_space<vmem>> -> memref<128xi32, #tpu.memory_space<vmem>>
    %dma_wait3A_1035 = arith.constant 0 : i32
    %dma_wait3A_1036 = tpu.memref_slice %arg7[%dma_wait3A_1035] : memref<10240xf32, #tpu.memory_space<vmem_shared>> -> memref<10240xf32, #tpu.memory_space<vmem_shared>>
    tpu.wait_indirect_dma semaphore(%arg8 : memref<!tpu.dma_semaphore, #tpu.memory_space<semaphore_mem>>) src(%arg5 : memref<128xf32, #tpu.memory_space<vmem>>) dst(%dma_wait3A_1036 : memref<10240xf32, #tpu.memory_space<vmem_shared>>)
    %dma_wait3A_1037 = arith.constant 75 : i32
    %dma_wait3A_1038 = arith.constant 0 : i32
    %dma_wait3A_1039 = tpu.memref_slice %arg4[%dma_wait3A_1037, %dma_wait3A_1038] : memref<80x128xi32, #tpu.memory_space<vmem>> -> memref<1x128xi32, #tpu.memory_space<vmem>>
    %dma_wait3A_1040 = tpu.memref_squeeze %dma_wait3A_1039 : memref<1x128xi32, #tpu.memory_space<vmem>> -> memref<128xi32, #tpu.memory_space<vmem>>
    %dma_wait3A_1041 = arith.constant 0 : i32
    %dma_wait3A_1042 = tpu.memref_slice %arg7[%dma_wait3A_1041] : memref<10240xf32, #tpu.memory_space<vmem_shared>> -> memref<10240xf32, #tpu.memory_space<vmem_shared>>
    tpu.wait_indirect_dma semaphore(%arg8 : memref<!tpu.dma_semaphore, #tpu.memory_space<semaphore_mem>>) src(%arg5 : memref<128xf32, #tpu.memory_space<vmem>>) dst(%dma_wait3A_1042 : memref<10240xf32, #tpu.memory_space<vmem_shared>>)
    %dma_wait3A_1043 = arith.constant 76 : i32
    %dma_wait3A_1044 = arith.constant 0 : i32
    %dma_wait3A_1045 = tpu.memref_slice %arg4[%dma_wait3A_1043, %dma_wait3A_1044] : memref<80x128xi32, #tpu.memory_space<vmem>> -> memref<1x128xi32, #tpu.memory_space<vmem>>
    %dma_wait3A_1046 = tpu.memref_squeeze %dma_wait3A_1045 : memref<1x128xi32, #tpu.memory_space<vmem>> -> memref<128xi32, #tpu.memory_space<vmem>>
    %dma_wait3A_1047 = arith.constant 0 : i32
    %dma_wait3A_1048 = tpu.memref_slice %arg7[%dma_wait3A_1047] : memref<10240xf32, #tpu.memory_space<vmem_shared>> -> memref<10240xf32, #tpu.memory_space<vmem_shared>>
    tpu.wait_indirect_dma semaphore(%arg8 : memref<!tpu.dma_semaphore, #tpu.memory_space<semaphore_mem>>) src(%arg5 : memref<128xf32, #tpu.memory_space<vmem>>) dst(%dma_wait3A_1048 : memref<10240xf32, #tpu.memory_space<vmem_shared>>)
    %dma_wait3A_1049 = arith.constant 77 : i32
    %dma_wait3A_1050 = arith.constant 0 : i32
    %dma_wait3A_1051 = tpu.memref_slice %arg4[%dma_wait3A_1049, %dma_wait3A_1050] : memref<80x128xi32, #tpu.memory_space<vmem>> -> memref<1x128xi32, #tpu.memory_space<vmem>>
    %dma_wait3A_1052 = tpu.memref_squeeze %dma_wait3A_1051 : memref<1x128xi32, #tpu.memory_space<vmem>> -> memref<128xi32, #tpu.memory_space<vmem>>
    %dma_wait3A_1053 = arith.constant 0 : i32
    %dma_wait3A_1054 = tpu.memref_slice %arg7[%dma_wait3A_1053] : memref<10240xf32, #tpu.memory_space<vmem_shared>> -> memref<10240xf32, #tpu.memory_space<vmem_shared>>
    tpu.wait_indirect_dma semaphore(%arg8 : memref<!tpu.dma_semaphore, #tpu.memory_space<semaphore_mem>>) src(%arg5 : memref<128xf32, #tpu.memory_space<vmem>>) dst(%dma_wait3A_1054 : memref<10240xf32, #tpu.memory_space<vmem_shared>>)
    %dma_wait3A_1055 = arith.constant 78 : i32
    %dma_wait3A_1056 = arith.constant 0 : i32
    %dma_wait3A_1057 = tpu.memref_slice %arg4[%dma_wait3A_1055, %dma_wait3A_1056] : memref<80x128xi32, #tpu.memory_space<vmem>> -> memref<1x128xi32, #tpu.memory_space<vmem>>
    %dma_wait3A_1058 = tpu.memref_squeeze %dma_wait3A_1057 : memref<1x128xi32, #tpu.memory_space<vmem>> -> memref<128xi32, #tpu.memory_space<vmem>>
    %dma_wait3A_1059 = arith.constant 0 : i32
    %dma_wait3A_1060 = tpu.memref_slice %arg7[%dma_wait3A_1059] : memref<10240xf32, #tpu.memory_space<vmem_shared>> -> memref<10240xf32, #tpu.memory_space<vmem_shared>>
    tpu.wait_indirect_dma semaphore(%arg8 : memref<!tpu.dma_semaphore, #tpu.memory_space<semaphore_mem>>) src(%arg5 : memref<128xf32, #tpu.memory_space<vmem>>) dst(%dma_wait3A_1060 : memref<10240xf32, #tpu.memory_space<vmem_shared>>)
    %dma_wait3A_1061 = arith.constant 79 : i32
    %dma_wait3A_1062 = arith.constant 0 : i32
    %dma_wait3A_1063 = tpu.memref_slice %arg4[%dma_wait3A_1061, %dma_wait3A_1062] : memref<80x128xi32, #tpu.memory_space<vmem>> -> memref<1x128xi32, #tpu.memory_space<vmem>>
    %dma_wait3A_1064 = tpu.memref_squeeze %dma_wait3A_1063 : memref<1x128xi32, #tpu.memory_space<vmem>> -> memref<128xi32, #tpu.memory_space<vmem>>
    %dma_wait3A_1065 = arith.constant 0 : i32
    %dma_wait3A_1066 = tpu.memref_slice %arg7[%dma_wait3A_1065] : memref<10240xf32, #tpu.memory_space<vmem_shared>> -> memref<10240xf32, #tpu.memory_space<vmem_shared>>
    tpu.wait_indirect_dma semaphore(%arg8 : memref<!tpu.dma_semaphore, #tpu.memory_space<semaphore_mem>>) src(%arg5 : memref<128xf32, #tpu.memory_space<vmem>>) dst(%dma_wait3A_1066 : memref<10240xf32, #tpu.memory_space<vmem_shared>>)
    %barrier3A_1067 = arith.constant 0 : index
    tpu.barrier barrier_id(%barrier3A_1067)
    "tpu.region"() ({
      %run_scoped3A = tpu.sem_alloc : memref<!tpu.dma_semaphore, #tpu.memory_space<semaphore_mem>>
      %dma_start3A_1068 = tpu.memref_slice %arg3[%arg0, %mul3A_94] : memref<2x10240xf32, #tpu.memory_space<hbm>> -> memref<1x640xf32, #tpu.memory_space<hbm>>
      %dma_start3A_1069 = tpu.memref_squeeze %dma_start3A_1068 : memref<1x640xf32, #tpu.memory_space<hbm>> -> memref<640xf32, #tpu.memory_space<hbm>>
      %dma_start3A_1070 = tpu.memref_slice %arg7[%mul3A_94] : memref<10240xf32, #tpu.memory_space<vmem_shared>> -> memref<640xf32, #tpu.memory_space<vmem_shared>>
      tpu.enqueue_dma source(%dma_start3A_1070 : memref<640xf32, #tpu.memory_space<vmem_shared>>) target(%dma_start3A_1069 : memref<640xf32, #tpu.memory_space<hbm>>) target_semaphore(%run_scoped3A : memref<!tpu.dma_semaphore, #tpu.memory_space<semaphore_mem>>)
      %dma_wait3A_1071 = tpu.memref_slice %arg3[%arg0, %mul3A_94] : memref<2x10240xf32, #tpu.memory_space<hbm>> -> memref<1x640xf32, #tpu.memory_space<hbm>>
      %dma_wait3A_1072 = tpu.memref_squeeze %dma_wait3A_1071 : memref<1x640xf32, #tpu.memory_space<hbm>> -> memref<640xf32, #tpu.memory_space<hbm>>
      %dma_wait3A_1073 = tpu.memref_slice %arg7[%mul3A_94] : memref<10240xf32, #tpu.memory_space<vmem_shared>> -> memref<640xf32, #tpu.memory_space<vmem_shared>>
      tpu.wait_dma2 semaphore(%run_scoped3A : memref<!tpu.dma_semaphore, #tpu.memory_space<semaphore_mem>>) src(%dma_wait3A_1073 : memref<640xf32, #tpu.memory_space<vmem_shared>>) dst(%dma_wait3A_1072 : memref<640xf32, #tpu.memory_space<hbm>>)
      tpu.yield
    }) : () -> ()
    return
  }
}

#map = affine_map<(d0, d1) -> (0, 0)>
#map1 = affine_map<(d0, d1) -> (0, 0, 0)>
module attributes {stable_mosaic.version = 14 : i64} {
  func.func @_scatter_body(%arg0: i32, %arg1: i32, %arg2: memref<2560x128xi32, #tpu.memory_space<hbm>>, %arg3: memref<10240x128xf32, #tpu.memory_space<hbm>>, %arg4: memref<2x10240x128xf32, #tpu.memory_space<hbm>>, %arg5: memref<80x128xi32, #tpu.memory_space<vmem>>, %arg6: memref<128x128xf32, #tpu.memory_space<vmem>>, %arg7: memref<128x128xf32, #tpu.memory_space<vmem>>, %arg8: memref<128xi32, #tpu.memory_space<vmem>>, %arg9: memref<128xi32, #tpu.memory_space<vmem>>, %arg10: memref<128xi32, #tpu.memory_space<vmem>>, %arg11: memref<128xi32, #tpu.memory_space<vmem>>, %arg12: memref<10240x128xf32, #tpu.memory_space<vmem_shared>>, %arg13: memref<2x!tpu.dma_semaphore, #tpu.memory_space<semaphore_mem>>) attributes {dimension_semantics = [#tpu.dimension_semantics<core_parallel>, #tpu.dimension_semantics<subcore_parallel>], iteration_bounds = array<i64: 2, 16>, scalar_prefetch = 0 : i64, scratch_operands = 9 : i64, tpu.core_type = #tpu.core_type<sc_vector_subcore>, window_params = [{transform_indices = #map}, {transform_indices = #map}, {transform_indices = #map1}]} {
    %mul3A = arith.constant 640 : i32
    %mul3A_0 = arith.muli %arg1, %mul3A : i32
    "tpu.region"() ({
      %run_scoped3A = tpu.sem_alloc : memref<!tpu.dma_semaphore, #tpu.memory_space<semaphore_mem>>
      %dma_start3A_333 = arith.constant 0 : i32
      %dma_start3A_334 = tpu.memref_slice %arg12[%mul3A_0, %dma_start3A_333] : memref<10240x128xf32, #tpu.memory_space<vmem_shared>> -> memref<640x128xf32, #tpu.memory_space<vmem_shared>>
      %dma_start3A_335 = arith.constant 0 : i32
      %dma_start3A_336 = tpu.memref_slice %arg3[%mul3A_0, %dma_start3A_335] : memref<10240x128xf32, #tpu.memory_space<hbm>> -> memref<640x128xf32, #tpu.memory_space<hbm>>
      tpu.enqueue_dma source(%dma_start3A_336 : memref<640x128xf32, #tpu.memory_space<hbm>>) target(%dma_start3A_334 : memref<640x128xf32, #tpu.memory_space<vmem_shared>>) target_semaphore(%run_scoped3A : memref<!tpu.dma_semaphore, #tpu.memory_space<semaphore_mem>>)
      %dma_wait3A_337 = arith.constant 0 : i32
      %dma_wait3A_338 = tpu.memref_slice %arg12[%mul3A_0, %dma_wait3A_337] : memref<10240x128xf32, #tpu.memory_space<vmem_shared>> -> memref<640x128xf32, #tpu.memory_space<vmem_shared>>
      %dma_wait3A_339 = arith.constant 0 : i32
      %dma_wait3A_340 = tpu.memref_slice %arg3[%mul3A_0, %dma_wait3A_339] : memref<10240x128xf32, #tpu.memory_space<hbm>> -> memref<640x128xf32, #tpu.memory_space<hbm>>
      tpu.wait_dma2 semaphore(%run_scoped3A : memref<!tpu.dma_semaphore, #tpu.memory_space<semaphore_mem>>) src(%dma_wait3A_340 : memref<640x128xf32, #tpu.memory_space<hbm>>) dst(%dma_wait3A_338 : memref<640x128xf32, #tpu.memory_space<vmem_shared>>)
      tpu.yield
    }) : () -> ()
    %mul3A_1 = arith.constant 2 : i32
    %mul3A_2 = arith.muli %arg1, %mul3A_1 : i32
    %add3A = arith.addi %mul3A_2, %arg0 : i32
    %mul3A_3 = arith.constant 80 : i32
    %mul3A_4 = arith.muli %add3A, %mul3A_3 : i32
    "tpu.region"() ({
      %run_scoped3A = tpu.sem_alloc : memref<!tpu.dma_semaphore, #tpu.memory_space<semaphore_mem>>
      %dma_start3A_333 = arith.constant 0 : i32
      %dma_start3A_334 = tpu.memref_slice %arg2[%mul3A_4, %dma_start3A_333] : memref<2560x128xi32, #tpu.memory_space<hbm>> -> memref<80x128xi32, #tpu.memory_space<hbm>>
      %dma_start3A_335 = arith.constant 0 : i32
      %dma_start3A_336 = tpu.memref_slice %arg2[%mul3A_4, %dma_start3A_335] : memref<2560x128xi32, #tpu.memory_space<hbm>> -> memref<80x128xi32, #tpu.memory_space<hbm>>
      tpu.enqueue_dma source(%dma_start3A_336 : memref<80x128xi32, #tpu.memory_space<hbm>>) target(%arg5 : memref<80x128xi32, #tpu.memory_space<vmem>>) target_semaphore(%run_scoped3A : memref<!tpu.dma_semaphore, #tpu.memory_space<semaphore_mem>>)
      %dma_wait3A_337 = arith.constant 0 : i32
      %dma_wait3A_338 = tpu.memref_slice %arg2[%mul3A_4, %dma_wait3A_337] : memref<2560x128xi32, #tpu.memory_space<hbm>> -> memref<80x128xi32, #tpu.memory_space<hbm>>
      %dma_wait3A_339 = arith.constant 0 : i32
      %dma_wait3A_340 = tpu.memref_slice %arg2[%mul3A_4, %dma_wait3A_339] : memref<2560x128xi32, #tpu.memory_space<hbm>> -> memref<80x128xi32, #tpu.memory_space<hbm>>
      tpu.wait_dma2 semaphore(%run_scoped3A : memref<!tpu.dma_semaphore, #tpu.memory_space<semaphore_mem>>) src(%dma_wait3A_340 : memref<80x128xi32, #tpu.memory_space<hbm>>) dst(%arg5 : memref<80x128xi32, #tpu.memory_space<vmem>>)
      tpu.yield
    }) : () -> ()
    %barrier3A = arith.constant 0 : index
    tpu.barrier barrier_id(%barrier3A)
    %get3A = arith.constant 0 : i32
    %get3A_5 = arith.index_cast %get3A : i32 to index
    %get3A_6 = arith.constant 0 : index
    %get3A_7 = tpu.vector_load %arg5[%get3A_5, %get3A_6] {strides = array<i32>} : memref<80x128xi32, #tpu.memory_space<vmem>>, vector<1x16xi32>,
    %get3A_8 = vector.shape_cast %get3A_7 : vector<1x16xi32> to vector<16xi32>
    %and3A = arith.constant 65535 : i32
    %and3A_9 = vector.broadcast %and3A : i32 to vector<16xi32>
    %and3A_10 = arith.andi %get3A_8, %and3A_9 : vector<16xi32>
    %swap3A = arith.constant 0 : index
    %swap3A_11 = tpu.vector_load %arg8[%swap3A] {strides = array<i32>} : memref<128xi32, #tpu.memory_space<vmem>>, vector<16xi32>,
    %swap3A_12 = vector.shape_cast %swap3A_11 : vector<16xi32> to vector<16xi32>
    %swap3A_13 = vector.shape_cast %and3A_10 : vector<16xi32> to vector<16xi32>
    tpu.vector_store %arg8[%swap3A], %swap3A_13 {strides = array<i32>} : memref<128xi32, #tpu.memory_space<vmem>>, vector<16xi32>,
    %shift_right_logical3A = arith.constant 16 : i32
    %shift_right_logical3A_14 = vector.broadcast %shift_right_logical3A : i32 to vector<16xi32>
    %shift_right_logical3A_15 = arith.shrui %get3A_8, %shift_right_logical3A_14 : vector<16xi32>
    %swap3A_16 = arith.constant 0 : index
    %swap3A_17 = tpu.vector_load %arg10[%swap3A_16] {strides = array<i32>} : memref<128xi32, #tpu.memory_space<vmem>>, vector<16xi32>,
    %swap3A_18 = vector.shape_cast %swap3A_17 : vector<16xi32> to vector<16xi32>
    %swap3A_19 = vector.shape_cast %shift_right_logical3A_15 : vector<16xi32> to vector<16xi32>
    tpu.vector_store %arg10[%swap3A_16], %swap3A_19 {strides = array<i32>} : memref<128xi32, #tpu.memory_space<vmem>>, vector<16xi32>,
    %get3A_20 = arith.constant 0 : i32
    %get3A_21 = arith.index_cast %get3A_20 : i32 to index
    %get3A_22 = arith.constant 16 : index
    %get3A_23 = tpu.vector_load %arg5[%get3A_21, %get3A_22] {strides = array<i32>} : memref<80x128xi32, #tpu.memory_space<vmem>>, vector<1x16xi32>,
    %get3A_24 = vector.shape_cast %get3A_23 : vector<1x16xi32> to vector<16xi32>
    %and3A_25 = arith.constant 65535 : i32
    %and3A_26 = vector.broadcast %and3A_25 : i32 to vector<16xi32>
    %and3A_27 = arith.andi %get3A_24, %and3A_26 : vector<16xi32>
    %swap3A_28 = arith.constant 16 : index
    %swap3A_29 = tpu.vector_load %arg8[%swap3A_28] {strides = array<i32>} : memref<128xi32, #tpu.memory_space<vmem>>, vector<16xi32>,
    %swap3A_30 = vector.shape_cast %swap3A_29 : vector<16xi32> to vector<16xi32>
    %swap3A_31 = vector.shape_cast %and3A_27 : vector<16xi32> to vector<16xi32>
    tpu.vector_store %arg8[%swap3A_28], %swap3A_31 {strides = array<i32>} : memref<128xi32, #tpu.memory_space<vmem>>, vector<16xi32>,
    %shift_right_logical3A_32 = arith.constant 16 : i32
    %shift_right_logical3A_33 = vector.broadcast %shift_right_logical3A_32 : i32 to vector<16xi32>
    %shift_right_logical3A_34 = arith.shrui %get3A_24, %shift_right_logical3A_33 : vector<16xi32>
    %swap3A_35 = arith.constant 16 : index
    %swap3A_36 = tpu.vector_load %arg10[%swap3A_35] {strides = array<i32>} : memref<128xi32, #tpu.memory_space<vmem>>, vector<16xi32>,
    %swap3A_37 = vector.shape_cast %swap3A_36 : vector<16xi32> to vector<16xi32>
    %swap3A_38 = vector.shape_cast %shift_right_logical3A_34 : vector<16xi32> to vector<16xi32>
    tpu.vector_store %arg10[%swap3A_35], %swap3A_38 {strides = array<i32>} : memref<128xi32, #tpu.memory_space<vmem>>, vector<16xi32>,
    %get3A_39 = arith.constant 0 : i32
    %get3A_40 = arith.index_cast %get3A_39 : i32 to index
    %get3A_41 = arith.constant 32 : index
    %get3A_42 = tpu.vector_load %arg5[%get3A_40, %get3A_41] {strides = array<i32>} : memref<80x128xi32, #tpu.memory_space<vmem>>, vector<1x16xi32>,
    %get3A_43 = vector.shape_cast %get3A_42 : vector<1x16xi32> to vector<16xi32>
    %and3A_44 = arith.constant 65535 : i32
    %and3A_45 = vector.broadcast %and3A_44 : i32 to vector<16xi32>
    %and3A_46 = arith.andi %get3A_43, %and3A_45 : vector<16xi32>
    %swap3A_47 = arith.constant 32 : index
    %swap3A_48 = tpu.vector_load %arg8[%swap3A_47] {strides = array<i32>} : memref<128xi32, #tpu.memory_space<vmem>>, vector<16xi32>,
    %swap3A_49 = vector.shape_cast %swap3A_48 : vector<16xi32> to vector<16xi32>
    %swap3A_50 = vector.shape_cast %and3A_46 : vector<16xi32> to vector<16xi32>
    tpu.vector_store %arg8[%swap3A_47], %swap3A_50 {strides = array<i32>} : memref<128xi32, #tpu.memory_space<vmem>>, vector<16xi32>,
    %shift_right_logical3A_51 = arith.constant 16 : i32
    %shift_right_logical3A_52 = vector.broadcast %shift_right_logical3A_51 : i32 to vector<16xi32>
    %shift_right_logical3A_53 = arith.shrui %get3A_43, %shift_right_logical3A_52 : vector<16xi32>
    %swap3A_54 = arith.constant 32 : index
    %swap3A_55 = tpu.vector_load %arg10[%swap3A_54] {strides = array<i32>} : memref<128xi32, #tpu.memory_space<vmem>>, vector<16xi32>,
    %swap3A_56 = vector.shape_cast %swap3A_55 : vector<16xi32> to vector<16xi32>
    %swap3A_57 = vector.shape_cast %shift_right_logical3A_53 : vector<16xi32> to vector<16xi32>
    tpu.vector_store %arg10[%swap3A_54], %swap3A_57 {strides = array<i32>} : memref<128xi32, #tpu.memory_space<vmem>>, vector<16xi32>,
    %get3A_58 = arith.constant 0 : i32
    %get3A_59 = arith.index_cast %get3A_58 : i32 to index
    %get3A_60 = arith.constant 48 : index
    %get3A_61 = tpu.vector_load %arg5[%get3A_59, %get3A_60] {strides = array<i32>} : memref<80x128xi32, #tpu.memory_space<vmem>>, vector<1x16xi32>,
    %get3A_62 = vector.shape_cast %get3A_61 : vector<1x16xi32> to vector<16xi32>
    %and3A_63 = arith.constant 65535 : i32
    %and3A_64 = vector.broadcast %and3A_63 : i32 to vector<16xi32>
    %and3A_65 = arith.andi %get3A_62, %and3A_64 : vector<16xi32>
    %swap3A_66 = arith.constant 48 : index
    %swap3A_67 = tpu.vector_load %arg8[%swap3A_66] {strides = array<i32>} : memref<128xi32, #tpu.memory_space<vmem>>, vector<16xi32>,
    %swap3A_68 = vector.shape_cast %swap3A_67 : vector<16xi32> to vector<16xi32>
    %swap3A_69 = vector.shape_cast %and3A_65 : vector<16xi32> to vector<16xi32>
    tpu.vector_store %arg8[%swap3A_66], %swap3A_69 {strides = array<i32>} : memref<128xi32, #tpu.memory_space<vmem>>, vector<16xi32>,
    %shift_right_logical3A_70 = arith.constant 16 : i32
    %shift_right_logical3A_71 = vector.broadcast %shift_right_logical3A_70 : i32 to vector<16xi32>
    %shift_right_logical3A_72 = arith.shrui %get3A_62, %shift_right_logical3A_71 : vector<16xi32>
    %swap3A_73 = arith.constant 48 : index
    %swap3A_74 = tpu.vector_load %arg10[%swap3A_73] {strides = array<i32>} : memref<128xi32, #tpu.memory_space<vmem>>, vector<16xi32>,
    %swap3A_75 = vector.shape_cast %swap3A_74 : vector<16xi32> to vector<16xi32>
    %swap3A_76 = vector.shape_cast %shift_right_logical3A_72 : vector<16xi32> to vector<16xi32>
    tpu.vector_store %arg10[%swap3A_73], %swap3A_76 {strides = array<i32>} : memref<128xi32, #tpu.memory_space<vmem>>, vector<16xi32>,
    %get3A_77 = arith.constant 0 : i32
    %get3A_78 = arith.index_cast %get3A_77 : i32 to index
    %get3A_79 = arith.constant 64 : index
    %get3A_80 = tpu.vector_load %arg5[%get3A_78, %get3A_79] {strides = array<i32>} : memref<80x128xi32, #tpu.memory_space<vmem>>, vector<1x16xi32>,
    %get3A_81 = vector.shape_cast %get3A_80 : vector<1x16xi32> to vector<16xi32>
    %and3A_82 = arith.constant 65535 : i32
    %and3A_83 = vector.broadcast %and3A_82 : i32 to vector<16xi32>
    %and3A_84 = arith.andi %get3A_81, %and3A_83 : vector<16xi32>
    %swap3A_85 = arith.constant 64 : index
    %swap3A_86 = tpu.vector_load %arg8[%swap3A_85] {strides = array<i32>} : memref<128xi32, #tpu.memory_space<vmem>>, vector<16xi32>,
    %swap3A_87 = vector.shape_cast %swap3A_86 : vector<16xi32> to vector<16xi32>
    %swap3A_88 = vector.shape_cast %and3A_84 : vector<16xi32> to vector<16xi32>
    tpu.vector_store %arg8[%swap3A_85], %swap3A_88 {strides = array<i32>} : memref<128xi32, #tpu.memory_space<vmem>>, vector<16xi32>,
    %shift_right_logical3A_89 = arith.constant 16 : i32
    %shift_right_logical3A_90 = vector.broadcast %shift_right_logical3A_89 : i32 to vector<16xi32>
    %shift_right_logical3A_91 = arith.shrui %get3A_81, %shift_right_logical3A_90 : vector<16xi32>
    %swap3A_92 = arith.constant 64 : index
    %swap3A_93 = tpu.vector_load %arg10[%swap3A_92] {strides = array<i32>} : memref<128xi32, #tpu.memory_space<vmem>>, vector<16xi32>,
    %swap3A_94 = vector.shape_cast %swap3A_93 : vector<16xi32> to vector<16xi32>
    %swap3A_95 = vector.shape_cast %shift_right_logical3A_91 : vector<16xi32> to vector<16xi32>
    tpu.vector_store %arg10[%swap3A_92], %swap3A_95 {strides = array<i32>} : memref<128xi32, #tpu.memory_space<vmem>>, vector<16xi32>,
    %get3A_96 = arith.constant 0 : i32
    %get3A_97 = arith.index_cast %get3A_96 : i32 to index
    %get3A_98 = arith.constant 80 : index
    %get3A_99 = tpu.vector_load %arg5[%get3A_97, %get3A_98] {strides = array<i32>} : memref<80x128xi32, #tpu.memory_space<vmem>>, vector<1x16xi32>,
    %get3A_100 = vector.shape_cast %get3A_99 : vector<1x16xi32> to vector<16xi32>
    %and3A_101 = arith.constant 65535 : i32
    %and3A_102 = vector.broadcast %and3A_101 : i32 to vector<16xi32>
    %and3A_103 = arith.andi %get3A_100, %and3A_102 : vector<16xi32>
    %swap3A_104 = arith.constant 80 : index
    %swap3A_105 = tpu.vector_load %arg8[%swap3A_104] {strides = array<i32>} : memref<128xi32, #tpu.memory_space<vmem>>, vector<16xi32>,
    %swap3A_106 = vector.shape_cast %swap3A_105 : vector<16xi32> to vector<16xi32>
    %swap3A_107 = vector.shape_cast %and3A_103 : vector<16xi32> to vector<16xi32>
    tpu.vector_store %arg8[%swap3A_104], %swap3A_107 {strides = array<i32>} : memref<128xi32, #tpu.memory_space<vmem>>, vector<16xi32>,
    %shift_right_logical3A_108 = arith.constant 16 : i32
    %shift_right_logical3A_109 = vector.broadcast %shift_right_logical3A_108 : i32 to vector<16xi32>
    %shift_right_logical3A_110 = arith.shrui %get3A_100, %shift_right_logical3A_109 : vector<16xi32>
    %swap3A_111 = arith.constant 80 : index
    %swap3A_112 = tpu.vector_load %arg10[%swap3A_111] {strides = array<i32>} : memref<128xi32, #tpu.memory_space<vmem>>, vector<16xi32>,
    %swap3A_113 = vector.shape_cast %swap3A_112 : vector<16xi32> to vector<16xi32>
    %swap3A_114 = vector.shape_cast %shift_right_logical3A_110 : vector<16xi32> to vector<16xi32>
    tpu.vector_store %arg10[%swap3A_111], %swap3A_114 {strides = array<i32>} : memref<128xi32, #tpu.memory_space<vmem>>, vector<16xi32>,
    %get3A_115 = arith.constant 0 : i32
    %get3A_116 = arith.index_cast %get3A_115 : i32 to index
    %get3A_117 = arith.constant 96 : index
    %get3A_118 = tpu.vector_load %arg5[%get3A_116, %get3A_117] {strides = array<i32>} : memref<80x128xi32, #tpu.memory_space<vmem>>, vector<1x16xi32>,
    %get3A_119 = vector.shape_cast %get3A_118 : vector<1x16xi32> to vector<16xi32>
    %and3A_120 = arith.constant 65535 : i32
    %and3A_121 = vector.broadcast %and3A_120 : i32 to vector<16xi32>
    %and3A_122 = arith.andi %get3A_119, %and3A_121 : vector<16xi32>
    %swap3A_123 = arith.constant 96 : index
    %swap3A_124 = tpu.vector_load %arg8[%swap3A_123] {strides = array<i32>} : memref<128xi32, #tpu.memory_space<vmem>>, vector<16xi32>,
    %swap3A_125 = vector.shape_cast %swap3A_124 : vector<16xi32> to vector<16xi32>
    %swap3A_126 = vector.shape_cast %and3A_122 : vector<16xi32> to vector<16xi32>
    tpu.vector_store %arg8[%swap3A_123], %swap3A_126 {strides = array<i32>} : memref<128xi32, #tpu.memory_space<vmem>>, vector<16xi32>,
    %shift_right_logical3A_127 = arith.constant 16 : i32
    %shift_right_logical3A_128 = vector.broadcast %shift_right_logical3A_127 : i32 to vector<16xi32>
    %shift_right_logical3A_129 = arith.shrui %get3A_119, %shift_right_logical3A_128 : vector<16xi32>
    %swap3A_130 = arith.constant 96 : index
    %swap3A_131 = tpu.vector_load %arg10[%swap3A_130] {strides = array<i32>} : memref<128xi32, #tpu.memory_space<vmem>>, vector<16xi32>,
    %swap3A_132 = vector.shape_cast %swap3A_131 : vector<16xi32> to vector<16xi32>
    %swap3A_133 = vector.shape_cast %shift_right_logical3A_129 : vector<16xi32> to vector<16xi32>
    tpu.vector_store %arg10[%swap3A_130], %swap3A_133 {strides = array<i32>} : memref<128xi32, #tpu.memory_space<vmem>>, vector<16xi32>,
    %get3A_134 = arith.constant 0 : i32
    %get3A_135 = arith.index_cast %get3A_134 : i32 to index
    %get3A_136 = arith.constant 112 : index
    %get3A_137 = tpu.vector_load %arg5[%get3A_135, %get3A_136] {strides = array<i32>} : memref<80x128xi32, #tpu.memory_space<vmem>>, vector<1x16xi32>,
    %get3A_138 = vector.shape_cast %get3A_137 : vector<1x16xi32> to vector<16xi32>
    %and3A_139 = arith.constant 65535 : i32
    %and3A_140 = vector.broadcast %and3A_139 : i32 to vector<16xi32>
    %and3A_141 = arith.andi %get3A_138, %and3A_140 : vector<16xi32>
    %swap3A_142 = arith.constant 112 : index
    %swap3A_143 = tpu.vector_load %arg8[%swap3A_142] {strides = array<i32>} : memref<128xi32, #tpu.memory_space<vmem>>, vector<16xi32>,
    %swap3A_144 = vector.shape_cast %swap3A_143 : vector<16xi32> to vector<16xi32>
    %swap3A_145 = vector.shape_cast %and3A_141 : vector<16xi32> to vector<16xi32>
    tpu.vector_store %arg8[%swap3A_142], %swap3A_145 {strides = array<i32>} : memref<128xi32, #tpu.memory_space<vmem>>, vector<16xi32>,
    %shift_right_logical3A_146 = arith.constant 16 : i32
    %shift_right_logical3A_147 = vector.broadcast %shift_right_logical3A_146 : i32 to vector<16xi32>
    %shift_right_logical3A_148 = arith.shrui %get3A_138, %shift_right_logical3A_147 : vector<16xi32>
    %swap3A_149 = arith.constant 112 : index
    %swap3A_150 = tpu.vector_load %arg10[%swap3A_149] {strides = array<i32>} : memref<128xi32, #tpu.memory_space<vmem>>, vector<16xi32>,
    %swap3A_151 = vector.shape_cast %swap3A_150 : vector<16xi32> to vector<16xi32>
    %swap3A_152 = vector.shape_cast %shift_right_logical3A_148 : vector<16xi32> to vector<16xi32>
    tpu.vector_store %arg10[%swap3A_149], %swap3A_152 {strides = array<i32>} : memref<128xi32, #tpu.memory_space<vmem>>, vector<16xi32>,
    %dma_start3A = arith.constant 0 : i32
    %dma_start3A_153 = arith.constant 0 : i32
    %dma_start3A_154 = arith.constant 0 : i32
    %dma_start3A_155 = tpu.memref_slice %arg3[%dma_start3A_153, %dma_start3A_154] : memref<10240x128xf32, #tpu.memory_space<hbm>> -> memref<10240x128xf32, #tpu.memory_space<hbm>>
    %dma_start3A_156 = tpu.memref_slice %arg13[%dma_start3A] : memref<2x!tpu.dma_semaphore, #tpu.memory_space<semaphore_mem>> -> memref<1x!tpu.dma_semaphore, #tpu.memory_space<semaphore_mem>>
    %dma_start3A_157 = tpu.memref_squeeze %dma_start3A_156 : memref<1x!tpu.dma_semaphore, #tpu.memory_space<semaphore_mem>> -> memref<!tpu.dma_semaphore, #tpu.memory_space<semaphore_mem>>
    tpu.enqueue_indirect_dma source(%dma_start3A_155 : memref<10240x128xf32, #tpu.memory_space<hbm>>) target(%arg6 : memref<128x128xf32, #tpu.memory_space<vmem>>) offsets(%arg8 : memref<128xi32, #tpu.memory_space<vmem>>) semaphore(%dma_start3A_157 : memref<!tpu.dma_semaphore, #tpu.memory_space<semaphore_mem>>)
    %get3A_158 = arith.constant 1 : i32
    %get3A_159 = arith.index_cast %get3A_158 : i32 to index
    %get3A_160 = arith.constant 0 : index
    %get3A_161 = tpu.vector_load %arg5[%get3A_159, %get3A_160] {strides = array<i32>} : memref<80x128xi32, #tpu.memory_space<vmem>>, vector<1x16xi32>,
    %get3A_162 = vector.shape_cast %get3A_161 : vector<1x16xi32> to vector<16xi32>
    %and3A_163 = arith.constant 65535 : i32
    %and3A_164 = vector.broadcast %and3A_163 : i32 to vector<16xi32>
    %and3A_165 = arith.andi %get3A_162, %and3A_164 : vector<16xi32>
    %swap3A_166 = arith.constant 0 : index
    %swap3A_167 = tpu.vector_load %arg9[%swap3A_166] {strides = array<i32>} : memref<128xi32, #tpu.memory_space<vmem>>, vector<16xi32>,
    %swap3A_168 = vector.shape_cast %swap3A_167 : vector<16xi32> to vector<16xi32>
    %swap3A_169 = vector.shape_cast %and3A_165 : vector<16xi32> to vector<16xi32>
    tpu.vector_store %arg9[%swap3A_166], %swap3A_169 {strides = array<i32>} : memref<128xi32, #tpu.memory_space<vmem>>, vector<16xi32>,
    %shift_right_logical3A_170 = arith.constant 16 : i32
    %shift_right_logical3A_171 = vector.broadcast %shift_right_logical3A_170 : i32 to vector<16xi32>
    %shift_right_logical3A_172 = arith.shrui %get3A_162, %shift_right_logical3A_171 : vector<16xi32>
    %swap3A_173 = arith.constant 0 : index
    %swap3A_174 = tpu.vector_load %arg11[%swap3A_173] {strides = array<i32>} : memref<128xi32, #tpu.memory_space<vmem>>, vector<16xi32>,
    %swap3A_175 = vector.shape_cast %swap3A_174 : vector<16xi32> to vector<16xi32>
    %swap3A_176 = vector.shape_cast %shift_right_logical3A_172 : vector<16xi32> to vector<16xi32>
    tpu.vector_store %arg11[%swap3A_173], %swap3A_176 {strides = array<i32>} : memref<128xi32, #tpu.memory_space<vmem>>, vector<16xi32>,
    %get3A_177 = arith.constant 1 : i32
    %get3A_178 = arith.index_cast %get3A_177 : i32 to index
    %get3A_179 = arith.constant 16 : index
    %get3A_180 = tpu.vector_load %arg5[%get3A_178, %get3A_179] {strides = array<i32>} : memref<80x128xi32, #tpu.memory_space<vmem>>, vector<1x16xi32>,
    %get3A_181 = vector.shape_cast %get3A_180 : vector<1x16xi32> to vector<16xi32>
    %and3A_182 = arith.constant 65535 : i32
    %and3A_183 = vector.broadcast %and3A_182 : i32 to vector<16xi32>
    %and3A_184 = arith.andi %get3A_181, %and3A_183 : vector<16xi32>
    %swap3A_185 = arith.constant 16 : index
    %swap3A_186 = tpu.vector_load %arg9[%swap3A_185] {strides = array<i32>} : memref<128xi32, #tpu.memory_space<vmem>>, vector<16xi32>,
    %swap3A_187 = vector.shape_cast %swap3A_186 : vector<16xi32> to vector<16xi32>
    %swap3A_188 = vector.shape_cast %and3A_184 : vector<16xi32> to vector<16xi32>
    tpu.vector_store %arg9[%swap3A_185], %swap3A_188 {strides = array<i32>} : memref<128xi32, #tpu.memory_space<vmem>>, vector<16xi32>,
    %shift_right_logical3A_189 = arith.constant 16 : i32
    %shift_right_logical3A_190 = vector.broadcast %shift_right_logical3A_189 : i32 to vector<16xi32>
    %shift_right_logical3A_191 = arith.shrui %get3A_181, %shift_right_logical3A_190 : vector<16xi32>
    %swap3A_192 = arith.constant 16 : index
    %swap3A_193 = tpu.vector_load %arg11[%swap3A_192] {strides = array<i32>} : memref<128xi32, #tpu.memory_space<vmem>>, vector<16xi32>,
    %swap3A_194 = vector.shape_cast %swap3A_193 : vector<16xi32> to vector<16xi32>
    %swap3A_195 = vector.shape_cast %shift_right_logical3A_191 : vector<16xi32> to vector<16xi32>
    tpu.vector_store %arg11[%swap3A_192], %swap3A_195 {strides = array<i32>} : memref<128xi32, #tpu.memory_space<vmem>>, vector<16xi32>,
    %get3A_196 = arith.constant 1 : i32
    %get3A_197 = arith.index_cast %get3A_196 : i32 to index
    %get3A_198 = arith.constant 32 : index
    %get3A_199 = tpu.vector_load %arg5[%get3A_197, %get3A_198] {strides = array<i32>} : memref<80x128xi32, #tpu.memory_space<vmem>>, vector<1x16xi32>,
    %get3A_200 = vector.shape_cast %get3A_199 : vector<1x16xi32> to vector<16xi32>
    %and3A_201 = arith.constant 65535 : i32
    %and3A_202 = vector.broadcast %and3A_201 : i32 to vector<16xi32>
    %and3A_203 = arith.andi %get3A_200, %and3A_202 : vector<16xi32>
    %swap3A_204 = arith.constant 32 : index
    %swap3A_205 = tpu.vector_load %arg9[%swap3A_204] {strides = array<i32>} : memref<128xi32, #tpu.memory_space<vmem>>, vector<16xi32>,
    %swap3A_206 = vector.shape_cast %swap3A_205 : vector<16xi32> to vector<16xi32>
    %swap3A_207 = vector.shape_cast %and3A_203 : vector<16xi32> to vector<16xi32>
    tpu.vector_store %arg9[%swap3A_204], %swap3A_207 {strides = array<i32>} : memref<128xi32, #tpu.memory_space<vmem>>, vector<16xi32>,
    %shift_right_logical3A_208 = arith.constant 16 : i32
    %shift_right_logical3A_209 = vector.broadcast %shift_right_logical3A_208 : i32 to vector<16xi32>
    %shift_right_logical3A_210 = arith.shrui %get3A_200, %shift_right_logical3A_209 : vector<16xi32>
    %swap3A_211 = arith.constant 32 : index
    %swap3A_212 = tpu.vector_load %arg11[%swap3A_211] {strides = array<i32>} : memref<128xi32, #tpu.memory_space<vmem>>, vector<16xi32>,
    %swap3A_213 = vector.shape_cast %swap3A_212 : vector<16xi32> to vector<16xi32>
    %swap3A_214 = vector.shape_cast %shift_right_logical3A_210 : vector<16xi32> to vector<16xi32>
    tpu.vector_store %arg11[%swap3A_211], %swap3A_214 {strides = array<i32>} : memref<128xi32, #tpu.memory_space<vmem>>, vector<16xi32>,
    %get3A_215 = arith.constant 1 : i32
    %get3A_216 = arith.index_cast %get3A_215 : i32 to index
    %get3A_217 = arith.constant 48 : index
    %get3A_218 = tpu.vector_load %arg5[%get3A_216, %get3A_217] {strides = array<i32>} : memref<80x128xi32, #tpu.memory_space<vmem>>, vector<1x16xi32>,
    %get3A_219 = vector.shape_cast %get3A_218 : vector<1x16xi32> to vector<16xi32>
    %and3A_220 = arith.constant 65535 : i32
    %and3A_221 = vector.broadcast %and3A_220 : i32 to vector<16xi32>
    %and3A_222 = arith.andi %get3A_219, %and3A_221 : vector<16xi32>
    %swap3A_223 = arith.constant 48 : index
    %swap3A_224 = tpu.vector_load %arg9[%swap3A_223] {strides = array<i32>} : memref<128xi32, #tpu.memory_space<vmem>>, vector<16xi32>,
    %swap3A_225 = vector.shape_cast %swap3A_224 : vector<16xi32> to vector<16xi32>
    %swap3A_226 = vector.shape_cast %and3A_222 : vector<16xi32> to vector<16xi32>
    tpu.vector_store %arg9[%swap3A_223], %swap3A_226 {strides = array<i32>} : memref<128xi32, #tpu.memory_space<vmem>>, vector<16xi32>,
    %shift_right_logical3A_227 = arith.constant 16 : i32
    %shift_right_logical3A_228 = vector.broadcast %shift_right_logical3A_227 : i32 to vector<16xi32>
    %shift_right_logical3A_229 = arith.shrui %get3A_219, %shift_right_logical3A_228 : vector<16xi32>
    %swap3A_230 = arith.constant 48 : index
    %swap3A_231 = tpu.vector_load %arg11[%swap3A_230] {strides = array<i32>} : memref<128xi32, #tpu.memory_space<vmem>>, vector<16xi32>,
    %swap3A_232 = vector.shape_cast %swap3A_231 : vector<16xi32> to vector<16xi32>
    %swap3A_233 = vector.shape_cast %shift_right_logical3A_229 : vector<16xi32> to vector<16xi32>
    tpu.vector_store %arg11[%swap3A_230], %swap3A_233 {strides = array<i32>} : memref<128xi32, #tpu.memory_space<vmem>>, vector<16xi32>,
    %get3A_234 = arith.constant 1 : i32
    %get3A_235 = arith.index_cast %get3A_234 : i32 to index
    %get3A_236 = arith.constant 64 : index
    %get3A_237 = tpu.vector_load %arg5[%get3A_235, %get3A_236] {strides = array<i32>} : memref<80x128xi32, #tpu.memory_space<vmem>>, vector<1x16xi32>,
    %get3A_238 = vector.shape_cast %get3A_237 : vector<1x16xi32> to vector<16xi32>
    %and3A_239 = arith.constant 65535 : i32
    %and3A_240 = vector.broadcast %and3A_239 : i32 to vector<16xi32>
    %and3A_241 = arith.andi %get3A_238, %and3A_240 : vector<16xi32>
    %swap3A_242 = arith.constant 64 : index
    %swap3A_243 = tpu.vector_load %arg9[%swap3A_242] {strides = array<i32>} : memref<128xi32, #tpu.memory_space<vmem>>, vector<16xi32>,
    %swap3A_244 = vector.shape_cast %swap3A_243 : vector<16xi32> to vector<16xi32>
    %swap3A_245 = vector.shape_cast %and3A_241 : vector<16xi32> to vector<16xi32>
    tpu.vector_store %arg9[%swap3A_242], %swap3A_245 {strides = array<i32>} : memref<128xi32, #tpu.memory_space<vmem>>, vector<16xi32>,
    %shift_right_logical3A_246 = arith.constant 16 : i32
    %shift_right_logical3A_247 = vector.broadcast %shift_right_logical3A_246 : i32 to vector<16xi32>
    %shift_right_logical3A_248 = arith.shrui %get3A_238, %shift_right_logical3A_247 : vector<16xi32>
    %swap3A_249 = arith.constant 64 : index
    %swap3A_250 = tpu.vector_load %arg11[%swap3A_249] {strides = array<i32>} : memref<128xi32, #tpu.memory_space<vmem>>, vector<16xi32>,
    %swap3A_251 = vector.shape_cast %swap3A_250 : vector<16xi32> to vector<16xi32>
    %swap3A_252 = vector.shape_cast %shift_right_logical3A_248 : vector<16xi32> to vector<16xi32>
    tpu.vector_store %arg11[%swap3A_249], %swap3A_252 {strides = array<i32>} : memref<128xi32, #tpu.memory_space<vmem>>, vector<16xi32>,
    %get3A_253 = arith.constant 1 : i32
    %get3A_254 = arith.index_cast %get3A_253 : i32 to index
    %get3A_255 = arith.constant 80 : index
    %get3A_256 = tpu.vector_load %arg5[%get3A_254, %get3A_255] {strides = array<i32>} : memref<80x128xi32, #tpu.memory_space<vmem>>, vector<1x16xi32>,
    %get3A_257 = vector.shape_cast %get3A_256 : vector<1x16xi32> to vector<16xi32>
    %and3A_258 = arith.constant 65535 : i32
    %and3A_259 = vector.broadcast %and3A_258 : i32 to vector<16xi32>
    %and3A_260 = arith.andi %get3A_257, %and3A_259 : vector<16xi32>
    %swap3A_261 = arith.constant 80 : index
    %swap3A_262 = tpu.vector_load %arg9[%swap3A_261] {strides = array<i32>} : memref<128xi32, #tpu.memory_space<vmem>>, vector<16xi32>,
    %swap3A_263 = vector.shape_cast %swap3A_262 : vector<16xi32> to vector<16xi32>
    %swap3A_264 = vector.shape_cast %and3A_260 : vector<16xi32> to vector<16xi32>
    tpu.vector_store %arg9[%swap3A_261], %swap3A_264 {strides = array<i32>} : memref<128xi32, #tpu.memory_space<vmem>>, vector<16xi32>,
    %shift_right_logical3A_265 = arith.constant 16 : i32
    %shift_right_logical3A_266 = vector.broadcast %shift_right_logical3A_265 : i32 to vector<16xi32>
    %shift_right_logical3A_267 = arith.shrui %get3A_257, %shift_right_logical3A_266 : vector<16xi32>
    %swap3A_268 = arith.constant 80 : index
    %swap3A_269 = tpu.vector_load %arg11[%swap3A_268] {strides = array<i32>} : memref<128xi32, #tpu.memory_space<vmem>>, vector<16xi32>,
    %swap3A_270 = vector.shape_cast %swap3A_269 : vector<16xi32> to vector<16xi32>
    %swap3A_271 = vector.shape_cast %shift_right_logical3A_267 : vector<16xi32> to vector<16xi32>
    tpu.vector_store %arg11[%swap3A_268], %swap3A_271 {strides = array<i32>} : memref<128xi32, #tpu.memory_space<vmem>>, vector<16xi32>,
    %get3A_272 = arith.constant 1 : i32
    %get3A_273 = arith.index_cast %get3A_272 : i32 to index
    %get3A_274 = arith.constant 96 : index
    %get3A_275 = tpu.vector_load %arg5[%get3A_273, %get3A_274] {strides = array<i32>} : memref<80x128xi32, #tpu.memory_space<vmem>>, vector<1x16xi32>,
    %get3A_276 = vector.shape_cast %get3A_275 : vector<1x16xi32> to vector<16xi32>
    %and3A_277 = arith.constant 65535 : i32
    %and3A_278 = vector.broadcast %and3A_277 : i32 to vector<16xi32>
    %and3A_279 = arith.andi %get3A_276, %and3A_278 : vector<16xi32>
    %swap3A_280 = arith.constant 96 : index
    %swap3A_281 = tpu.vector_load %arg9[%swap3A_280] {strides = array<i32>} : memref<128xi32, #tpu.memory_space<vmem>>, vector<16xi32>,
    %swap3A_282 = vector.shape_cast %swap3A_281 : vector<16xi32> to vector<16xi32>
    %swap3A_283 = vector.shape_cast %and3A_279 : vector<16xi32> to vector<16xi32>
    tpu.vector_store %arg9[%swap3A_280], %swap3A_283 {strides = array<i32>} : memref<128xi32, #tpu.memory_space<vmem>>, vector<16xi32>,
    %shift_right_logical3A_284 = arith.constant 16 : i32
    %shift_right_logical3A_285 = vector.broadcast %shift_right_logical3A_284 : i32 to vector<16xi32>
    %shift_right_logical3A_286 = arith.shrui %get3A_276, %shift_right_logical3A_285 : vector<16xi32>
    %swap3A_287 = arith.constant 96 : index
    %swap3A_288 = tpu.vector_load %arg11[%swap3A_287] {strides = array<i32>} : memref<128xi32, #tpu.memory_space<vmem>>, vector<16xi32>,
    %swap3A_289 = vector.shape_cast %swap3A_288 : vector<16xi32> to vector<16xi32>
    %swap3A_290 = vector.shape_cast %shift_right_logical3A_286 : vector<16xi32> to vector<16xi32>
    tpu.vector_store %arg11[%swap3A_287], %swap3A_290 {strides = array<i32>} : memref<128xi32, #tpu.memory_space<vmem>>, vector<16xi32>,
    %get3A_291 = arith.constant 1 : i32
    %get3A_292 = arith.index_cast %get3A_291 : i32 to index
    %get3A_293 = arith.constant 112 : index
    %get3A_294 = tpu.vector_load %arg5[%get3A_292, %get3A_293] {strides = array<i32>} : memref<80x128xi32, #tpu.memory_space<vmem>>, vector<1x16xi32>,
    %get3A_295 = vector.shape_cast %get3A_294 : vector<1x16xi32> to vector<16xi32>
    %and3A_296 = arith.constant 65535 : i32
    %and3A_297 = vector.broadcast %and3A_296 : i32 to vector<16xi32>
    %and3A_298 = arith.andi %get3A_295, %and3A_297 : vector<16xi32>
    %swap3A_299 = arith.constant 112 : index
    %swap3A_300 = tpu.vector_load %arg9[%swap3A_299] {strides = array<i32>} : memref<128xi32, #tpu.memory_space<vmem>>, vector<16xi32>,
    %swap3A_301 = vector.shape_cast %swap3A_300 : vector<16xi32> to vector<16xi32>
    %swap3A_302 = vector.shape_cast %and3A_298 : vector<16xi32> to vector<16xi32>
    tpu.vector_store %arg9[%swap3A_299], %swap3A_302 {strides = array<i32>} : memref<128xi32, #tpu.memory_space<vmem>>, vector<16xi32>,
    %shift_right_logical3A_303 = arith.constant 16 : i32
    %shift_right_logical3A_304 = vector.broadcast %shift_right_logical3A_303 : i32 to vector<16xi32>
    %shift_right_logical3A_305 = arith.shrui %get3A_295, %shift_right_logical3A_304 : vector<16xi32>
    %swap3A_306 = arith.constant 112 : index
    %swap3A_307 = tpu.vector_load %arg11[%swap3A_306] {strides = array<i32>} : memref<128xi32, #tpu.memory_space<vmem>>, vector<16xi32>,
    %swap3A_308 = vector.shape_cast %swap3A_307 : vector<16xi32> to vector<16xi32>
    %swap3A_309 = vector.shape_cast %shift_right_logical3A_305 : vector<16xi32> to vector<16xi32>
    tpu.vector_store %arg11[%swap3A_306], %swap3A_309 {strides = array<i32>} : memref<128xi32, #tpu.memory_space<vmem>>, vector<16xi32>,
    %dma_start3A_310 = arith.constant 1 : i32
    %dma_start3A_311 = arith.constant 0 : i32
    %dma_start3A_312 = arith.constant 0 : i32
    %dma_start3A_313 = tpu.memref_slice %arg3[%dma_start3A_311, %dma_start3A_312] : memref<10240x128xf32, #tpu.memory_space<hbm>> -> memref<10240x128xf32, #tpu.memory_space<hbm>>
    %dma_start3A_314 = tpu.memref_slice %arg13[%dma_start3A_310] : memref<2x!tpu.dma_semaphore, #tpu.memory_space<semaphore_mem>> -> memref<1x!tpu.dma_semaphore, #tpu.memory_space<semaphore_mem>>
    %dma_start3A_315 = tpu.memref_squeeze %dma_start3A_314 : memref<1x!tpu.dma_semaphore, #tpu.memory_space<semaphore_mem>> -> memref<!tpu.dma_semaphore, #tpu.memory_space<semaphore_mem>>
    tpu.enqueue_indirect_dma source(%dma_start3A_313 : memref<10240x128xf32, #tpu.memory_space<hbm>>) target(%arg7 : memref<128x128xf32, #tpu.memory_space<vmem>>) offsets(%arg9 : memref<128xi32, #tpu.memory_space<vmem>>) semaphore(%dma_start3A_315 : memref<!tpu.dma_semaphore, #tpu.memory_space<semaphore_mem>>)
    %scan3A = arith.constant 0 : i32
    %scan3A_316 = arith.constant 0 : i32
    %scan3A_317 = arith.constant 40 : i32
    %scan3A_318 = arith.addi %scan3A_316, %scan3A_317 : i32
    %scan3A_319 = arith.constant 1 : i32
    scf.for %scan3A_333 = %scan3A_316 to %scan3A_318 step %scan3A_319  : i32 {
      %mul3A_334 = arith.constant 2 : i32
      %mul3A_335 = arith.muli %scan3A_333, %mul3A_334 : i32
      %add3A_336 = arith.constant 0 : i32
      %add3A_337 = arith.addi %mul3A_335, %add3A_336 : i32
      %dma_wait3A_338 = arith.constant 0 : i32
      %dma_wait3A_339 = arith.constant 0 : i32
      %dma_wait3A_340 = arith.constant 0 : i32
      %dma_wait3A_341 = tpu.memref_slice %arg3[%dma_wait3A_339, %dma_wait3A_340] : memref<10240x128xf32, #tpu.memory_space<hbm>> -> memref<10240x128xf32, #tpu.memory_space<hbm>>
      %dma_wait3A_342 = tpu.memref_slice %arg13[%dma_wait3A_338] : memref<2x!tpu.dma_semaphore, #tpu.memory_space<semaphore_mem>> -> memref<1x!tpu.dma_semaphore, #tpu.memory_space<semaphore_mem>>
      %dma_wait3A_343 = tpu.memref_squeeze %dma_wait3A_342 : memref<1x!tpu.dma_semaphore, #tpu.memory_space<semaphore_mem>> -> memref<!tpu.dma_semaphore, #tpu.memory_space<semaphore_mem>>
      tpu.wait_indirect_dma semaphore(%dma_wait3A_343 : memref<!tpu.dma_semaphore, #tpu.memory_space<semaphore_mem>>) src(%dma_wait3A_341 : memref<10240x128xf32, #tpu.memory_space<hbm>>) dst(%arg6 : memref<128x128xf32, #tpu.memory_space<vmem>>)
      "tpu.region"() ({
        %run_scoped3A = tpu.sem_alloc : memref<!tpu.dma_semaphore, #tpu.memory_space<semaphore_mem>>
        %dma_start3A_661 = arith.constant 0 : i32
        %dma_start3A_662 = arith.constant 0 : i32
        %dma_start3A_663 = tpu.memref_slice %arg12[%dma_start3A_661, %dma_start3A_662] : memref<10240x128xf32, #tpu.memory_space<vmem_shared>> -> memref<10240x128xf32, #tpu.memory_space<vmem_shared>>
        tpu.enqueue_indirect_dma source(%arg6 : memref<128x128xf32, #tpu.memory_space<vmem>>) target(%dma_start3A_663 : memref<10240x128xf32, #tpu.memory_space<vmem_shared>>) offsets(%arg10 : memref<128xi32, #tpu.memory_space<vmem>>) semaphore(%run_scoped3A : memref<!tpu.dma_semaphore, #tpu.memory_space<semaphore_mem>>) {add = true}
        %dma_wait3A_664 = arith.constant 0 : i32
        %dma_wait3A_665 = arith.constant 0 : i32
        %dma_wait3A_666 = tpu.memref_slice %arg12[%dma_wait3A_664, %dma_wait3A_665] : memref<10240x128xf32, #tpu.memory_space<vmem_shared>> -> memref<10240x128xf32, #tpu.memory_space<vmem_shared>>
        tpu.wait_indirect_dma semaphore(%run_scoped3A : memref<!tpu.dma_semaphore, #tpu.memory_space<semaphore_mem>>) src(%arg6 : memref<128x128xf32, #tpu.memory_space<vmem>>) dst(%dma_wait3A_666 : memref<10240x128xf32, #tpu.memory_space<vmem_shared>>)
        tpu.yield
      }) : () -> ()
      %add3A_344 = arith.constant 2 : i32
      %add3A_345 = arith.addi %add3A_337, %add3A_344 : i32
      %min3A = arith.constant 79 : i32
      %min3A_346 = arith.minsi %add3A_345, %min3A : i32
      %get3A_347 = arith.index_cast %min3A_346 : i32 to index
      %get3A_348 = arith.constant 0 : index
      %get3A_349 = tpu.vector_load %arg5[%get3A_347, %get3A_348] {strides = array<i32>} : memref<80x128xi32, #tpu.memory_space<vmem>>, vector<1x16xi32>,
      %get3A_350 = vector.shape_cast %get3A_349 : vector<1x16xi32> to vector<16xi32>
      %and3A_351 = arith.constant 65535 : i32
      %and3A_352 = vector.broadcast %and3A_351 : i32 to vector<16xi32>
      %and3A_353 = arith.andi %get3A_350, %and3A_352 : vector<16xi32>
      %swap3A_354 = arith.constant 0 : index
      %swap3A_355 = tpu.vector_load %arg8[%swap3A_354] {strides = array<i32>} : memref<128xi32, #tpu.memory_space<vmem>>, vector<16xi32>,
      %swap3A_356 = vector.shape_cast %swap3A_355 : vector<16xi32> to vector<16xi32>
      %swap3A_357 = vector.shape_cast %and3A_353 : vector<16xi32> to vector<16xi32>
      tpu.vector_store %arg8[%swap3A_354], %swap3A_357 {strides = array<i32>} : memref<128xi32, #tpu.memory_space<vmem>>, vector<16xi32>,
      %shift_right_logical3A_358 = arith.constant 16 : i32
      %shift_right_logical3A_359 = vector.broadcast %shift_right_logical3A_358 : i32 to vector<16xi32>
      %shift_right_logical3A_360 = arith.shrui %get3A_350, %shift_right_logical3A_359 : vector<16xi32>
      %swap3A_361 = arith.constant 0 : index
      %swap3A_362 = tpu.vector_load %arg10[%swap3A_361] {strides = array<i32>} : memref<128xi32, #tpu.memory_space<vmem>>, vector<16xi32>,
      %swap3A_363 = vector.shape_cast %swap3A_362 : vector<16xi32> to vector<16xi32>
      %swap3A_364 = vector.shape_cast %shift_right_logical3A_360 : vector<16xi32> to vector<16xi32>
      tpu.vector_store %arg10[%swap3A_361], %swap3A_364 {strides = array<i32>} : memref<128xi32, #tpu.memory_space<vmem>>, vector<16xi32>,
      %get3A_365 = arith.index_cast %min3A_346 : i32 to index
      %get3A_366 = arith.constant 16 : index
      %get3A_367 = tpu.vector_load %arg5[%get3A_365, %get3A_366] {strides = array<i32>} : memref<80x128xi32, #tpu.memory_space<vmem>>, vector<1x16xi32>,
      %get3A_368 = vector.shape_cast %get3A_367 : vector<1x16xi32> to vector<16xi32>
      %and3A_369 = arith.constant 65535 : i32
      %and3A_370 = vector.broadcast %and3A_369 : i32 to vector<16xi32>
      %and3A_371 = arith.andi %get3A_368, %and3A_370 : vector<16xi32>
      %swap3A_372 = arith.constant 16 : index
      %swap3A_373 = tpu.vector_load %arg8[%swap3A_372] {strides = array<i32>} : memref<128xi32, #tpu.memory_space<vmem>>, vector<16xi32>,
      %swap3A_374 = vector.shape_cast %swap3A_373 : vector<16xi32> to vector<16xi32>
      %swap3A_375 = vector.shape_cast %and3A_371 : vector<16xi32> to vector<16xi32>
      tpu.vector_store %arg8[%swap3A_372], %swap3A_375 {strides = array<i32>} : memref<128xi32, #tpu.memory_space<vmem>>, vector<16xi32>,
      %shift_right_logical3A_376 = arith.constant 16 : i32
      %shift_right_logical3A_377 = vector.broadcast %shift_right_logical3A_376 : i32 to vector<16xi32>
      %shift_right_logical3A_378 = arith.shrui %get3A_368, %shift_right_logical3A_377 : vector<16xi32>
      %swap3A_379 = arith.constant 16 : index
      %swap3A_380 = tpu.vector_load %arg10[%swap3A_379] {strides = array<i32>} : memref<128xi32, #tpu.memory_space<vmem>>, vector<16xi32>,
      %swap3A_381 = vector.shape_cast %swap3A_380 : vector<16xi32> to vector<16xi32>
      %swap3A_382 = vector.shape_cast %shift_right_logical3A_378 : vector<16xi32> to vector<16xi32>
      tpu.vector_store %arg10[%swap3A_379], %swap3A_382 {strides = array<i32>} : memref<128xi32, #tpu.memory_space<vmem>>, vector<16xi32>,
      %get3A_383 = arith.index_cast %min3A_346 : i32 to index
      %get3A_384 = arith.constant 32 : index
      %get3A_385 = tpu.vector_load %arg5[%get3A_383, %get3A_384] {strides = array<i32>} : memref<80x128xi32, #tpu.memory_space<vmem>>, vector<1x16xi32>,
      %get3A_386 = vector.shape_cast %get3A_385 : vector<1x16xi32> to vector<16xi32>
      %and3A_387 = arith.constant 65535 : i32
      %and3A_388 = vector.broadcast %and3A_387 : i32 to vector<16xi32>
      %and3A_389 = arith.andi %get3A_386, %and3A_388 : vector<16xi32>
      %swap3A_390 = arith.constant 32 : index
      %swap3A_391 = tpu.vector_load %arg8[%swap3A_390] {strides = array<i32>} : memref<128xi32, #tpu.memory_space<vmem>>, vector<16xi32>,
      %swap3A_392 = vector.shape_cast %swap3A_391 : vector<16xi32> to vector<16xi32>
      %swap3A_393 = vector.shape_cast %and3A_389 : vector<16xi32> to vector<16xi32>
      tpu.vector_store %arg8[%swap3A_390], %swap3A_393 {strides = array<i32>} : memref<128xi32, #tpu.memory_space<vmem>>, vector<16xi32>,
      %shift_right_logical3A_394 = arith.constant 16 : i32
      %shift_right_logical3A_395 = vector.broadcast %shift_right_logical3A_394 : i32 to vector<16xi32>
      %shift_right_logical3A_396 = arith.shrui %get3A_386, %shift_right_logical3A_395 : vector<16xi32>
      %swap3A_397 = arith.constant 32 : index
      %swap3A_398 = tpu.vector_load %arg10[%swap3A_397] {strides = array<i32>} : memref<128xi32, #tpu.memory_space<vmem>>, vector<16xi32>,
      %swap3A_399 = vector.shape_cast %swap3A_398 : vector<16xi32> to vector<16xi32>
      %swap3A_400 = vector.shape_cast %shift_right_logical3A_396 : vector<16xi32> to vector<16xi32>
      tpu.vector_store %arg10[%swap3A_397], %swap3A_400 {strides = array<i32>} : memref<128xi32, #tpu.memory_space<vmem>>, vector<16xi32>,
      %get3A_401 = arith.index_cast %min3A_346 : i32 to index
      %get3A_402 = arith.constant 48 : index
      %get3A_403 = tpu.vector_load %arg5[%get3A_401, %get3A_402] {strides = array<i32>} : memref<80x128xi32, #tpu.memory_space<vmem>>, vector<1x16xi32>,
      %get3A_404 = vector.shape_cast %get3A_403 : vector<1x16xi32> to vector<16xi32>
      %and3A_405 = arith.constant 65535 : i32
      %and3A_406 = vector.broadcast %and3A_405 : i32 to vector<16xi32>
      %and3A_407 = arith.andi %get3A_404, %and3A_406 : vector<16xi32>
      %swap3A_408 = arith.constant 48 : index
      %swap3A_409 = tpu.vector_load %arg8[%swap3A_408] {strides = array<i32>} : memref<128xi32, #tpu.memory_space<vmem>>, vector<16xi32>,
      %swap3A_410 = vector.shape_cast %swap3A_409 : vector<16xi32> to vector<16xi32>
      %swap3A_411 = vector.shape_cast %and3A_407 : vector<16xi32> to vector<16xi32>
      tpu.vector_store %arg8[%swap3A_408], %swap3A_411 {strides = array<i32>} : memref<128xi32, #tpu.memory_space<vmem>>, vector<16xi32>,
      %shift_right_logical3A_412 = arith.constant 16 : i32
      %shift_right_logical3A_413 = vector.broadcast %shift_right_logical3A_412 : i32 to vector<16xi32>
      %shift_right_logical3A_414 = arith.shrui %get3A_404, %shift_right_logical3A_413 : vector<16xi32>
      %swap3A_415 = arith.constant 48 : index
      %swap3A_416 = tpu.vector_load %arg10[%swap3A_415] {strides = array<i32>} : memref<128xi32, #tpu.memory_space<vmem>>, vector<16xi32>,
      %swap3A_417 = vector.shape_cast %swap3A_416 : vector<16xi32> to vector<16xi32>
      %swap3A_418 = vector.shape_cast %shift_right_logical3A_414 : vector<16xi32> to vector<16xi32>
      tpu.vector_store %arg10[%swap3A_415], %swap3A_418 {strides = array<i32>} : memref<128xi32, #tpu.memory_space<vmem>>, vector<16xi32>,
      %get3A_419 = arith.index_cast %min3A_346 : i32 to index
      %get3A_420 = arith.constant 64 : index
      %get3A_421 = tpu.vector_load %arg5[%get3A_419, %get3A_420] {strides = array<i32>} : memref<80x128xi32, #tpu.memory_space<vmem>>, vector<1x16xi32>,
      %get3A_422 = vector.shape_cast %get3A_421 : vector<1x16xi32> to vector<16xi32>
      %and3A_423 = arith.constant 65535 : i32
      %and3A_424 = vector.broadcast %and3A_423 : i32 to vector<16xi32>
      %and3A_425 = arith.andi %get3A_422, %and3A_424 : vector<16xi32>
      %swap3A_426 = arith.constant 64 : index
      %swap3A_427 = tpu.vector_load %arg8[%swap3A_426] {strides = array<i32>} : memref<128xi32, #tpu.memory_space<vmem>>, vector<16xi32>,
      %swap3A_428 = vector.shape_cast %swap3A_427 : vector<16xi32> to vector<16xi32>
      %swap3A_429 = vector.shape_cast %and3A_425 : vector<16xi32> to vector<16xi32>
      tpu.vector_store %arg8[%swap3A_426], %swap3A_429 {strides = array<i32>} : memref<128xi32, #tpu.memory_space<vmem>>, vector<16xi32>,
      %shift_right_logical3A_430 = arith.constant 16 : i32
      %shift_right_logical3A_431 = vector.broadcast %shift_right_logical3A_430 : i32 to vector<16xi32>
      %shift_right_logical3A_432 = arith.shrui %get3A_422, %shift_right_logical3A_431 : vector<16xi32>
      %swap3A_433 = arith.constant 64 : index
      %swap3A_434 = tpu.vector_load %arg10[%swap3A_433] {strides = array<i32>} : memref<128xi32, #tpu.memory_space<vmem>>, vector<16xi32>,
      %swap3A_435 = vector.shape_cast %swap3A_434 : vector<16xi32> to vector<16xi32>
      %swap3A_436 = vector.shape_cast %shift_right_logical3A_432 : vector<16xi32> to vector<16xi32>
      tpu.vector_store %arg10[%swap3A_433], %swap3A_436 {strides = array<i32>} : memref<128xi32, #tpu.memory_space<vmem>>, vector<16xi32>,
      %get3A_437 = arith.index_cast %min3A_346 : i32 to index
      %get3A_438 = arith.constant 80 : index
      %get3A_439 = tpu.vector_load %arg5[%get3A_437, %get3A_438] {strides = array<i32>} : memref<80x128xi32, #tpu.memory_space<vmem>>, vector<1x16xi32>,
      %get3A_440 = vector.shape_cast %get3A_439 : vector<1x16xi32> to vector<16xi32>
      %and3A_441 = arith.constant 65535 : i32
      %and3A_442 = vector.broadcast %and3A_441 : i32 to vector<16xi32>
      %and3A_443 = arith.andi %get3A_440, %and3A_442 : vector<16xi32>
      %swap3A_444 = arith.constant 80 : index
      %swap3A_445 = tpu.vector_load %arg8[%swap3A_444] {strides = array<i32>} : memref<128xi32, #tpu.memory_space<vmem>>, vector<16xi32>,
      %swap3A_446 = vector.shape_cast %swap3A_445 : vector<16xi32> to vector<16xi32>
      %swap3A_447 = vector.shape_cast %and3A_443 : vector<16xi32> to vector<16xi32>
      tpu.vector_store %arg8[%swap3A_444], %swap3A_447 {strides = array<i32>} : memref<128xi32, #tpu.memory_space<vmem>>, vector<16xi32>,
      %shift_right_logical3A_448 = arith.constant 16 : i32
      %shift_right_logical3A_449 = vector.broadcast %shift_right_logical3A_448 : i32 to vector<16xi32>
      %shift_right_logical3A_450 = arith.shrui %get3A_440, %shift_right_logical3A_449 : vector<16xi32>
      %swap3A_451 = arith.constant 80 : index
      %swap3A_452 = tpu.vector_load %arg10[%swap3A_451] {strides = array<i32>} : memref<128xi32, #tpu.memory_space<vmem>>, vector<16xi32>,
      %swap3A_453 = vector.shape_cast %swap3A_452 : vector<16xi32> to vector<16xi32>
      %swap3A_454 = vector.shape_cast %shift_right_logical3A_450 : vector<16xi32> to vector<16xi32>
      tpu.vector_store %arg10[%swap3A_451], %swap3A_454 {strides = array<i32>} : memref<128xi32, #tpu.memory_space<vmem>>, vector<16xi32>,
      %get3A_455 = arith.index_cast %min3A_346 : i32 to index
      %get3A_456 = arith.constant 96 : index
      %get3A_457 = tpu.vector_load %arg5[%get3A_455, %get3A_456] {strides = array<i32>} : memref<80x128xi32, #tpu.memory_space<vmem>>, vector<1x16xi32>,
      %get3A_458 = vector.shape_cast %get3A_457 : vector<1x16xi32> to vector<16xi32>
      %and3A_459 = arith.constant 65535 : i32
      %and3A_460 = vector.broadcast %and3A_459 : i32 to vector<16xi32>
      %and3A_461 = arith.andi %get3A_458, %and3A_460 : vector<16xi32>
      %swap3A_462 = arith.constant 96 : index
      %swap3A_463 = tpu.vector_load %arg8[%swap3A_462] {strides = array<i32>} : memref<128xi32, #tpu.memory_space<vmem>>, vector<16xi32>,
      %swap3A_464 = vector.shape_cast %swap3A_463 : vector<16xi32> to vector<16xi32>
      %swap3A_465 = vector.shape_cast %and3A_461 : vector<16xi32> to vector<16xi32>
      tpu.vector_store %arg8[%swap3A_462], %swap3A_465 {strides = array<i32>} : memref<128xi32, #tpu.memory_space<vmem>>, vector<16xi32>,
      %shift_right_logical3A_466 = arith.constant 16 : i32
      %shift_right_logical3A_467 = vector.broadcast %shift_right_logical3A_466 : i32 to vector<16xi32>
      %shift_right_logical3A_468 = arith.shrui %get3A_458, %shift_right_logical3A_467 : vector<16xi32>
      %swap3A_469 = arith.constant 96 : index
      %swap3A_470 = tpu.vector_load %arg10[%swap3A_469] {strides = array<i32>} : memref<128xi32, #tpu.memory_space<vmem>>, vector<16xi32>,
      %swap3A_471 = vector.shape_cast %swap3A_470 : vector<16xi32> to vector<16xi32>
      %swap3A_472 = vector.shape_cast %shift_right_logical3A_468 : vector<16xi32> to vector<16xi32>
      tpu.vector_store %arg10[%swap3A_469], %swap3A_472 {strides = array<i32>} : memref<128xi32, #tpu.memory_space<vmem>>, vector<16xi32>,
      %get3A_473 = arith.index_cast %min3A_346 : i32 to index
      %get3A_474 = arith.constant 112 : index
      %get3A_475 = tpu.vector_load %arg5[%get3A_473, %get3A_474] {strides = array<i32>} : memref<80x128xi32, #tpu.memory_space<vmem>>, vector<1x16xi32>,
      %get3A_476 = vector.shape_cast %get3A_475 : vector<1x16xi32> to vector<16xi32>
      %and3A_477 = arith.constant 65535 : i32
      %and3A_478 = vector.broadcast %and3A_477 : i32 to vector<16xi32>
      %and3A_479 = arith.andi %get3A_476, %and3A_478 : vector<16xi32>
      %swap3A_480 = arith.constant 112 : index
      %swap3A_481 = tpu.vector_load %arg8[%swap3A_480] {strides = array<i32>} : memref<128xi32, #tpu.memory_space<vmem>>, vector<16xi32>,
      %swap3A_482 = vector.shape_cast %swap3A_481 : vector<16xi32> to vector<16xi32>
      %swap3A_483 = vector.shape_cast %and3A_479 : vector<16xi32> to vector<16xi32>
      tpu.vector_store %arg8[%swap3A_480], %swap3A_483 {strides = array<i32>} : memref<128xi32, #tpu.memory_space<vmem>>, vector<16xi32>,
      %shift_right_logical3A_484 = arith.constant 16 : i32
      %shift_right_logical3A_485 = vector.broadcast %shift_right_logical3A_484 : i32 to vector<16xi32>
      %shift_right_logical3A_486 = arith.shrui %get3A_476, %shift_right_logical3A_485 : vector<16xi32>
      %swap3A_487 = arith.constant 112 : index
      %swap3A_488 = tpu.vector_load %arg10[%swap3A_487] {strides = array<i32>} : memref<128xi32, #tpu.memory_space<vmem>>, vector<16xi32>,
      %swap3A_489 = vector.shape_cast %swap3A_488 : vector<16xi32> to vector<16xi32>
      %swap3A_490 = vector.shape_cast %shift_right_logical3A_486 : vector<16xi32> to vector<16xi32>
      tpu.vector_store %arg10[%swap3A_487], %swap3A_490 {strides = array<i32>} : memref<128xi32, #tpu.memory_space<vmem>>, vector<16xi32>,
      %dma_start3A_491 = arith.constant 0 : i32
      %dma_start3A_492 = arith.constant 0 : i32
      %dma_start3A_493 = arith.constant 0 : i32
      %dma_start3A_494 = tpu.memref_slice %arg3[%dma_start3A_492, %dma_start3A_493] : memref<10240x128xf32, #tpu.memory_space<hbm>> -> memref<10240x128xf32, #tpu.memory_space<hbm>>
      %dma_start3A_495 = tpu.memref_slice %arg13[%dma_start3A_491] : memref<2x!tpu.dma_semaphore, #tpu.memory_space<semaphore_mem>> -> memref<1x!tpu.dma_semaphore, #tpu.memory_space<semaphore_mem>>
      %dma_start3A_496 = tpu.memref_squeeze %dma_start3A_495 : memref<1x!tpu.dma_semaphore, #tpu.memory_space<semaphore_mem>> -> memref<!tpu.dma_semaphore, #tpu.memory_space<semaphore_mem>>
      tpu.enqueue_indirect_dma source(%dma_start3A_494 : memref<10240x128xf32, #tpu.memory_space<hbm>>) target(%arg6 : memref<128x128xf32, #tpu.memory_space<vmem>>) offsets(%arg8 : memref<128xi32, #tpu.memory_space<vmem>>) semaphore(%dma_start3A_496 : memref<!tpu.dma_semaphore, #tpu.memory_space<semaphore_mem>>)
      %mul3A_497 = arith.constant 2 : i32
      %mul3A_498 = arith.muli %scan3A_333, %mul3A_497 : i32
      %add3A_499 = arith.constant 1 : i32
      %add3A_500 = arith.addi %mul3A_498, %add3A_499 : i32
      %dma_wait3A_501 = arith.constant 1 : i32
      %dma_wait3A_502 = arith.constant 0 : i32
      %dma_wait3A_503 = arith.constant 0 : i32
      %dma_wait3A_504 = tpu.memref_slice %arg3[%dma_wait3A_502, %dma_wait3A_503] : memref<10240x128xf32, #tpu.memory_space<hbm>> -> memref<10240x128xf32, #tpu.memory_space<hbm>>
      %dma_wait3A_505 = tpu.memref_slice %arg13[%dma_wait3A_501] : memref<2x!tpu.dma_semaphore, #tpu.memory_space<semaphore_mem>> -> memref<1x!tpu.dma_semaphore, #tpu.memory_space<semaphore_mem>>
      %dma_wait3A_506 = tpu.memref_squeeze %dma_wait3A_505 : memref<1x!tpu.dma_semaphore, #tpu.memory_space<semaphore_mem>> -> memref<!tpu.dma_semaphore, #tpu.memory_space<semaphore_mem>>
      tpu.wait_indirect_dma semaphore(%dma_wait3A_506 : memref<!tpu.dma_semaphore, #tpu.memory_space<semaphore_mem>>) src(%dma_wait3A_504 : memref<10240x128xf32, #tpu.memory_space<hbm>>) dst(%arg7 : memref<128x128xf32, #tpu.memory_space<vmem>>)
      "tpu.region"() ({
        %run_scoped3A = tpu.sem_alloc : memref<!tpu.dma_semaphore, #tpu.memory_space<semaphore_mem>>
        %dma_start3A_661 = arith.constant 0 : i32
        %dma_start3A_662 = arith.constant 0 : i32
        %dma_start3A_663 = tpu.memref_slice %arg12[%dma_start3A_661, %dma_start3A_662] : memref<10240x128xf32, #tpu.memory_space<vmem_shared>> -> memref<10240x128xf32, #tpu.memory_space<vmem_shared>>
        tpu.enqueue_indirect_dma source(%arg7 : memref<128x128xf32, #tpu.memory_space<vmem>>) target(%dma_start3A_663 : memref<10240x128xf32, #tpu.memory_space<vmem_shared>>) offsets(%arg11 : memref<128xi32, #tpu.memory_space<vmem>>) semaphore(%run_scoped3A : memref<!tpu.dma_semaphore, #tpu.memory_space<semaphore_mem>>) {add = true}
        %dma_wait3A_664 = arith.constant 0 : i32
        %dma_wait3A_665 = arith.constant 0 : i32
        %dma_wait3A_666 = tpu.memref_slice %arg12[%dma_wait3A_664, %dma_wait3A_665] : memref<10240x128xf32, #tpu.memory_space<vmem_shared>> -> memref<10240x128xf32, #tpu.memory_space<vmem_shared>>
        tpu.wait_indirect_dma semaphore(%run_scoped3A : memref<!tpu.dma_semaphore, #tpu.memory_space<semaphore_mem>>) src(%arg7 : memref<128x128xf32, #tpu.memory_space<vmem>>) dst(%dma_wait3A_666 : memref<10240x128xf32, #tpu.memory_space<vmem_shared>>)
        tpu.yield
      }) : () -> ()
      %add3A_507 = arith.constant 2 : i32
      %add3A_508 = arith.addi %add3A_500, %add3A_507 : i32
      %min3A_509 = arith.constant 79 : i32
      %min3A_510 = arith.minsi %add3A_508, %min3A_509 : i32
      %get3A_511 = arith.index_cast %min3A_510 : i32 to index
      %get3A_512 = arith.constant 0 : index
      %get3A_513 = tpu.vector_load %arg5[%get3A_511, %get3A_512] {strides = array<i32>} : memref<80x128xi32, #tpu.memory_space<vmem>>, vector<1x16xi32>,
      %get3A_514 = vector.shape_cast %get3A_513 : vector<1x16xi32> to vector<16xi32>
      %and3A_515 = arith.constant 65535 : i32
      %and3A_516 = vector.broadcast %and3A_515 : i32 to vector<16xi32>
      %and3A_517 = arith.andi %get3A_514, %and3A_516 : vector<16xi32>
      %swap3A_518 = arith.constant 0 : index
      %swap3A_519 = tpu.vector_load %arg9[%swap3A_518] {strides = array<i32>} : memref<128xi32, #tpu.memory_space<vmem>>, vector<16xi32>,
      %swap3A_520 = vector.shape_cast %swap3A_519 : vector<16xi32> to vector<16xi32>
      %swap3A_521 = vector.shape_cast %and3A_517 : vector<16xi32> to vector<16xi32>
      tpu.vector_store %arg9[%swap3A_518], %swap3A_521 {strides = array<i32>} : memref<128xi32, #tpu.memory_space<vmem>>, vector<16xi32>,
      %shift_right_logical3A_522 = arith.constant 16 : i32
      %shift_right_logical3A_523 = vector.broadcast %shift_right_logical3A_522 : i32 to vector<16xi32>
      %shift_right_logical3A_524 = arith.shrui %get3A_514, %shift_right_logical3A_523 : vector<16xi32>
      %swap3A_525 = arith.constant 0 : index
      %swap3A_526 = tpu.vector_load %arg11[%swap3A_525] {strides = array<i32>} : memref<128xi32, #tpu.memory_space<vmem>>, vector<16xi32>,
      %swap3A_527 = vector.shape_cast %swap3A_526 : vector<16xi32> to vector<16xi32>
      %swap3A_528 = vector.shape_cast %shift_right_logical3A_524 : vector<16xi32> to vector<16xi32>
      tpu.vector_store %arg11[%swap3A_525], %swap3A_528 {strides = array<i32>} : memref<128xi32, #tpu.memory_space<vmem>>, vector<16xi32>,
      %get3A_529 = arith.index_cast %min3A_510 : i32 to index
      %get3A_530 = arith.constant 16 : index
      %get3A_531 = tpu.vector_load %arg5[%get3A_529, %get3A_530] {strides = array<i32>} : memref<80x128xi32, #tpu.memory_space<vmem>>, vector<1x16xi32>,
      %get3A_532 = vector.shape_cast %get3A_531 : vector<1x16xi32> to vector<16xi32>
      %and3A_533 = arith.constant 65535 : i32
      %and3A_534 = vector.broadcast %and3A_533 : i32 to vector<16xi32>
      %and3A_535 = arith.andi %get3A_532, %and3A_534 : vector<16xi32>
      %swap3A_536 = arith.constant 16 : index
      %swap3A_537 = tpu.vector_load %arg9[%swap3A_536] {strides = array<i32>} : memref<128xi32, #tpu.memory_space<vmem>>, vector<16xi32>,
      %swap3A_538 = vector.shape_cast %swap3A_537 : vector<16xi32> to vector<16xi32>
      %swap3A_539 = vector.shape_cast %and3A_535 : vector<16xi32> to vector<16xi32>
      tpu.vector_store %arg9[%swap3A_536], %swap3A_539 {strides = array<i32>} : memref<128xi32, #tpu.memory_space<vmem>>, vector<16xi32>,
      %shift_right_logical3A_540 = arith.constant 16 : i32
      %shift_right_logical3A_541 = vector.broadcast %shift_right_logical3A_540 : i32 to vector<16xi32>
      %shift_right_logical3A_542 = arith.shrui %get3A_532, %shift_right_logical3A_541 : vector<16xi32>
      %swap3A_543 = arith.constant 16 : index
      %swap3A_544 = tpu.vector_load %arg11[%swap3A_543] {strides = array<i32>} : memref<128xi32, #tpu.memory_space<vmem>>, vector<16xi32>,
      %swap3A_545 = vector.shape_cast %swap3A_544 : vector<16xi32> to vector<16xi32>
      %swap3A_546 = vector.shape_cast %shift_right_logical3A_542 : vector<16xi32> to vector<16xi32>
      tpu.vector_store %arg11[%swap3A_543], %swap3A_546 {strides = array<i32>} : memref<128xi32, #tpu.memory_space<vmem>>, vector<16xi32>,
      %get3A_547 = arith.index_cast %min3A_510 : i32 to index
      %get3A_548 = arith.constant 32 : index
      %get3A_549 = tpu.vector_load %arg5[%get3A_547, %get3A_548] {strides = array<i32>} : memref<80x128xi32, #tpu.memory_space<vmem>>, vector<1x16xi32>,
      %get3A_550 = vector.shape_cast %get3A_549 : vector<1x16xi32> to vector<16xi32>
      %and3A_551 = arith.constant 65535 : i32
      %and3A_552 = vector.broadcast %and3A_551 : i32 to vector<16xi32>
      %and3A_553 = arith.andi %get3A_550, %and3A_552 : vector<16xi32>
      %swap3A_554 = arith.constant 32 : index
      %swap3A_555 = tpu.vector_load %arg9[%swap3A_554] {strides = array<i32>} : memref<128xi32, #tpu.memory_space<vmem>>, vector<16xi32>,
      %swap3A_556 = vector.shape_cast %swap3A_555 : vector<16xi32> to vector<16xi32>
      %swap3A_557 = vector.shape_cast %and3A_553 : vector<16xi32> to vector<16xi32>
      tpu.vector_store %arg9[%swap3A_554], %swap3A_557 {strides = array<i32>} : memref<128xi32, #tpu.memory_space<vmem>>, vector<16xi32>,
      %shift_right_logical3A_558 = arith.constant 16 : i32
      %shift_right_logical3A_559 = vector.broadcast %shift_right_logical3A_558 : i32 to vector<16xi32>
      %shift_right_logical3A_560 = arith.shrui %get3A_550, %shift_right_logical3A_559 : vector<16xi32>
      %swap3A_561 = arith.constant 32 : index
      %swap3A_562 = tpu.vector_load %arg11[%swap3A_561] {strides = array<i32>} : memref<128xi32, #tpu.memory_space<vmem>>, vector<16xi32>,
      %swap3A_563 = vector.shape_cast %swap3A_562 : vector<16xi32> to vector<16xi32>
      %swap3A_564 = vector.shape_cast %shift_right_logical3A_560 : vector<16xi32> to vector<16xi32>
      tpu.vector_store %arg11[%swap3A_561], %swap3A_564 {strides = array<i32>} : memref<128xi32, #tpu.memory_space<vmem>>, vector<16xi32>,
      %get3A_565 = arith.index_cast %min3A_510 : i32 to index
      %get3A_566 = arith.constant 48 : index
      %get3A_567 = tpu.vector_load %arg5[%get3A_565, %get3A_566] {strides = array<i32>} : memref<80x128xi32, #tpu.memory_space<vmem>>, vector<1x16xi32>,
      %get3A_568 = vector.shape_cast %get3A_567 : vector<1x16xi32> to vector<16xi32>
      %and3A_569 = arith.constant 65535 : i32
      %and3A_570 = vector.broadcast %and3A_569 : i32 to vector<16xi32>
      %and3A_571 = arith.andi %get3A_568, %and3A_570 : vector<16xi32>
      %swap3A_572 = arith.constant 48 : index
      %swap3A_573 = tpu.vector_load %arg9[%swap3A_572] {strides = array<i32>} : memref<128xi32, #tpu.memory_space<vmem>>, vector<16xi32>,
      %swap3A_574 = vector.shape_cast %swap3A_573 : vector<16xi32> to vector<16xi32>
      %swap3A_575 = vector.shape_cast %and3A_571 : vector<16xi32> to vector<16xi32>
      tpu.vector_store %arg9[%swap3A_572], %swap3A_575 {strides = array<i32>} : memref<128xi32, #tpu.memory_space<vmem>>, vector<16xi32>,
      %shift_right_logical3A_576 = arith.constant 16 : i32
      %shift_right_logical3A_577 = vector.broadcast %shift_right_logical3A_576 : i32 to vector<16xi32>
      %shift_right_logical3A_578 = arith.shrui %get3A_568, %shift_right_logical3A_577 : vector<16xi32>
      %swap3A_579 = arith.constant 48 : index
      %swap3A_580 = tpu.vector_load %arg11[%swap3A_579] {strides = array<i32>} : memref<128xi32, #tpu.memory_space<vmem>>, vector<16xi32>,
      %swap3A_581 = vector.shape_cast %swap3A_580 : vector<16xi32> to vector<16xi32>
      %swap3A_582 = vector.shape_cast %shift_right_logical3A_578 : vector<16xi32> to vector<16xi32>
      tpu.vector_store %arg11[%swap3A_579], %swap3A_582 {strides = array<i32>} : memref<128xi32, #tpu.memory_space<vmem>>, vector<16xi32>,
      %get3A_583 = arith.index_cast %min3A_510 : i32 to index
      %get3A_584 = arith.constant 64 : index
      %get3A_585 = tpu.vector_load %arg5[%get3A_583, %get3A_584] {strides = array<i32>} : memref<80x128xi32, #tpu.memory_space<vmem>>, vector<1x16xi32>,
      %get3A_586 = vector.shape_cast %get3A_585 : vector<1x16xi32> to vector<16xi32>
      %and3A_587 = arith.constant 65535 : i32
      %and3A_588 = vector.broadcast %and3A_587 : i32 to vector<16xi32>
      %and3A_589 = arith.andi %get3A_586, %and3A_588 : vector<16xi32>
      %swap3A_590 = arith.constant 64 : index
      %swap3A_591 = tpu.vector_load %arg9[%swap3A_590] {strides = array<i32>} : memref<128xi32, #tpu.memory_space<vmem>>, vector<16xi32>,
      %swap3A_592 = vector.shape_cast %swap3A_591 : vector<16xi32> to vector<16xi32>
      %swap3A_593 = vector.shape_cast %and3A_589 : vector<16xi32> to vector<16xi32>
      tpu.vector_store %arg9[%swap3A_590], %swap3A_593 {strides = array<i32>} : memref<128xi32, #tpu.memory_space<vmem>>, vector<16xi32>,
      %shift_right_logical3A_594 = arith.constant 16 : i32
      %shift_right_logical3A_595 = vector.broadcast %shift_right_logical3A_594 : i32 to vector<16xi32>
      %shift_right_logical3A_596 = arith.shrui %get3A_586, %shift_right_logical3A_595 : vector<16xi32>
      %swap3A_597 = arith.constant 64 : index
      %swap3A_598 = tpu.vector_load %arg11[%swap3A_597] {strides = array<i32>} : memref<128xi32, #tpu.memory_space<vmem>>, vector<16xi32>,
      %swap3A_599 = vector.shape_cast %swap3A_598 : vector<16xi32> to vector<16xi32>
      %swap3A_600 = vector.shape_cast %shift_right_logical3A_596 : vector<16xi32> to vector<16xi32>
      tpu.vector_store %arg11[%swap3A_597], %swap3A_600 {strides = array<i32>} : memref<128xi32, #tpu.memory_space<vmem>>, vector<16xi32>,
      %get3A_601 = arith.index_cast %min3A_510 : i32 to index
      %get3A_602 = arith.constant 80 : index
      %get3A_603 = tpu.vector_load %arg5[%get3A_601, %get3A_602] {strides = array<i32>} : memref<80x128xi32, #tpu.memory_space<vmem>>, vector<1x16xi32>,
      %get3A_604 = vector.shape_cast %get3A_603 : vector<1x16xi32> to vector<16xi32>
      %and3A_605 = arith.constant 65535 : i32
      %and3A_606 = vector.broadcast %and3A_605 : i32 to vector<16xi32>
      %and3A_607 = arith.andi %get3A_604, %and3A_606 : vector<16xi32>
      %swap3A_608 = arith.constant 80 : index
      %swap3A_609 = tpu.vector_load %arg9[%swap3A_608] {strides = array<i32>} : memref<128xi32, #tpu.memory_space<vmem>>, vector<16xi32>,
      %swap3A_610 = vector.shape_cast %swap3A_609 : vector<16xi32> to vector<16xi32>
      %swap3A_611 = vector.shape_cast %and3A_607 : vector<16xi32> to vector<16xi32>
      tpu.vector_store %arg9[%swap3A_608], %swap3A_611 {strides = array<i32>} : memref<128xi32, #tpu.memory_space<vmem>>, vector<16xi32>,
      %shift_right_logical3A_612 = arith.constant 16 : i32
      %shift_right_logical3A_613 = vector.broadcast %shift_right_logical3A_612 : i32 to vector<16xi32>
      %shift_right_logical3A_614 = arith.shrui %get3A_604, %shift_right_logical3A_613 : vector<16xi32>
      %swap3A_615 = arith.constant 80 : index
      %swap3A_616 = tpu.vector_load %arg11[%swap3A_615] {strides = array<i32>} : memref<128xi32, #tpu.memory_space<vmem>>, vector<16xi32>,
      %swap3A_617 = vector.shape_cast %swap3A_616 : vector<16xi32> to vector<16xi32>
      %swap3A_618 = vector.shape_cast %shift_right_logical3A_614 : vector<16xi32> to vector<16xi32>
      tpu.vector_store %arg11[%swap3A_615], %swap3A_618 {strides = array<i32>} : memref<128xi32, #tpu.memory_space<vmem>>, vector<16xi32>,
      %get3A_619 = arith.index_cast %min3A_510 : i32 to index
      %get3A_620 = arith.constant 96 : index
      %get3A_621 = tpu.vector_load %arg5[%get3A_619, %get3A_620] {strides = array<i32>} : memref<80x128xi32, #tpu.memory_space<vmem>>, vector<1x16xi32>,
      %get3A_622 = vector.shape_cast %get3A_621 : vector<1x16xi32> to vector<16xi32>
      %and3A_623 = arith.constant 65535 : i32
      %and3A_624 = vector.broadcast %and3A_623 : i32 to vector<16xi32>
      %and3A_625 = arith.andi %get3A_622, %and3A_624 : vector<16xi32>
      %swap3A_626 = arith.constant 96 : index
      %swap3A_627 = tpu.vector_load %arg9[%swap3A_626] {strides = array<i32>} : memref<128xi32, #tpu.memory_space<vmem>>, vector<16xi32>,
      %swap3A_628 = vector.shape_cast %swap3A_627 : vector<16xi32> to vector<16xi32>
      %swap3A_629 = vector.shape_cast %and3A_625 : vector<16xi32> to vector<16xi32>
      tpu.vector_store %arg9[%swap3A_626], %swap3A_629 {strides = array<i32>} : memref<128xi32, #tpu.memory_space<vmem>>, vector<16xi32>,
      %shift_right_logical3A_630 = arith.constant 16 : i32
      %shift_right_logical3A_631 = vector.broadcast %shift_right_logical3A_630 : i32 to vector<16xi32>
      %shift_right_logical3A_632 = arith.shrui %get3A_622, %shift_right_logical3A_631 : vector<16xi32>
      %swap3A_633 = arith.constant 96 : index
      %swap3A_634 = tpu.vector_load %arg11[%swap3A_633] {strides = array<i32>} : memref<128xi32, #tpu.memory_space<vmem>>, vector<16xi32>,
      %swap3A_635 = vector.shape_cast %swap3A_634 : vector<16xi32> to vector<16xi32>
      %swap3A_636 = vector.shape_cast %shift_right_logical3A_632 : vector<16xi32> to vector<16xi32>
      tpu.vector_store %arg11[%swap3A_633], %swap3A_636 {strides = array<i32>} : memref<128xi32, #tpu.memory_space<vmem>>, vector<16xi32>,
      %get3A_637 = arith.index_cast %min3A_510 : i32 to index
      %get3A_638 = arith.constant 112 : index
      %get3A_639 = tpu.vector_load %arg5[%get3A_637, %get3A_638] {strides = array<i32>} : memref<80x128xi32, #tpu.memory_space<vmem>>, vector<1x16xi32>,
      %get3A_640 = vector.shape_cast %get3A_639 : vector<1x16xi32> to vector<16xi32>
      %and3A_641 = arith.constant 65535 : i32
      %and3A_642 = vector.broadcast %and3A_641 : i32 to vector<16xi32>
      %and3A_643 = arith.andi %get3A_640, %and3A_642 : vector<16xi32>
      %swap3A_644 = arith.constant 112 : index
      %swap3A_645 = tpu.vector_load %arg9[%swap3A_644] {strides = array<i32>} : memref<128xi32, #tpu.memory_space<vmem>>, vector<16xi32>,
      %swap3A_646 = vector.shape_cast %swap3A_645 : vector<16xi32> to vector<16xi32>
      %swap3A_647 = vector.shape_cast %and3A_643 : vector<16xi32> to vector<16xi32>
      tpu.vector_store %arg9[%swap3A_644], %swap3A_647 {strides = array<i32>} : memref<128xi32, #tpu.memory_space<vmem>>, vector<16xi32>,
      %shift_right_logical3A_648 = arith.constant 16 : i32
      %shift_right_logical3A_649 = vector.broadcast %shift_right_logical3A_648 : i32 to vector<16xi32>
      %shift_right_logical3A_650 = arith.shrui %get3A_640, %shift_right_logical3A_649 : vector<16xi32>
      %swap3A_651 = arith.constant 112 : index
      %swap3A_652 = tpu.vector_load %arg11[%swap3A_651] {strides = array<i32>} : memref<128xi32, #tpu.memory_space<vmem>>, vector<16xi32>,
      %swap3A_653 = vector.shape_cast %swap3A_652 : vector<16xi32> to vector<16xi32>
      %swap3A_654 = vector.shape_cast %shift_right_logical3A_650 : vector<16xi32> to vector<16xi32>
      tpu.vector_store %arg11[%swap3A_651], %swap3A_654 {strides = array<i32>} : memref<128xi32, #tpu.memory_space<vmem>>, vector<16xi32>,
      %dma_start3A_655 = arith.constant 1 : i32
      %dma_start3A_656 = arith.constant 0 : i32
      %dma_start3A_657 = arith.constant 0 : i32
      %dma_start3A_658 = tpu.memref_slice %arg3[%dma_start3A_656, %dma_start3A_657] : memref<10240x128xf32, #tpu.memory_space<hbm>> -> memref<10240x128xf32, #tpu.memory_space<hbm>>
      %dma_start3A_659 = tpu.memref_slice %arg13[%dma_start3A_655] : memref<2x!tpu.dma_semaphore, #tpu.memory_space<semaphore_mem>> -> memref<1x!tpu.dma_semaphore, #tpu.memory_space<semaphore_mem>>
      %dma_start3A_660 = tpu.memref_squeeze %dma_start3A_659 : memref<1x!tpu.dma_semaphore, #tpu.memory_space<semaphore_mem>> -> memref<!tpu.dma_semaphore, #tpu.memory_space<semaphore_mem>>
      tpu.enqueue_indirect_dma source(%dma_start3A_658 : memref<10240x128xf32, #tpu.memory_space<hbm>>) target(%arg7 : memref<128x128xf32, #tpu.memory_space<vmem>>) offsets(%arg9 : memref<128xi32, #tpu.memory_space<vmem>>) semaphore(%dma_start3A_660 : memref<!tpu.dma_semaphore, #tpu.memory_space<semaphore_mem>>)
    }
    %scan3A_320 = arith.constant 40 : i32
    %dma_wait3A = arith.constant 0 : i32
    %dma_wait3A_321 = arith.constant 0 : i32
    %dma_wait3A_322 = arith.constant 0 : i32
    %dma_wait3A_323 = tpu.memref_slice %arg3[%dma_wait3A_321, %dma_wait3A_322] : memref<10240x128xf32, #tpu.memory_space<hbm>> -> memref<10240x128xf32, #tpu.memory_space<hbm>>
    %dma_wait3A_324 = tpu.memref_slice %arg13[%dma_wait3A] : memref<2x!tpu.dma_semaphore, #tpu.memory_space<semaphore_mem>> -> memref<1x!tpu.dma_semaphore, #tpu.memory_space<semaphore_mem>>
    %dma_wait3A_325 = tpu.memref_squeeze %dma_wait3A_324 : memref<1x!tpu.dma_semaphore, #tpu.memory_space<semaphore_mem>> -> memref<!tpu.dma_semaphore, #tpu.memory_space<semaphore_mem>>
    tpu.wait_indirect_dma semaphore(%dma_wait3A_325 : memref<!tpu.dma_semaphore, #tpu.memory_space<semaphore_mem>>) src(%dma_wait3A_323 : memref<10240x128xf32, #tpu.memory_space<hbm>>) dst(%arg6 : memref<128x128xf32, #tpu.memory_space<vmem>>)
    %dma_wait3A_326 = arith.constant 1 : i32
    %dma_wait3A_327 = arith.constant 0 : i32
    %dma_wait3A_328 = arith.constant 0 : i32
    %dma_wait3A_329 = tpu.memref_slice %arg3[%dma_wait3A_327, %dma_wait3A_328] : memref<10240x128xf32, #tpu.memory_space<hbm>> -> memref<10240x128xf32, #tpu.memory_space<hbm>>
    %dma_wait3A_330 = tpu.memref_slice %arg13[%dma_wait3A_326] : memref<2x!tpu.dma_semaphore, #tpu.memory_space<semaphore_mem>> -> memref<1x!tpu.dma_semaphore, #tpu.memory_space<semaphore_mem>>
    %dma_wait3A_331 = tpu.memref_squeeze %dma_wait3A_330 : memref<1x!tpu.dma_semaphore, #tpu.memory_space<semaphore_mem>> -> memref<!tpu.dma_semaphore, #tpu.memory_space<semaphore_mem>>
    tpu.wait_indirect_dma semaphore(%dma_wait3A_331 : memref<!tpu.dma_semaphore, #tpu.memory_space<semaphore_mem>>) src(%dma_wait3A_329 : memref<10240x128xf32, #tpu.memory_space<hbm>>) dst(%arg7 : memref<128x128xf32, #tpu.memory_space<vmem>>)
    %barrier3A_332 = arith.constant 0 : index
    tpu.barrier barrier_id(%barrier3A_332)
    "tpu.region"() ({
      %run_scoped3A = tpu.sem_alloc : memref<!tpu.dma_semaphore, #tpu.memory_space<semaphore_mem>>
      %dma_start3A_333 = arith.constant 0 : i32
      %dma_start3A_334 = tpu.memref_slice %arg4[%arg0, %mul3A_0, %dma_start3A_333] : memref<2x10240x128xf32, #tpu.memory_space<hbm>> -> memref<1x640x128xf32, #tpu.memory_space<hbm>>
      %dma_start3A_335 = tpu.memref_squeeze %dma_start3A_334 : memref<1x640x128xf32, #tpu.memory_space<hbm>> -> memref<640x128xf32, #tpu.memory_space<hbm>>
      %dma_start3A_336 = arith.constant 0 : i32
      %dma_start3A_337 = tpu.memref_slice %arg12[%mul3A_0, %dma_start3A_336] : memref<10240x128xf32, #tpu.memory_space<vmem_shared>> -> memref<640x128xf32, #tpu.memory_space<vmem_shared>>
      tpu.enqueue_dma source(%dma_start3A_337 : memref<640x128xf32, #tpu.memory_space<vmem_shared>>) target(%dma_start3A_335 : memref<640x128xf32, #tpu.memory_space<hbm>>) target_semaphore(%run_scoped3A : memref<!tpu.dma_semaphore, #tpu.memory_space<semaphore_mem>>)
      %dma_wait3A_338 = arith.constant 0 : i32
      %dma_wait3A_339 = tpu.memref_slice %arg4[%arg0, %mul3A_0, %dma_wait3A_338] : memref<2x10240x128xf32, #tpu.memory_space<hbm>> -> memref<1x640x128xf32, #tpu.memory_space<hbm>>
      %dma_wait3A_340 = tpu.memref_squeeze %dma_wait3A_339 : memref<1x640x128xf32, #tpu.memory_space<hbm>> -> memref<640x128xf32, #tpu.memory_space<hbm>>
      %dma_wait3A_341 = arith.constant 0 : i32
      %dma_wait3A_342 = tpu.memref_slice %arg12[%mul3A_0, %dma_wait3A_341] : memref<10240x128xf32, #tpu.memory_space<vmem_shared>> -> memref<640x128xf32, #tpu.memory_space<vmem_shared>>
      tpu.wait_dma2 semaphore(%run_scoped3A : memref<!tpu.dma_semaphore, #tpu.memory_space<semaphore_mem>>) src(%dma_wait3A_342 : memref<640x128xf32, #tpu.memory_space<vmem_shared>>) dst(%dma_wait3A_340 : memref<640x128xf32, #tpu.memory_space<hbm>>)
      tpu.yield
    }) : () -> ()
    return
  }
}

module attributes {stable_mosaic.version = 14 : i64} {
  func.func @_scale_body(%arg0: i32, %arg1: memref<256x128xf32, #tpu.memory_space<vmem>>, %arg2: memref<128x128xf32, #tpu.memory_space<vmem>>, %arg3: memref<2x256xf32, #tpu.memory_space<vmem>>, %arg4: memref<256x128xf32, #tpu.memory_space<vmem>>, %arg5: memref<256xf32, #tpu.memory_space<vmem>>) attributes {dimension_semantics = [#tpu.dimension_semantics<arbitrary>], iteration_bounds = array<i64: 40>, scalar_prefetch = 0 : i64, scratch_operands = 0 : i64, tpu.core_type = #tpu.core_type<tc>, window_params = [{transform_indices = @transform_0, window_bounds = array<i64: 256, 128>}, {pipeline_mode = #tpu.pipeline_mode<synchronous>, transform_indices = @transform_1, window_bounds = array<i64: 128, 128>}, {transform_indices = @transform_2, window_bounds = array<i64: 2, 256>}, {transform_indices = @transform_3, window_bounds = array<i64: 256, 128>}, {transform_indices = @transform_4, window_bounds = array<i64: 256>}]} {
    %get3A = arith.constant 0 : index
    %get3A_0 = arith.constant 0 : index
    %get3A_1 = vector.load %arg3[%get3A, %get3A_0] : memref<2x256xf32, #tpu.memory_space<vmem>>, vector<1x256xf32>
    %get3A_2 = vector.shape_cast %get3A_1 : vector<1x256xf32> to vector<256xf32>
    %get3A_3 = arith.constant 1 : index
    %get3A_4 = arith.constant 0 : index
    %get3A_5 = vector.load %arg3[%get3A_3, %get3A_4] : memref<2x256xf32, #tpu.memory_space<vmem>>, vector<1x256xf32>
    %get3A_6 = vector.shape_cast %get3A_5 : vector<1x256xf32> to vector<256xf32>
    %add3A = arith.addf %get3A_2, %get3A_6 : vector<256xf32>
    %add3A_7 = arith.constant 1.000000e+00 : f32
    %add3A_8 = vector.broadcast %add3A_7 : f32 to vector<256xf32>
    %add3A_9 = arith.addf %add3A, %add3A_8 : vector<256xf32>
    %rsqrt3A = math.rsqrt %add3A_9 : vector<256xf32>
    %get3A_10 = arith.constant 0 : index
    %get3A_11 = arith.constant 0 : index
    %get3A_12 = vector.load %arg1[%get3A_10, %get3A_11] : memref<256x128xf32, #tpu.memory_space<vmem>>, vector<256x128xf32>
    %get3A_13 = arith.constant 0 : index
    %get3A_14 = arith.constant 0 : index
    %get3A_15 = vector.load %arg2[%get3A_13, %get3A_14] : memref<128x128xf32, #tpu.memory_space<vmem>>, vector<128x128xf32>
    %dot_general3A = arith.constant dense<0.000000e+00> : vector<256x128xf32>
    %dot_general3A_16 = tpu.matmul %get3A_12, %get3A_15, %dot_general3A {dimension_numbers = #tpu.dot_dimension_numbers<[1], [0], [0], [1], [0, 0, 1, 1], [], []>, transpose_lhs_hint = false} : vector<256x128xf32>, vector<128x128xf32>, vector<256x128xf32> -> vector<256x128xf32>
    %broadcast_in_dim3A = vector.shape_cast %rsqrt3A : vector<256xf32> to vector<256x1xf32>
    %mul3A = vector.broadcast %broadcast_in_dim3A : vector<256x1xf32> to vector<256x128xf32>
    %mul3A_17 = arith.mulf %dot_general3A_16, %mul3A : vector<256x128xf32>
    %swap3A = arith.constant 0 : index
    %swap3A_18 = arith.constant 0 : index
    %swap3A_19 = vector.load %arg4[%swap3A, %swap3A_18] : memref<256x128xf32, #tpu.memory_space<vmem>>, vector<256x128xf32>
    tpu.vector_store %arg4[%swap3A, %swap3A_18], %mul3A_17 {strides = array<i32>} : memref<256x128xf32, #tpu.memory_space<vmem>>, vector<256x128xf32>,
    %swap3A_20 = arith.constant 0 : index
    %swap3A_21 = vector.load %arg5[%swap3A_20] : memref<256xf32, #tpu.memory_space<vmem>>, vector<256xf32>
    tpu.vector_store %arg5[%swap3A_20], %rsqrt3A {strides = array<i32>} : memref<256xf32, #tpu.memory_space<vmem>>, vector<256xf32>,
    return
  }
  func.func @transform_0(%arg0: i32) -> (i32, i32) {
    %c0_i32 = arith.constant 0 : i32
    %c0_i32_0 = arith.constant 0 : i32
    return %arg0, %c0_i32 : i32, i32
  }
  func.func @transform_1(%arg0: i32) -> (i32, i32) {
    %c0_i32 = arith.constant 0 : i32
    %c0_i32_0 = arith.constant 0 : i32
    %c0_i32_1 = arith.constant 0 : i32
    return %c0_i32, %c0_i32_0 : i32, i32
  }
  func.func @transform_2(%arg0: i32) -> (i32, i32) {
    %c0_i32 = arith.constant 0 : i32
    %c0_i32_0 = arith.constant 0 : i32
    return %c0_i32, %arg0 : i32, i32
  }
  func.func @transform_3(%arg0: i32) -> (i32, i32) {
    %c0_i32 = arith.constant 0 : i32
    %c0_i32_0 = arith.constant 0 : i32
    return %arg0, %c0_i32 : i32, i32
  }
  func.func @transform_4(%arg0: i32) -> i32 {
    %c0_i32 = arith.constant 0 : i32
    return %arg0 : i32
  }
}

module attributes {stable_mosaic.version = 14 : i64} {
  func.func @_combine_body(%arg0: i32, %arg1: memref<2x256x128xf32, #tpu.memory_space<vmem>>, %arg2: memref<256x128xf32, #tpu.memory_space<vmem>>, %arg3: memref<256xf32, #tpu.memory_space<vmem>>, %arg4: memref<128xf32, #tpu.memory_space<vmem>>, %arg5: memref<256x128xf32, #tpu.memory_space<vmem>>) attributes {dimension_semantics = [#tpu.dimension_semantics<arbitrary>], iteration_bounds = array<i64: 40>, scalar_prefetch = 0 : i64, scratch_operands = 0 : i64, tpu.core_type = #tpu.core_type<tc>, window_params = [{transform_indices = @transform_0, window_bounds = array<i64: 2, 256, 128>}, {transform_indices = @transform_1, window_bounds = array<i64: 256, 128>}, {transform_indices = @transform_2, window_bounds = array<i64: 256>}, {pipeline_mode = #tpu.pipeline_mode<synchronous>, transform_indices = @transform_3, window_bounds = array<i64: 128>}, {transform_indices = @transform_4, window_bounds = array<i64: 256, 128>}]} {
    %get3A = arith.constant 0 : index
    %get3A_0 = arith.constant 0 : index
    %get3A_1 = arith.constant 0 : index
    %get3A_2 = vector.load %arg1[%get3A, %get3A_0, %get3A_1] : memref<2x256x128xf32, #tpu.memory_space<vmem>>, vector<1x256x128xf32>
    %get3A_3 = vector.shape_cast %get3A_2 : vector<1x256x128xf32> to vector<256x128xf32>
    %get3A_4 = arith.constant 1 : index
    %get3A_5 = arith.constant 0 : index
    %get3A_6 = arith.constant 0 : index
    %get3A_7 = vector.load %arg1[%get3A_4, %get3A_5, %get3A_6] : memref<2x256x128xf32, #tpu.memory_space<vmem>>, vector<1x256x128xf32>
    %get3A_8 = vector.shape_cast %get3A_7 : vector<1x256x128xf32> to vector<256x128xf32>
    %add3A = arith.addf %get3A_3, %get3A_8 : vector<256x128xf32>
    %get3A_9 = arith.constant 0 : index
    %get3A_10 = arith.constant 0 : index
    %get3A_11 = vector.load %arg2[%get3A_9, %get3A_10] : memref<256x128xf32, #tpu.memory_space<vmem>>, vector<256x128xf32>
    %sub3A = arith.subf %add3A, %get3A_11 : vector<256x128xf32>
    %get3A_12 = arith.constant 0 : index
    %get3A_13 = vector.load %arg3[%get3A_12] : memref<256xf32, #tpu.memory_space<vmem>>, vector<256xf32>
    %broadcast_in_dim3A = vector.shape_cast %get3A_13 : vector<256xf32> to vector<256x1xf32>
    %mul3A = vector.broadcast %broadcast_in_dim3A : vector<256x1xf32> to vector<256x128xf32>
    %mul3A_14 = arith.mulf %sub3A, %mul3A : vector<256x128xf32>
    %get3A_15 = arith.constant 0 : index
    %get3A_16 = vector.load %arg4[%get3A_15] : memref<128xf32, #tpu.memory_space<vmem>>, vector<128xf32>
    %broadcast_in_dim3A_17 = vector.shape_cast %get3A_16 : vector<128xf32> to vector<1x128xf32>
    %add3A_18 = vector.broadcast %broadcast_in_dim3A_17 : vector<1x128xf32> to vector<256x128xf32>
    %add3A_19 = arith.addf %mul3A_14, %add3A_18 : vector<256x128xf32>
    %reduce_max3A = arith.constant dense<0xFF800000> : vector<256xf32>
    %reduce_max3A_20 = vector.multi_reduction <maximumf>, %add3A_19, %reduce_max3A [1] : vector<256x128xf32> to vector<256xf32>
    %broadcast_in_dim3A_21 = vector.shape_cast %reduce_max3A_20 : vector<256xf32> to vector<256x1xf32>
    %sub3A_22 = vector.broadcast %broadcast_in_dim3A_21 : vector<256x1xf32> to vector<256x128xf32>
    %sub3A_23 = arith.subf %add3A_19, %sub3A_22 : vector<256x128xf32>
    %exp3A = math.exp %sub3A_23 : vector<256x128xf32>
    %reduce_sum3A = arith.constant dense<0.000000e+00> : vector<256xf32>
    %reduce_sum3A_24 = vector.multi_reduction <add>, %exp3A, %reduce_sum3A [1] : vector<256x128xf32> to vector<256xf32>
    %broadcast_in_dim3A_25 = vector.shape_cast %reduce_sum3A_24 : vector<256xf32> to vector<256x1xf32>
    %log3A = math.log %broadcast_in_dim3A_25 : vector<256x1xf32>
    %add3A_26 = arith.addf %log3A, %broadcast_in_dim3A_21 : vector<256x1xf32>
    %sub3A_27 = vector.broadcast %add3A_26 : vector<256x1xf32> to vector<256x128xf32>
    %sub3A_28 = arith.subf %add3A_19, %sub3A_27 : vector<256x128xf32>
    %swap3A = arith.constant 0 : index
    %swap3A_29 = arith.constant 0 : index
    %swap3A_30 = vector.load %arg5[%swap3A, %swap3A_29] : memref<256x128xf32, #tpu.memory_space<vmem>>, vector<256x128xf32>
    tpu.vector_store %arg5[%swap3A, %swap3A_29], %sub3A_28 {strides = array<i32>} : memref<256x128xf32, #tpu.memory_space<vmem>>, vector<256x128xf32>,
    return
  }
  func.func @transform_0(%arg0: i32) -> (i32, i32, i32) {
    %c0_i32 = arith.constant 0 : i32
    %c0_i32_0 = arith.constant 0 : i32
    %c0_i32_1 = arith.constant 0 : i32
    return %c0_i32, %arg0, %c0_i32_0 : i32, i32, i32
  }
  func.func @transform_1(%arg0: i32) -> (i32, i32) {
    %c0_i32 = arith.constant 0 : i32
    %c0_i32_0 = arith.constant 0 : i32
    return %arg0, %c0_i32 : i32, i32
  }
  func.func @transform_2(%arg0: i32) -> i32 {
    %c0_i32 = arith.constant 0 : i32
    return %arg0 : i32
  }
  func.func @transform_3(%arg0: i32) -> i32 {
    %c0_i32 = arith.constant 0 : i32
    %c0_i32_0 = arith.constant 0 : i32
    return %c0_i32 : i32
  }
  func.func @transform_4(%arg0: i32) -> (i32, i32) {
    %c0_i32 = arith.constant 0 : i32
    %c0_i32_0 = arith.constant 0 : i32
    return %arg0, %c0_i32 : i32, i32
  }
}

</mosaic_0001>

<sc_bundles>
// kernel: kernel.6.cloned.1.call-start
scs
__scs_entry_jumppad:
0x0: {  	(pc) =	sbr.rel $0x88, $3  }
0x1: {  	(tag) =	ssettag $0x0;
	lr =	simm.s32 $0x1  }
0x2: {  	[smem:$0x3F9D] =	sst lr;
	_ =	strace $0xD0000000  }
0x3: {  	_ = 	snop  }
0x4: {  	_ = 	snop  }
0x5: {  	_ = 	snop  }
0x6: {  	_ = 	snop  }
0x7: {  	_ = 	snop  }
__scs_overlays_trampoline_lowered:
0x8: {  	[smem:$0x3FAC] =	sst s0  }
0x9: {  	[smem:$0x3FAD] =	sst s1  }
0xa: {  	[smem:$0x3FAE] =	sst s2  }
0xb: {  	[smem:$0x3FAF] =	sst s3  }
0xc: {  	[smem:$0x3FB0] =	sst s4  }
0xd: {  	[smem:$0x3FB1] =	sst s5  }
0xe: {  	[smem:$0x3FB2] =	sst s6  }
0xf: {  	[smem:$0x3FB3] =	sst s7  }
0x10: {  	[smem:$0x3FB4] =	sst s8  }
0x11: {  	[smem:$0x3FB5] =	sst s9;
	s0 =	simm.s32 @!p0 $0x0  }
0x12: {  	s1 =	sld [smem:$0x3F9B];
	s0 =	simm.s32 @p0 $0x1  }
0x13: {  	[smem:$0x3FB6] =	sst s0;
	s0 =	simm.s32 @!p1 $0x0  }
0x14: {  	s2 =	sld [smem:$0x3F9A];
	s0 =	simm.s32 @p1 $0x1  }
0x15: {  	[smem:$0x3FB7] =	sst s0;
	s0 =	simm.s32 @!p2 $0x0  }
0x16: {  	s3 =	sld [smem:$0x3FDB];
	s0 =	simm.s32 @p2 $0x1  }
0x17: {  	s4 =	simm.s32 $0x1BF5;
	[smem:$0x3FB9] =	sst s0  }
0x18: {  	s0 =	sld [smem:$0x3F9C];
	_ =	swait.ge [sflag:s4], $0x0  }
0x19: {  	s7 =	sld [smem:$0x3F9D]  }
0x1a: {  	s8 =	sadd.s32 $0xFFFFE003, lr  }
0x1b: {  	s9 =	sadd.s32 $0xFFFFFEF7, lr;
	s5 =	simm.s32 $0xFFFFFFFF;
	p2 =	slt.u32 s8, $0xFFFFF086  }
0x1c: {  	p1 =	slt.u32 s9, $0xF7A;
	s5 =	simm.s32 @!p2 $0x0  }
0x1d: {  	s5 =	simm.s32 @p1 $0x1;
	p0 =	seq.s32 s7, s2  }
0x1e: {  	s7 =	smul.u32 @!p0 $0xF7A, s2;
	p2 =	seq.s32 @!p0 s5, $0x0  }
0x1f: {  	s9 =	smul.u32 $0xF7A, s1;
	s8 =	simm.s32 @!p0 $0x1BF5;
	p2 =	por !p2, p0  }
0x20: {  	[sflag:s8] =	ssyncset.s32 @!p0 $0xFFFFF086;
	s6 =	sadd.s32 @!p0 s3, s7;
	s7 =	simm.s32 @!p0 $0x108  }
0x21: {  	s3 =	sadd.s32 s3, s9;
	s6 =	sadd.s32 @!p0 $0x88, s6;
	s7 =	simm.s32 @p2 $0x1082  }
0x22: {  	[simem:s7], [sflag:s8] =	dma.local @!p0 [hbm:s6], $0xF7A  }
0x23: {  	s9 =	sor.u32 $0xD0000000, s2;
	s6 =	simm.s32 $0x108;
	_ =	swait.ge @!p0 [sflag:s8], $0x0  }
0x24: {  	s3 =	sadd.s32 $0x88, s3;
	s6 =	simm.s32 @!p1 $0x1082;
	[sflag:s4] =	ssyncset.s32 $0xFFFFF086  }
0x25: {  	[simem:s6], [sflag:s4] =	dma.local [hbm:s3], $0xF7A  }
0x26: {  	[smem:$0x3F9D] =	sst s1;
	(tag) =	ssettag s2;
	_ =	strace s9  }
0x27: {  	s1 =	sld [smem:$0x3FAD]  }
0x28: {  	s2 =	sld [smem:$0x3FAE]  }
0x29: {  	s4 =	sld [smem:$0x3FB0]  }
0x2a: {  	p0 =	seq.s32 s5, $0x0;
	s5 =	sld [smem:$0x3FB1]  }
0x2b: {  	s6 =	sld [smem:$0x3FB2]  }
0x2c: {  	s7 =	sld [smem:$0x3FB3]  }
0x2d: {  	s3 =	simm.s32 $0x108;
	s8 =	sld [smem:$0x3FB4]  }
0x2e: {  	s3 =	simm.s32 @!p0 $0x1082;
	s9 =	sld [smem:$0x3FB5]  }
0x2f: {  	lr =	sadd.s32 s0, s3;
	s0 =	sld [smem:$0x3FAC]  }
0x30: {  	s3 =	sld [smem:$0x3FAF]  }
0x31: {  	[smem:$0x3FB8] =	sst s10  }
0x32: {  	s10 =	sld [smem:$0x3FB6];
	_ =	sdelay $0x3  }
0x33: {  	p0 =	seq.s32 s10, $0x1;
	s10 =	sld [smem:$0x3FB8];
	_ =	sdelay $0x3  }
0x34: {  	[smem:$0x3FB8] =	sst s10  }
0x35: {  	s10 =	sld [smem:$0x3FB7];
	_ =	sdelay $0x3  }
0x36: {  	p1 =	seq.s32 s10, $0x1;
	s10 =	sld [smem:$0x3FB8];
	_ =	sdelay $0x3  }
0x37: {  	[smem:$0x3FB8] =	sst s10  }
0x38: {  	s10 =	sld [smem:$0x3FB9]  }
0x39: {  	_ = 	snop;
	(pc) =	sbr.ind lr, $3  }
0x3a: {  	_ = 	snop  }
0x3b: {  	_ = 	snop  }
0x3c: {  	p2 =	seq.s32 s10, $0x1;
	s10 =	sld [smem:$0x3FB8]  }
0x3d: {  	_ =	shalt  }
0x3e: {  	_ =	shalt  }
0x3f: {  	_ =	shalt  }
0x40: {  	_ =	shalt  }
0x41: {  	_ =	shalt  }
0x42: {  	_ =	shalt  }
0x43: {  	_ =	shalt  }
0x44: {  	_ =	shalt  }
0x45: {  	_ =	shalt  }
0x46: {  	_ =	shalt  }
0x47: {  	_ =	shalt  }
0x48: {  	_ =	shalt  }
0x49: {  	_ =	shalt  }
0x4a: {  	_ =	shalt  }
0x4b: {  	_ =	shalt  }
0x4c: {  	_ =	shalt  }
0x4d: {  	_ =	shalt  }
0x4e: {  	_ =	shalt  }
0x4f: {  	_ =	shalt  }
0x50: {  	_ =	shalt  }
0x51: {  	_ =	shalt  }
0x52: {  	_ =	shalt  }
0x53: {  	_ =	shalt  }
0x54: {  	_ =	shalt  }
0x55: {  	_ =	shalt  }
0x56: {  	_ =	shalt  }
0x57: {  	_ =	shalt  }
0x58: {  	_ =	shalt  }
0x59: {  	_ =	shalt  }
0x5a: {  	_ =	shalt  }
0x5b: {  	_ =	shalt  }
0x5c: {  	_ =	shalt  }
0x5d: {  	_ =	shalt  }
0x5e: {  	_ =	shalt  }
0x5f: {  	_ =	shalt  }
0x60: {  	_ =	shalt  }
0x61: {  	_ =	shalt  }
0x62: {  	_ =	shalt  }
0x63: {  	_ =	shalt  }
0x64: {  	_ =	shalt  }
0x65: {  	_ =	shalt  }
0x66: {  	_ =	shalt  }
0x67: {  	_ =	shalt  }
0x68: {  	_ =	shalt  }
0x69: {  	_ =	shalt  }
0x6a: {  	_ =	shalt  }
0x6b: {  	_ =	shalt  }
0x6c: {  	_ =	shalt  }
0x6d: {  	_ =	shalt  }
0x6e: {  	_ =	shalt  }
0x6f: {  	_ =	shalt  }
0x70: {  	_ =	shalt  }
0x71: {  	_ =	shalt  }
0x72: {  	_ =	shalt  }
0x73: {  	_ =	shalt  }
0x74: {  	_ =	shalt  }
0x75: {  	_ =	shalt  }
0x76: {  	_ =	shalt  }
0x77: {  	_ =	shalt  }
0x78: {  	_ =	shalt  }
0x79: {  	_ =	shalt  }
0x7a: {  	_ =	shalt  }
0x7b: {  	_ =	shalt  }
0x7c: {  	_ =	shalt  }
0x7d: {  	_ =	shalt  }
0x7e: {  	_ =	shalt  }
0x7f: {  	_ =	shalt  }
0x80: {  	_ =	shalt  }
0x81: {  	_ =	shalt  }
0x82: {  	_ =	shalt  }
0x83: {  	_ =	shalt  }
0x84: {  	_ =	shalt  }
0x85: {  	_ =	shalt  }
0x86: {  	_ =	shalt  }
0x87: {  	_ =	shalt  }
.Lfunc_end0:
.L_simem_size_0:
called_computation_lowered:
.L_overlay_start_0:
0x88: {  	s2 =	sld [smem:$0x3FD9]  }
0x89: {  	s3 =	sld [smem:$0x3FFE];
	_ =	sdelay $0x1  }
0x8a: {  	s1 =	srdreg.scid  }
0x8b: {  	s0 =	sand.u32 $0x1, s1  }
0x8c: {  	s16 =	sshll.u32 s0, $0xA;
	s2 =	sadd.s32 s3, s2  }
0x8d: {  	s2 =	sadd.s32 s2, s16  }
0x8e: {  	[smem:$0x3FC4] =	sst s2  }
0x8f: {  	_ = 	snop  }
0x90: {  	(tm) =	ssettm $0x1  }
0x91: {  	s17 =	sld [smem:$0x3FFB];
	_ =	sdelay $0x3  }
0x92: {  	_ =	strace s17  }
0x93: {  	s2 =	sld [smem:$0x3FFC];
	_ =	sdelay $0x3  }
0x94: {  	_ =	strace s2  }
0x95: {  	s2 =	sld [smem:$0x3FFD];
	_ =	sdelay $0x3  }
0x96: {  	_ =	strace s2  }
0x97: {  	_ =	strace $0x8FFFFFFF  }
0x98: {  	s18 =	sld [smem:$0x3FDB];
	_ =	sdelay $0x1  }
0x99: {  	s19 =	simm.s32 $_scs_section_size  }
0x9a: {  	s4 =	simm.s32 $_size__tile_overlayer_lowered;
	s5 =	simm.s32 $_tile_overlayer_lowered  }
0x9b: {  	s22 =	simm.s32 $0x1BFF;
	s21 =	sshll.u32 s5, $0x1;
	s2 =	sadd.s32 s19, s18  }
0x9c: {  	s6 =	simm.s32 $0x0;
	s20 =	sshll.u32 s4, $0x1;
	s4 =	sadd.s32 s21, s2  }
0x9d: {  	[timem:s6], [sflag:s22] =	dma.local [hbm:s4], s20  }
0x9e: {  	_ =	swait.ge [sflag:s22], s20  }
0x9f: {  	s3 =	ssub.s32 $0x0, s20;
	[sflag:s22] =	ssyncset.done $0x0  }
0xa0: {  	[sflag:s22] =	ssyncadd.s32 s3;
	_ =	sdelay $0x1  }
0xa1: {  	s23 =	simm.s32 $0x1B8B  }
0xa2: {  	_ =	swait.ge [sflag:s23], $0x1  }
0xa3: {  	[sflag:s23] =	ssyncset.done $0x0  }
0xa4: {  	s25 =	simm.s32 $0x1B8E;
	s24 =	sld [smem:$0x3FFE];
	[sflag:s23] =	ssyncadd.s32 $0xFFFFFFFF  }
0xa5: {  	s26 =	simm.s32 $execute0_lowered;
	[smem:$0x3FD2] =	sst s25  }
0xa6: {  	s4 =	sshll.u32 s26, $0x1;
	_ =	strace $0x80000046;
	[dreg:$0x1] =	wrdreg $0xFFFFFFFF  }
0xa7: {  	s28 =	simm.s32 $_size_execute0_lowered;
	s2 =	sadd.s32 s2, s4;
	[dreg:$0x0] =	wrdreg $0x0  }
0xa8: {  	s4 =	sshll.u32 s28, $0x1;
	[dreg:$0x2] =	wrdreg s2  }
0xa9: {  	[dreg:$0x3] =	wrdreg s4  }
0xaa: {  	[dreg:$0x4] =	wrdreg $0xC0  }
0xab: {  	_ =	task [dreg:s6], $0x5FFFF  }
0xac: {  	[dreg:$0x1] =	wrdreg $0xFFFFFFFF  }
0xad: {  	[dreg:$0x0] =	wrdreg $0x60  }
0xae: {  	[dreg:$0x2] =	wrdreg s24  }
0xaf: {  	[dreg:$0x3] =	wrdreg $0x29000  }
0xb0: {  	[dreg:$0x4] =	wrdreg $0x9  }
0xb1: {  	_ =	task.clear_ibuf [dreg:s6], $0x5FFFF;
	_ =	strace $0x90000046  }
0xb2: {  	s29 =	simm.s32 $0x9;
	_ =	strace $0x80000048  }
0xb3: {  	_ =	swait.ge [sflag:s29], $0x1  }
0xb4: {  	[sflag:s29] =	ssyncadd.s32 $0xFFFFFFFF  }
0xb5: {  	_ =	strace $0x90000048  }
0xb6: {  	_ =	sfence  }
0xb7: {  	s30 =	sld [smem:$0x0];
	_ =	sdelay $0x2  }
0xb8: {  	s31 =	sshll.u32 s1, $0xD;
	s1 =	sshrl.u32 s1, $0x2  }
0xb9: {  	s3 =	sand.u32 $0x4000, s31;
	s1 =	sadd.s32 s1, s30  }
0xba: {  	s0 =	sor.u32 s3, s0;
	s1 =	sshll.u32 s1, $0x11  }
0xbb: {  	s0 =	sor.u32 s1, s0  }
0xbc: {  	s0 =	sadd.s32 $0x8F2B, s0  }
0xbd: {  	[sflag:s0] =	ssyncadd.remote.s32 $0x1  }
0xbe: {  	_ =	sfence.sel $0xFFFF  }
0xbf: {  	[dreg:$0x0] =	wrdreg $0xFFFFFFFF;
	(pc) =	sbr.abs _section_cstart, $3  }
0xc0: {  	[dreg:$0x1] =	wrdreg $0xFFFFFFFF  }
0xc1: {  	_ =	task.clear_ibuf [dreg:s6], $0x2FFFF;
	_ =	strace $0x9FFFFFFF  }
0xc2: {  	(tm) =	ssettm $0x7FFFFFFF  }
0xc3: {  	_ =	shalt  }
tec
execute0_lowered:
.L_overlay_start_1:
0x0: {  	(tag) =	ssettag $0x1  }
0x1: {  	s5 =	rddreg [dreg:$0x0]  }
0x2: {  	s2 =	rddreg [dreg:$0x1];
	s3 =	simm.s32 $0x0  }
0x3: {  	s14 =	simm.s32 $0x100;
	[smem:$0x7FF] =	sst s3  }
0x4: {  	s15 =	simm.s32 $0x180;
	_ =	strace $0x80000047;
	[dreg:$0x9] =	wrdreg s14  }
0x5: {  	s16 =	simm.s32 $0x200;
	[dreg:$0xa] =	wrdreg s15  }
0x6: {  	s17 =	simm.s32 $0x280;
	[dreg:$0xb] =	wrdreg s16  }
0x7: {  	s18 =	simm.s32 $0x300;
	[dreg:$0xc] =	wrdreg s17  }
0x8: {  	s19 =	simm.s32 $0x380;
	[dreg:$0xd] =	wrdreg s18  }
0x9: {  	s20 =	simm.s32 $0x400;
	[dreg:$0xe] =	wrdreg s19  }
0xa: {  	s21 =	simm.s32 $0x480;
	[dreg:$0xf] =	wrdreg s20  }
0xb: {  	s22 =	simm.s32 $0x500;
	[dreg:$0x10] =	wrdreg s21  }
0xc: {  	s23 =	simm.s32 $0x580;
	[dreg:$0x11] =	wrdreg s22  }
0xd: {  	s24 =	simm.s32 $0x600;
	[dreg:$0x12] =	wrdreg s23  }
0xe: {  	s26 =	simm.s32 $0x680;
	[dreg:$0x13] =	wrdreg s24  }
0xf: {  	[dreg:$0x14] =	wrdreg s26;
	s14 =	simm.s32 $0xC00  }
0x10: {  	s15 =	simm.s32 $0xC80;
	[dreg:$0x1f] =	wrdreg s14  }
0x11: {  	s16 =	simm.s32 $0xD00;
	[smem:$0x7D6] =	sst s15  }
0x12: {  	s17 =	simm.s32 $0xD80;
	[smem:$0x7D7] =	sst s16  }
0x13: {  	s18 =	simm.s32 $0xE00;
	[smem:$0x7D8] =	sst s17  }
0x14: {  	s19 =	simm.s32 $0xE80;
	[smem:$0x7D9] =	sst s18  }
0x15: {  	s20 =	simm.s32 $0xF00;
	[smem:$0x7DA] =	sst s19  }
0x16: {  	s21 =	simm.s32 $0xF80;
	[smem:$0x7DB] =	sst s20  }
0x17: {  	s22 =	simm.s32 $0x1000;
	[smem:$0x7DC] =	sst s21  }
0x18: {  	s23 =	simm.s32 $0x1080;
	[smem:$0x7DD] =	sst s22  }
0x19: {  	s24 =	simm.s32 $0x1100;
	[smem:$0x7DE] =	sst s23  }
0x1a: {  	s26 =	simm.s32 $0x1180;
	[smem:$0x7DF] =	sst s24  }
0x1b: {  	[smem:$0x7E0] =	sst s26;
	s14 =	simm.s32 $0x1700  }
0x1c: {  	s15 =	simm.s32 $0x1780;
	[smem:$0x7EB] =	sst s14  }
0x1d: {  	s16 =	simm.s32 $0x1800;
	[smem:$0x7EC] =	sst s15  }
0x1e: {  	s17 =	simm.s32 $0x1880;
	[smem:$0x7ED] =	sst s16  }
0x1f: {  	s1 =	srdreg.scid;
	s18 =	simm.s32 $0x1900;
	[smem:$0x7EE] =	sst s17  }
0x20: {  	s0 =	stileid.u32;
	s19 =	simm.s32 $0x1980;
	[smem:$0x7EF] =	sst s18  }
0x21: {  	s25 =	sand.u32 $0x1, s1;
	s20 =	simm.s32 $0x1A00;
	[smem:$0x7F0] =	sst s19  }
0x22: {  	s4 =	sshll.u32 s0, $0x1;
	s21 =	simm.s32 $0x1A80;
	[smem:$0x7F1] =	sst s20  }
0x23: {  	s6 =	smul.u32 $0xA00, s0;
	s22 =	simm.s32 $0x1B00;
	[smem:$0x7F2] =	sst s21  }
0x24: {  	s4 =	sor.u32 s25, s4;
	s23 =	simm.s32 $0x1B80;
	[smem:$0x7F3] =	sst s22  }
0x25: {  	s7 =	smul.u32 $0x500, s4;
	s24 =	simm.s32 $0x1C00;
	[smem:$0x7F4] =	sst s23  }
0x26: {  	s31 =	sshrl.u32 s6, $0x2;
	s26 =	simm.s32 $0x1C80;
	[smem:$0x7F5] =	sst s24  }
0x27: {  	s4 =	sadd.s32 s31, s2;
	s31 =	simm.s32 $0x700;
	[smem:$0x7F6] =	sst s26  }
0x28: {  	s8 =	sadd.s32 $0x80, s4;
	[dreg:$0x15] =	wrdreg s31  }
0x29: {  	s10 =	smul.u32 $0x500, s0;
	s11 =	sadd.s32 $0x100, s4;
	[dreg:$0x3] =	wrdreg s8  }
0x2a: {  	s9 =	sshll.u32 s25, $0x7;
	s12 =	sadd.s32 $0x180, s4;
	[dreg:$0x4] =	wrdreg s11  }
0x2b: {  	s1 =	sadd.s32 s7, s5;
	s13 =	sadd.s32 $0x200, s4;
	[dreg:$0x5] =	wrdreg s12  }
0x2c: {  	s7 =	sor.u32 s9, s10;
	s9 =	simm.s32 $0x980;
	[dreg:$0x6] =	wrdreg s13  }
0x2d: {  	s10 =	simm.s32 $0xA00;
	[dreg:$0x1a] =	wrdreg s9  }
0x2e: {  	s31 =	simm.s32 $0x1200;
	[dreg:$0x1b] =	wrdreg s10  }
0x2f: {  	s6 =	sadd.s32 $0x1600, s1;
	[smem:$0x7E1] =	sst s31  }
0x30: {  	s1 =	simm.s32 $0x780;
	[dreg:$0x7] =	wrdreg s6  }
0x31: {  	s8 =	simm.s32 $0x900;
	[dreg:$0x16] =	wrdreg s1  }
0x32: {  	s11 =	simm.s32 $0xA80;
	[dreg:$0x19] =	wrdreg s8  }
0x33: {  	s12 =	simm.s32 $0xB00;
	[dreg:$0x1c] =	wrdreg s11  }
0x34: {  	s13 =	simm.s32 $0xB80;
	[dreg:$0x1d] =	wrdreg s12  }
0x35: {  	s9 =	simm.s32 $0x1480;
	[dreg:$0x1e] =	wrdreg s13  }
0x36: {  	s10 =	simm.s32 $0x1500;
	[smem:$0x7E6] =	sst s9  }
0x37: {  	s31 =	simm.s32 $0x1D00;
	[smem:$0x7E7] =	sst s10  }
0x38: {  	v0 =	vimm.f32 $0.0e+00;
	s7 =	sshrl.u32 s7, $0x3;
	s6 =	simm.s32 $0x800;
	[smem:$0x7F7] =	sst s31  }
0x39: {  	v1 =	vimm.f32 $1.000000000e+00;
	[tilespmem:$0x2890] =	vst v0;
	s5 =	sadd.s32 s7, s5;
	s7 =	simm.s32 $0x880;
	[dreg:$0x17] =	wrdreg s6  }
0x3a: {  	[tilespmem:$0x2810] =	vst v1;
	s1 =	simm.s32 $0x1280;
	[dreg:$0x18] =	wrdreg s7  }
0x3b: {  	[tilespmem:$0x28A0] =	vst v0;
	s8 =	simm.s32 $0x1400;
	[smem:$0x7E2] =	sst s1  }
0x3c: {  	[tilespmem:$0x2820] =	vst v1;
	s11 =	simm.s32 $0x1580;
	[smem:$0x7E5] =	sst s8  }
0x3d: {  	[tilespmem:$0x28B0] =	vst v0;
	s12 =	simm.s32 $0x1600;
	[smem:$0x7E8] =	sst s11  }
0x3e: {  	[tilespmem:$0x2830] =	vst v1;
	s13 =	simm.s32 $0x1680;
	[smem:$0x7E9] =	sst s12  }
0x3f: {  	[tilespmem:$0x28C0] =	vst v0;
	s9 =	simm.s32 $0x1F80;
	[smem:$0x7EA] =	sst s13  }
0x40: {  	[tilespmem:$0x2880] =	vst v0;
	s10 =	simm.s32 $0x2000;
	[smem:$0x7FC] =	sst s9  }
0x41: {  	[tilespmem:$0x2870] =	vst v1;
	s5 =	sadd.s32 $0xB600, s5;
	[smem:$0x7FD] =	sst s10  }
0x42: {  	[tilespmem:$0x28F0] =	vst v0;
	s6 =	simm.s32 $0x1300;
	[dreg:$0x8] =	wrdreg s5  }
0x43: {  	[tilespmem:$0x2860] =	vst v1;
	s7 =	simm.s32 $0x1380;
	[smem:$0x7E3] =	sst s6  }
0x44: {  	[tilespmem:$0x28E0] =	vst v0;
	s1 =	simm.s32 $0x1D80;
	[smem:$0x7E4] =	sst s7  }
0x45: {  	[tilespmem:$0x2850] =	vst v1;
	s8 =	simm.s32 $0x1F00;
	[smem:$0x7F8] =	sst s1  }
0x46: {  	[tilespmem:$0x28D0] =	vst v0;
	s6 =	simm.s32 $0x1E00;
	[smem:$0x7FB] =	sst s8  }
0x47: {  	[tilespmem:$0x2840] =	vst v1;
	s7 =	simm.s32 $0x1E80;
	[smem:$0x7F9] =	sst s6  }
0x48: {  	[tilespmem:$0x2800] =	vst v1;
	s5 =	simm.s32 $0x2;
	[smem:$0x7FA] =	sst s7;
	s6 =	simm.s32 $0x2880  }
0x49: {  	[spmem:s4] =	stream.linear.scatter [tilespmem:s6], [sflag:$0x2], $0x80, $0x38;
	[tilespmem:$0x2B80] =	vst v63  }
0x4a: {  	_ =	swait.ge [sflag:s5], $0x80  }
0x4b: {  	[sflag:s5] =	ssyncset.done $0x0  }
0x4c: {  	s11 =	rddreg [dreg:$0x3];
	[sflag:s5] =	ssyncadd.s32 $0xFFFFFF80  }
0x4d: {  	[spmem:s11] =	stream.linear.scatter [tilespmem:s6], [sflag:$0x2], $0x80, $0x38;
	[tilespmem:$0x2B80] =	vst v63  }
0x4e: {  	_ =	swait.ge [sflag:s5], $0x80  }
0x4f: {  	[sflag:s5] =	ssyncset.done $0x0  }
0x50: {  	s12 =	rddreg [dreg:$0x4];
	[sflag:s5] =	ssyncadd.s32 $0xFFFFFF80  }
0x51: {  	[spmem:s12] =	stream.linear.scatter [tilespmem:s6], [sflag:$0x2], $0x80, $0x38;
	[tilespmem:$0x2B80] =	vst v63  }
0x52: {  	_ =	swait.ge [sflag:s5], $0x80  }
0x53: {  	[sflag:s5] =	ssyncset.done $0x0  }
0x54: {  	s13 =	rddreg [dreg:$0x5];
	[sflag:s5] =	ssyncadd.s32 $0xFFFFFF80  }
0x55: {  	[spmem:s13] =	stream.linear.scatter [tilespmem:s6], [sflag:$0x2], $0x80, $0x38;
	[tilespmem:$0x2B80] =	vst v63  }
0x56: {  	_ =	swait.ge [sflag:s5], $0x80  }
0x57: {  	[sflag:s5] =	ssyncset.done $0x0  }
0x58: {  	s14 =	rddreg [dreg:$0x6];
	[sflag:s5] =	ssyncadd.s32 $0xFFFFFF80  }
0x59: {  	[spmem:s14] =	stream.linear.scatter [tilespmem:s6], [sflag:$0x2], $0x80, $0x38;
	[tilespmem:$0x2B80] =	vst v63  }
0x5a: {  	_ =	swait.ge [sflag:s5], $0x80  }
0x5b: {  	[sflag:s5] =	ssyncset.done $0x0  }
0x5c: {  	[sflag:s5] =	ssyncadd.s32 $0xFFFFFF80  }
0x5d: {  	[bflag:$0x0] =	sbarrier.arrive $0xFFFF  }
0x5e: {  	s15 =	rddreg [dreg:$0x7]  }
0x5f: {  	[tilespmem:s3], [sflag:$0x2] =	stream.linear.gather [hbm4b:s15+s3], $0x2800, $0x38;
	[tilespmem:$0x2B80] =	vst v63  }
0x60: {  	_ =	swait.ge [sflag:s5], $0x2800  }
0x61: {  	[sflag:s5] =	ssyncset.done $0x0  }
0x62: {  	s8 =	simm.s32 $0x2800;
	s7 =	simm.s32 $0x80;
	[sflag:s5] =	ssyncadd.s32 $0xFFFFD800  }
0x63: {  	[spmem:s2] =	stream.indirect.scatter.add.f32 [tilespmem:s8], [sflag:$0x1], $0x1, s3, s7, $0xb8;
	[tilespmem:$0x2B80] =	vst v63  }
0x64: {  	s16 =	rddreg [dreg:$0x9]  }
0x65: {  	[spmem:s2] =	stream.indirect.scatter.add.f32 [tilespmem:s8], [sflag:$0x1], $0x1, s7, s7, $0xb8;
	[tilespmem:$0x2B80] =	vst v63  }
0x66: {  	s10 =	rddreg [dreg:$0xa]  }
0x67: {  	[spmem:s2] =	stream.indirect.scatter.add.f32 [tilespmem:s8], [sflag:$0x1], $0x1, s16, s7, $0xb8;
	[tilespmem:$0x2B80] =	vst v63  }
0x68: {  	s17 =	rddreg [dreg:$0xb]  }
0x69: {  	[spmem:s2] =	stream.indirect.scatter.add.f32 [tilespmem:s8], [sflag:$0x1], $0x1, s10, s7, $0xb8;
	[tilespmem:$0x2B80] =	vst v63  }
0x6a: {  	s18 =	rddreg [dreg:$0xc]  }
0x6b: {  	[spmem:s2] =	stream.indirect.scatter.add.f32 [tilespmem:s8], [sflag:$0x1], $0x1, s17, s7, $0xb8;
	[tilespmem:$0x2B80] =	vst v63  }
0x6c: {  	s19 =	rddreg [dreg:$0xd]  }
0x6d: {  	[spmem:s2] =	stream.indirect.scatter.add.f32 [tilespmem:s8], [sflag:$0x1], $0x1, s18, s7, $0xb8;
	[tilespmem:$0x2B80] =	vst v63  }
0x6e: {  	s20 =	rddreg [dreg:$0xe]  }
0x6f: {  	[spmem:s2] =	stream.indirect.scatter.add.f32 [tilespmem:s8], [sflag:$0x1], $0x1, s19, s7, $0xb8;
	[tilespmem:$0x2B80] =	vst v63  }
0x70: {  	s21 =	rddreg [dreg:$0xf]  }
0x71: {  	[spmem:s2] =	stream.indirect.scatter.add.f32 [tilespmem:s8], [sflag:$0x1], $0x1, s20, s7, $0xb8;
	[tilespmem:$0x2B80] =	vst v63  }
0x72: {  	s22 =	rddreg [dreg:$0x10]  }
0x73: {  	[spmem:s2] =	stream.indirect.scatter.add.f32 [tilespmem:s8], [sflag:$0x1], $0x1, s21, s7, $0xb8;
	[tilespmem:$0x2B80] =	vst v63  }
0x74: {  	s23 =	rddreg [dreg:$0x11]  }
0x75: {  	[spmem:s2] =	stream.indirect.scatter.add.f32 [tilespmem:s8], [sflag:$0x1], $0x1, s22, s7, $0xb8;
	[tilespmem:$0x2B80] =	vst v63  }
0x76: {  	s24 =	rddreg [dreg:$0x12]  }
0x77: {  	[spmem:s2] =	stream.indirect.scatter.add.f32 [tilespmem:s8], [sflag:$0x1], $0x1, s23, s7, $0xb8;
	[tilespmem:$0x2B80] =	vst v63  }
0x78: {  	s26 =	rddreg [dreg:$0x13]  }
0x79: {  	[spmem:s2] =	stream.indirect.scatter.add.f32 [tilespmem:s8], [sflag:$0x1], $0x1, s24, s7, $0xb8;
	[tilespmem:$0x2B80] =	vst v63  }
0x7a: {  	s31 =	rddreg [dreg:$0x14]  }
0x7b: {  	[spmem:s2] =	stream.indirect.scatter.add.f32 [tilespmem:s8], [sflag:$0x1], $0x1, s26, s7, $0xb8;
	[tilespmem:$0x2B80] =	vst v63  }
0x7c: {  	s1 =	rddreg [dreg:$0x15]  }
0x7d: {  	[spmem:s2] =	stream.indirect.scatter.add.f32 [tilespmem:s8], [sflag:$0x1], $0x1, s31, s7, $0xb8;
	[tilespmem:$0x2B80] =	vst v63  }
0x7e: {  	s11 =	rddreg [dreg:$0x16]  }
0x7f: {  	[spmem:s2] =	stream.indirect.scatter.add.f32 [tilespmem:s8], [sflag:$0x1], $0x1, s1, s7, $0xb8;
	[tilespmem:$0x2B80] =	vst v63  }
0x80: {  	s12 =	rddreg [dreg:$0x17]  }
0x81: {  	[spmem:s2] =	stream.indirect.scatter.add.f32 [tilespmem:s8], [sflag:$0x1], $0x1, s11, s7, $0xb8;
	[tilespmem:$0x2B80] =	vst v63  }
0x82: {  	s13 =	rddreg [dreg:$0x18]  }
0x83: {  	[spmem:s2] =	stream.indirect.scatter.add.f32 [tilespmem:s8], [sflag:$0x1], $0x1, s12, s7, $0xb8;
	[tilespmem:$0x2B80] =	vst v63  }
0x84: {  	s14 =	rddreg [dreg:$0x19]  }
0x85: {  	[spmem:s2] =	stream.indirect.scatter.add.f32 [tilespmem:s8], [sflag:$0x1], $0x1, s13, s7, $0xb8;
	[tilespmem:$0x2B80] =	vst v63  }
0x86: {  	s15 =	rddreg [dreg:$0x1a]  }
0x87: {  	[spmem:s2] =	stream.indirect.scatter.add.f32 [tilespmem:s8], [sflag:$0x1], $0x1, s14, s7, $0xb8;
	[tilespmem:$0x2B80] =	vst v63  }
0x88: {  	s16 =	rddreg [dreg:$0x1b]  }
0x89: {  	[spmem:s2] =	stream.indirect.scatter.add.f32 [tilespmem:s8], [sflag:$0x1], $0x1, s15, s7, $0xb8;
	[tilespmem:$0x2B80] =	vst v63  }
0x8a: {  	s17 =	rddreg [dreg:$0x1c]  }
0x8b: {  	[spmem:s2] =	stream.indirect.scatter.add.f32 [tilespmem:s8], [sflag:$0x1], $0x1, s16, s7, $0xb8;
	[tilespmem:$0x2B80] =	vst v63  }
0x8c: {  	s18 =	rddreg [dreg:$0x1d]  }
0x8d: {  	[spmem:s2] =	stream.indirect.scatter.add.f32 [tilespmem:s8], [sflag:$0x1], $0x1, s17, s7, $0xb8;
	[tilespmem:$0x2B80] =	vst v63  }
0x8e: {  	s19 =	rddreg [dreg:$0x1e]  }
0x8f: {  	[spmem:s2] =	stream.indirect.scatter.add.f32 [tilespmem:s8], [sflag:$0x1], $0x1, s18, s7, $0xb8;
	[tilespmem:$0x2B80] =	vst v63  }
0x90: {  	s20 =	rddreg [dreg:$0x1f]  }
0x91: {  	[spmem:s2] =	stream.indirect.scatter.add.f32 [tilespmem:s8], [sflag:$0x1], $0x1, s19, s7, $0xb8;
	[tilespmem:$0x2B80] =	vst v63  }
0x92: {  	s21 =	sld [smem:$0x7D6]  }
0x93: {  	[spmem:s2] =	stream.indirect.scatter.add.f32 [tilespmem:s8], [sflag:$0x1], $0x1, s20, s7, $0xb8;
	[tilespmem:$0x2B80] =	vst v63  }
0x94: {  	s22 =	sld [smem:$0x7D7]  }
0x95: {  	[spmem:s2] =	stream.indirect.scatter.add.f32 [tilespmem:s8], [sflag:$0x1], $0x1, s21, s7, $0xb8;
	[tilespmem:$0x2B80] =	vst v63  }
0x96: {  	s23 =	sld [smem:$0x7D8]  }
0x97: {  	[spmem:s2] =	stream.indirect.scatter.add.f32 [tilespmem:s8], [sflag:$0x1], $0x1, s22, s7, $0xb8;
	[tilespmem:$0x2B80] =	vst v63  }
0x98: {  	s24 =	sld [smem:$0x7D9]  }
0x99: {  	[spmem:s2] =	stream.indirect.scatter.add.f32 [tilespmem:s8], [sflag:$0x1], $0x1, s23, s7, $0xb8;
	[tilespmem:$0x2B80] =	vst v63  }
0x9a: {  	s26 =	sld [smem:$0x7DA]  }
0x9b: {  	[spmem:s2] =	stream.indirect.scatter.add.f32 [tilespmem:s8], [sflag:$0x1], $0x1, s24, s7, $0xb8;
	[tilespmem:$0x2B80] =	vst v63  }
0x9c: {  	s31 =	sld [smem:$0x7DB]  }
0x9d: {  	[spmem:s2] =	stream.indirect.scatter.add.f32 [tilespmem:s8], [sflag:$0x1], $0x1, s26, s7, $0xb8;
	[tilespmem:$0x2B80] =	vst v63  }
0x9e: {  	s1 =	sld [smem:$0x7DC]  }
0x9f: {  	[spmem:s2] =	stream.indirect.scatter.add.f32 [tilespmem:s8], [sflag:$0x1], $0x1, s31, s7, $0xb8;
	[tilespmem:$0x2B80] =	vst v63  }
0xa0: {  	s11 =	sld [smem:$0x7DD]  }
0xa1: {  	[spmem:s2] =	stream.indirect.scatter.add.f32 [tilespmem:s8], [sflag:$0x1], $0x1, s1, s7, $0xb8;
	[tilespmem:$0x2B80] =	vst v63  }
0xa2: {  	s12 =	sld [smem:$0x7DE]  }
0xa3: {  	[spmem:s2] =	stream.indirect.scatter.add.f32 [tilespmem:s8], [sflag:$0x1], $0x1, s11, s7, $0xb8;
	[tilespmem:$0x2B80] =	vst v63  }
0xa4: {  	s13 =	sld [smem:$0x7DF]  }
0xa5: {  	[spmem:s2] =	stream.indirect.scatter.add.f32 [tilespmem:s8], [sflag:$0x1], $0x1, s12, s7, $0xb8;
	[tilespmem:$0x2B80] =	vst v63  }
0xa6: {  	s14 =	sld [smem:$0x7E0]  }
0xa7: {  	[spmem:s2] =	stream.indirect.scatter.add.f32 [tilespmem:s8], [sflag:$0x1], $0x1, s13, s7, $0xb8;
	[tilespmem:$0x2B80] =	vst v63  }
0xa8: {  	s15 =	sld [smem:$0x7E1]  }
0xa9: {  	[spmem:s2] =	stream.indirect.scatter.add.f32 [tilespmem:s8], [sflag:$0x1], $0x1, s14, s7, $0xb8;
	[tilespmem:$0x2B80] =	vst v63  }
0xaa: {  	s16 =	sld [smem:$0x7E2]  }
0xab: {  	[spmem:s2] =	stream.indirect.scatter.add.f32 [tilespmem:s8], [sflag:$0x1], $0x1, s15, s7, $0xb8;
	[tilespmem:$0x2B80] =	vst v63  }
0xac: {  	s17 =	sld [smem:$0x7E3]  }
0xad: {  	[spmem:s2] =	stream.indirect.scatter.add.f32 [tilespmem:s8], [sflag:$0x1], $0x1, s16, s7, $0xb8;
	[tilespmem:$0x2B80] =	vst v63  }
0xae: {  	s18 =	sld [smem:$0x7E4]  }
0xaf: {  	[spmem:s2] =	stream.indirect.scatter.add.f32 [tilespmem:s8], [sflag:$0x1], $0x1, s17, s7, $0xb8;
	[tilespmem:$0x2B80] =	vst v63  }
0xb0: {  	s19 =	sld [smem:$0x7E5]  }
0xb1: {  	[spmem:s2] =	stream.indirect.scatter.add.f32 [tilespmem:s8], [sflag:$0x1], $0x1, s18, s7, $0xb8;
	[tilespmem:$0x2B80] =	vst v63  }
0xb2: {  	s20 =	sld [smem:$0x7E6]  }
0xb3: {  	[spmem:s2] =	stream.indirect.scatter.add.f32 [tilespmem:s8], [sflag:$0x1], $0x1, s19, s7, $0xb8;
	[tilespmem:$0x2B80] =	vst v63  }
0xb4: {  	s21 =	sld [smem:$0x7E7]  }
0xb5: {  	[spmem:s2] =	stream.indirect.scatter.add.f32 [tilespmem:s8], [sflag:$0x1], $0x1, s20, s7, $0xb8;
	[tilespmem:$0x2B80] =	vst v63  }
0xb6: {  	s22 =	sld [smem:$0x7E8]  }
0xb7: {  	[spmem:s2] =	stream.indirect.scatter.add.f32 [tilespmem:s8], [sflag:$0x1], $0x1, s21, s7, $0xb8;
	[tilespmem:$0x2B80] =	vst v63  }
0xb8: {  	s23 =	sld [smem:$0x7E9]  }
0xb9: {  	[spmem:s2] =	stream.indirect.scatter.add.f32 [tilespmem:s8], [sflag:$0x1], $0x1, s22, s7, $0xb8;
	[tilespmem:$0x2B80] =	vst v63  }
0xba: {  	s24 =	sld [smem:$0x7EA]  }
0xbb: {  	[spmem:s2] =	stream.indirect.scatter.add.f32 [tilespmem:s8], [sflag:$0x1], $0x1, s23, s7, $0xb8;
	[tilespmem:$0x2B80] =	vst v63  }
0xbc: {  	s26 =	sld [smem:$0x7EB]  }
0xbd: {  	[spmem:s2] =	stream.indirect.scatter.add.f32 [tilespmem:s8], [sflag:$0x1], $0x1, s24, s7, $0xb8;
	[tilespmem:$0x2B80] =	vst v63  }
0xbe: {  	s31 =	sld [smem:$0x7EC]  }
0xbf: {  	[spmem:s2] =	stream.indirect.scatter.add.f32 [tilespmem:s8], [sflag:$0x1], $0x1, s26, s7, $0xb8;
	[tilespmem:$0x2B80] =	vst v63  }
0xc0: {  	s1 =	sld [smem:$0x7ED]  }
0xc1: {  	[spmem:s2] =	stream.indirect.scatter.add.f32 [tilespmem:s8], [sflag:$0x1], $0x1, s31, s7, $0xb8;
	[tilespmem:$0x2B80] =	vst v63  }
0xc2: {  	s11 =	sld [smem:$0x7EE]  }
0xc3: {  	[spmem:s2] =	stream.indirect.scatter.add.f32 [tilespmem:s8], [sflag:$0x1], $0x1, s1, s7, $0xb8;
	[tilespmem:$0x2B80] =	vst v63  }
0xc4: {  	s12 =	sld [smem:$0x7EF]  }
0xc5: {  	[spmem:s2] =	stream.indirect.scatter.add.f32 [tilespmem:s8], [sflag:$0x1], $0x1, s11, s7, $0xb8;
	[tilespmem:$0x2B80] =	vst v63  }
0xc6: {  	s13 =	sld [smem:$0x7F0]  }
0xc7: {  	[spmem:s2] =	stream.indirect.scatter.add.f32 [tilespmem:s8], [sflag:$0x1], $0x1, s12, s7, $0xb8;
	[tilespmem:$0x2B80] =	vst v63  }
0xc8: {  	s14 =	sld [smem:$0x7F1]  }
0xc9: {  	[spmem:s2] =	stream.indirect.scatter.add.f32 [tilespmem:s8], [sflag:$0x1], $0x1, s13, s7, $0xb8;
	[tilespmem:$0x2B80] =	vst v63  }
0xca: {  	s15 =	sld [smem:$0x7F2]  }
0xcb: {  	[spmem:s2] =	stream.indirect.scatter.add.f32 [tilespmem:s8], [sflag:$0x1], $0x1, s14, s7, $0xb8;
	[tilespmem:$0x2B80] =	vst v63  }
0xcc: {  	s16 =	sld [smem:$0x7F3]  }
0xcd: {  	[spmem:s2] =	stream.indirect.scatter.add.f32 [tilespmem:s8], [sflag:$0x1], $0x1, s15, s7, $0xb8;
	[tilespmem:$0x2B80] =	vst v63  }
0xce: {  	s17 =	sld [smem:$0x7F4]  }
0xcf: {  	[spmem:s2] =	stream.indirect.scatter.add.f32 [tilespmem:s8], [sflag:$0x1], $0x1, s16, s7, $0xb8;
	[tilespmem:$0x2B80] =	vst v63  }
0xd0: {  	s18 =	sld [smem:$0x7F5]  }
0xd1: {  	[spmem:s2] =	stream.indirect.scatter.add.f32 [tilespmem:s8], [sflag:$0x1], $0x1, s17, s7, $0xb8;
	[tilespmem:$0x2B80] =	vst v63  }
0xd2: {  	s19 =	sld [smem:$0x7F6]  }
0xd3: {  	[spmem:s2] =	stream.indirect.scatter.add.f32 [tilespmem:s8], [sflag:$0x1], $0x1, s18, s7, $0xb8;
	[tilespmem:$0x2B80] =	vst v63  }
0xd4: {  	s20 =	sld [smem:$0x7F7]  }
0xd5: {  	[spmem:s2] =	stream.indirect.scatter.add.f32 [tilespmem:s8], [sflag:$0x1], $0x1, s19, s7, $0xb8;
	[tilespmem:$0x2B80] =	vst v63  }
0xd6: {  	s21 =	sld [smem:$0x7F8]  }
0xd7: {  	[spmem:s2] =	stream.indirect.scatter.add.f32 [tilespmem:s8], [sflag:$0x1], $0x1, s20, s7, $0xb8;
	[tilespmem:$0x2B80] =	vst v63  }
0xd8: {  	s22 =	sld [smem:$0x7F9]  }
0xd9: {  	[spmem:s2] =	stream.indirect.scatter.add.f32 [tilespmem:s8], [sflag:$0x1], $0x1, s21, s7, $0xb8;
	[tilespmem:$0x2B80] =	vst v63  }
0xda: {  	s23 =	sld [smem:$0x7FA]  }
0xdb: {  	[spmem:s2] =	stream.indirect.scatter.add.f32 [tilespmem:s8], [sflag:$0x1], $0x1, s22, s7, $0xb8;
	[tilespmem:$0x2B80] =	vst v63  }
0xdc: {  	s24 =	sld [smem:$0x7FB]  }
0xdd: {  	[spmem:s2] =	stream.indirect.scatter.add.f32 [tilespmem:s8], [sflag:$0x1], $0x1, s23, s7, $0xb8;
	[tilespmem:$0x2B80] =	vst v63  }
0xde: {  	s26 =	sld [smem:$0x7FC]  }
0xdf: {  	[spmem:s2] =	stream.indirect.scatter.add.f32 [tilespmem:s8], [sflag:$0x1], $0x1, s24, s7, $0xb8;
	[tilespmem:$0x2B80] =	vst v63  }
0xe0: {  	s31 =	sld [smem:$0x7FD]  }
0xe1: {  	[spmem:s2] =	stream.indirect.scatter.add.f32 [tilespmem:s8], [sflag:$0x1], $0x1, s26, s7, $0xb8;
	[tilespmem:$0x2B80] =	vst v63  }
0xe2: {  	_ = 	snop  }
0xe3: {  	[spmem:s2] =	stream.indirect.scatter.add.f32 [tilespmem:s8], [sflag:$0x1], $0x1, s31, s7, $0xb8;
	[tilespmem:$0x2B80] =	vst v63  }
0xe4: {  	s9 =	simm.s32 $0x2080  }
0xe5: {  	[spmem:s2] =	stream.indirect.scatter.add.f32 [tilespmem:s8], [sflag:$0x1], $0x1, s9, s7, $0xb8;
	[tilespmem:$0x2B80] =	vst v63  }
0xe6: {  	s10 =	simm.s32 $0x2100  }
0xe7: {  	[spmem:s2] =	stream.indirect.scatter.add.f32 [tilespmem:s8], [sflag:$0x1], $0x1, s10, s7, $0xb8;
	[tilespmem:$0x2B80] =	vst v63  }
0xe8: {  	s11 =	simm.s32 $0x2180  }
0xe9: {  	[spmem:s2] =	stream.indirect.scatter.add.f32 [tilespmem:s8], [sflag:$0x1], $0x1, s11, s7, $0xb8;
	[tilespmem:$0x2B80] =	vst v63  }
0xea: {  	s12 =	simm.s32 $0x2200  }
0xeb: {  	[spmem:s2] =	stream.indirect.scatter.add.f32 [tilespmem:s8], [sflag:$0x1], $0x1, s12, s7, $0xb8;
	[tilespmem:$0x2B80] =	vst v63  }
0xec: {  	s13 =	simm.s32 $0x2280  }
0xed: {  	[spmem:s2] =	stream.indirect.scatter.add.f32 [tilespmem:s8], [sflag:$0x1], $0x1, s13, s7, $0xb8;
	[tilespmem:$0x2B80] =	vst v63  }
0xee: {  	s14 =	simm.s32 $0x2300  }
0xef: {  	[spmem:s2] =	stream.indirect.scatter.add.f32 [tilespmem:s8], [sflag:$0x1], $0x1, s14, s7, $0xb8;
	[tilespmem:$0x2B80] =	vst v63  }
0xf0: {  	s15 =	simm.s32 $0x2380  }
0xf1: {  	[spmem:s2] =	stream.indirect.scatter.add.f32 [tilespmem:s8], [sflag:$0x1], $0x1, s15, s7, $0xb8;
	[tilespmem:$0x2B80] =	vst v63  }
0xf2: {  	s16 =	simm.s32 $0x2400  }
0xf3: {  	[spmem:s2] =	stream.indirect.scatter.add.f32 [tilespmem:s8], [sflag:$0x1], $0x1, s16, s7, $0xb8;
	[tilespmem:$0x2B80] =	vst v63  }
0xf4: {  	s17 =	simm.s32 $0x2480  }
0xf5: {  	[spmem:s2] =	stream.indirect.scatter.add.f32 [tilespmem:s8], [sflag:$0x1], $0x1, s17, s7, $0xb8;
	[tilespmem:$0x2B80] =	vst v63  }
0xf6: {  	s18 =	simm.s32 $0x2500  }
0xf7: {  	[spmem:s2] =	stream.indirect.scatter.add.f32 [tilespmem:s8], [sflag:$0x1], $0x1, s18, s7, $0xb8;
	[tilespmem:$0x2B80] =	vst v63  }
0xf8: {  	s19 =	simm.s32 $0x2580  }
0xf9: {  	[spmem:s2] =	stream.indirect.scatter.add.f32 [tilespmem:s8], [sflag:$0x1], $0x1, s19, s7, $0xb8;
	[tilespmem:$0x2B80] =	vst v63  }
0xfa: {  	s20 =	simm.s32 $0x2600  }
0xfb: {  	[spmem:s2] =	stream.indirect.scatter.add.f32 [tilespmem:s8], [sflag:$0x1], $0x1, s20, s7, $0xb8;
	[tilespmem:$0x2B80] =	vst v63  }
0xfc: {  	s21 =	simm.s32 $0x2680  }
0xfd: {  	[spmem:s2] =	stream.indirect.scatter.add.f32 [tilespmem:s8], [sflag:$0x1], $0x1, s21, s7, $0xb8;
	[tilespmem:$0x2B80] =	vst v63  }
0xfe: {  	s22 =	simm.s32 $0x2700  }
0xff: {  	[spmem:s2] =	stream.indirect.scatter.add.f32 [tilespmem:s8], [sflag:$0x1], $0x1, s22, s7, $0xb8;
	[tilespmem:$0x2B80] =	vst v63  }
0x100: {  	s23 =	simm.s32 $0x2780;
	s24 =	simm.s32 $0x1  }
0x101: {  	[spmem:s2] =	stream.indirect.scatter.add.f32 [tilespmem:s8], [sflag:$0x1], $0x1, s23, s7, $0xb8;
	[tilespmem:$0x2B80] =	vst v63  }
0x102: {  	_ =	swait.ge [sflag:s24], $0x80  }
0x103: {  	[sflag:s24] =	ssyncset.done $0x0  }
0x104: {  	[sflag:s24] =	ssyncadd.s32 $0xFFFFFF80  }
0x105: {  	_ =	swait.ge [sflag:s24], $0x80  }
0x106: {  	[sflag:s24] =	ssyncset.done $0x0  }
0x107: {  	[sflag:s24] =	ssyncadd.s32 $0xFFFFFF80  }
0x108: {  	_ =	swait.ge [sflag:s24], $0x80  }
0x109: {  	[sflag:s24] =	ssyncset.done $0x0  }
0x10a: {  	[sflag:s24] =	ssyncadd.s32 $0xFFFFFF80  }
0x10b: {  	_ =	swait.ge [sflag:s24], $0x80  }
0x10c: {  	[sflag:s24] =	ssyncset.done $0x0  }
0x10d: {  	[sflag:s24] =	ssyncadd.s32 $0xFFFFFF80  }
0x10e: {  	_ =	swait.ge [sflag:s24], $0x80  }
0x10f: {  	[sflag:s24] =	ssyncset.done $0x0  }
0x110: {  	[sflag:s24] =	ssyncadd.s32 $0xFFFFFF80  }
0x111: {  	_ =	swait.ge [sflag:s24], $0x80  }
0x112: {  	[sflag:s24] =	ssyncset.done $0x0  }
0x113: {  	[sflag:s24] =	ssyncadd.s32 $0xFFFFFF80  }
0x114: {  	_ =	swait.ge [sflag:s24], $0x80  }
0x115: {  	[sflag:s24] =	ssyncset.done $0x0  }
0x116: {  	[sflag:s24] =	ssyncadd.s32 $0xFFFFFF80  }
0x117: {  	_ =	swait.ge [sflag:s24], $0x80  }
0x118: {  	[sflag:s24] =	ssyncset.done $0x0  }
0x119: {  	[sflag:s24] =	ssyncadd.s32 $0xFFFFFF80  }
0x11a: {  	_ =	swait.ge [sflag:s24], $0x80  }
0x11b: {  	[sflag:s24] =	ssyncset.done $0x0  }
0x11c: {  	[sflag:s24] =	ssyncadd.s32 $0xFFFFFF80  }
0x11d: {  	_ =	swait.ge [sflag:s24], $0x80  }
0x11e: {  	[sflag:s24] =	ssyncset.done $0x0  }
0x11f: {  	[sflag:s24] =	ssyncadd.s32 $0xFFFFFF80  }
0x120: {  	_ =	swait.ge [sflag:s24], $0x80  }
0x121: {  	[sflag:s24] =	ssyncset.done $0x0  }
0x122: {  	[sflag:s24] =	ssyncadd.s32 $0xFFFFFF80  }
0x123: {  	_ =	swait.ge [sflag:s24], $0x80  }
0x124: {  	[sflag:s24] =	ssyncset.done $0x0  }
0x125: {  	[sflag:s24] =	ssyncadd.s32 $0xFFFFFF80  }
0x126: {  	_ =	swait.ge [sflag:s24], $0x80  }
0x127: {  	[sflag:s24] =	ssyncset.done $0x0  }
0x128: {  	[sflag:s24] =	ssyncadd.s32 $0xFFFFFF80  }
0x129: {  	_ =	swait.ge [sflag:s24], $0x80  }
0x12a: {  	[sflag:s24] =	ssyncset.done $0x0  }
0x12b: {  	[sflag:s24] =	ssyncadd.s32 $0xFFFFFF80  }
0x12c: {  	_ =	swait.ge [sflag:s24], $0x80  }
0x12d: {  	[sflag:s24] =	ssyncset.done $0x0  }
0x12e: {  	[sflag:s24] =	ssyncadd.s32 $0xFFFFFF80  }
0x12f: {  	_ =	swait.ge [sflag:s24], $0x80  }
0x130: {  	[sflag:s24] =	ssyncset.done $0x0  }
0x131: {  	[sflag:s24] =	ssyncadd.s32 $0xFFFFFF80  }
0x132: {  	_ =	swait.ge [sflag:s24], $0x80  }
0x133: {  	[sflag:s24] =	ssyncset.done $0x0  }
0x134: {  	[sflag:s24] =	ssyncadd.s32 $0xFFFFFF80  }
0x135: {  	_ =	swait.ge [sflag:s24], $0x80  }
0x136: {  	[sflag:s24] =	ssyncset.done $0x0  }
0x137: {  	[sflag:s24] =	ssyncadd.s32 $0xFFFFFF80  }
0x138: {  	_ =	swait.ge [sflag:s24], $0x80  }
0x139: {  	[sflag:s24] =	ssyncset.done $0x0  }
0x13a: {  	[sflag:s24] =	ssyncadd.s32 $0xFFFFFF80  }
0x13b: {  	_ =	swait.ge [sflag:s24], $0x80  }
0x13c: {  	[sflag:s24] =	ssyncset.done $0x0  }
0x13d: {  	[sflag:s24] =	ssyncadd.s32 $0xFFFFFF80  }
0x13e: {  	_ =	swait.ge [sflag:s24], $0x80  }
0x13f: {  	[sflag:s24] =	ssyncset.done $0x0  }
0x140: {  	[sflag:s24] =	ssyncadd.s32 $0xFFFFFF80  }
0x141: {  	_ =	swait.ge [sflag:s24], $0x80  }
0x142: {  	[sflag:s24] =	ssyncset.done $0x0  }
0x143: {  	[sflag:s24] =	ssyncadd.s32 $0xFFFFFF80  }
0x144: {  	_ =	swait.ge [sflag:s24], $0x80  }
0x145: {  	[sflag:s24] =	ssyncset.done $0x0  }
0x146: {  	[sflag:s24] =	ssyncadd.s32 $0xFFFFFF80  }
0x147: {  	_ =	swait.ge [sflag:s24], $0x80  }
0x148: {  	[sflag:s24] =	ssyncset.done $0x0  }
0x149: {  	[sflag:s24] =	ssyncadd.s32 $0xFFFFFF80  }
0x14a: {  	_ =	swait.ge [sflag:s24], $0x80  }
0x14b: {  	[sflag:s24] =	ssyncset.done $0x0  }
0x14c: {  	[sflag:s24] =	ssyncadd.s32 $0xFFFFFF80  }
0x14d: {  	_ =	swait.ge [sflag:s24], $0x80  }
0x14e: {  	[sflag:s24] =	ssyncset.done $0x0  }
0x14f: {  	[sflag:s24] =	ssyncadd.s32 $0xFFFFFF80  }
0x150: {  	_ =	swait.ge [sflag:s24], $0x80  }
0x151: {  	[sflag:s24] =	ssyncset.done $0x0  }
0x152: {  	[sflag:s24] =	ssyncadd.s32 $0xFFFFFF80  }
0x153: {  	_ =	swait.ge [sflag:s24], $0x80  }
0x154: {  	[sflag:s24] =	ssyncset.done $0x0  }
0x155: {  	[sflag:s24] =	ssyncadd.s32 $0xFFFFFF80  }
0x156: {  	_ =	swait.ge [sflag:s24], $0x80  }
0x157: {  	[sflag:s24] =	ssyncset.done $0x0  }
0x158: {  	[sflag:s24] =	ssyncadd.s32 $0xFFFFFF80  }
0x159: {  	_ =	swait.ge [sflag:s24], $0x80  }
0x15a: {  	[sflag:s24] =	ssyncset.done $0x0  }
0x15b: {  	[sflag:s24] =	ssyncadd.s32 $0xFFFFFF80  }
0x15c: {  	_ =	swait.ge [sflag:s24], $0x80  }
0x15d: {  	[sflag:s24] =	ssyncset.done $0x0  }
0x15e: {  	[sflag:s24] =	ssyncadd.s32 $0xFFFFFF80  }
0x15f: {  	_ =	swait.ge [sflag:s24], $0x80  }
0x160: {  	[sflag:s24] =	ssyncset.done $0x0  }
0x161: {  	[sflag:s24] =	ssyncadd.s32 $0xFFFFFF80  }
0x162: {  	_ =	swait.ge [sflag:s24], $0x80  }
0x163: {  	[sflag:s24] =	ssyncset.done $0x0  }
0x164: {  	[sflag:s24] =	ssyncadd.s32 $0xFFFFFF80  }
0x165: {  	_ =	swait.ge [sflag:s24], $0x80  }
0x166: {  	[sflag:s24] =	ssyncset.done $0x0  }
0x167: {  	[sflag:s24] =	ssyncadd.s32 $0xFFFFFF80  }
0x168: {  	_ =	swait.ge [sflag:s24], $0x80  }
0x169: {  	[sflag:s24] =	ssyncset.done $0x0  }
0x16a: {  	[sflag:s24] =	ssyncadd.s32 $0xFFFFFF80  }
0x16b: {  	_ =	swait.ge [sflag:s24], $0x80  }
0x16c: {  	[sflag:s24] =	ssyncset.done $0x0  }
0x16d: {  	[sflag:s24] =	ssyncadd.s32 $0xFFFFFF80  }
0x16e: {  	_ =	swait.ge [sflag:s24], $0x80  }
0x16f: {  	[sflag:s24] =	ssyncset.done $0x0  }
0x170: {  	[sflag:s24] =	ssyncadd.s32 $0xFFFFFF80  }
0x171: {  	_ =	swait.ge [sflag:s24], $0x80  }
0x172: {  	[sflag:s24] =	ssyncset.done $0x0  }
0x173: {  	[sflag:s24] =	ssyncadd.s32 $0xFFFFFF80  }
0x174: {  	_ =	swait.ge [sflag:s24], $0x80  }
0x175: {  	[sflag:s24] =	ssyncset.done $0x0  }
0x176: {  	[sflag:s24] =	ssyncadd.s32 $0xFFFFFF80  }
0x177: {  	_ =	swait.ge [sflag:s24], $0x80  }
0x178: {  	[sflag:s24] =	ssyncset.done $0x0  }
0x179: {  	[sflag:s24] =	ssyncadd.s32 $0xFFFFFF80  }
0x17a: {  	_ =	swait.ge [sflag:s24], $0x80  }
0x17b: {  	[sflag:s24] =	ssyncset.done $0x0  }
0x17c: {  	[sflag:s24] =	ssyncadd.s32 $0xFFFFFF80  }
0x17d: {  	_ =	swait.ge [sflag:s24], $0x80  }
0x17e: {  	[sflag:s24] =	ssyncset.done $0x0  }
0x17f: {  	[sflag:s24] =	ssyncadd.s32 $0xFFFFFF80  }
0x180: {  	_ =	swait.ge [sflag:s24], $0x80  }
0x181: {  	[sflag:s24] =	ssyncset.done $0x0  }
0x182: {  	[sflag:s24] =	ssyncadd.s32 $0xFFFFFF80  }
0x183: {  	_ =	swait.ge [sflag:s24], $0x80  }
0x184: {  	[sflag:s24] =	ssyncset.done $0x0  }
0x185: {  	[sflag:s24] =	ssyncadd.s32 $0xFFFFFF80  }
0x186: {  	_ =	swait.ge [sflag:s24], $0x80  }
0x187: {  	[sflag:s24] =	ssyncset.done $0x0  }
0x188: {  	[sflag:s24] =	ssyncadd.s32 $0xFFFFFF80  }
0x189: {  	_ =	swait.ge [sflag:s24], $0x80  }
0x18a: {  	[sflag:s24] =	ssyncset.done $0x0  }
0x18b: {  	[sflag:s24] =	ssyncadd.s32 $0xFFFFFF80  }
0x18c: {  	_ =	swait.ge [sflag:s24], $0x80  }
0x18d: {  	[sflag:s24] =	ssyncset.done $0x0  }
0x18e: {  	[sflag:s24] =	ssyncadd.s32 $0xFFFFFF80  }
0x18f: {  	_ =	swait.ge [sflag:s24], $0x80  }
0x190: {  	[sflag:s24] =	ssyncset.done $0x0  }
0x191: {  	[sflag:s24] =	ssyncadd.s32 $0xFFFFFF80  }
0x192: {  	_ =	swait.ge [sflag:s24], $0x80  }
0x193: {  	[sflag:s24] =	ssyncset.done $0x0  }
0x194: {  	[sflag:s24] =	ssyncadd.s32 $0xFFFFFF80  }
0x195: {  	_ =	swait.ge [sflag:s24], $0x80  }
0x196: {  	[sflag:s24] =	ssyncset.done $0x0  }
0x197: {  	[sflag:s24] =	ssyncadd.s32 $0xFFFFFF80  }
0x198: {  	_ =	swait.ge [sflag:s24], $0x80  }
0x199: {  	[sflag:s24] =	ssyncset.done $0x0  }
0x19a: {  	[sflag:s24] =	ssyncadd.s32 $0xFFFFFF80  }
0x19b: {  	_ =	swait.ge [sflag:s24], $0x80  }
0x19c: {  	[sflag:s24] =	ssyncset.done $0x0  }
0x19d: {  	[sflag:s24] =	ssyncadd.s32 $0xFFFFFF80  }
0x19e: {  	_ =	swait.ge [sflag:s24], $0x80  }
0x19f: {  	[sflag:s24] =	ssyncset.done $0x0  }
0x1a0: {  	[sflag:s24] =	ssyncadd.s32 $0xFFFFFF80  }
0x1a1: {  	_ =	swait.ge [sflag:s24], $0x80  }
0x1a2: {  	[sflag:s24] =	ssyncset.done $0x0  }
0x1a3: {  	[sflag:s24] =	ssyncadd.s32 $0xFFFFFF80  }
0x1a4: {  	_ =	swait.ge [sflag:s24], $0x80  }
0x1a5: {  	[sflag:s24] =	ssyncset.done $0x0  }
0x1a6: {  	[sflag:s24] =	ssyncadd.s32 $0xFFFFFF80  }
0x1a7: {  	_ =	swait.ge [sflag:s24], $0x80  }
0x1a8: {  	[sflag:s24] =	ssyncset.done $0x0  }
0x1a9: {  	[sflag:s24] =	ssyncadd.s32 $0xFFFFFF80  }
0x1aa: {  	_ =	swait.ge [sflag:s24], $0x80  }
0x1ab: {  	[sflag:s24] =	ssyncset.done $0x0  }
0x1ac: {  	[sflag:s24] =	ssyncadd.s32 $0xFFFFFF80  }
0x1ad: {  	_ =	swait.ge [sflag:s24], $0x80  }
0x1ae: {  	[sflag:s24] =	ssyncset.done $0x0  }
0x1af: {  	[sflag:s24] =	ssyncadd.s32 $0xFFFFFF80  }
0x1b0: {  	_ =	swait.ge [sflag:s24], $0x80  }
0x1b1: {  	[sflag:s24] =	ssyncset.done $0x0  }
0x1b2: {  	[sflag:s24] =	ssyncadd.s32 $0xFFFFFF80  }
0x1b3: {  	_ =	swait.ge [sflag:s24], $0x80  }
0x1b4: {  	[sflag:s24] =	ssyncset.done $0x0  }
0x1b5: {  	[sflag:s24] =	ssyncadd.s32 $0xFFFFFF80  }
0x1b6: {  	_ =	swait.ge [sflag:s24], $0x80  }
0x1b7: {  	[sflag:s24] =	ssyncset.done $0x0  }
0x1b8: {  	[sflag:s24] =	ssyncadd.s32 $0xFFFFFF80  }
0x1b9: {  	_ =	swait.ge [sflag:s24], $0x80  }
0x1ba: {  	[sflag:s24] =	ssyncset.done $0x0  }
0x1bb: {  	[sflag:s24] =	ssyncadd.s32 $0xFFFFFF80  }
0x1bc: {  	_ =	swait.ge [sflag:s24], $0x80  }
0x1bd: {  	[sflag:s24] =	ssyncset.done $0x0  }
0x1be: {  	[sflag:s24] =	ssyncadd.s32 $0xFFFFFF80  }
0x1bf: {  	_ =	swait.ge [sflag:s24], $0x80  }
0x1c0: {  	[sflag:s24] =	ssyncset.done $0x0  }
0x1c1: {  	[sflag:s24] =	ssyncadd.s32 $0xFFFFFF80  }
0x1c2: {  	_ =	swait.ge [sflag:s24], $0x80  }
0x1c3: {  	[sflag:s24] =	ssyncset.done $0x0  }
0x1c4: {  	[sflag:s24] =	ssyncadd.s32 $0xFFFFFF80  }
0x1c5: {  	_ =	swait.ge [sflag:s24], $0x80  }
0x1c6: {  	[sflag:s24] =	ssyncset.done $0x0  }
0x1c7: {  	[sflag:s24] =	ssyncadd.s32 $0xFFFFFF80  }
0x1c8: {  	_ =	swait.ge [sflag:s24], $0x80  }
0x1c9: {  	[sflag:s24] =	ssyncset.done $0x0  }
0x1ca: {  	[sflag:s24] =	ssyncadd.s32 $0xFFFFFF80  }
0x1cb: {  	_ =	swait.ge [sflag:s24], $0x80  }
0x1cc: {  	[sflag:s24] =	ssyncset.done $0x0  }
0x1cd: {  	[sflag:s24] =	ssyncadd.s32 $0xFFFFFF80  }
0x1ce: {  	_ =	swait.ge [sflag:s24], $0x80  }
0x1cf: {  	[sflag:s24] =	ssyncset.done $0x0  }
0x1d0: {  	[sflag:s24] =	ssyncadd.s32 $0xFFFFFF80  }
0x1d1: {  	_ =	swait.ge [sflag:s24], $0x80  }
0x1d2: {  	[sflag:s24] =	ssyncset.done $0x0  }
0x1d3: {  	[sflag:s24] =	ssyncadd.s32 $0xFFFFFF80  }
0x1d4: {  	_ =	swait.ge [sflag:s24], $0x80  }
0x1d5: {  	[sflag:s24] =	ssyncset.done $0x0  }
0x1d6: {  	[sflag:s24] =	ssyncadd.s32 $0xFFFFFF80  }
0x1d7: {  	_ =	swait.ge [sflag:s24], $0x80  }
0x1d8: {  	[sflag:s24] =	ssyncset.done $0x0  }
0x1d9: {  	[sflag:s24] =	ssyncadd.s32 $0xFFFFFF80  }
0x1da: {  	_ =	swait.ge [sflag:s24], $0x80  }
0x1db: {  	[sflag:s24] =	ssyncset.done $0x0  }
0x1dc: {  	[sflag:s24] =	ssyncadd.s32 $0xFFFFFF80  }
0x1dd: {  	_ =	swait.ge [sflag:s24], $0x80  }
0x1de: {  	[sflag:s24] =	ssyncset.done $0x0  }
0x1df: {  	[sflag:s24] =	ssyncadd.s32 $0xFFFFFF80  }
0x1e0: {  	_ =	swait.ge [sflag:s24], $0x80  }
0x1e1: {  	[sflag:s24] =	ssyncset.done $0x0  }
0x1e2: {  	[sflag:s24] =	ssyncadd.s32 $0xFFFFFF80  }
0x1e3: {  	_ =	swait.ge [sflag:s24], $0x80  }
0x1e4: {  	[sflag:s24] =	ssyncset.done $0x0  }
0x1e5: {  	[sflag:s24] =	ssyncadd.s32 $0xFFFFFF80  }
0x1e6: {  	_ =	swait.ge [sflag:s24], $0x80  }
0x1e7: {  	[sflag:s24] =	ssyncset.done $0x0  }
0x1e8: {  	[sflag:s24] =	ssyncadd.s32 $0xFFFFFF80  }
0x1e9: {  	_ =	swait.ge [sflag:s24], $0x80  }
0x1ea: {  	[sflag:s24] =	ssyncset.done $0x0  }
0x1eb: {  	[sflag:s24] =	ssyncadd.s32 $0xFFFFFF80  }
0x1ec: {  	_ =	swait.ge [sflag:s24], $0x80  }
0x1ed: {  	[sflag:s24] =	ssyncset.done $0x0  }
0x1ee: {  	[sflag:s24] =	ssyncadd.s32 $0xFFFFFF80  }
0x1ef: {  	_ =	swait.ge [sflag:s24], $0x80  }
0x1f0: {  	s28 =	sshll.u32 s0, $0x6;
	s25 =	ssub.s32 $0x2, s25;
	[sflag:s24] =	ssyncset.done $0x0  }
0x1f1: {  	s29 =	sshrl.u32 s4, $0x3;
	s26 =	sshrl.u32 s25, $0x1;
	[sflag:s24] =	ssyncadd.s32 $0xFFFFFF80  }
0x1f2: {  	s31 =	ssub.s32 s25, s26;
	s25 =	sor.u32 $0x1C02, s28;
	[bflag:$0x0] =	sbarrier.arrive $0xFFFF  }
0x1f3: {  	s26 =	simm.s32 $0x20;
	s28 =	simm.s32 $0x10;
	s30 =	rddreg [dreg:$0x8]  }
0x1f4: {  	[hbm:s30@s26], [sflag:s25] =	dma.strided [spmem:s29@s28], $0x50, s24, $0x10   }
0x1f5: {  	s30 =	smax.u32 s31, $0x1  }
0x1f6: {  	p0 =	sne.s32 s30, $0x1  }
.Ltmp0:
0x1f7: {  	_ = 	snop;
	(pc) =	sbr.rel @!p0 .LBB2_2-.Ltmp0, $3  }
0x1f8: {  	_ =	sdelay $0x1  }
0x1f9: {  	_ =	swait.ge [sflag:s5], $0x50  }
0x1fa: {  	s30 =	sadd.s32 $0xFFFFFFFF, s30;
	[sflag:s5] =	ssyncset.done $0x0  }
.LBB2_1:
0x1fb: {  	[sflag:s5] =	ssyncadd.s32 $0xFFFFFFB0  }
0x1fc: {  	[tilespmem:$0x2890] =	vst v0  }
0x1fd: {  	[tilespmem:$0x2810] =	vst v1  }
0x1fe: {  	[tilespmem:$0x28A0] =	vst v0  }
0x1ff: {  	[tilespmem:$0x2820] =	vst v1  }
0x200: {  	[tilespmem:$0x28B0] =	vst v0  }
0x201: {  	[tilespmem:$0x2830] =	vst v1  }
0x202: {  	[tilespmem:$0x28C0] =	vst v0  }
0x203: {  	[tilespmem:$0x2880] =	vst v0  }
0x204: {  	[tilespmem:$0x2870] =	vst v1  }
0x205: {  	[tilespmem:$0x28F0] =	vst v0  }
0x206: {  	[tilespmem:$0x2860] =	vst v1  }
0x207: {  	[tilespmem:$0x28E0] =	vst v0  }
0x208: {  	[tilespmem:$0x2850] =	vst v1  }
0x209: {  	[tilespmem:$0x28D0] =	vst v0  }
0x20a: {  	[tilespmem:$0x2840] =	vst v1  }
0x20b: {  	[tilespmem:$0x2800] =	vst v1  }
0x20c: {  	[spmem:s4] =	stream.linear.scatter [tilespmem:s6], [sflag:$0x2], $0x80, $0x38;
	[tilespmem:$0x2B80] =	vst v63  }
0x20d: {  	_ =	swait.ge [sflag:s5], $0x80  }
0x20e: {  	[sflag:s5] =	ssyncset.done $0x0  }
0x20f: {  	s31 =	rddreg [dreg:$0x3];
	[sflag:s5] =	ssyncadd.s32 $0xFFFFFF80  }
0x210: {  	[spmem:s31] =	stream.linear.scatter [tilespmem:s6], [sflag:$0x2], $0x80, $0x38;
	[tilespmem:$0x2B80] =	vst v63  }
0x211: {  	_ =	swait.ge [sflag:s5], $0x80  }
0x212: {  	[sflag:s5] =	ssyncset.done $0x0  }
0x213: {  	s0 =	rddreg [dreg:$0x4];
	[sflag:s5] =	ssyncadd.s32 $0xFFFFFF80  }
0x214: {  	[spmem:s0] =	stream.linear.scatter [tilespmem:s6], [sflag:$0x2], $0x80, $0x38;
	[tilespmem:$0x2B80] =	vst v63  }
0x215: {  	_ =	swait.ge [sflag:s5], $0x80  }
0x216: {  	[sflag:s5] =	ssyncset.done $0x0  }
0x217: {  	s1 =	rddreg [dreg:$0x5];
	[sflag:s5] =	ssyncadd.s32 $0xFFFFFF80  }
0x218: {  	[spmem:s1] =	stream.linear.scatter [tilespmem:s6], [sflag:$0x2], $0x80, $0x38;
	[tilespmem:$0x2B80] =	vst v63  }
0x219: {  	_ =	swait.ge [sflag:s5], $0x80  }
0x21a: {  	[sflag:s5] =	ssyncset.done $0x0  }
0x21b: {  	s0 =	rddreg [dreg:$0x6];
	[sflag:s5] =	ssyncadd.s32 $0xFFFFFF80  }
0x21c: {  	[spmem:s0] =	stream.linear.scatter [tilespmem:s6], [sflag:$0x2], $0x80, $0x38;
	[tilespmem:$0x2B80] =	vst v63  }
0x21d: {  	_ =	swait.ge [sflag:s5], $0x80  }
0x21e: {  	[sflag:s5] =	ssyncset.done $0x0  }
0x21f: {  	[sflag:s5] =	ssyncadd.s32 $0xFFFFFF80  }
0x220: {  	[bflag:$0x0] =	sbarrier.arrive $0xFFFF  }
0x221: {  	s1 =	rddreg [dreg:$0x7]  }
0x222: {  	[tilespmem:s3], [sflag:$0x2] =	stream.linear.gather [hbm4b:s1+s3], $0x2800, $0x38;
	[tilespmem:$0x2B80] =	vst v63  }
0x223: {  	_ =	swait.ge [sflag:s5], $0x2800  }
0x224: {  	[sflag:s5] =	ssyncset.done $0x0  }
0x225: {  	[sflag:s5] =	ssyncadd.s32 $0xFFFFD800  }
0x226: {  	[spmem:s2] =	stream.indirect.scatter.add.f32 [tilespmem:s8], [sflag:$0x1], $0x1, s3, s7, $0xb8;
	[tilespmem:$0x2B80] =	vst v63  }
0x227: {  	s31 =	rddreg [dreg:$0x9]  }
0x228: {  	[spmem:s2] =	stream.indirect.scatter.add.f32 [tilespmem:s8], [sflag:$0x1], $0x1, s7, s7, $0xb8;
	[tilespmem:$0x2B80] =	vst v63  }
0x229: {  	s1 =	rddreg [dreg:$0xa]  }
0x22a: {  	[spmem:s2] =	stream.indirect.scatter.add.f32 [tilespmem:s8], [sflag:$0x1], $0x1, s31, s7, $0xb8;
	[tilespmem:$0x2B80] =	vst v63  }
0x22b: {  	s0 =	rddreg [dreg:$0xd]  }
0x22c: {  	[spmem:s2] =	stream.indirect.scatter.add.f32 [tilespmem:s8], [sflag:$0x1], $0x1, s1, s7, $0xb8;
	[tilespmem:$0x2B80] =	vst v63  }
0x22d: {  	s31 =	rddreg [dreg:$0xb]  }
0x22e: {  	[spmem:s2] =	stream.indirect.scatter.add.f32 [tilespmem:s8], [sflag:$0x1], $0x1, s31, s7, $0xb8;
	[tilespmem:$0x2B80] =	vst v63  }
0x22f: {  	s1 =	rddreg [dreg:$0xc]  }
0x230: {  	[spmem:s2] =	stream.indirect.scatter.add.f32 [tilespmem:s8], [sflag:$0x1], $0x1, s1, s7, $0xb8;
	[tilespmem:$0x2B80] =	vst v63  }
0x231: {  	s31 =	rddreg [dreg:$0xf]  }
0x232: {  	[spmem:s2] =	stream.indirect.scatter.add.f32 [tilespmem:s8], [sflag:$0x1], $0x1, s0, s7, $0xb8;
	[tilespmem:$0x2B80] =	vst v63  }
0x233: {  	s1 =	rddreg [dreg:$0xe]  }
0x234: {  	[spmem:s2] =	stream.indirect.scatter.add.f32 [tilespmem:s8], [sflag:$0x1], $0x1, s1, s7, $0xb8;
	[tilespmem:$0x2B80] =	vst v63  }
0x235: {  	s1 =	rddreg [dreg:$0x10]  }
0x236: {  	[spmem:s2] =	stream.indirect.scatter.add.f32 [tilespmem:s8], [sflag:$0x1], $0x1, s31, s7, $0xb8;
	[tilespmem:$0x2B80] =	vst v63  }
0x237: {  	s31 =	rddreg [dreg:$0x11]  }
0x238: {  	[spmem:s2] =	stream.indirect.scatter.add.f32 [tilespmem:s8], [sflag:$0x1], $0x1, s1, s7, $0xb8;
	[tilespmem:$0x2B80] =	vst v63  }
0x239: {  	s1 =	rddreg [dreg:$0x12]  }
0x23a: {  	[spmem:s2] =	stream.indirect.scatter.add.f32 [tilespmem:s8], [sflag:$0x1], $0x1, s31, s7, $0xb8;
	[tilespmem:$0x2B80] =	vst v63  }
0x23b: {  	s31 =	rddreg [dreg:$0x13]  }
0x23c: {  	[spmem:s2] =	stream.indirect.scatter.add.f32 [tilespmem:s8], [sflag:$0x1], $0x1, s1, s7, $0xb8;
	[tilespmem:$0x2B80] =	vst v63  }
0x23d: {  	s1 =	rddreg [dreg:$0x14]  }
0x23e: {  	[spmem:s2] =	stream.indirect.scatter.add.f32 [tilespmem:s8], [sflag:$0x1], $0x1, s31, s7, $0xb8;
	[tilespmem:$0x2B80] =	vst v63  }
0x23f: {  	s31 =	rddreg [dreg:$0x15]  }
0x240: {  	[spmem:s2] =	stream.indirect.scatter.add.f32 [tilespmem:s8], [sflag:$0x1], $0x1, s1, s7, $0xb8;
	[tilespmem:$0x2B80] =	vst v63  }
0x241: {  	s1 =	rddreg [dreg:$0x16]  }
0x242: {  	[spmem:s2] =	stream.indirect.scatter.add.f32 [tilespmem:s8], [sflag:$0x1], $0x1, s31, s7, $0xb8;
	[tilespmem:$0x2B80] =	vst v63  }
0x243: {  	s31 =	rddreg [dreg:$0x17]  }
0x244: {  	[spmem:s2] =	stream.indirect.scatter.add.f32 [tilespmem:s8], [sflag:$0x1], $0x1, s1, s7, $0xb8;
	[tilespmem:$0x2B80] =	vst v63  }
0x245: {  	s1 =	rddreg [dreg:$0x18]  }
0x246: {  	[spmem:s2] =	stream.indirect.scatter.add.f32 [tilespmem:s8], [sflag:$0x1], $0x1, s31, s7, $0xb8;
	[tilespmem:$0x2B80] =	vst v63  }
0x247: {  	s31 =	rddreg [dreg:$0x19]  }
0x248: {  	[spmem:s2] =	stream.indirect.scatter.add.f32 [tilespmem:s8], [sflag:$0x1], $0x1, s1, s7, $0xb8;
	[tilespmem:$0x2B80] =	vst v63  }
0x249: {  	s1 =	rddreg [dreg:$0x1a]  }
0x24a: {  	[spmem:s2] =	stream.indirect.scatter.add.f32 [tilespmem:s8], [sflag:$0x1], $0x1, s31, s7, $0xb8;
	[tilespmem:$0x2B80] =	vst v63  }
0x24b: {  	s31 =	rddreg [dreg:$0x1b]  }
0x24c: {  	[spmem:s2] =	stream.indirect.scatter.add.f32 [tilespmem:s8], [sflag:$0x1], $0x1, s1, s7, $0xb8;
	[tilespmem:$0x2B80] =	vst v63  }
0x24d: {  	s1 =	rddreg [dreg:$0x1c]  }
0x24e: {  	[spmem:s2] =	stream.indirect.scatter.add.f32 [tilespmem:s8], [sflag:$0x1], $0x1, s31, s7, $0xb8;
	[tilespmem:$0x2B80] =	vst v63  }
0x24f: {  	s31 =	rddreg [dreg:$0x1d]  }
0x250: {  	[spmem:s2] =	stream.indirect.scatter.add.f32 [tilespmem:s8], [sflag:$0x1], $0x1, s1, s7, $0xb8;
	[tilespmem:$0x2B80] =	vst v63  }
0x251: {  	s1 =	rddreg [dreg:$0x1e]  }
0x252: {  	[spmem:s2] =	stream.indirect.scatter.add.f32 [tilespmem:s8], [sflag:$0x1], $0x1, s31, s7, $0xb8;
	[tilespmem:$0x2B80] =	vst v63  }
0x253: {  	s31 =	rddreg [dreg:$0x1f]  }
0x254: {  	[spmem:s2] =	stream.indirect.scatter.add.f32 [tilespmem:s8], [sflag:$0x1], $0x1, s1, s7, $0xb8;
	[tilespmem:$0x2B80] =	vst v63  }
0x255: {  	s1 =	sld [smem:$0x7D6]  }
0x256: {  	[spmem:s2] =	stream.indirect.scatter.add.f32 [tilespmem:s8], [sflag:$0x1], $0x1, s31, s7, $0xb8;
	[tilespmem:$0x2B80] =	vst v63  }
0x257: {  	s31 =	sld [smem:$0x7D7]  }
0x258: {  	[spmem:s2] =	stream.indirect.scatter.add.f32 [tilespmem:s8], [sflag:$0x1], $0x1, s1, s7, $0xb8;
	[tilespmem:$0x2B80] =	vst v63  }
0x259: {  	s1 =	sld [smem:$0x7D8]  }
0x25a: {  	[spmem:s2] =	stream.indirect.scatter.add.f32 [tilespmem:s8], [sflag:$0x1], $0x1, s31, s7, $0xb8;
	[tilespmem:$0x2B80] =	vst v63  }
0x25b: {  	s31 =	sld [smem:$0x7D9]  }
0x25c: {  	[spmem:s2] =	stream.indirect.scatter.add.f32 [tilespmem:s8], [sflag:$0x1], $0x1, s1, s7, $0xb8;
	[tilespmem:$0x2B80] =	vst v63  }
0x25d: {  	s1 =	sld [smem:$0x7DA]  }
0x25e: {  	[spmem:s2] =	stream.indirect.scatter.add.f32 [tilespmem:s8], [sflag:$0x1], $0x1, s31, s7, $0xb8;
	[tilespmem:$0x2B80] =	vst v63  }
0x25f: {  	s31 =	sld [smem:$0x7DB]  }
0x260: {  	[spmem:s2] =	stream.indirect.scatter.add.f32 [tilespmem:s8], [sflag:$0x1], $0x1, s1, s7, $0xb8;
	[tilespmem:$0x2B80] =	vst v63  }
0x261: {  	s1 =	sld [smem:$0x7DC]  }
0x262: {  	[spmem:s2] =	stream.indirect.scatter.add.f32 [tilespmem:s8], [sflag:$0x1], $0x1, s31, s7, $0xb8;
	[tilespmem:$0x2B80] =	vst v63  }
0x263: {  	s31 =	sld [smem:$0x7DD]  }
0x264: {  	[spmem:s2] =	stream.indirect.scatter.add.f32 [tilespmem:s8], [sflag:$0x1], $0x1, s1, s7, $0xb8;
	[tilespmem:$0x2B80] =	vst v63  }
0x265: {  	s1 =	sld [smem:$0x7DE]  }
0x266: {  	[spmem:s2] =	stream.indirect.scatter.add.f32 [tilespmem:s8], [sflag:$0x1], $0x1, s31, s7, $0xb8;
	[tilespmem:$0x2B80] =	vst v63  }
0x267: {  	s31 =	sld [smem:$0x7DF]  }
0x268: {  	[spmem:s2] =	stream.indirect.scatter.add.f32 [tilespmem:s8], [sflag:$0x1], $0x1, s1, s7, $0xb8;
	[tilespmem:$0x2B80] =	vst v63  }
0x269: {  	s1 =	sld [smem:$0x7E0]  }
0x26a: {  	[spmem:s2] =	stream.indirect.scatter.add.f32 [tilespmem:s8], [sflag:$0x1], $0x1, s31, s7, $0xb8;
	[tilespmem:$0x2B80] =	vst v63  }
0x26b: {  	s31 =	sld [smem:$0x7E1]  }
0x26c: {  	[spmem:s2] =	stream.indirect.scatter.add.f32 [tilespmem:s8], [sflag:$0x1], $0x1, s1, s7, $0xb8;
	[tilespmem:$0x2B80] =	vst v63  }
0x26d: {  	s1 =	sld [smem:$0x7E2]  }
0x26e: {  	[spmem:s2] =	stream.indirect.scatter.add.f32 [tilespmem:s8], [sflag:$0x1], $0x1, s31, s7, $0xb8;
	[tilespmem:$0x2B80] =	vst v63  }
0x26f: {  	s31 =	sld [smem:$0x7E3]  }
0x270: {  	[spmem:s2] =	stream.indirect.scatter.add.f32 [tilespmem:s8], [sflag:$0x1], $0x1, s1, s7, $0xb8;
	[tilespmem:$0x2B80] =	vst v63  }
0x271: {  	s1 =	sld [smem:$0x7E4]  }
0x272: {  	[spmem:s2] =	stream.indirect.scatter.add.f32 [tilespmem:s8], [sflag:$0x1], $0x1, s31, s7, $0xb8;
	[tilespmem:$0x2B80] =	vst v63  }
0x273: {  	s31 =	sld [smem:$0x7E5]  }
0x274: {  	[spmem:s2] =	stream.indirect.scatter.add.f32 [tilespmem:s8], [sflag:$0x1], $0x1, s1, s7, $0xb8;
	[tilespmem:$0x2B80] =	vst v63  }
0x275: {  	s1 =	sld [smem:$0x7E6]  }
0x276: {  	[spmem:s2] =	stream.indirect.scatter.add.f32 [tilespmem:s8], [sflag:$0x1], $0x1, s31, s7, $0xb8;
	[tilespmem:$0x2B80] =	vst v63  }
0x277: {  	s31 =	sld [smem:$0x7E7]  }
0x278: {  	[spmem:s2] =	stream.indirect.scatter.add.f32 [tilespmem:s8], [sflag:$0x1], $0x1, s1, s7, $0xb8;
	[tilespmem:$0x2B80] =	vst v63  }
0x279: {  	s1 =	sld [smem:$0x7E8]  }
0x27a: {  	[spmem:s2] =	stream.indirect.scatter.add.f32 [tilespmem:s8], [sflag:$0x1], $0x1, s31, s7, $0xb8;
	[tilespmem:$0x2B80] =	vst v63  }
0x27b: {  	s31 =	sld [smem:$0x7E9]  }
0x27c: {  	[spmem:s2] =	stream.indirect.scatter.add.f32 [tilespmem:s8], [sflag:$0x1], $0x1, s1, s7, $0xb8;
	[tilespmem:$0x2B80] =	vst v63  }
0x27d: {  	s1 =	sld [smem:$0x7EA]  }
0x27e: {  	[spmem:s2] =	stream.indirect.scatter.add.f32 [tilespmem:s8], [sflag:$0x1], $0x1, s31, s7, $0xb8;
	[tilespmem:$0x2B80] =	vst v63  }
0x27f: {  	s31 =	sld [smem:$0x7EB]  }
0x280: {  	[spmem:s2] =	stream.indirect.scatter.add.f32 [tilespmem:s8], [sflag:$0x1], $0x1, s1, s7, $0xb8;
	[tilespmem:$0x2B80] =	vst v63  }
0x281: {  	s1 =	sld [smem:$0x7EC]  }
0x282: {  	[spmem:s2] =	stream.indirect.scatter.add.f32 [tilespmem:s8], [sflag:$0x1], $0x1, s31, s7, $0xb8;
	[tilespmem:$0x2B80] =	vst v63  }
0x283: {  	s31 =	sld [smem:$0x7ED]  }
0x284: {  	[spmem:s2] =	stream.indirect.scatter.add.f32 [tilespmem:s8], [sflag:$0x1], $0x1, s1, s7, $0xb8;
	[tilespmem:$0x2B80] =	vst v63  }
0x285: {  	s1 =	sld [smem:$0x7EE]  }
0x286: {  	[spmem:s2] =	stream.indirect.scatter.add.f32 [tilespmem:s8], [sflag:$0x1], $0x1, s31, s7, $0xb8;
	[tilespmem:$0x2B80] =	vst v63  }
0x287: {  	s31 =	sld [smem:$0x7EF]  }
0x288: {  	[spmem:s2] =	stream.indirect.scatter.add.f32 [tilespmem:s8], [sflag:$0x1], $0x1, s1, s7, $0xb8;
	[tilespmem:$0x2B80] =	vst v63  }
0x289: {  	s1 =	sld [smem:$0x7F0]  }
0x28a: {  	[spmem:s2] =	stream.indirect.scatter.add.f32 [tilespmem:s8], [sflag:$0x1], $0x1, s31, s7, $0xb8;
	[tilespmem:$0x2B80] =	vst v63  }
0x28b: {  	s31 =	sld [smem:$0x7F1]  }
0x28c: {  	[spmem:s2] =	stream.indirect.scatter.add.f32 [tilespmem:s8], [sflag:$0x1], $0x1, s1, s7, $0xb8;
	[tilespmem:$0x2B80] =	vst v63  }
0x28d: {  	s1 =	sld [smem:$0x7F2]  }
0x28e: {  	[spmem:s2] =	stream.indirect.scatter.add.f32 [tilespmem:s8], [sflag:$0x1], $0x1, s31, s7, $0xb8;
	[tilespmem:$0x2B80] =	vst v63  }
0x28f: {  	s31 =	sld [smem:$0x7F3]  }
0x290: {  	[spmem:s2] =	stream.indirect.scatter.add.f32 [tilespmem:s8], [sflag:$0x1], $0x1, s1, s7, $0xb8;
	[tilespmem:$0x2B80] =	vst v63  }
0x291: {  	s1 =	sld [smem:$0x7F4]  }
0x292: {  	[spmem:s2] =	stream.indirect.scatter.add.f32 [tilespmem:s8], [sflag:$0x1], $0x1, s31, s7, $0xb8;
	[tilespmem:$0x2B80] =	vst v63  }
0x293: {  	s31 =	sld [smem:$0x7F5]  }
0x294: {  	[spmem:s2] =	stream.indirect.scatter.add.f32 [tilespmem:s8], [sflag:$0x1], $0x1, s1, s7, $0xb8;
	[tilespmem:$0x2B80] =	vst v63  }
0x295: {  	s1 =	sld [smem:$0x7F6]  }
0x296: {  	[spmem:s2] =	stream.indirect.scatter.add.f32 [tilespmem:s8], [sflag:$0x1], $0x1, s31, s7, $0xb8;
	[tilespmem:$0x2B80] =	vst v63  }
0x297: {  	s31 =	sld [smem:$0x7F7]  }
0x298: {  	[spmem:s2] =	stream.indirect.scatter.add.f32 [tilespmem:s8], [sflag:$0x1], $0x1, s1, s7, $0xb8;
	[tilespmem:$0x2B80] =	vst v63  }
0x299: {  	s1 =	sld [smem:$0x7F8]  }
0x29a: {  	[spmem:s2] =	stream.indirect.scatter.add.f32 [tilespmem:s8], [sflag:$0x1], $0x1, s31, s7, $0xb8;
	[tilespmem:$0x2B80] =	vst v63  }
0x29b: {  	s31 =	sld [smem:$0x7F9]  }
0x29c: {  	[spmem:s2] =	stream.indirect.scatter.add.f32 [tilespmem:s8], [sflag:$0x1], $0x1, s1, s7, $0xb8;
	[tilespmem:$0x2B80] =	vst v63  }
0x29d: {  	s1 =	sld [smem:$0x7FA]  }
0x29e: {  	[spmem:s2] =	stream.indirect.scatter.add.f32 [tilespmem:s8], [sflag:$0x1], $0x1, s31, s7, $0xb8;
	[tilespmem:$0x2B80] =	vst v63  }
0x29f: {  	s31 =	sld [smem:$0x7FB]  }
0x2a0: {  	[spmem:s2] =	stream.indirect.scatter.add.f32 [tilespmem:s8], [sflag:$0x1], $0x1, s1, s7, $0xb8;
	[tilespmem:$0x2B80] =	vst v63  }
0x2a1: {  	s1 =	sld [smem:$0x7FC]  }
0x2a2: {  	[spmem:s2] =	stream.indirect.scatter.add.f32 [tilespmem:s8], [sflag:$0x1], $0x1, s31, s7, $0xb8;
	[tilespmem:$0x2B80] =	vst v63  }
0x2a3: {  	s31 =	sld [smem:$0x7FD]  }
0x2a4: {  	[spmem:s2] =	stream.indirect.scatter.add.f32 [tilespmem:s8], [sflag:$0x1], $0x1, s1, s7, $0xb8;
	[tilespmem:$0x2B80] =	vst v63  }
0x2a5: {  	_ = 	snop  }
0x2a6: {  	[spmem:s2] =	stream.indirect.scatter.add.f32 [tilespmem:s8], [sflag:$0x1], $0x1, s31, s7, $0xb8;
	[tilespmem:$0x2B80] =	vst v63  }
0x2a7: {  	_ = 	snop  }
0x2a8: {  	[spmem:s2] =	stream.indirect.scatter.add.f32 [tilespmem:s8], [sflag:$0x1], $0x1, s9, s7, $0xb8;
	[tilespmem:$0x2B80] =	vst v63  }
0x2a9: {  	_ = 	snop  }
0x2aa: {  	[spmem:s2] =	stream.indirect.scatter.add.f32 [tilespmem:s8], [sflag:$0x1], $0x1, s10, s7, $0xb8;
	[tilespmem:$0x2B80] =	vst v63  }
0x2ab: {  	_ = 	snop  }
0x2ac: {  	[spmem:s2] =	stream.indirect.scatter.add.f32 [tilespmem:s8], [sflag:$0x1], $0x1, s11, s7, $0xb8;
	[tilespmem:$0x2B80] =	vst v63  }
0x2ad: {  	_ = 	snop  }
0x2ae: {  	[spmem:s2] =	stream.indirect.scatter.add.f32 [tilespmem:s8], [sflag:$0x1], $0x1, s12, s7, $0xb8;
	[tilespmem:$0x2B80] =	vst v63  }
0x2af: {  	_ = 	snop  }
0x2b0: {  	[spmem:s2] =	stream.indirect.scatter.add.f32 [tilespmem:s8], [sflag:$0x1], $0x1, s13, s7, $0xb8;
	[tilespmem:$0x2B80] =	vst v63  }
0x2b1: {  	_ = 	snop  }
0x2b2: {  	[spmem:s2] =	stream.indirect.scatter.add.f32 [tilespmem:s8], [sflag:$0x1], $0x1, s14, s7, $0xb8;
	[tilespmem:$0x2B80] =	vst v63  }
0x2b3: {  	_ = 	snop  }
0x2b4: {  	[spmem:s2] =	stream.indirect.scatter.add.f32 [tilespmem:s8], [sflag:$0x1], $0x1, s15, s7, $0xb8;
	[tilespmem:$0x2B80] =	vst v63  }
0x2b5: {  	_ = 	snop  }
0x2b6: {  	[spmem:s2] =	stream.indirect.scatter.add.f32 [tilespmem:s8], [sflag:$0x1], $0x1, s16, s7, $0xb8;
	[tilespmem:$0x2B80] =	vst v63  }
0x2b7: {  	_ = 	snop  }
0x2b8: {  	[spmem:s2] =	stream.indirect.scatter.add.f32 [tilespmem:s8], [sflag:$0x1], $0x1, s17, s7, $0xb8;
	[tilespmem:$0x2B80] =	vst v63  }
0x2b9: {  	_ = 	snop  }
0x2ba: {  	[spmem:s2] =	stream.indirect.scatter.add.f32 [tilespmem:s8], [sflag:$0x1], $0x1, s18, s7, $0xb8;
	[tilespmem:$0x2B80] =	vst v63  }
0x2bb: {  	_ = 	snop  }
0x2bc: {  	[spmem:s2] =	stream.indirect.scatter.add.f32 [tilespmem:s8], [sflag:$0x1], $0x1, s19, s7, $0xb8;
	[tilespmem:$0x2B80] =	vst v63  }
0x2bd: {  	_ = 	snop  }
0x2be: {  	[spmem:s2] =	stream.indirect.scatter.add.f32 [tilespmem:s8], [sflag:$0x1], $0x1, s20, s7, $0xb8;
	[tilespmem:$0x2B80] =	vst v63  }
0x2bf: {  	_ = 	snop  }
0x2c0: {  	[spmem:s2] =	stream.indirect.scatter.add.f32 [tilespmem:s8], [sflag:$0x1], $0x1, s21, s7, $0xb8;
	[tilespmem:$0x2B80] =	vst v63  }
0x2c1: {  	_ = 	snop  }
0x2c2: {  	[spmem:s2] =	stream.indirect.scatter.add.f32 [tilespmem:s8], [sflag:$0x1], $0x1, s22, s7, $0xb8;
	[tilespmem:$0x2B80] =	vst v63  }
0x2c3: {  	_ = 	snop  }
0x2c4: {  	[spmem:s2] =	stream.indirect.scatter.add.f32 [tilespmem:s8], [sflag:$0x1], $0x1, s23, s7, $0xb8;
	[tilespmem:$0x2B80] =	vst v63  }
0x2c5: {  	_ =	swait.ge [sflag:s24], $0x80  }
0x2c6: {  	[sflag:s24] =	ssyncset.done $0x0  }
0x2c7: {  	[sflag:s24] =	ssyncadd.s32 $0xFFFFFF80  }
0x2c8: {  	_ =	swait.ge [sflag:s24], $0x80  }
0x2c9: {  	[sflag:s24] =	ssyncset.done $0x0  }
0x2ca: {  	[sflag:s24] =	ssyncadd.s32 $0xFFFFFF80  }
0x2cb: {  	_ =	swait.ge [sflag:s24], $0x80  }
0x2cc: {  	[sflag:s24] =	ssyncset.done $0x0  }
0x2cd: {  	[sflag:s24] =	ssyncadd.s32 $0xFFFFFF80  }
0x2ce: {  	_ =	swait.ge [sflag:s24], $0x80  }
0x2cf: {  	[sflag:s24] =	ssyncset.done $0x0  }
0x2d0: {  	[sflag:s24] =	ssyncadd.s32 $0xFFFFFF80  }
0x2d1: {  	_ =	swait.ge [sflag:s24], $0x80  }
0x2d2: {  	[sflag:s24] =	ssyncset.done $0x0  }
0x2d3: {  	[sflag:s24] =	ssyncadd.s32 $0xFFFFFF80  }
0x2d4: {  	_ =	swait.ge [sflag:s24], $0x80  }
0x2d5: {  	[sflag:s24] =	ssyncset.done $0x0  }
0x2d6: {  	[sflag:s24] =	ssyncadd.s32 $0xFFFFFF80  }
0x2d7: {  	_ =	swait.ge [sflag:s24], $0x80  }
0x2d8: {  	[sflag:s24] =	ssyncset.done $0x0  }
0x2d9: {  	[sflag:s24] =	ssyncadd.s32 $0xFFFFFF80  }
0x2da: {  	_ =	swait.ge [sflag:s24], $0x80  }
0x2db: {  	[sflag:s24] =	ssyncset.done $0x0  }
0x2dc: {  	[sflag:s24] =	ssyncadd.s32 $0xFFFFFF80  }
0x2dd: {  	_ =	swait.ge [sflag:s24], $0x80  }
0x2de: {  	[sflag:s24] =	ssyncset.done $0x0  }
0x2df: {  	[sflag:s24] =	ssyncadd.s32 $0xFFFFFF80  }
0x2e0: {  	_ =	swait.ge [sflag:s24], $0x80  }
0x2e1: {  	[sflag:s24] =	ssyncset.done $0x0  }
0x2e2: {  	[sflag:s24] =	ssyncadd.s32 $0xFFFFFF80  }
0x2e3: {  	_ =	swait.ge [sflag:s24], $0x80  }
0x2e4: {  	[sflag:s24] =	ssyncset.done $0x0  }
0x2e5: {  	[sflag:s24] =	ssyncadd.s32 $0xFFFFFF80  }
0x2e6: {  	_ =	swait.ge [sflag:s24], $0x80  }
0x2e7: {  	[sflag:s24] =	ssyncset.done $0x0  }
0x2e8: {  	[sflag:s24] =	ssyncadd.s32 $0xFFFFFF80  }
0x2e9: {  	_ =	swait.ge [sflag:s24], $0x80  }
0x2ea: {  	[sflag:s24] =	ssyncset.done $0x0  }
0x2eb: {  	[sflag:s24] =	ssyncadd.s32 $0xFFFFFF80  }
0x2ec: {  	_ =	swait.ge [sflag:s24], $0x80  }
0x2ed: {  	[sflag:s24] =	ssyncset.done $0x0  }
0x2ee: {  	[sflag:s24] =	ssyncadd.s32 $0xFFFFFF80  }
0x2ef: {  	_ =	swait.ge [sflag:s24], $0x80  }
0x2f0: {  	[sflag:s24] =	ssyncset.done $0x0  }
0x2f1: {  	[sflag:s24] =	ssyncadd.s32 $0xFFFFFF80  }
0x2f2: {  	_ =	swait.ge [sflag:s24], $0x80  }
0x2f3: {  	[sflag:s24] =	ssyncset.done $0x0  }
0x2f4: {  	[sflag:s24] =	ssyncadd.s32 $0xFFFFFF80  }
0x2f5: {  	_ =	swait.ge [sflag:s24], $0x80  }
0x2f6: {  	[sflag:s24] =	ssyncset.done $0x0  }
0x2f7: {  	[sflag:s24] =	ssyncadd.s32 $0xFFFFFF80  }
0x2f8: {  	_ =	swait.ge [sflag:s24], $0x80  }
0x2f9: {  	[sflag:s24] =	ssyncset.done $0x0  }
0x2fa: {  	[sflag:s24] =	ssyncadd.s32 $0xFFFFFF80  }
0x2fb: {  	_ =	swait.ge [sflag:s24], $0x80  }
0x2fc: {  	[sflag:s24] =	ssyncset.done $0x0  }
0x2fd: {  	[sflag:s24] =	ssyncadd.s32 $0xFFFFFF80  }
0x2fe: {  	_ =	swait.ge [sflag:s24], $0x80  }
0x2ff: {  	[sflag:s24] =	ssyncset.done $0x0  }
0x300: {  	[sflag:s24] =	ssyncadd.s32 $0xFFFFFF80  }
0x301: {  	_ =	swait.ge [sflag:s24], $0x80  }
0x302: {  	[sflag:s24] =	ssyncset.done $0x0  }
0x303: {  	[sflag:s24] =	ssyncadd.s32 $0xFFFFFF80  }
0x304: {  	_ =	swait.ge [sflag:s24], $0x80  }
0x305: {  	[sflag:s24] =	ssyncset.done $0x0  }
0x306: {  	[sflag:s24] =	ssyncadd.s32 $0xFFFFFF80  }
0x307: {  	_ =	swait.ge [sflag:s24], $0x80  }
0x308: {  	[sflag:s24] =	ssyncset.done $0x0  }
0x309: {  	[sflag:s24] =	ssyncadd.s32 $0xFFFFFF80  }
0x30a: {  	_ =	swait.ge [sflag:s24], $0x80  }
0x30b: {  	[sflag:s24] =	ssyncset.done $0x0  }
0x30c: {  	[sflag:s24] =	ssyncadd.s32 $0xFFFFFF80  }
0x30d: {  	_ =	swait.ge [sflag:s24], $0x80  }
0x30e: {  	[sflag:s24] =	ssyncset.done $0x0  }
0x30f: {  	[sflag:s24] =	ssyncadd.s32 $0xFFFFFF80  }
0x310: {  	_ =	swait.ge [sflag:s24], $0x80  }
0x311: {  	[sflag:s24] =	ssyncset.done $0x0  }
0x312: {  	[sflag:s24] =	ssyncadd.s32 $0xFFFFFF80  }
0x313: {  	_ =	swait.ge [sflag:s24], $0x80  }
0x314: {  	[sflag:s24] =	ssyncset.done $0x0  }
0x315: {  	[sflag:s24] =	ssyncadd.s32 $0xFFFFFF80  }
0x316: {  	_ =	swait.ge [sflag:s24], $0x80  }
0x317: {  	[sflag:s24] =	ssyncset.done $0x0  }
0x318: {  	[sflag:s24] =	ssyncadd.s32 $0xFFFFFF80  }
0x319: {  	_ =	swait.ge [sflag:s24], $0x80  }
0x31a: {  	[sflag:s24] =	ssyncset.done $0x0  }
0x31b: {  	[sflag:s24] =	ssyncadd.s32 $0xFFFFFF80  }
0x31c: {  	_ =	swait.ge [sflag:s24], $0x80  }
0x31d: {  	[sflag:s24] =	ssyncset.done $0x0  }
0x31e: {  	[sflag:s24] =	ssyncadd.s32 $0xFFFFFF80  }
0x31f: {  	_ =	swait.ge [sflag:s24], $0x80  }
0x320: {  	[sflag:s24] =	ssyncset.done $0x0  }
0x321: {  	[sflag:s24] =	ssyncadd.s32 $0xFFFFFF80  }
0x322: {  	_ =	swait.ge [sflag:s24], $0x80  }
0x323: {  	[sflag:s24] =	ssyncset.done $0x0  }
0x324: {  	[sflag:s24] =	ssyncadd.s32 $0xFFFFFF80  }
0x325: {  	_ =	swait.ge [sflag:s24], $0x80  }
0x326: {  	[sflag:s24] =	ssyncset.done $0x0  }
0x327: {  	[sflag:s24] =	ssyncadd.s32 $0xFFFFFF80  }
0x328: {  	_ =	swait.ge [sflag:s24], $0x80  }
0x329: {  	[sflag:s24] =	ssyncset.done $0x0  }
0x32a: {  	[sflag:s24] =	ssyncadd.s32 $0xFFFFFF80  }
0x32b: {  	_ =	swait.ge [sflag:s24], $0x80  }
0x32c: {  	[sflag:s24] =	ssyncset.done $0x0  }
0x32d: {  	[sflag:s24] =	ssyncadd.s32 $0xFFFFFF80  }
0x32e: {  	_ =	swait.ge [sflag:s24], $0x80  }
0x32f: {  	[sflag:s24] =	ssyncset.done $0x0  }
0x330: {  	[sflag:s24] =	ssyncadd.s32 $0xFFFFFF80  }
0x331: {  	_ =	swait.ge [sflag:s24], $0x80  }
0x332: {  	[sflag:s24] =	ssyncset.done $0x0  }
0x333: {  	[sflag:s24] =	ssyncadd.s32 $0xFFFFFF80  }
0x334: {  	_ =	swait.ge [sflag:s24], $0x80  }
0x335: {  	[sflag:s24] =	ssyncset.done $0x0  }
0x336: {  	[sflag:s24] =	ssyncadd.s32 $0xFFFFFF80  }
0x337: {  	_ =	swait.ge [sflag:s24], $0x80  }
0x338: {  	[sflag:s24] =	ssyncset.done $0x0  }
0x339: {  	[sflag:s24] =	ssyncadd.s32 $0xFFFFFF80  }
0x33a: {  	_ =	swait.ge [sflag:s24], $0x80  }
0x33b: {  	[sflag:s24] =	ssyncset.done $0x0  }
0x33c: {  	[sflag:s24] =	ssyncadd.s32 $0xFFFFFF80  }
0x33d: {  	_ =	swait.ge [sflag:s24], $0x80  }
0x33e: {  	[sflag:s24] =	ssyncset.done $0x0  }
0x33f: {  	[sflag:s24] =	ssyncadd.s32 $0xFFFFFF80  }
0x340: {  	_ =	swait.ge [sflag:s24], $0x80  }
0x341: {  	[sflag:s24] =	ssyncset.done $0x0  }
0x342: {  	[sflag:s24] =	ssyncadd.s32 $0xFFFFFF80  }
0x343: {  	_ =	swait.ge [sflag:s24], $0x80  }
0x344: {  	[sflag:s24] =	ssyncset.done $0x0  }
0x345: {  	[sflag:s24] =	ssyncadd.s32 $0xFFFFFF80  }
0x346: {  	_ =	swait.ge [sflag:s24], $0x80  }
0x347: {  	[sflag:s24] =	ssyncset.done $0x0  }
0x348: {  	[sflag:s24] =	ssyncadd.s32 $0xFFFFFF80  }
0x349: {  	_ =	swait.ge [sflag:s24], $0x80  }
0x34a: {  	[sflag:s24] =	ssyncset.done $0x0  }
0x34b: {  	[sflag:s24] =	ssyncadd.s32 $0xFFFFFF80  }
0x34c: {  	_ =	swait.ge [sflag:s24], $0x80  }
0x34d: {  	[sflag:s24] =	ssyncset.done $0x0  }
0x34e: {  	[sflag:s24] =	ssyncadd.s32 $0xFFFFFF80  }
0x34f: {  	_ =	swait.ge [sflag:s24], $0x80  }
0x350: {  	[sflag:s24] =	ssyncset.done $0x0  }
0x351: {  	[sflag:s24] =	ssyncadd.s32 $0xFFFFFF80  }
0x352: {  	_ =	swait.ge [sflag:s24], $0x80  }
0x353: {  	[sflag:s24] =	ssyncset.done $0x0  }
0x354: {  	[sflag:s24] =	ssyncadd.s32 $0xFFFFFF80  }
0x355: {  	_ =	swait.ge [sflag:s24], $0x80  }
0x356: {  	[sflag:s24] =	ssyncset.done $0x0  }
0x357: {  	[sflag:s24] =	ssyncadd.s32 $0xFFFFFF80  }
0x358: {  	_ =	swait.ge [sflag:s24], $0x80  }
0x359: {  	[sflag:s24] =	ssyncset.done $0x0  }
0x35a: {  	[sflag:s24] =	ssyncadd.s32 $0xFFFFFF80  }
0x35b: {  	_ =	swait.ge [sflag:s24], $0x80  }
0x35c: {  	[sflag:s24] =	ssyncset.done $0x0  }
0x35d: {  	[sflag:s24] =	ssyncadd.s32 $0xFFFFFF80  }
0x35e: {  	_ =	swait.ge [sflag:s24], $0x80  }
0x35f: {  	[sflag:s24] =	ssyncset.done $0x0  }
0x360: {  	[sflag:s24] =	ssyncadd.s32 $0xFFFFFF80  }
0x361: {  	_ =	swait.ge [sflag:s24], $0x80  }
0x362: {  	[sflag:s24] =	ssyncset.done $0x0  }
0x363: {  	[sflag:s24] =	ssyncadd.s32 $0xFFFFFF80  }
0x364: {  	_ =	swait.ge [sflag:s24], $0x80  }
0x365: {  	[sflag:s24] =	ssyncset.done $0x0  }
0x366: {  	[sflag:s24] =	ssyncadd.s32 $0xFFFFFF80  }
0x367: {  	_ =	swait.ge [sflag:s24], $0x80  }
0x368: {  	[sflag:s24] =	ssyncset.done $0x0  }
0x369: {  	[sflag:s24] =	ssyncadd.s32 $0xFFFFFF80  }
0x36a: {  	_ =	swait.ge [sflag:s24], $0x80  }
0x36b: {  	[sflag:s24] =	ssyncset.done $0x0  }
0x36c: {  	[sflag:s24] =	ssyncadd.s32 $0xFFFFFF80  }
0x36d: {  	_ =	swait.ge [sflag:s24], $0x80  }
0x36e: {  	[sflag:s24] =	ssyncset.done $0x0  }
0x36f: {  	[sflag:s24] =	ssyncadd.s32 $0xFFFFFF80  }
0x370: {  	_ =	swait.ge [sflag:s24], $0x80  }
0x371: {  	[sflag:s24] =	ssyncset.done $0x0  }
0x372: {  	[sflag:s24] =	ssyncadd.s32 $0xFFFFFF80  }
0x373: {  	_ =	swait.ge [sflag:s24], $0x80  }
0x374: {  	[sflag:s24] =	ssyncset.done $0x0  }
0x375: {  	[sflag:s24] =	ssyncadd.s32 $0xFFFFFF80  }
0x376: {  	_ =	swait.ge [sflag:s24], $0x80  }
0x377: {  	[sflag:s24] =	ssyncset.done $0x0  }
0x378: {  	[sflag:s24] =	ssyncadd.s32 $0xFFFFFF80  }
0x379: {  	_ =	swait.ge [sflag:s24], $0x80  }
0x37a: {  	[sflag:s24] =	ssyncset.done $0x0  }
0x37b: {  	[sflag:s24] =	ssyncadd.s32 $0xFFFFFF80  }
0x37c: {  	_ =	swait.ge [sflag:s24], $0x80  }
0x37d: {  	[sflag:s24] =	ssyncset.done $0x0  }
0x37e: {  	[sflag:s24] =	ssyncadd.s32 $0xFFFFFF80  }
0x37f: {  	_ =	swait.ge [sflag:s24], $0x80  }
0x380: {  	[sflag:s24] =	ssyncset.done $0x0  }
0x381: {  	[sflag:s24] =	ssyncadd.s32 $0xFFFFFF80  }
0x382: {  	_ =	swait.ge [sflag:s24], $0x80  }
0x383: {  	[sflag:s24] =	ssyncset.done $0x0  }
0x384: {  	[sflag:s24] =	ssyncadd.s32 $0xFFFFFF80  }
0x385: {  	_ =	swait.ge [sflag:s24], $0x80  }
0x386: {  	[sflag:s24] =	ssyncset.done $0x0  }
0x387: {  	[sflag:s24] =	ssyncadd.s32 $0xFFFFFF80  }
0x388: {  	_ =	swait.ge [sflag:s24], $0x80  }
0x389: {  	[sflag:s24] =	ssyncset.done $0x0  }
0x38a: {  	[sflag:s24] =	ssyncadd.s32 $0xFFFFFF80  }
0x38b: {  	_ =	swait.ge [sflag:s24], $0x80  }
0x38c: {  	[sflag:s24] =	ssyncset.done $0x0  }
0x38d: {  	[sflag:s24] =	ssyncadd.s32 $0xFFFFFF80  }
0x38e: {  	_ =	swait.ge [sflag:s24], $0x80  }
0x38f: {  	[sflag:s24] =	ssyncset.done $0x0  }
0x390: {  	[sflag:s24] =	ssyncadd.s32 $0xFFFFFF80  }
0x391: {  	_ =	swait.ge [sflag:s24], $0x80  }
0x392: {  	[sflag:s24] =	ssyncset.done $0x0  }
0x393: {  	[sflag:s24] =	ssyncadd.s32 $0xFFFFFF80  }
0x394: {  	_ =	swait.ge [sflag:s24], $0x80  }
0x395: {  	[sflag:s24] =	ssyncset.done $0x0  }
0x396: {  	[sflag:s24] =	ssyncadd.s32 $0xFFFFFF80  }
0x397: {  	_ =	swait.ge [sflag:s24], $0x80  }
0x398: {  	[sflag:s24] =	ssyncset.done $0x0  }
0x399: {  	[sflag:s24] =	ssyncadd.s32 $0xFFFFFF80  }
0x39a: {  	_ =	swait.ge [sflag:s24], $0x80  }
0x39b: {  	[sflag:s24] =	ssyncset.done $0x0  }
0x39c: {  	[sflag:s24] =	ssyncadd.s32 $0xFFFFFF80  }
0x39d: {  	_ =	swait.ge [sflag:s24], $0x80  }
0x39e: {  	[sflag:s24] =	ssyncset.done $0x0  }
0x39f: {  	[sflag:s24] =	ssyncadd.s32 $0xFFFFFF80  }
0x3a0: {  	_ =	swait.ge [sflag:s24], $0x80  }
0x3a1: {  	[sflag:s24] =	ssyncset.done $0x0  }
0x3a2: {  	[sflag:s24] =	ssyncadd.s32 $0xFFFFFF80  }
0x3a3: {  	_ =	swait.ge [sflag:s24], $0x80  }
0x3a4: {  	[sflag:s24] =	ssyncset.done $0x0  }
0x3a5: {  	[sflag:s24] =	ssyncadd.s32 $0xFFFFFF80  }
0x3a6: {  	_ =	swait.ge [sflag:s24], $0x80  }
0x3a7: {  	[sflag:s24] =	ssyncset.done $0x0  }
0x3a8: {  	[sflag:s24] =	ssyncadd.s32 $0xFFFFFF80  }
0x3a9: {  	_ =	swait.ge [sflag:s24], $0x80  }
0x3aa: {  	[sflag:s24] =	ssyncset.done $0x0  }
0x3ab: {  	[sflag:s24] =	ssyncadd.s32 $0xFFFFFF80  }
0x3ac: {  	_ =	swait.ge [sflag:s24], $0x80  }
0x3ad: {  	[sflag:s24] =	ssyncset.done $0x0  }
0x3ae: {  	[sflag:s24] =	ssyncadd.s32 $0xFFFFFF80  }
0x3af: {  	_ =	swait.ge [sflag:s24], $0x80  }
0x3b0: {  	[sflag:s24] =	ssyncset.done $0x0  }
0x3b1: {  	[sflag:s24] =	ssyncadd.s32 $0xFFFFFF80  }
0x3b2: {  	_ =	swait.ge [sflag:s24], $0x80  }
0x3b3: {  	[sflag:s24] =	ssyncset.done $0x0  }
0x3b4: {  	p0 =	sne.s32 s30, $0x1;
	[sflag:s24] =	ssyncadd.s32 $0xFFFFFF80  }
.Ltmp1:
0x3b5: {  	[bflag:$0x0] =	sbarrier.arrive $0xFFFF;
	(pc) =	sbr.rel @p0 .LBB2_1-.Ltmp1, $4  }
0x3b6: {  	s31 =	rddreg [dreg:$0x8]  }
0x3b7: {  	[hbm:s31@s26], [sflag:s25] =	dma.strided [spmem:s29@s28], $0x50, s24, $0x10   }
0x3b8: {  	_ =	swait.ge [sflag:s5], $0x50  }
0x3b9: {  	s30 =	sadd.s32 $0xFFFFFFFF, s30;
	[sflag:s5] =	ssyncset.done $0x0  }
.LBB2_2:
0x3ba: {  	[sflag:s5] =	ssyncadd.s32 $0xFFFFFFB0  }
0x3bb: {  	_ =	sfence.sel $0x180000  }
0x3bc: {  	[bflag:$0x0] =	sbarrier.arrive $0xFFFF  }
0x3bd: {  	_ =	strace $0x90000047  }
0x3be: {  	s0 =	stileid.u32;
	[bflag:$0x2] =	sbarrier.arrive $0xFFFF  }
0x3bf: {  	p0 =	sne.s32 s0, $0x0;
	s0 =	rddreg [dreg:$0x2]  }
0x3c0: {  	s0 =	sadd.s32 @!p0 $0x100000, s0  }
0x3c1: {  	[sflag:s0] =	ssyncadd.tile.s32 @!p0 $0x1;
	_ =	shalt  }
.Lfunc_end2:
_tile_overlayer_lowered:
.L_overlay_start_2:
0x3c2: {  	(tag) =	ssettag $0x2  }
0x3c3: {  	s0 =	rddreg [dreg:$0x0];
	s2 =	stileid.u32  }
0x3c4: {  	s1 =	rddreg [dreg:$0x1];
	p0 =	sne.s32 s2, $0x0  }
0x3c5: {  	s3 =	rddreg [dreg:$0x2];
	[bflag:$0x3] =	sbarrier.arrive $0xFFFF;
	s2 =	simm.s32 @!p0 $0x1C02  }
0x3c6: {  	[timem:s3], [sflag:s2] =	dma.local @!p0 [hbm:s0], s1  }
0x3c7: {  	s0 =	simm.s32 @!p0 $0x2  }
0x3c8: {  	_ =	swait.ge @!p0 [sflag:s0], s1  }
0x3c9: {  	s1 =	ssub.s32 @!p0 $0x0, s1;
	[sflag:s0] =	ssyncset.done @!p0 $0x0  }
0x3ca: {  	[sflag:s0] =	ssyncadd.s32 @!p0 s1  }
0x3cb: {  	[bflag:$0x3] =	sbarrier.arrive $0xFFFF  }
0x3cc: {  	_ =	shalt  }

// kernel: kernel.9.cloned.1.call-start
scs
__scs_entry_jumppad:
0x0: {  	(pc) =	sbr.rel $0x88, $3  }
0x1: {  	(tag) =	ssettag $0x0;
	lr =	simm.s32 $0x1  }
0x2: {  	[smem:$0x3F9D] =	sst lr;
	_ =	strace $0xD0000000  }
0x3: {  	_ = 	snop  }
0x4: {  	_ = 	snop  }
0x5: {  	_ = 	snop  }
0x6: {  	_ = 	snop  }
0x7: {  	_ = 	snop  }
__scs_overlays_trampoline_lowered:
0x8: {  	[smem:$0x3FAC] =	sst s0  }
0x9: {  	[smem:$0x3FAD] =	sst s1  }
0xa: {  	[smem:$0x3FAE] =	sst s2  }
0xb: {  	[smem:$0x3FAF] =	sst s3  }
0xc: {  	[smem:$0x3FB0] =	sst s4  }
0xd: {  	[smem:$0x3FB1] =	sst s5  }
0xe: {  	[smem:$0x3FB2] =	sst s6  }
0xf: {  	[smem:$0x3FB3] =	sst s7  }
0x10: {  	[smem:$0x3FB4] =	sst s8  }
0x11: {  	[smem:$0x3FB5] =	sst s9;
	s0 =	simm.s32 @!p0 $0x0  }
0x12: {  	s1 =	sld [smem:$0x3F9B];
	s0 =	simm.s32 @p0 $0x1  }
0x13: {  	[smem:$0x3FB6] =	sst s0;
	s0 =	simm.s32 @!p1 $0x0  }
0x14: {  	s2 =	sld [smem:$0x3F9A];
	s0 =	simm.s32 @p1 $0x1  }
0x15: {  	[smem:$0x3FB7] =	sst s0;
	s0 =	simm.s32 @!p2 $0x0  }
0x16: {  	s3 =	sld [smem:$0x3FDB];
	s0 =	simm.s32 @p2 $0x1  }
0x17: {  	s4 =	simm.s32 $0x1BF5;
	[smem:$0x3FB9] =	sst s0  }
0x18: {  	s0 =	sld [smem:$0x3F9C];
	_ =	swait.ge [sflag:s4], $0x0  }
0x19: {  	s7 =	sld [smem:$0x3F9D]  }
0x1a: {  	s8 =	sadd.s32 $0xFFFFE003, lr  }
0x1b: {  	s9 =	sadd.s32 $0xFFFFFEF7, lr;
	s5 =	simm.s32 $0xFFFFFFFF;
	p2 =	slt.u32 s8, $0xFFFFF086  }
0x1c: {  	p1 =	slt.u32 s9, $0xF7A;
	s5 =	simm.s32 @!p2 $0x0  }
0x1d: {  	s5 =	simm.s32 @p1 $0x1;
	p0 =	seq.s32 s7, s2  }
0x1e: {  	s7 =	smul.u32 @!p0 $0xF7A, s2;
	p2 =	seq.s32 @!p0 s5, $0x0  }
0x1f: {  	s9 =	smul.u32 $0xF7A, s1;
	s8 =	simm.s32 @!p0 $0x1BF5;
	p2 =	por !p2, p0  }
0x20: {  	[sflag:s8] =	ssyncset.s32 @!p0 $0xFFFFF086;
	s6 =	sadd.s32 @!p0 s3, s7;
	s7 =	simm.s32 @!p0 $0x108  }
0x21: {  	s3 =	sadd.s32 s3, s9;
	s6 =	sadd.s32 @!p0 $0x88, s6;
	s7 =	simm.s32 @p2 $0x1082  }
0x22: {  	[simem:s7], [sflag:s8] =	dma.local @!p0 [hbm:s6], $0xF7A  }
0x23: {  	s9 =	sor.u32 $0xD0000000, s2;
	s6 =	simm.s32 $0x108;
	_ =	swait.ge @!p0 [sflag:s8], $0x0  }
0x24: {  	s3 =	sadd.s32 $0x88, s3;
	s6 =	simm.s32 @!p1 $0x1082;
	[sflag:s4] =	ssyncset.s32 $0xFFFFF086  }
0x25: {  	[simem:s6], [sflag:s4] =	dma.local [hbm:s3], $0xF7A  }
0x26: {  	[smem:$0x3F9D] =	sst s1;
	(tag) =	ssettag s2;
	_ =	strace s9  }
0x27: {  	s1 =	sld [smem:$0x3FAD]  }
0x28: {  	s2 =	sld [smem:$0x3FAE]  }
0x29: {  	s4 =	sld [smem:$0x3FB0]  }
0x2a: {  	p0 =	seq.s32 s5, $0x0;
	s5 =	sld [smem:$0x3FB1]  }
0x2b: {  	s6 =	sld [smem:$0x3FB2]  }
0x2c: {  	s7 =	sld [smem:$0x3FB3]  }
0x2d: {  	s3 =	simm.s32 $0x108;
	s8 =	sld [smem:$0x3FB4]  }
0x2e: {  	s3 =	simm.s32 @!p0 $0x1082;
	s9 =	sld [smem:$0x3FB5]  }
0x2f: {  	lr =	sadd.s32 s0, s3;
	s0 =	sld [smem:$0x3FAC]  }
0x30: {  	s3 =	sld [smem:$0x3FAF]  }
0x31: {  	[smem:$0x3FB8] =	sst s10  }
0x32: {  	s10 =	sld [smem:$0x3FB6];
	_ =	sdelay $0x3  }
0x33: {  	p0 =	seq.s32 s10, $0x1;
	s10 =	sld [smem:$0x3FB8];
	_ =	sdelay $0x3  }
0x34: {  	[smem:$0x3FB8] =	sst s10  }
0x35: {  	s10 =	sld [smem:$0x3FB7];
	_ =	sdelay $0x3  }
0x36: {  	p1 =	seq.s32 s10, $0x1;
	s10 =	sld [smem:$0x3FB8];
	_ =	sdelay $0x3  }
0x37: {  	[smem:$0x3FB8] =	sst s10  }
0x38: {  	s10 =	sld [smem:$0x3FB9]  }
0x39: {  	_ = 	snop;
	(pc) =	sbr.ind lr, $3  }
0x3a: {  	_ = 	snop  }
0x3b: {  	_ = 	snop  }
0x3c: {  	p2 =	seq.s32 s10, $0x1;
	s10 =	sld [smem:$0x3FB8]  }
0x3d: {  	_ =	shalt  }
0x3e: {  	_ =	shalt  }
0x3f: {  	_ =	shalt  }
0x40: {  	_ =	shalt  }
0x41: {  	_ =	shalt  }
0x42: {  	_ =	shalt  }
0x43: {  	_ =	shalt  }
0x44: {  	_ =	shalt  }
0x45: {  	_ =	shalt  }
0x46: {  	_ =	shalt  }
0x47: {  	_ =	shalt  }
0x48: {  	_ =	shalt  }
0x49: {  	_ =	shalt  }
0x4a: {  	_ =	shalt  }
0x4b: {  	_ =	shalt  }
0x4c: {  	_ =	shalt  }
0x4d: {  	_ =	shalt  }
0x4e: {  	_ =	shalt  }
0x4f: {  	_ =	shalt  }
0x50: {  	_ =	shalt  }
0x51: {  	_ =	shalt  }
0x52: {  	_ =	shalt  }
0x53: {  	_ =	shalt  }
0x54: {  	_ =	shalt  }
0x55: {  	_ =	shalt  }
0x56: {  	_ =	shalt  }
0x57: {  	_ =	shalt  }
0x58: {  	_ =	shalt  }
0x59: {  	_ =	shalt  }
0x5a: {  	_ =	shalt  }
0x5b: {  	_ =	shalt  }
0x5c: {  	_ =	shalt  }
0x5d: {  	_ =	shalt  }
0x5e: {  	_ =	shalt  }
0x5f: {  	_ =	shalt  }
0x60: {  	_ =	shalt  }
0x61: {  	_ =	shalt  }
0x62: {  	_ =	shalt  }
0x63: {  	_ =	shalt  }
0x64: {  	_ =	shalt  }
0x65: {  	_ =	shalt  }
0x66: {  	_ =	shalt  }
0x67: {  	_ =	shalt  }
0x68: {  	_ =	shalt  }
0x69: {  	_ =	shalt  }
0x6a: {  	_ =	shalt  }
0x6b: {  	_ =	shalt  }
0x6c: {  	_ =	shalt  }
0x6d: {  	_ =	shalt  }
0x6e: {  	_ =	shalt  }
0x6f: {  	_ =	shalt  }
0x70: {  	_ =	shalt  }
0x71: {  	_ =	shalt  }
0x72: {  	_ =	shalt  }
0x73: {  	_ =	shalt  }
0x74: {  	_ =	shalt  }
0x75: {  	_ =	shalt  }
0x76: {  	_ =	shalt  }
0x77: {  	_ =	shalt  }
0x78: {  	_ =	shalt  }
0x79: {  	_ =	shalt  }
0x7a: {  	_ =	shalt  }
0x7b: {  	_ =	shalt  }
0x7c: {  	_ =	shalt  }
0x7d: {  	_ =	shalt  }
0x7e: {  	_ =	shalt  }
0x7f: {  	_ =	shalt  }
0x80: {  	_ =	shalt  }
0x81: {  	_ =	shalt  }
0x82: {  	_ =	shalt  }
0x83: {  	_ =	shalt  }
0x84: {  	_ =	shalt  }
0x85: {  	_ =	shalt  }
0x86: {  	_ =	shalt  }
0x87: {  	_ =	shalt  }
.Lfunc_end0:
.L_simem_size_0:
called_computation.1_lowered:
.L_overlay_start_0:
0x88: {  	s2 =	sld [smem:$0x3FD9]  }
0x89: {  	s3 =	sld [smem:$0x3FFE];
	_ =	sdelay $0x1  }
0x8a: {  	s1 =	srdreg.scid  }
0x8b: {  	s0 =	sand.u32 $0x1, s1  }
0x8c: {  	s17 =	sshll.u32 s0, $0xA;
	s2 =	sadd.s32 s3, s2  }
0x8d: {  	s2 =	sadd.s32 s2, s17  }
0x8e: {  	[smem:$0x3FC4] =	sst s2  }
0x8f: {  	_ = 	snop  }
0x90: {  	s2 =	sld [smem:$0x3FD0];
	(tm) =	ssettm $0x1  }
0x91: {  	s18 =	sld [smem:$0x3FFB];
	_ =	sdelay $0x3  }
0x92: {  	_ =	strace s18  }
0x93: {  	s3 =	sld [smem:$0x3FFC];
	_ =	sdelay $0x3  }
0x94: {  	_ =	strace s3  }
0x95: {  	s3 =	sld [smem:$0x3FFD];
	_ =	sdelay $0x3  }
0x96: {  	_ =	strace s3  }
0x97: {  	_ =	strace $0x8FFFFFFF  }
0x98: {  	s19 =	sld [smem:$0x3FDB];
	_ =	sdelay $0x1  }
0x99: {  	s4 =	simm.s32 $_scs_section_size  }
0x9a: {  	s5 =	simm.s32 $_size__tile_overlayer_lowered;
	s6 =	simm.s32 $_tile_overlayer_lowered  }
0x9b: {  	s22 =	simm.s32 $0x1BFF;
	s21 =	sshll.u32 s6, $0x1;
	s3 =	sadd.s32 s4, s19  }
0x9c: {  	s7 =	simm.s32 $0x0;
	s20 =	sshll.u32 s5, $0x1;
	s5 =	sadd.s32 s21, s3  }
0x9d: {  	[timem:s7], [sflag:s22] =	dma.local [hbm:s5], s20  }
0x9e: {  	_ =	swait.ge [sflag:s22], s20  }
0x9f: {  	s4 =	ssub.s32 $0x0, s20;
	[sflag:s22] =	ssyncset.done $0x0  }
0xa0: {  	[sflag:s22] =	ssyncadd.s32 s4;
	_ =	sdelay $0x1  }
0xa1: {  	s23 =	simm.s32 $0x1B8B  }
0xa2: {  	_ =	swait.ge [sflag:s23], $0x1  }
0xa3: {  	[sflag:s23] =	ssyncset.done $0x0  }
0xa4: {  	s25 =	simm.s32 $0x1B8E;
	s24 =	sld [smem:$0x3FFE];
	[sflag:s23] =	ssyncadd.s32 $0xFFFFFFFF  }
0xa5: {  	s26 =	simm.s32 $execute0_lowered;
	[smem:$0x3FD2] =	sst s25  }
0xa6: {  	s5 =	sshll.u32 s26, $0x1;
	_ =	strace $0x80000049;
	[dreg:$0x1] =	wrdreg $0xFFFFFFFF  }
0xa7: {  	s28 =	simm.s32 $_size_execute0_lowered;
	s3 =	sadd.s32 s3, s5;
	[dreg:$0x0] =	wrdreg $0x0  }
0xa8: {  	s5 =	sshll.u32 s28, $0x1;
	[dreg:$0x2] =	wrdreg s3  }
0xa9: {  	[dreg:$0x3] =	wrdreg s5  }
0xaa: {  	[dreg:$0x4] =	wrdreg $0xC0  }
0xab: {  	_ =	task [dreg:s7], $0x5FFFF  }
0xac: {  	[dreg:$0x1] =	wrdreg $0xFFFFFFFF  }
0xad: {  	[dreg:$0x0] =	wrdreg $0x60  }
0xae: {  	[dreg:$0x2] =	wrdreg s2  }
0xaf: {  	[dreg:$0x3] =	wrdreg s24  }
0xb0: {  	[dreg:$0x4] =	wrdreg $0xAA000  }
0xb1: {  	[dreg:$0x5] =	wrdreg $0x9  }
0xb2: {  	_ =	task.clear_ibuf [dreg:s7], $0x6FFFF;
	_ =	strace $0x90000049  }
0xb3: {  	s29 =	simm.s32 $0x9;
	_ =	strace $0x8000004B  }
0xb4: {  	_ =	swait.ge [sflag:s29], $0x1  }
0xb5: {  	[sflag:s29] =	ssyncadd.s32 $0xFFFFFFFF  }
0xb6: {  	_ =	strace $0x9000004B  }
0xb7: {  	_ =	sfence  }
0xb8: {  	s30 =	sld [smem:$0x0];
	_ =	sdelay $0x2  }
0xb9: {  	s31 =	sshll.u32 s1, $0xD;
	s1 =	sshrl.u32 s1, $0x2  }
0xba: {  	s3 =	sand.u32 $0x4000, s31;
	s1 =	sadd.s32 s1, s30  }
0xbb: {  	s0 =	sor.u32 s3, s0;
	s1 =	sshll.u32 s1, $0x11  }
0xbc: {  	s0 =	sor.u32 s1, s0  }
0xbd: {  	s0 =	sadd.s32 $0x8F2B, s0  }
0xbe: {  	[sflag:s0] =	ssyncadd.remote.s32 $0x1  }
0xbf: {  	_ =	sfence.sel $0xFFFF  }
0xc0: {  	[dreg:$0x0] =	wrdreg $0xFFFFFFFF;
	(pc) =	sbr.abs _section_cstart, $3  }
0xc1: {  	[dreg:$0x1] =	wrdreg $0xFFFFFFFF  }
0xc2: {  	_ =	task.clear_ibuf [dreg:s7], $0x2FFFF;
	_ =	strace $0x9FFFFFFF  }
0xc3: {  	(tm) =	ssettm $0x7FFFFFFF  }
tec
execute0_lowered:
.L_overlay_start_1:
0x0: {  	(tag) =	ssettag $0x1  }
0x1: {  	s7 =	rddreg [dreg:$0x0]  }
0x2: {  	s5 =	rddreg [dreg:$0x1];
	s1 =	srdreg.scid  }
0x3: {  	s0 =	stileid.u32;
	s2 =	rddreg [dreg:$0x2]  }
0x4: {  	s3 =	simm.s32 $0x0;
	s14 =	simm.s32 $0x2800;
	s15 =	simm.s32 $0xA880  }
0x5: {  	s16 =	simm.s32 $0x6800;
	s17 =	simm.s32 $0x1;
	s18 =	simm.s32 $0xA900  }
0x6: {  	s19 =	simm.s32 $0x2;
	s20 =	simm.s32 $0xA980;
	s21 =	simm.s32 $0x0  }
0x7: {  	s6 =	sand.u32 $0x1, s1;
	s8 =	smul.u32 $0x14000, s0;
	s1 =	rddreg [dreg:$0x3]  }
0x8: {  	[smem:$0x7FF] =	sst s3;
	s4 =	sadd.s32 $0x1600, s5;
	s11 =	smul.u32 $0x50000, s0  }
0x9: {  	s12 =	sshll.u32 s0, $0x1;
	s31 =	sshll.u32 s0, $0x6;
	s9 =	smul.u32 $0x140000, s6  }
0xa: {  	_ =	strace $0x8000004A;
	s10 =	ssub.s32 $0x2, s6;
	s6 =	sor.u32 s6, s12  }
0xb: {  	s29 =	sshrl.u32 s10, $0x1;
	s30 =	sshrl.u32 s11, $0x2;
	s12 =	smul.u32 $0x500, s6  }
0xc: {  	s6 =	sor.u32 $0x1C03, s31;
	s11 =	simm.s32 $0x3;
	s9 =	sadd.s32 s8, s9  }
0xd: {  	s10 =	ssub.s32 s10, s29;
	s8 =	sshrl.u32 s8, $0x3;
	s9 =	sshrl.u32 s9, $0x3  }
0xe: {  	s13 =	sadd.s32 s30, s2;
	s7 =	sadd.s32 s7, s12;
	s9 =	sadd.s32 s9, s5  }
0xf: {  	s12 =	simm.s32 $0x80;
	s5 =	sadd.s32 s4, s8;
	s8 =	sadd.s32 $0x29600, s9  }
0x10: {  	s9 =	smax.u32 s10, $0x1;
	s10 =	sshrl.u32 s13, $0x3;
	s13 =	simm.s32 $0xA800  }
.LBB2_1:
0x11: {  	[spmem:s10], [sflag:s6] =	dma.local [hbm:s5], $0x2800  }
0x12: {  	_ =	swait.ge [sflag:s11], $0x2800  }
0x13: {  	[sflag:s11] =	ssyncset.done $0x0  }
0x14: {  	[sflag:s11] =	ssyncadd.s32 $0xFFFFD800  }
0x15: {  	[tilespmem:s3], [sflag:$0x3] =	stream.linear.gather [hbm4b:s7+s3], $0x2800, $0x38;
	[tilespmem:$0x1EA00] =	vst v63  }
0x16: {  	_ =	swait.ge [sflag:s11], $0x2800  }
0x17: {  	[sflag:s11] =	ssyncset.done $0x0  }
0x18: {  	[sflag:s11] =	ssyncadd.s32 $0xFFFFD800  }
0x19: {  	[bflag:$0x0] =	sbarrier.arrive $0xFFFF  }
0x1a: {  	v0 =	vld [tilespmem:$0x0];
	_ =	sdelay $0x1  }
0x1b: {  	v1 =	vld [tilespmem:$0x10];
	_ =	sdelay $0x1  }
0x1c: {  	v2 =	vld [tilespmem:$0x20]  }
0x1d: {  	v3 =	vand.u32 $0xFFFF, v0  }
0x1e: {  	v6 =	vld [tilespmem:$0x30];
	v0 =	vshrl.u32 v0, $0x10;
	[tilespmem:$0xA800] =	vst v3  }
0x1f: {  	v7 =	vand.u32 $0xFFFF, v1;
	[tilespmem:$0xA900] =	vst v0  }
0x20: {  	v9 =	vld [tilespmem:$0x40];
	v8 =	vshrl.u32 v1, $0x10;
	[tilespmem:$0xA810] =	vst v7  }
0x21: {  	v10 =	vand.u32 $0xFFFF, v2;
	[tilespmem:$0xA910] =	vst v8  }
0x22: {  	v12 =	vld [tilespmem:$0x50];
	v11 =	vshrl.u32 v2, $0x10;
	[tilespmem:$0xA820] =	vst v10  }
0x23: {  	v13 =	vand.u32 $0xFFFF, v6;
	[tilespmem:$0xA920] =	vst v11  }
0x24: {  	v15 =	vld [tilespmem:$0x60];
	v14 =	vshrl.u32 v6, $0x10;
	[tilespmem:$0xA830] =	vst v13  }
0x25: {  	v16 =	vand.u32 $0xFFFF, v9;
	[tilespmem:$0xA930] =	vst v14  }
0x26: {  	v18 =	vld [tilespmem:$0x70];
	v17 =	vshrl.u32 v9, $0x10;
	[tilespmem:$0xA840] =	vst v16  }
0x27: {  	v19 =	vand.u32 $0xFFFF, v12;
	[tilespmem:$0xA940] =	vst v17  }
0x28: {  	v20 =	vshrl.u32 v12, $0x10;
	[tilespmem:$0xA850] =	vst v19  }
0x29: {  	v21 =	vand.u32 $0xFFFF, v15;
	[tilespmem:$0xA950] =	vst v20  }
0x2a: {  	v22 =	vshrl.u32 v15, $0x10;
	[tilespmem:$0xA860] =	vst v21  }
0x2b: {  	v23 =	vand.u32 $0xFFFF, v18;
	[tilespmem:$0xA960] =	vst v22  }
0x2c: {  	v24 =	vshrl.u32 v18, $0x10;
	[tilespmem:$0xA870] =	vst v23  }
0x2d: {  	[tilespmem:$0xA970] =	vst v24  }
0x2e: {  	[tilespmem:s14], [sflag:$0x1] =	stream.indirect.gather [hbm4b:s4+s12], $0x80, s13, s12, $0xb8;
	[tilespmem:$0x1EA00] =	vst v63  }
0x2f: {  	v25 =	vld [tilespmem:$0x80];
	_ =	sdelay $0x1  }
0x30: {  	v26 =	vld [tilespmem:$0x90];
	_ =	sdelay $0x1  }
0x31: {  	v27 =	vld [tilespmem:$0xA0]  }
0x32: {  	v28 =	vand.u32 $0xFFFF, v25  }
0x33: {  	v29 =	vld [tilespmem:$0xB0];
	v0 =	vshrl.u32 v25, $0x10;
	[tilespmem:$0xA880] =	vst v28  }
0x34: {  	v30 =	vand.u32 $0xFFFF, v26;
	[tilespmem:$0xA980] =	vst v0  }
0x35: {  	v32 =	vld [tilespmem:$0xC0];
	v31 =	vshrl.u32 v26, $0x10;
	[tilespmem:$0xA890] =	vst v30  }
0x36: {  	v33 =	vand.u32 $0xFFFF, v27;
	[tilespmem:$0xA990] =	vst v31  }
0x37: {  	v35 =	vld [tilespmem:$0xD0];
	v34 =	vshrl.u32 v27, $0x10;
	[tilespmem:$0xA8A0] =	vst v33  }
0x38: {  	v36 =	vand.u32 $0xFFFF, v29;
	[tilespmem:$0xA9A0] =	vst v34  }
0x39: {  	v38 =	vld [tilespmem:$0xE0];
	v37 =	vshrl.u32 v29, $0x10;
	[tilespmem:$0xA8B0] =	vst v36  }
0x3a: {  	v39 =	vand.u32 $0xFFFF, v32;
	[tilespmem:$0xA9B0] =	vst v37  }
0x3b: {  	v41 =	vld [tilespmem:$0xF0];
	v40 =	vshrl.u32 v32, $0x10;
	[tilespmem:$0xA8C0] =	vst v39  }
0x3c: {  	v42 =	vand.u32 $0xFFFF, v35;
	[tilespmem:$0xA9C0] =	vst v40  }
0x3d: {  	v43 =	vshrl.u32 v35, $0x10;
	[tilespmem:$0xA8D0] =	vst v42  }
0x3e: {  	v44 =	vand.u32 $0xFFFF, v38;
	[tilespmem:$0xA9D0] =	vst v43  }
0x3f: {  	v45 =	vshrl.u32 v38, $0x10;
	[tilespmem:$0xA8E0] =	vst v44  }
0x40: {  	v46 =	vand.u32 $0xFFFF, v41;
	[tilespmem:$0xA9E0] =	vst v45  }
0x41: {  	v47 =	vshrl.u32 v41, $0x10;
	[tilespmem:$0xA8F0] =	vst v46  }
0x42: {  	[tilespmem:$0xA9F0] =	vst v47  }
0x43: {  	[tilespmem:s16], [sflag:$0x2] =	stream.indirect.gather [hbm4b:s4+s12], $0x80, s15, s12, $0xb8;
	[tilespmem:$0x1EA00] =	vst v63  }
0x44: {  	_ =	swait.ge [sflag:s17], $0x4000  }
0x45: {  	[sflag:s17] =	ssyncset.done $0x0  }
0x46: {  	[sflag:s17] =	ssyncadd.s32 $0xFFFFC000  }
0x47: {  	[spmem:s2] =	stream.indirect.scatter.add.f32 [tilespmem:s14], [sflag:$0x3], $0x80, s18, s12, $0xb8;
	[tilespmem:$0x1EA00] =	vst v63  }
0x48: {  	_ =	swait.ge [sflag:s11], $0x4000  }
0x49: {  	s22 =	smin.u32 s3, $0x4D;
	[sflag:s11] =	ssyncset.done $0x0  }
0x4a: {  	s22 =	sshll.u32 s22, $0x7;
	[sflag:s11] =	ssyncadd.s32 $0xFFFFC000  }
0x4b: {  	v48 =	vld [tilespmem:s22+$0x100];
	_ =	sdelay $0x4  }
0x4c: {  	v49 =	vand.u32 $0xFFFF, v48  }
0x4d: {  	v0 =	vshrl.u32 v48, $0x10;
	[tilespmem:$0xA800] =	vst v49  }
0x4e: {  	[tilespmem:$0xA900] =	vst v0  }
0x4f: {  	v0 =	vld [tilespmem:s22+$0x110];
	_ =	sdelay $0x4  }
0x50: {  	v50 =	vand.u32 $0xFFFF, v0  }
0x51: {  	v0 =	vshrl.u32 v0, $0x10;
	[tilespmem:$0xA810] =	vst v50  }
0x52: {  	[tilespmem:$0xA910] =	vst v0  }
0x53: {  	v0 =	vld [tilespmem:s22+$0x120];
	_ =	sdelay $0x4  }
0x54: {  	v51 =	vand.u32 $0xFFFF, v0  }
0x55: {  	v0 =	vshrl.u32 v0, $0x10;
	[tilespmem:$0xA820] =	vst v51  }
0x56: {  	[tilespmem:$0xA920] =	vst v0  }
0x57: {  	v0 =	vld [tilespmem:s22+$0x130];
	_ =	sdelay $0x4  }
0x58: {  	v52 =	vand.u32 $0xFFFF, v0  }
0x59: {  	v0 =	vshrl.u32 v0, $0x10;
	[tilespmem:$0xA830] =	vst v52  }
0x5a: {  	[tilespmem:$0xA930] =	vst v0  }
0x5b: {  	v0 =	vld [tilespmem:s22+$0x140];
	_ =	sdelay $0x4  }
0x5c: {  	v53 =	vand.u32 $0xFFFF, v0  }
0x5d: {  	v0 =	vshrl.u32 v0, $0x10;
	[tilespmem:$0xA840] =	vst v53  }
0x5e: {  	[tilespmem:$0xA940] =	vst v0  }
0x5f: {  	v0 =	vld [tilespmem:s22+$0x150];
	_ =	sdelay $0x4  }
0x60: {  	v54 =	vand.u32 $0xFFFF, v0  }
0x61: {  	v0 =	vshrl.u32 v0, $0x10;
	[tilespmem:$0xA850] =	vst v54  }
0x62: {  	[tilespmem:$0xA950] =	vst v0  }
0x63: {  	v0 =	vld [tilespmem:s22+$0x160];
	_ =	sdelay $0x4  }
0x64: {  	v55 =	vand.u32 $0xFFFF, v0  }
0x65: {  	v0 =	vshrl.u32 v0, $0x10;
	[tilespmem:$0xA860] =	vst v55  }
0x66: {  	[tilespmem:$0xA960] =	vst v0  }
0x67: {  	v0 =	vld [tilespmem:s22+$0x170];
	_ =	sdelay $0x4  }
0x68: {  	v56 =	vand.u32 $0xFFFF, v0  }
0x69: {  	v0 =	vshrl.u32 v0, $0x10;
	[tilespmem:$0xA870] =	vst v56  }
0x6a: {  	[tilespmem:$0xA970] =	vst v0  }
0x6b: {  	[tilespmem:s14], [sflag:$0x1] =	stream.indirect.gather [hbm4b:s4+s12], $0x80, s13, s12, $0xb8;
	[tilespmem:$0x1EA00] =	vst v63  }
0x6c: {  	_ =	swait.ge [sflag:s19], $0x4000  }
0x6d: {  	[sflag:s19] =	ssyncset.done $0x0  }
0x6e: {  	[sflag:s19] =	ssyncadd.s32 $0xFFFFC000  }
0x6f: {  	[spmem:s2] =	stream.indirect.scatter.add.f32 [tilespmem:s16], [sflag:$0x3], $0x80, s20, s12, $0xb8;
	[tilespmem:$0x1EA00] =	vst v63  }
0x70: {  	_ =	swait.ge [sflag:s11], $0x4000  }
0x71: {  	s31 =	smin.u32 s3, $0x4C;
	[sflag:s11] =	ssyncset.done $0x0  }
0x72: {  	s23 =	sshll.u32 s31, $0x7;
	[sflag:s11] =	ssyncadd.s32 $0xFFFFC000  }
0x73: {  	v57 =	vld [tilespmem:s23+$0x180];
	_ =	sdelay $0x4  }
0x74: {  	v58 =	vand.u32 $0xFFFF, v57  }
0x75: {  	v0 =	vshrl.u32 v57, $0x10;
	[tilespmem:$0xA880] =	vst v58  }
0x76: {  	[tilespmem:$0xA980] =	vst v0  }
0x77: {  	v0 =	vld [tilespmem:s23+$0x190];
	_ =	sdelay $0x4  }
0x78: {  	v59 =	vand.u32 $0xFFFF, v0  }
0x79: {  	v0 =	vshrl.u32 v0, $0x10;
	[tilespmem:$0xA890] =	vst v59  }
0x7a: {  	[tilespmem:$0xA990] =	vst v0  }
0x7b: {  	v0 =	vld [tilespmem:s23+$0x1A0];
	_ =	sdelay $0x4  }
0x7c: {  	v60 =	vand.u32 $0xFFFF, v0  }
0x7d: {  	v0 =	vshrl.u32 v0, $0x10;
	[tilespmem:$0xA8A0] =	vst v60  }
0x7e: {  	[tilespmem:$0xA9A0] =	vst v0  }
0x7f: {  	v0 =	vld [tilespmem:s23+$0x1B0];
	_ =	sdelay $0x4  }
0x80: {  	v61 =	vand.u32 $0xFFFF, v0  }
0x81: {  	v0 =	vshrl.u32 v0, $0x10;
	[tilespmem:$0xA8B0] =	vst v61  }
0x82: {  	[tilespmem:$0xA9B0] =	vst v0  }
0x83: {  	v0 =	vld [tilespmem:s23+$0x1C0];
	_ =	sdelay $0x4  }
0x84: {  	v62 =	vand.u32 $0xFFFF, v0  }
0x85: {  	v0 =	vshrl.u32 v0, $0x10;
	[tilespmem:$0xA8C0] =	vst v62  }
0x86: {  	[tilespmem:$0xA9C0] =	vst v0  }
0x87: {  	v0 =	vld [tilespmem:s23+$0x1D0];
	_ =	sdelay $0x4  }
0x88: {  	v63 =	vand.u32 $0xFFFF, v0  }
0x89: {  	v0 =	vshrl.u32 v0, $0x10;
	[tilespmem:$0xA8D0] =	vst v63  }
0x8a: {  	s22 =	simm.s32 $0x2;
	[tilespmem:$0xA9D0] =	vst v0  }
.LBB2_2:
0x8b: {  	p0 =	sne.s32 s22, $0x4E;
	v0 =	vld [tilespmem:s23+$0x1E0];
	s24 =	smov.u32 s22;
	s22 =	sadd.s32 $0x2, s22  }
0x8c: {  	_ =	sdelay $0x3  }
0x8d: {  	v1 =	vand.u32 $0xFFFF, v0;
	v0 =	vshrl.u32 v0, $0x10  }
0x8e: {  	[tilespmem:$0xA8E0] =	vst v1  }
0x8f: {  	[tilespmem:$0xA9E0] =	vst v0  }
0x90: {  	v0 =	vld [tilespmem:s23+$0x1F0];
	_ =	sdelay $0x4  }
0x91: {  	v1 =	vand.u32 $0xFFFF, v0;
	v0 =	vshrl.u32 v0, $0x10  }
0x92: {  	[tilespmem:$0xA8F0] =	vst v1  }
0x93: {  	[tilespmem:$0xA9F0] =	vst v0  }
0x94: {  	[tilespmem:s16], [sflag:$0x2] =	stream.indirect.gather [hbm4b:s4+s12], $0x80, s15, s12, $0xb8;
	[tilespmem:$0x1EA00] =	vst v63  }
0x95: {  	_ =	swait.ge [sflag:s17], $0x4000  }
0x96: {  	[sflag:s17] =	ssyncset.done $0x0  }
0x97: {  	[sflag:s17] =	ssyncadd.s32 $0xFFFFC000  }
0x98: {  	[spmem:s2] =	stream.indirect.scatter.add.f32 [tilespmem:s14], [sflag:$0x3], $0x80, s18, s12, $0xb8;
	[tilespmem:$0x1EA00] =	vst v63  }
0x99: {  	_ =	swait.ge [sflag:s11], $0x4000  }
0x9a: {  	s23 =	smin.u32 s24, $0x4D;
	[sflag:s11] =	ssyncset.done $0x0  }
0x9b: {  	s23 =	sshll.u32 s23, $0x7;
	[sflag:s11] =	ssyncadd.s32 $0xFFFFC000  }
0x9c: {  	v0 =	vld [tilespmem:s23+$0x100];
	_ =	sdelay $0x4  }
0x9d: {  	v1 =	vand.u32 $0xFFFF, v0;
	v0 =	vshrl.u32 v0, $0x10  }
0x9e: {  	[tilespmem:$0xA800] =	vst v1  }
0x9f: {  	[tilespmem:$0xA900] =	vst v0  }
0xa0: {  	v0 =	vld [tilespmem:s23+$0x110];
	_ =	sdelay $0x4  }
0xa1: {  	v1 =	vand.u32 $0xFFFF, v0;
	v0 =	vshrl.u32 v0, $0x10  }
0xa2: {  	[tilespmem:$0xA810] =	vst v1  }
0xa3: {  	[tilespmem:$0xA910] =	vst v0  }
0xa4: {  	v0 =	vld [tilespmem:s23+$0x120];
	_ =	sdelay $0x4  }
0xa5: {  	v1 =	vand.u32 $0xFFFF, v0;
	v0 =	vshrl.u32 v0, $0x10  }
0xa6: {  	[tilespmem:$0xA820] =	vst v1  }
0xa7: {  	[tilespmem:$0xA920] =	vst v0  }
0xa8: {  	v0 =	vld [tilespmem:s23+$0x130];
	_ =	sdelay $0x4  }
0xa9: {  	v1 =	vand.u32 $0xFFFF, v0;
	v0 =	vshrl.u32 v0, $0x10  }
0xaa: {  	[tilespmem:$0xA830] =	vst v1  }
0xab: {  	[tilespmem:$0xA930] =	vst v0  }
0xac: {  	v0 =	vld [tilespmem:s23+$0x140];
	_ =	sdelay $0x4  }
0xad: {  	v1 =	vand.u32 $0xFFFF, v0;
	v0 =	vshrl.u32 v0, $0x10  }
0xae: {  	[tilespmem:$0xA840] =	vst v1  }
0xaf: {  	[tilespmem:$0xA940] =	vst v0  }
0xb0: {  	v0 =	vld [tilespmem:s23+$0x150];
	_ =	sdelay $0x4  }
0xb1: {  	v1 =	vand.u32 $0xFFFF, v0;
	v0 =	vshrl.u32 v0, $0x10  }
0xb2: {  	[tilespmem:$0xA850] =	vst v1  }
0xb3: {  	[tilespmem:$0xA950] =	vst v0  }
0xb4: {  	v0 =	vld [tilespmem:s23+$0x160];
	_ =	sdelay $0x4  }
0xb5: {  	v1 =	vand.u32 $0xFFFF, v0;
	v0 =	vshrl.u32 v0, $0x10  }
0xb6: {  	[tilespmem:$0xA860] =	vst v1  }
0xb7: {  	[tilespmem:$0xA960] =	vst v0  }
0xb8: {  	v0 =	vld [tilespmem:s23+$0x170];
	_ =	sdelay $0x4  }
0xb9: {  	v1 =	vand.u32 $0xFFFF, v0;
	v0 =	vshrl.u32 v0, $0x10  }
0xba: {  	s23 =	smin.u32 s24, $0x4C;
	[tilespmem:$0xA870] =	vst v1  }
0xbb: {  	s23 =	sshll.u32 s23, $0x7;
	[tilespmem:$0xA970] =	vst v0  }
0xbc: {  	[tilespmem:s14], [sflag:$0x1] =	stream.indirect.gather [hbm4b:s4+s12], $0x80, s13, s12, $0xb8;
	[tilespmem:$0x1EA00] =	vst v63  }
0xbd: {  	_ =	swait.ge [sflag:s19], $0x4000  }
0xbe: {  	[sflag:s19] =	ssyncset.done $0x0  }
0xbf: {  	[sflag:s19] =	ssyncadd.s32 $0xFFFFC000  }
0xc0: {  	[spmem:s2] =	stream.indirect.scatter.add.f32 [tilespmem:s16], [sflag:$0x3], $0x80, s20, s12, $0xb8;
	[tilespmem:$0x1EA00] =	vst v63  }
0xc1: {  	_ =	swait.ge [sflag:s11], $0x4000  }
0xc2: {  	[sflag:s11] =	ssyncset.done $0x0  }
0xc3: {  	[sflag:s11] =	ssyncadd.s32 $0xFFFFC000  }
0xc4: {  	v0 =	vld [tilespmem:s23+$0x180];
	_ =	sdelay $0x4  }
0xc5: {  	v1 =	vand.u32 $0xFFFF, v0;
	v0 =	vshrl.u32 v0, $0x10  }
0xc6: {  	[tilespmem:$0xA880] =	vst v1  }
0xc7: {  	[tilespmem:$0xA980] =	vst v0  }
0xc8: {  	v0 =	vld [tilespmem:s23+$0x190];
	_ =	sdelay $0x4  }
0xc9: {  	v1 =	vand.u32 $0xFFFF, v0;
	v0 =	vshrl.u32 v0, $0x10  }
0xca: {  	[tilespmem:$0xA890] =	vst v1  }
0xcb: {  	[tilespmem:$0xA990] =	vst v0  }
0xcc: {  	v0 =	vld [tilespmem:s23+$0x1A0];
	_ =	sdelay $0x4  }
0xcd: {  	v1 =	vand.u32 $0xFFFF, v0;
	v0 =	vshrl.u32 v0, $0x10  }
0xce: {  	[tilespmem:$0xA8A0] =	vst v1  }
0xcf: {  	[tilespmem:$0xA9A0] =	vst v0  }
0xd0: {  	v0 =	vld [tilespmem:s23+$0x1B0];
	_ =	sdelay $0x4  }
0xd1: {  	v1 =	vand.u32 $0xFFFF, v0;
	v0 =	vshrl.u32 v0, $0x10  }
0xd2: {  	[tilespmem:$0xA8B0] =	vst v1  }
0xd3: {  	[tilespmem:$0xA9B0] =	vst v0  }
0xd4: {  	v0 =	vld [tilespmem:s23+$0x1C0];
	_ =	sdelay $0x4  }
0xd5: {  	v1 =	vand.u32 $0xFFFF, v0;
	v0 =	vshrl.u32 v0, $0x10  }
0xd6: {  	[tilespmem:$0xA8C0] =	vst v1  }
0xd7: {  	[tilespmem:$0xA9C0] =	vst v0  }
0xd8: {  	v0 =	vld [tilespmem:s23+$0x1D0];
	_ =	sdelay $0x2  }
.Ltmp0:
0xd9: {  	(pc) =	sbr.rel @p0 .LBB2_2-.Ltmp0, $4  }
0xda: {  	_ = 	snop  }
0xdb: {  	v1 =	vand.u32 $0xFFFF, v0;
	v0 =	vshrl.u32 v0, $0x10  }
0xdc: {  	[tilespmem:$0xA8D0] =	vst v1  }
0xdd: {  	[tilespmem:$0xA9D0] =	vst v0  }
0xde: {  	v0 =	vld [tilespmem:s23+$0x1E0];
	_ =	sdelay $0x4  }
0xdf: {  	v1 =	vand.u32 $0xFFFF, v0  }
0xe0: {  	v0 =	vshrl.u32 v0, $0x10;
	[tilespmem:$0xA8E0] =	vst v1  }
0xe1: {  	[tilespmem:$0xA9E0] =	vst v0  }
0xe2: {  	v0 =	vld [tilespmem:s23+$0x1F0];
	_ =	sdelay $0x4  }
0xe3: {  	v63 =	vand.u32 $0xFFFF, v0  }
0xe4: {  	v0 =	vshrl.u32 v0, $0x10;
	[tilespmem:$0xA8F0] =	vst v63  }
0xe5: {  	[tilespmem:$0xA9F0] =	vst v0  }
0xe6: {  	[tilespmem:s16], [sflag:$0x2] =	stream.indirect.gather [hbm4b:s4+s12], $0x80, s15, s12, $0xb8;
	[tilespmem:$0x1EA00] =	vst v63  }
0xe7: {  	_ =	swait.ge [sflag:s17], $0x4000  }
0xe8: {  	[sflag:s17] =	ssyncset.done $0x0  }
0xe9: {  	[sflag:s17] =	ssyncadd.s32 $0xFFFFC000  }
0xea: {  	_ =	swait.ge [sflag:s19], $0x4000  }
0xeb: {  	s21 =	sadd.s32 $0x1, s21;
	[sflag:s19] =	ssyncset.done $0x0  }
0xec: {  	p0 =	sne.s32 s21, s9;
	[sflag:s19] =	ssyncadd.s32 $0xFFFFC000  }
.Ltmp1:
0xed: {  	[bflag:$0x0] =	sbarrier.arrive $0xFFFF;
	(pc) =	sbr.rel @p0 .LBB2_1-.Ltmp1, $4  }
0xee: {  	[hbm:s8], [sflag:s6] =	dma.local [spmem:s10], $0x2800  }
0xef: {  	_ =	swait.ge [sflag:s11], $0x2800  }
0xf0: {  	[sflag:s11] =	ssyncset.done $0x0  }
0xf1: {  	[sflag:s11] =	ssyncadd.s32 $0xFFFFD800  }
0xf2: {  	_ =	sfence.sel $0x180000  }
0xf3: {  	[bflag:$0x0] =	sbarrier.arrive $0xFFFF  }
0xf4: {  	p0 =	sne.s32 s0, $0x0;
	_ =	strace $0x9000004A  }
0xf5: {  	s0 =	sadd.s32 @!p0 $0x100000, s1;
	[bflag:$0x2] =	sbarrier.arrive $0xFFFF  }
0xf6: {  	[sflag:s0] =	ssyncadd.tile.s32 @!p0 $0x1;
	_ =	shalt  }
.Lfunc_end2:
_tile_overlayer_lowered:
.L_overlay_start_2:
0xf7: {  	(tag) =	ssettag $0x2  }
0xf8: {  	s0 =	rddreg [dreg:$0x0];
	s2 =	stileid.u32  }
0xf9: {  	s1 =	rddreg [dreg:$0x1];
	p0 =	sne.s32 s2, $0x0  }
0xfa: {  	s3 =	rddreg [dreg:$0x2];
	[bflag:$0x3] =	sbarrier.arrive $0xFFFF;
	s2 =	simm.s32 @!p0 $0x1C03  }
0xfb: {  	[timem:s3], [sflag:s2] =	dma.local @!p0 [hbm:s0], s1  }
0xfc: {  	s0 =	simm.s32 @!p0 $0x3  }
0xfd: {  	_ =	swait.ge @!p0 [sflag:s0], s1  }
0xfe: {  	s1 =	ssub.s32 @!p0 $0x0, s1;
	[sflag:s0] =	ssyncset.done @!p0 $0x0  }
0xff: {  	[sflag:s0] =	ssyncadd.s32 @!p0 s1  }
0x100: {  	[bflag:$0x3] =	sbarrier.arrive $0xFFFF  }
0x101: {  	_ =	shalt  }

</sc_bundles>
